<compile_context>
chip_gen: v7x
topology: tpu7x:2x2x1
jax: 0.10.2.dev20260603
libtpu: 0.0.44.dev20260713+nightly
codegen_flags: <defaults>
</compile_context>

<pallas_src>
import jax
import jax.numpy as jnp
from jax import lax
from jax.experimental import pallas as pl
from jax.experimental.pallas import tpu as pltpu
from jax.experimental.pallas import tpu_sc as plsc

N = 100000
E = 1600000
F_IN = 10
HID = 64
NC, NS, L = 2, 16, 16

NACC = 102400
SLICE = NACC // NS
PK = NACC * L // 128

K = 6
GRP = K * 128
EPAD = 1622016
G32 = 66
RW = (G32 + 2) * 2 * K
ROWS = 32 * RW



def _zero_acc(acc, sid, zeros_hbm):
    pltpu.sync_copy(zeros_hbm.at[pl.ds(sid * SLICE, SLICE)],
                    acc.at[pl.ds(sid * SLICE, SLICE)])


def _copy_out(acc, out, cid, sid):
    pltpu.sync_copy(
        acc.at[pl.ds(sid * SLICE, SLICE)],
        out.at[cid, pl.ds(sid * SLICE, SLICE)],
    )


def _deg_body(sd_hbm, zeros_hbm, ones_hbm, out_hbm, didx2, ones, acc, isem):
    cid = lax.axis_index("c")
    sid = lax.axis_index("s")
    pltpu.sync_copy(ones_hbm, ones)
    _zero_acc(acc, sid, zeros_hbm)
    plsc.subcore_barrier()

    wid = cid * NS + sid
    base = wid * RW
    pltpu.async_copy(sd_hbm.at[pl.ds(base + K, K)], didx2.at[pl.ds(0, K)],
                     isem)

    def group(g, _):
        p = lax.rem(g, 2)
        o = p * K
        pltpu.make_async_copy(sd_hbm.at[pl.ds(0, K)],
                              didx2.at[pl.ds(o, K)], isem).wait()
        oo = K - o
        nrb = base + (g + 1) * 2 * K + K
        pltpu.async_copy(sd_hbm.at[pl.ds(nrb, K)], didx2.at[pl.ds(oo, K)],
                         isem)
        for j in range(K):
            pltpu.sync_copy(ones, acc.at[didx2.at[o + j]], add=True)
        return 0

    lax.fori_loop(0, G32, group, 0)
    pltpu.make_async_copy(sd_hbm.at[pl.ds(0, K)], didx2.at[pl.ds(0, K)],
                          isem).wait()
    plsc.subcore_barrier()
    _copy_out(acc, out_hbm, cid, sid)


def _agg_sweep(table_hbm, sd_hbm, zeros_hbm, acc, idx4, rows2, gsem, isem,
               wid):
    base = wid * RW
    pltpu.sync_copy(zeros_hbm.at[pl.ds(0, 2 * GRP)], rows2)
    pltpu.sync_copy(sd_hbm.at[pl.ds(base + G32 * 2 * K, 2 * K)],
                    idx4.at[pl.ds(2 * K, 2 * K)])
    pltpu.async_copy(sd_hbm.at[pl.ds(base, 2 * K)],
                     idx4.at[pl.ds(0, 2 * K)], isem)

    def step(g, _):
        p = lax.rem(g, 2)
        o = p * 2 * K
        ro = p * K
        pltpu.make_async_copy(sd_hbm.at[pl.ds(0, 2 * K)],
                              idx4.at[pl.ds(o, 2 * K)], isem).wait()
        handles = [
            pltpu.async_copy(table_hbm.at[idx4.at[o + j]],
                             rows2.at[pl.ds((ro + j) * 128, 128)], gsem)
            for j in range(K)
        ]
        oo = 2 * K - o
        roo = K - ro
        for j in range(K):
            pltpu.sync_copy(rows2.at[pl.ds((roo + j) * 128, 128)],
                            acc.at[idx4.at[oo + K + j]], add=True)
        pltpu.async_copy(sd_hbm.at[pl.ds(base + (g + 1) * 2 * K, 2 * K)],
                         idx4.at[pl.ds(oo, 2 * K)], isem)
        for h in handles:
            h.wait()
        return 0

    lax.fori_loop(0, G32 + 1, step, 0)
    pltpu.make_async_copy(sd_hbm.at[pl.ds(0, 2 * K)],
                          idx4.at[pl.ds(0, 2 * K)], isem).wait()


def _agg_body(table_hbm, sd_hbm, zeros_hbm, out_hbm, idx4, rows2, acc, gsem,
              isem):
    cid = lax.axis_index("c")
    sid = lax.axis_index("s")
    _zero_acc(acc, sid, zeros_hbm)
    plsc.subcore_barrier()

    wid = cid * NS + sid
    _agg_sweep(table_hbm, sd_hbm, zeros_hbm, acc, idx4, rows2, gsem, isem,
               wid)
    plsc.subcore_barrier()
    _copy_out(acc, out_hbm, cid, sid)


def _agg4_body(t0, t1, t2, t3, sd_hbm, zeros_hbm, out_hbm, idx4, rows2, acc,
               gsem, isem):
    cid = lax.axis_index("c")
    sid = lax.axis_index("s")
    wid = cid * NS + sid

    for c, table_hbm in enumerate((t0, t1, t2, t3)):
        _zero_acc(acc, sid, zeros_hbm)
        plsc.subcore_barrier()
        _agg_sweep(table_hbm, sd_hbm, zeros_hbm, acc, idx4, rows2, gsem,
                   isem, wid)
        plsc.subcore_barrier()
        pltpu.sync_copy(
            acc.at[pl.ds(sid * SLICE, SLICE)],
            out_hbm.at[c, cid, pl.ds(sid * SLICE, SLICE)],
        )
        plsc.subcore_barrier()


def _sc_mesh():
    return plsc.VectorSubcoreMesh(core_axis_name="c", subcore_axis_name="s")


_SC_PARAMS = pltpu.CompilerParams(use_tc_tiling_on_sc=False)


def _sc_deg(dst2d, zeros_hbm, ones_hbm):
    fn = pl.kernel(
        _deg_body,
        out_type=jax.ShapeDtypeStruct((NC, NACC, L), jnp.float32),
        mesh=_sc_mesh(),
        compiler_params=_SC_PARAMS,
        scratch_types=[
            pltpu.VMEM((2 * K, 128), jnp.int32),
            pltpu.VMEM((128, L), jnp.float32),
            pltpu.VMEM_SHARED((NACC, L), jnp.float32),
            pltpu.SemaphoreType.DMA,
        ],
    )
    return fn(dst2d, zeros_hbm, ones_hbm)


def _sc_agg(table, sd2d, zeros_hbm):
    fn = pl.kernel(
        _agg_body,
        out_type=jax.ShapeDtypeStruct((NC, NACC, L), jnp.float32),
        mesh=_sc_mesh(),
        compiler_params=_SC_PARAMS,
        scratch_types=[
            pltpu.VMEM((4 * K, 128), jnp.int32),
            pltpu.VMEM((2 * GRP, L), jnp.float32),
            pltpu.VMEM_SHARED((NACC, L), jnp.float32),
            pltpu.SemaphoreType.DMA,
            pltpu.SemaphoreType.DMA,
        ],
    )
    return fn(table, sd2d, zeros_hbm)


def _sc_agg4(t0, t1, t2, t3, sd2d, zeros_hbm):
    fn = pl.kernel(
        _agg4_body,
        out_type=jax.ShapeDtypeStruct((4, NC, NACC, L), jnp.float32),
        mesh=_sc_mesh(),
        compiler_params=_SC_PARAMS,
        scratch_types=[
            pltpu.VMEM((4 * K, 128), jnp.int32),
            pltpu.VMEM((2 * GRP, L), jnp.float32),
            pltpu.VMEM_SHARED((NACC, L), jnp.float32),
            pltpu.SemaphoreType.DMA,
            pltpu.SemaphoreType.DMA,
        ],
    )
    return fn(t0, t1, t2, t3, sd2d, zeros_hbm)



PBLK = 256
GRID = PK // PBLK


def _pspec():
    return pl.BlockSpec((PBLK, 128), lambda i: (i, 0))


def _full(shape):
    return pl.BlockSpec(shape, lambda i: tuple(0 for _ in shape))


def _tc_a_body(dp, xpk, bd_wtop, xs_ref, dinv_ref, xtop_ref):
    dinv = lax.rsqrt(dp[0] + dp[1] + 1.0)
    dinv_ref[...] = dinv
    xs_ref[...] = xpk[...] * dinv
    xtop_ref[...] = jnp.dot(xpk[...], bd_wtop[...],
                            preferred_element_type=jnp.float32)


def _tc_a(degp_p, xpk, bd_wtop):
    return pl.pallas_call(
        _tc_a_body,
        grid=(GRID,),
        in_specs=[
            pl.BlockSpec((NC, PBLK, 128), lambda i: (0, i, 0)),
            _pspec(),
            _full((128, 8)),
        ],
        out_specs=[_pspec(), _pspec(), pl.BlockSpec((PBLK, 8), lambda i: (i, 0))],
        out_shape=[
            jax.ShapeDtypeStruct((PK, 128), jnp.float32),
            jax.ShapeDtypeStruct((PK, 128), jnp.float32),
            jax.ShapeDtypeStruct((PK, 8), jnp.float32),
        ],
    )(degp_p, xpk, bd_wtop)


def _tc_b_body(a1p, xs, dinv, bd_w1, bd_m, b1t, sel0, sel1, sel2, sel3,
               h0, h1, h2, h3):
    u = (a1p[0] + a1p[1] + xs[...]) * dinv[...]
    h = jnp.dot(u, bd_w1[...], preferred_element_type=jnp.float32) + b1t[...]
    h = jnp.maximum(h, 0.0)
    dinv64 = jnp.dot(dinv[...], bd_m[...], preferred_element_type=jnp.float32)
    hs = h * dinv64
    for ref, sel in ((h0, sel0), (h1, sel1), (h2, sel2), (h3, sel3)):
        ref[...] = jnp.dot(hs, sel[...], preferred_element_type=jnp.float32)


def _tc_b(a1p_p, xs, dinv, bd_w1, bd_m, b1t, sels):
    return pl.pallas_call(
        _tc_b_body,
        grid=(GRID,),
        in_specs=[
            pl.BlockSpec((NC, PBLK, 128), lambda i: (0, i, 0)),
            _pspec(), _pspec(),
            _full((128, 8 * HID)), _full((128, 8 * HID)), _full((1, 8 * HID)),
            _full((8 * HID, 128)), _full((8 * HID, 128)),
            _full((8 * HID, 128)), _full((8 * HID, 128)),
        ],
        out_specs=[_pspec()] * 4,
        out_shape=[jax.ShapeDtypeStruct((PK, 128), jnp.float32)] * 4,
    )(a1p_p, xs, dinv, bd_w1, bd_m, b1t, *sels)


def _tc_c_body(a2p, h0, h1, h2, h3, dinv, xtop, w0, w1, w2, w3, b2t, bd_wbot,
               bfc, out_ref):
    hs = (h0, h1, h2, h3)
    ws = (w0, w1, w2, w3)
    acc = b2t[...]
    for c in range(4):
        a2c = (a2p[c, 0] + a2p[c, 1] + hs[c][...]) * dinv[...]
        acc = acc + jnp.dot(a2c, ws[c][...],
                            preferred_element_type=jnp.float32)
    x2 = jnp.maximum(acc, 0.0)
    out_ref[...] = (xtop[...]
                    + jnp.dot(x2, bd_wbot[...],
                              preferred_element_type=jnp.float32)
                    + bfc[...])


def _tc_c(a2p_p, h1s_p, dinv, xtop, bd_w2, b2t, bd_wbot, bfc):
    return pl.pallas_call(
        _tc_c_body,
        grid=(GRID,),
        in_specs=[
            pl.BlockSpec((4, NC, PBLK, 128), lambda i: (0, 0, i, 0)),
            _pspec(), _pspec(), _pspec(), _pspec(),
            _pspec(),
            pl.BlockSpec((PBLK, 8), lambda i: (i, 0)),
            _full((128, 8 * 2 * HID)), _full((128, 8 * 2 * HID)),
            _full((128, 8 * 2 * HID)), _full((128, 8 * 2 * HID)),
            _full((1, 8 * 2 * HID)),
            _full((8 * 2 * HID, 8)),
            _full((1, 1)),
        ],
        out_specs=pl.BlockSpec((PBLK, 8), lambda i: (i, 0)),
        out_shape=jax.ShapeDtypeStruct((PK, 8), jnp.float32),
    )(a2p_p, *h1s_p, dinv, xtop, *bd_w2, b2t, bd_wbot, bfc)



def kernel(x, edge_index, W1, b1, W2, b2, Wfc, bfc):
    f32 = jnp.float32
    src = edge_index[0].astype(jnp.int32)
    dst = edge_index[1].astype(jnp.int32)
    npad = EPAD - E
    pad_i = jnp.arange(npad, dtype=jnp.int32)
    pad_src = (pad_i * 641) % N
    pad_dst = N + (pad_i % (NACC - N))
    dum_i = jnp.arange(32 * 2 * K * 128, dtype=jnp.int32)
    dum_src = (dum_i * 389) % N
    dum_dst = N + (dum_i % (NACC - N))
    s4 = jnp.concatenate([src, pad_src]).reshape(32, G32, K, 128)
    d4 = jnp.concatenate([dst, pad_dst]).reshape(32, G32, K, 128)
    dum4 = jnp.concatenate([dum_src.reshape(32, 2, K, 128),
                            dum_dst.reshape(32, 2, K, 128)], axis=2)
    sd2d = jnp.concatenate([
        jnp.concatenate([s4, d4], axis=2).reshape(32, G32 * 2 * K, 128),
        dum4.reshape(32, 4 * K, 128),
    ], axis=1).reshape(ROWS, 128)

    zeros_hbm = jnp.zeros((NACC, L), f32)
    ones_hbm = jnp.ones((128, L), f32)

    xpk = jnp.pad(x, ((0, NACC - N), (0, L - F_IN))).reshape(PK, 128)

    eye8 = jnp.eye(8, dtype=f32)
    wtop16 = jnp.pad(Wfc[:F_IN], ((0, L - F_IN), (0, 0)))
    bd_wtop = jnp.kron(eye8, wtop16)
    w1p = jnp.pad(W1, ((0, L - F_IN), (0, 0)))
    bd_w1 = jnp.kron(eye8, w1p)
    m16 = jnp.zeros((L, HID), f32).at[0, :].set(1.0)
    bd_m = jnp.kron(eye8, m16)
    b1t = jnp.tile(b1, 8).reshape(1, 8 * HID)
    sels = []
    for c in range(4):
        ec = jnp.zeros((HID, L), f32).at[c * L + jnp.arange(L),
                                         jnp.arange(L)].set(1.0)
        sels.append(jnp.kron(eye8, ec))
    bd_w2 = [jnp.kron(eye8, W2[c * L:(c + 1) * L]) for c in range(4)]
    b2t = jnp.tile(b2, 8).reshape(1, 8 * 2 * HID)
    bd_wbot = jnp.kron(eye8, Wfc[F_IN:])
    bfc2 = bfc.reshape(1, 1)

    degp = _sc_deg(sd2d, zeros_hbm, ones_hbm)
    degp_p = degp.reshape(NC, PK, 128)

    xs_p, dinv_p, xtop_p = _tc_a(degp_p, xpk, bd_wtop)

    a1p = _sc_agg(xs_p.reshape(NACC, L), sd2d, zeros_hbm)

    h1s_p = _tc_b(a1p.reshape(NC, PK, 128), xs_p, dinv_p, bd_w1, bd_m, b1t,
                  sels)

    a2p = _sc_agg4(h1s_p[0].reshape(NACC, L), h1s_p[1].reshape(NACC, L),
                   h1s_p[2].reshape(NACC, L), h1s_p[3].reshape(NACC, L),
                   sd2d, zeros_hbm)

    out = _tc_c(a2p.reshape(4, NC, PK, 128), h1s_p, dinv_p, xtop_p, bd_w2,
                b2t, bd_wbot, bfc2)
    return out.reshape(NACC)[:N]

# --- scband reference (transcript-rebuilt; emitter-appended) ---
"""Pipeline reference for scband-gcnanomaly-detector-63385127355019 (READ-ONLY COPY).

The authoritative reference and input builder live on the scoring server;
editing this copy changes nothing except your own understanding.
"""

import jax, jax.numpy as jnp
import numpy as np

N_NODES = 100000
N_EDGES = 1600000
NUM_FEATURES = 10
HIDDEN = 64


def gcn_conv(x, edge_index, W, b):
    # Faithful PyG GCNConv: add self-loops, symmetric normalization D^-1/2 (A+I) D^-1/2 X W + b
    n = x.shape[0]
    loop = jnp.arange(n, dtype=edge_index.dtype)
    src = jnp.concatenate([edge_index[0], loop])
    dst = jnp.concatenate([edge_index[1], loop])
    deg = jnp.zeros((n,), dtype=x.dtype).at[dst].add(1.0)
    deg_inv_sqrt = jnp.where(deg > 0, deg ** -0.5, 0.0)
    norm = deg_inv_sqrt[src] * deg_inv_sqrt[dst]
    xw = x @ W
    msgs = xw[src] * norm[:, None]
    out = jax.ops.segment_sum(msgs, dst, num_segments=n)
    return out + b


def setup_inputs(seed: int = 0) -> dict:
    key = jax.random.key(seed)
    k0, k1, k2, k3, k4 = jax.random.split(key, 5)
    x = jax.random.normal(k0, (N_NODES, NUM_FEATURES), dtype=jnp.float32)
    edge_index = jax.random.randint(k1, (2, N_EDGES), 0, N_NODES, dtype=jnp.int64)
    W1 = jax.random.normal(k2, (NUM_FEATURES, HIDDEN), dtype=jnp.float32) * 0.1
    b1 = jnp.zeros((HIDDEN,), dtype=jnp.float32)
    W2 = jax.random.normal(k3, (HIDDEN, HIDDEN * 2), dtype=jnp.float32) * 0.1
    b2 = jnp.zeros((HIDDEN * 2,), dtype=jnp.float32)
    Wfc = jax.random.normal(k4, (HIDDEN * 2 + NUM_FEATURES, 1), dtype=jnp.float32) * 0.1
    bfc = jnp.zeros((1,), dtype=jnp.float32)
    return {"x": x, "edge_index": edge_index, "W1": W1, "b1": b1, "W2": W2, "b2": b2, "Wfc": Wfc, "bfc": bfc}


def reference(x, edge_index, W1, b1, W2, b2, Wfc, bfc):
    x_1 = x
    h = gcn_conv(x, edge_index, W1, b1)
    h = jax.nn.relu(h)
    h = gcn_conv(h, edge_index, W2, b2)
    x_2 = jax.nn.relu(h)
    cat = jnp.concatenate([x_1, x_2], axis=1)
    out = cat @ Wfc + bfc
    return out[:, 0]

if __name__ == "__main__":
    import jax
    _d = setup_inputs()
    print(jax.jit(kernel)(*tuple(_d.values())))

</pallas_src>

<mosaic_0001>
#map = affine_map<(d0, d1) -> (0, 0)>
#map1 = affine_map<(d0, d1) -> (0, 0, 0, 0)>
module attributes {stable_mosaic.version = 14 : i64} {
  func.func @_agg4_body(%arg0: i32, %arg1: i32, %arg2: memref<102400x16xf32, #tpu.memory_space<hbm>>, %arg3: memref<102400x16xf32, #tpu.memory_space<hbm>>, %arg4: memref<102400x16xf32, #tpu.memory_space<hbm>>, %arg5: memref<102400x16xf32, #tpu.memory_space<hbm>>, %arg6: memref<26112x128xi32, #tpu.memory_space<hbm>>, %arg7: memref<102400x16xf32, #tpu.memory_space<hbm>>, %arg8: memref<4x2x102400x16xf32, #tpu.memory_space<hbm>>, %arg9: memref<24x128xi32, #tpu.memory_space<vmem>>, %arg10: memref<1536x16xf32, #tpu.memory_space<vmem>>, %arg11: memref<102400x16xf32, #tpu.memory_space<vmem_shared>>, %arg12: memref<!tpu.dma_semaphore, #tpu.memory_space<semaphore_mem>>, %arg13: memref<!tpu.dma_semaphore, #tpu.memory_space<semaphore_mem>>) attributes {dimension_semantics = [#tpu.dimension_semantics<core_parallel>, #tpu.dimension_semantics<subcore_parallel>], iteration_bounds = array<i64: 2, 16>, scalar_prefetch = 0 : i64, scratch_operands = 5 : i64, tpu.core_type = #tpu.core_type<sc_vector_subcore>, window_params = [{transform_indices = #map}, {transform_indices = #map}, {transform_indices = #map}, {transform_indices = #map}, {transform_indices = #map}, {transform_indices = #map}, {transform_indices = #map1}]} {
    %mul3A = arith.constant 16 : i32
    %mul3A_0 = arith.muli %arg0, %mul3A : i32
    %add3A = arith.addi %mul3A_0, %arg1 : i32
    %mul3A_1 = arith.constant 6400 : i32
    %mul3A_2 = arith.muli %arg1, %mul3A_1 : i32
    %mul3A_3 = arith.constant 6400 : i32
    %mul3A_4 = arith.muli %arg1, %mul3A_3 : i32
    "tpu.region"() ({
      %run_scoped3A_176 = tpu.sem_alloc : memref<!tpu.dma_semaphore, #tpu.memory_space<semaphore_mem>>
      %dma_start3A_177 = arith.constant 0 : i32
      %dma_start3A_178 = tpu.memref_slice %arg11[%mul3A_4, %dma_start3A_177] : memref<102400x16xf32, #tpu.memory_space<vmem_shared>> -> memref<6400x16xf32, #tpu.memory_space<vmem_shared>>
      %dma_start3A_179 = arith.constant 0 : i32
      %dma_start3A_180 = tpu.memref_slice %arg7[%mul3A_2, %dma_start3A_179] : memref<102400x16xf32, #tpu.memory_space<hbm>> -> memref<6400x16xf32, #tpu.memory_space<hbm>>
      tpu.enqueue_dma source(%dma_start3A_180 : memref<6400x16xf32, #tpu.memory_space<hbm>>) target(%dma_start3A_178 : memref<6400x16xf32, #tpu.memory_space<vmem_shared>>) target_semaphore(%run_scoped3A_176 : memref<!tpu.dma_semaphore, #tpu.memory_space<semaphore_mem>>)
      %dma_wait3A_181 = arith.constant 0 : i32
      %dma_wait3A_182 = tpu.memref_slice %arg11[%mul3A_4, %dma_wait3A_181] : memref<102400x16xf32, #tpu.memory_space<vmem_shared>> -> memref<6400x16xf32, #tpu.memory_space<vmem_shared>>
      %dma_wait3A_183 = arith.constant 0 : i32
      %dma_wait3A_184 = tpu.memref_slice %arg7[%mul3A_2, %dma_wait3A_183] : memref<102400x16xf32, #tpu.memory_space<hbm>> -> memref<6400x16xf32, #tpu.memory_space<hbm>>
      tpu.wait_dma2 semaphore(%run_scoped3A_176 : memref<!tpu.dma_semaphore, #tpu.memory_space<semaphore_mem>>) src(%dma_wait3A_184 : memref<6400x16xf32, #tpu.memory_space<hbm>>) dst(%dma_wait3A_182 : memref<6400x16xf32, #tpu.memory_space<vmem_shared>>)
      tpu.yield
    }) : () -> ()
    %barrier3A = arith.constant 0 : index
    tpu.barrier barrier_id(%barrier3A)
    %mul3A_5 = arith.constant 816 : i32
    %mul3A_6 = arith.muli %add3A, %mul3A_5 : i32
    "tpu.region"() ({
      %run_scoped3A_176 = tpu.sem_alloc : memref<!tpu.dma_semaphore, #tpu.memory_space<semaphore_mem>>
      %dma_start3A_177 = arith.constant 0 : i32
      %dma_start3A_178 = arith.constant 0 : i32
      %dma_start3A_179 = tpu.memref_slice %arg7[%dma_start3A_177, %dma_start3A_178] : memref<102400x16xf32, #tpu.memory_space<hbm>> -> memref<1536x16xf32, #tpu.memory_space<hbm>>
      %dma_start3A_180 = arith.constant 0 : i32
      %dma_start3A_181 = arith.constant 0 : i32
      %dma_start3A_182 = tpu.memref_slice %arg7[%dma_start3A_180, %dma_start3A_181] : memref<102400x16xf32, #tpu.memory_space<hbm>> -> memref<1536x16xf32, #tpu.memory_space<hbm>>
      tpu.enqueue_dma source(%dma_start3A_182 : memref<1536x16xf32, #tpu.memory_space<hbm>>) target(%arg10 : memref<1536x16xf32, #tpu.memory_space<vmem>>) target_semaphore(%run_scoped3A_176 : memref<!tpu.dma_semaphore, #tpu.memory_space<semaphore_mem>>)
      %dma_wait3A_183 = arith.constant 0 : i32
      %dma_wait3A_184 = arith.constant 0 : i32
      %dma_wait3A_185 = tpu.memref_slice %arg7[%dma_wait3A_183, %dma_wait3A_184] : memref<102400x16xf32, #tpu.memory_space<hbm>> -> memref<1536x16xf32, #tpu.memory_space<hbm>>
      %dma_wait3A_186 = arith.constant 0 : i32
      %dma_wait3A_187 = arith.constant 0 : i32
      %dma_wait3A_188 = tpu.memref_slice %arg7[%dma_wait3A_186, %dma_wait3A_187] : memref<102400x16xf32, #tpu.memory_space<hbm>> -> memref<1536x16xf32, #tpu.memory_space<hbm>>
      tpu.wait_dma2 semaphore(%run_scoped3A_176 : memref<!tpu.dma_semaphore, #tpu.memory_space<semaphore_mem>>) src(%dma_wait3A_188 : memref<1536x16xf32, #tpu.memory_space<hbm>>) dst(%arg10 : memref<1536x16xf32, #tpu.memory_space<vmem>>)
      tpu.yield
    }) : () -> ()
    %add3A_7 = arith.constant 792 : i32
    %add3A_8 = arith.addi %mul3A_6, %add3A_7 : i32
    "tpu.region"() ({
      %run_scoped3A_176 = tpu.sem_alloc : memref<!tpu.dma_semaphore, #tpu.memory_space<semaphore_mem>>
      %dma_start3A_177 = arith.constant 12 : i32
      %dma_start3A_178 = arith.constant 0 : i32
      %dma_start3A_179 = tpu.memref_slice %arg9[%dma_start3A_177, %dma_start3A_178] : memref<24x128xi32, #tpu.memory_space<vmem>> -> memref<12x128xi32, #tpu.memory_space<vmem>>
      %dma_start3A_180 = arith.constant 0 : i32
      %dma_start3A_181 = tpu.memref_slice %arg6[%add3A_8, %dma_start3A_180] : memref<26112x128xi32, #tpu.memory_space<hbm>> -> memref<12x128xi32, #tpu.memory_space<hbm>>
      %dma_start3A_182 = arith.constant 12 : i32
      %dma_start3A_183 = arith.constant 0 : i32
      %dma_start3A_184 = tpu.memref_slice %arg9[%dma_start3A_182, %dma_start3A_183] : memref<24x128xi32, #tpu.memory_space<vmem>> -> memref<12x128xi32, #tpu.memory_space<vmem>>
      %dma_start3A_185 = arith.constant 0 : i32
      %dma_start3A_186 = tpu.memref_slice %arg6[%add3A_8, %dma_start3A_185] : memref<26112x128xi32, #tpu.memory_space<hbm>> -> memref<12x128xi32, #tpu.memory_space<hbm>>
      tpu.enqueue_dma source(%dma_start3A_186 : memref<12x128xi32, #tpu.memory_space<hbm>>) target(%dma_start3A_184 : memref<12x128xi32, #tpu.memory_space<vmem>>) target_semaphore(%run_scoped3A_176 : memref<!tpu.dma_semaphore, #tpu.memory_space<semaphore_mem>>)
      %dma_wait3A_187 = arith.constant 12 : i32
      %dma_wait3A_188 = arith.constant 0 : i32
      %dma_wait3A_189 = tpu.memref_slice %arg9[%dma_wait3A_187, %dma_wait3A_188] : memref<24x128xi32, #tpu.memory_space<vmem>> -> memref<12x128xi32, #tpu.memory_space<vmem>>
      %dma_wait3A_190 = arith.constant 0 : i32
      %dma_wait3A_191 = tpu.memref_slice %arg6[%add3A_8, %dma_wait3A_190] : memref<26112x128xi32, #tpu.memory_space<hbm>> -> memref<12x128xi32, #tpu.memory_space<hbm>>
      %dma_wait3A_192 = arith.constant 12 : i32
      %dma_wait3A_193 = arith.constant 0 : i32
      %dma_wait3A_194 = tpu.memref_slice %arg9[%dma_wait3A_192, %dma_wait3A_193] : memref<24x128xi32, #tpu.memory_space<vmem>> -> memref<12x128xi32, #tpu.memory_space<vmem>>
      %dma_wait3A_195 = arith.constant 0 : i32
      %dma_wait3A_196 = tpu.memref_slice %arg6[%add3A_8, %dma_wait3A_195] : memref<26112x128xi32, #tpu.memory_space<hbm>> -> memref<12x128xi32, #tpu.memory_space<hbm>>
      tpu.wait_dma2 semaphore(%run_scoped3A_176 : memref<!tpu.dma_semaphore, #tpu.memory_space<semaphore_mem>>) src(%dma_wait3A_196 : memref<12x128xi32, #tpu.memory_space<hbm>>) dst(%dma_wait3A_194 : memref<12x128xi32, #tpu.memory_space<vmem>>)
      tpu.yield
    }) : () -> ()
    %dma_start3A = arith.constant 0 : i32
    %dma_start3A_9 = arith.constant 0 : i32
    %dma_start3A_10 = tpu.memref_slice %arg9[%dma_start3A, %dma_start3A_9] : memref<24x128xi32, #tpu.memory_space<vmem>> -> memref<12x128xi32, #tpu.memory_space<vmem>>
    %dma_start3A_11 = arith.constant 0 : i32
    %dma_start3A_12 = tpu.memref_slice %arg6[%mul3A_6, %dma_start3A_11] : memref<26112x128xi32, #tpu.memory_space<hbm>> -> memref<12x128xi32, #tpu.memory_space<hbm>>
    %dma_start3A_13 = arith.constant 0 : i32
    %dma_start3A_14 = arith.constant 0 : i32
    %dma_start3A_15 = tpu.memref_slice %arg9[%dma_start3A_13, %dma_start3A_14] : memref<24x128xi32, #tpu.memory_space<vmem>> -> memref<12x128xi32, #tpu.memory_space<vmem>>
    %dma_start3A_16 = arith.constant 0 : i32
    %dma_start3A_17 = tpu.memref_slice %arg6[%mul3A_6, %dma_start3A_16] : memref<26112x128xi32, #tpu.memory_space<hbm>> -> memref<12x128xi32, #tpu.memory_space<hbm>>
    tpu.enqueue_dma source(%dma_start3A_17 : memref<12x128xi32, #tpu.memory_space<hbm>>) target(%dma_start3A_15 : memref<12x128xi32, #tpu.memory_space<vmem>>) target_semaphore(%arg13 : memref<!tpu.dma_semaphore, #tpu.memory_space<semaphore_mem>>)
    %scan3A = arith.constant 0 : i32
    %scan3A_18 = arith.constant 0 : i32
    %scan3A_19 = arith.constant 67 : i32
    %scan3A_20 = arith.addi %scan3A_18, %scan3A_19 : i32
    %scan3A_21 = arith.constant 1 : i32
    %scan3A_22 = scf.for %scan3A_176 = %scan3A_18 to %scan3A_20 step %scan3A_21 iter_args(%scan3A_177 = %scan3A) -> (i32)  : i32 {
      %rem3A = arith.constant 2 : i32
      %rem3A_178 = arith.remsi %scan3A_176, %rem3A : i32
      %mul3A_179 = arith.constant 2 : i32
      %mul3A_180 = arith.muli %rem3A_178, %mul3A_179 : i32
      %mul3A_181 = arith.constant 6 : i32
      %mul3A_182 = arith.muli %mul3A_180, %mul3A_181 : i32
      %mul3A_183 = arith.constant 6 : i32
      %mul3A_184 = arith.muli %rem3A_178, %mul3A_183 : i32
      %dma_wait3A_185 = arith.constant 0 : i32
      %dma_wait3A_186 = tpu.memref_slice %arg9[%mul3A_182, %dma_wait3A_185] : memref<24x128xi32, #tpu.memory_space<vmem>> -> memref<12x128xi32, #tpu.memory_space<vmem>>
      %dma_wait3A_187 = arith.constant 0 : i32
      %dma_wait3A_188 = arith.constant 0 : i32
      %dma_wait3A_189 = tpu.memref_slice %arg6[%dma_wait3A_187, %dma_wait3A_188] : memref<26112x128xi32, #tpu.memory_space<hbm>> -> memref<12x128xi32, #tpu.memory_space<hbm>>
      %dma_wait3A_190 = arith.constant 0 : i32
      %dma_wait3A_191 = tpu.memref_slice %arg9[%mul3A_182, %dma_wait3A_190] : memref<24x128xi32, #tpu.memory_space<vmem>> -> memref<12x128xi32, #tpu.memory_space<vmem>>
      %dma_wait3A_192 = arith.constant 0 : i32
      %dma_wait3A_193 = arith.constant 0 : i32
      %dma_wait3A_194 = tpu.memref_slice %arg6[%dma_wait3A_192, %dma_wait3A_193] : memref<26112x128xi32, #tpu.memory_space<hbm>> -> memref<12x128xi32, #tpu.memory_space<hbm>>
      tpu.wait_dma2 semaphore(%arg13 : memref<!tpu.dma_semaphore, #tpu.memory_space<semaphore_mem>>) src(%dma_wait3A_194 : memref<12x128xi32, #tpu.memory_space<hbm>>) dst(%dma_wait3A_191 : memref<12x128xi32, #tpu.memory_space<vmem>>)
      %add3A_195 = arith.constant 0 : i32
      %add3A_196 = arith.addi %mul3A_182, %add3A_195 : i32
      %add3A_197 = arith.constant 0 : i32
      %add3A_198 = arith.addi %mul3A_184, %add3A_197 : i32
      %mul3A_199 = arith.constant 128 : i32
      %mul3A_200 = arith.muli %add3A_198, %mul3A_199 : i32
      %dma_start3A_201 = arith.constant 0 : i32
      %dma_start3A_202 = tpu.memref_slice %arg10[%mul3A_200, %dma_start3A_201] : memref<1536x16xf32, #tpu.memory_space<vmem>> -> memref<128x16xf32, #tpu.memory_space<vmem>>
      %dma_start3A_203 = arith.constant 0 : i32
      %dma_start3A_204 = tpu.memref_slice %arg9[%add3A_196, %dma_start3A_203] : memref<24x128xi32, #tpu.memory_space<vmem>> -> memref<1x128xi32, #tpu.memory_space<vmem>>
      %dma_start3A_205 = tpu.memref_squeeze %dma_start3A_204 : memref<1x128xi32, #tpu.memory_space<vmem>> -> memref<128xi32, #tpu.memory_space<vmem>>
      %dma_start3A_206 = arith.constant 0 : i32
      %dma_start3A_207 = arith.constant 0 : i32
      %dma_start3A_208 = tpu.memref_slice %arg2[%dma_start3A_206, %dma_start3A_207] : memref<102400x16xf32, #tpu.memory_space<hbm>> -> memref<102400x16xf32, #tpu.memory_space<hbm>>
      tpu.enqueue_indirect_dma source(%dma_start3A_208 : memref<102400x16xf32, #tpu.memory_space<hbm>>) target(%dma_start3A_202 : memref<128x16xf32, #tpu.memory_space<vmem>>) offsets(%dma_start3A_205 : memref<128xi32, #tpu.memory_space<vmem>>) semaphore(%arg12 : memref<!tpu.dma_semaphore, #tpu.memory_space<semaphore_mem>>)
      %add3A_209 = arith.constant 1 : i32
      %add3A_210 = arith.addi %mul3A_182, %add3A_209 : i32
      %add3A_211 = arith.constant 1 : i32
      %add3A_212 = arith.addi %mul3A_184, %add3A_211 : i32
      %mul3A_213 = arith.constant 128 : i32
      %mul3A_214 = arith.muli %add3A_212, %mul3A_213 : i32
      %dma_start3A_215 = arith.constant 0 : i32
      %dma_start3A_216 = tpu.memref_slice %arg10[%mul3A_214, %dma_start3A_215] : memref<1536x16xf32, #tpu.memory_space<vmem>> -> memref<128x16xf32, #tpu.memory_space<vmem>>
      %dma_start3A_217 = arith.constant 0 : i32
      %dma_start3A_218 = tpu.memref_slice %arg9[%add3A_210, %dma_start3A_217] : memref<24x128xi32, #tpu.memory_space<vmem>> -> memref<1x128xi32, #tpu.memory_space<vmem>>
      %dma_start3A_219 = tpu.memref_squeeze %dma_start3A_218 : memref<1x128xi32, #tpu.memory_space<vmem>> -> memref<128xi32, #tpu.memory_space<vmem>>
      %dma_start3A_220 = arith.constant 0 : i32
      %dma_start3A_221 = arith.constant 0 : i32
      %dma_start3A_222 = tpu.memref_slice %arg2[%dma_start3A_220, %dma_start3A_221] : memref<102400x16xf32, #tpu.memory_space<hbm>> -> memref<102400x16xf32, #tpu.memory_space<hbm>>
      tpu.enqueue_indirect_dma source(%dma_start3A_222 : memref<102400x16xf32, #tpu.memory_space<hbm>>) target(%dma_start3A_216 : memref<128x16xf32, #tpu.memory_space<vmem>>) offsets(%dma_start3A_219 : memref<128xi32, #tpu.memory_space<vmem>>) semaphore(%arg12 : memref<!tpu.dma_semaphore, #tpu.memory_space<semaphore_mem>>)
      %add3A_223 = arith.constant 2 : i32
      %add3A_224 = arith.addi %mul3A_182, %add3A_223 : i32
      %add3A_225 = arith.constant 2 : i32
      %add3A_226 = arith.addi %mul3A_184, %add3A_225 : i32
      %mul3A_227 = arith.constant 128 : i32
      %mul3A_228 = arith.muli %add3A_226, %mul3A_227 : i32
      %dma_start3A_229 = arith.constant 0 : i32
      %dma_start3A_230 = tpu.memref_slice %arg10[%mul3A_228, %dma_start3A_229] : memref<1536x16xf32, #tpu.memory_space<vmem>> -> memref<128x16xf32, #tpu.memory_space<vmem>>
      %dma_start3A_231 = arith.constant 0 : i32
      %dma_start3A_232 = tpu.memref_slice %arg9[%add3A_224, %dma_start3A_231] : memref<24x128xi32, #tpu.memory_space<vmem>> -> memref<1x128xi32, #tpu.memory_space<vmem>>
      %dma_start3A_233 = tpu.memref_squeeze %dma_start3A_232 : memref<1x128xi32, #tpu.memory_space<vmem>> -> memref<128xi32, #tpu.memory_space<vmem>>
      %dma_start3A_234 = arith.constant 0 : i32
      %dma_start3A_235 = arith.constant 0 : i32
      %dma_start3A_236 = tpu.memref_slice %arg2[%dma_start3A_234, %dma_start3A_235] : memref<102400x16xf32, #tpu.memory_space<hbm>> -> memref<102400x16xf32, #tpu.memory_space<hbm>>
      tpu.enqueue_indirect_dma source(%dma_start3A_236 : memref<102400x16xf32, #tpu.memory_space<hbm>>) target(%dma_start3A_230 : memref<128x16xf32, #tpu.memory_space<vmem>>) offsets(%dma_start3A_233 : memref<128xi32, #tpu.memory_space<vmem>>) semaphore(%arg12 : memref<!tpu.dma_semaphore, #tpu.memory_space<semaphore_mem>>)
      %add3A_237 = arith.constant 3 : i32
      %add3A_238 = arith.addi %mul3A_182, %add3A_237 : i32
      %add3A_239 = arith.constant 3 : i32
      %add3A_240 = arith.addi %mul3A_184, %add3A_239 : i32
      %mul3A_241 = arith.constant 128 : i32
      %mul3A_242 = arith.muli %add3A_240, %mul3A_241 : i32
      %dma_start3A_243 = arith.constant 0 : i32
      %dma_start3A_244 = tpu.memref_slice %arg10[%mul3A_242, %dma_start3A_243] : memref<1536x16xf32, #tpu.memory_space<vmem>> -> memref<128x16xf32, #tpu.memory_space<vmem>>
      %dma_start3A_245 = arith.constant 0 : i32
      %dma_start3A_246 = tpu.memref_slice %arg9[%add3A_238, %dma_start3A_245] : memref<24x128xi32, #tpu.memory_space<vmem>> -> memref<1x128xi32, #tpu.memory_space<vmem>>
      %dma_start3A_247 = tpu.memref_squeeze %dma_start3A_246 : memref<1x128xi32, #tpu.memory_space<vmem>> -> memref<128xi32, #tpu.memory_space<vmem>>
      %dma_start3A_248 = arith.constant 0 : i32
      %dma_start3A_249 = arith.constant 0 : i32
      %dma_start3A_250 = tpu.memref_slice %arg2[%dma_start3A_248, %dma_start3A_249] : memref<102400x16xf32, #tpu.memory_space<hbm>> -> memref<102400x16xf32, #tpu.memory_space<hbm>>
      tpu.enqueue_indirect_dma source(%dma_start3A_250 : memref<102400x16xf32, #tpu.memory_space<hbm>>) target(%dma_start3A_244 : memref<128x16xf32, #tpu.memory_space<vmem>>) offsets(%dma_start3A_247 : memref<128xi32, #tpu.memory_space<vmem>>) semaphore(%arg12 : memref<!tpu.dma_semaphore, #tpu.memory_space<semaphore_mem>>)
      %add3A_251 = arith.constant 4 : i32
      %add3A_252 = arith.addi %mul3A_182, %add3A_251 : i32
      %add3A_253 = arith.constant 4 : i32
      %add3A_254 = arith.addi %mul3A_184, %add3A_253 : i32
      %mul3A_255 = arith.constant 128 : i32
      %mul3A_256 = arith.muli %add3A_254, %mul3A_255 : i32
      %dma_start3A_257 = arith.constant 0 : i32
      %dma_start3A_258 = tpu.memref_slice %arg10[%mul3A_256, %dma_start3A_257] : memref<1536x16xf32, #tpu.memory_space<vmem>> -> memref<128x16xf32, #tpu.memory_space<vmem>>
      %dma_start3A_259 = arith.constant 0 : i32
      %dma_start3A_260 = tpu.memref_slice %arg9[%add3A_252, %dma_start3A_259] : memref<24x128xi32, #tpu.memory_space<vmem>> -> memref<1x128xi32, #tpu.memory_space<vmem>>
      %dma_start3A_261 = tpu.memref_squeeze %dma_start3A_260 : memref<1x128xi32, #tpu.memory_space<vmem>> -> memref<128xi32, #tpu.memory_space<vmem>>
      %dma_start3A_262 = arith.constant 0 : i32
      %dma_start3A_263 = arith.constant 0 : i32
      %dma_start3A_264 = tpu.memref_slice %arg2[%dma_start3A_262, %dma_start3A_263] : memref<102400x16xf32, #tpu.memory_space<hbm>> -> memref<102400x16xf32, #tpu.memory_space<hbm>>
      tpu.enqueue_indirect_dma source(%dma_start3A_264 : memref<102400x16xf32, #tpu.memory_space<hbm>>) target(%dma_start3A_258 : memref<128x16xf32, #tpu.memory_space<vmem>>) offsets(%dma_start3A_261 : memref<128xi32, #tpu.memory_space<vmem>>) semaphore(%arg12 : memref<!tpu.dma_semaphore, #tpu.memory_space<semaphore_mem>>)
      %add3A_265 = arith.constant 5 : i32
      %add3A_266 = arith.addi %mul3A_182, %add3A_265 : i32
      %add3A_267 = arith.constant 5 : i32
      %add3A_268 = arith.addi %mul3A_184, %add3A_267 : i32
      %mul3A_269 = arith.constant 128 : i32
      %mul3A_270 = arith.muli %add3A_268, %mul3A_269 : i32
      %dma_start3A_271 = arith.constant 0 : i32
      %dma_start3A_272 = tpu.memref_slice %arg10[%mul3A_270, %dma_start3A_271] : memref<1536x16xf32, #tpu.memory_space<vmem>> -> memref<128x16xf32, #tpu.memory_space<vmem>>
      %dma_start3A_273 = arith.constant 0 : i32
      %dma_start3A_274 = tpu.memref_slice %arg9[%add3A_266, %dma_start3A_273] : memref<24x128xi32, #tpu.memory_space<vmem>> -> memref<1x128xi32, #tpu.memory_space<vmem>>
      %dma_start3A_275 = tpu.memref_squeeze %dma_start3A_274 : memref<1x128xi32, #tpu.memory_space<vmem>> -> memref<128xi32, #tpu.memory_space<vmem>>
      %dma_start3A_276 = arith.constant 0 : i32
      %dma_start3A_277 = arith.constant 0 : i32
      %dma_start3A_278 = tpu.memref_slice %arg2[%dma_start3A_276, %dma_start3A_277] : memref<102400x16xf32, #tpu.memory_space<hbm>> -> memref<102400x16xf32, #tpu.memory_space<hbm>>
      tpu.enqueue_indirect_dma source(%dma_start3A_278 : memref<102400x16xf32, #tpu.memory_space<hbm>>) target(%dma_start3A_272 : memref<128x16xf32, #tpu.memory_space<vmem>>) offsets(%dma_start3A_275 : memref<128xi32, #tpu.memory_space<vmem>>) semaphore(%arg12 : memref<!tpu.dma_semaphore, #tpu.memory_space<semaphore_mem>>)
      %sub3A = arith.constant 12 : i32
      %sub3A_279 = arith.subi %sub3A, %mul3A_182 : i32
      %sub3A_280 = arith.constant 6 : i32
      %sub3A_281 = arith.subi %sub3A_280, %mul3A_184 : i32
      %add3A_282 = arith.constant 0 : i32
      %add3A_283 = arith.addi %sub3A_281, %add3A_282 : i32
      %mul3A_284 = arith.constant 128 : i32
      %mul3A_285 = arith.muli %add3A_283, %mul3A_284 : i32
      %add3A_286 = arith.constant 6 : i32
      %add3A_287 = arith.addi %sub3A_279, %add3A_286 : i32
      %add3A_288 = arith.constant 0 : i32
      %add3A_289 = arith.addi %add3A_287, %add3A_288 : i32
      "tpu.region"() ({
        %run_scoped3A_394 = tpu.sem_alloc : memref<!tpu.dma_semaphore, #tpu.memory_space<semaphore_mem>>
        %dma_start3A_395 = arith.constant 0 : i32
        %dma_start3A_396 = tpu.memref_slice %arg10[%mul3A_285, %dma_start3A_395] : memref<1536x16xf32, #tpu.memory_space<vmem>> -> memref<128x16xf32, #tpu.memory_space<vmem>>
        %dma_start3A_397 = arith.constant 0 : i32
        %dma_start3A_398 = tpu.memref_slice %arg9[%add3A_289, %dma_start3A_397] : memref<24x128xi32, #tpu.memory_space<vmem>> -> memref<1x128xi32, #tpu.memory_space<vmem>>
        %dma_start3A_399 = tpu.memref_squeeze %dma_start3A_398 : memref<1x128xi32, #tpu.memory_space<vmem>> -> memref<128xi32, #tpu.memory_space<vmem>>
        %dma_start3A_400 = arith.constant 0 : i32
        %dma_start3A_401 = arith.constant 0 : i32
        %dma_start3A_402 = tpu.memref_slice %arg11[%dma_start3A_400, %dma_start3A_401] : memref<102400x16xf32, #tpu.memory_space<vmem_shared>> -> memref<102400x16xf32, #tpu.memory_space<vmem_shared>>
        tpu.enqueue_indirect_dma source(%dma_start3A_396 : memref<128x16xf32, #tpu.memory_space<vmem>>) target(%dma_start3A_402 : memref<102400x16xf32, #tpu.memory_space<vmem_shared>>) offsets(%dma_start3A_399 : memref<128xi32, #tpu.memory_space<vmem>>) semaphore(%run_scoped3A_394 : memref<!tpu.dma_semaphore, #tpu.memory_space<semaphore_mem>>) {add = true}
        %dma_wait3A_403 = arith.constant 0 : i32
        %dma_wait3A_404 = tpu.memref_slice %arg10[%mul3A_285, %dma_wait3A_403] : memref<1536x16xf32, #tpu.memory_space<vmem>> -> memref<128x16xf32, #tpu.memory_space<vmem>>
        %dma_wait3A_405 = arith.constant 0 : i32
        %dma_wait3A_406 = tpu.memref_slice %arg9[%add3A_289, %dma_wait3A_405] : memref<24x128xi32, #tpu.memory_space<vmem>> -> memref<1x128xi32, #tpu.memory_space<vmem>>
        %dma_wait3A_407 = tpu.memref_squeeze %dma_wait3A_406 : memref<1x128xi32, #tpu.memory_space<vmem>> -> memref<128xi32, #tpu.memory_space<vmem>>
        %dma_wait3A_408 = arith.constant 0 : i32
        %dma_wait3A_409 = arith.constant 0 : i32
        %dma_wait3A_410 = tpu.memref_slice %arg11[%dma_wait3A_408, %dma_wait3A_409] : memref<102400x16xf32, #tpu.memory_space<vmem_shared>> -> memref<102400x16xf32, #tpu.memory_space<vmem_shared>>
        tpu.wait_indirect_dma semaphore(%run_scoped3A_394 : memref<!tpu.dma_semaphore, #tpu.memory_space<semaphore_mem>>) src(%dma_wait3A_404 : memref<128x16xf32, #tpu.memory_space<vmem>>) dst(%dma_wait3A_410 : memref<102400x16xf32, #tpu.memory_space<vmem_shared>>)
        tpu.yield
      }) : () -> ()
      %add3A_290 = arith.constant 1 : i32
      %add3A_291 = arith.addi %sub3A_281, %add3A_290 : i32
      %mul3A_292 = arith.constant 128 : i32
      %mul3A_293 = arith.muli %add3A_291, %mul3A_292 : i32
      %add3A_294 = arith.constant 6 : i32
      %add3A_295 = arith.addi %sub3A_279, %add3A_294 : i32
      %add3A_296 = arith.constant 1 : i32
      %add3A_297 = arith.addi %add3A_295, %add3A_296 : i32
      "tpu.region"() ({
        %run_scoped3A_394 = tpu.sem_alloc : memref<!tpu.dma_semaphore, #tpu.memory_space<semaphore_mem>>
        %dma_start3A_395 = arith.constant 0 : i32
        %dma_start3A_396 = tpu.memref_slice %arg10[%mul3A_293, %dma_start3A_395] : memref<1536x16xf32, #tpu.memory_space<vmem>> -> memref<128x16xf32, #tpu.memory_space<vmem>>
        %dma_start3A_397 = arith.constant 0 : i32
        %dma_start3A_398 = tpu.memref_slice %arg9[%add3A_297, %dma_start3A_397] : memref<24x128xi32, #tpu.memory_space<vmem>> -> memref<1x128xi32, #tpu.memory_space<vmem>>
        %dma_start3A_399 = tpu.memref_squeeze %dma_start3A_398 : memref<1x128xi32, #tpu.memory_space<vmem>> -> memref<128xi32, #tpu.memory_space<vmem>>
        %dma_start3A_400 = arith.constant 0 : i32
        %dma_start3A_401 = arith.constant 0 : i32
        %dma_start3A_402 = tpu.memref_slice %arg11[%dma_start3A_400, %dma_start3A_401] : memref<102400x16xf32, #tpu.memory_space<vmem_shared>> -> memref<102400x16xf32, #tpu.memory_space<vmem_shared>>
        tpu.enqueue_indirect_dma source(%dma_start3A_396 : memref<128x16xf32, #tpu.memory_space<vmem>>) target(%dma_start3A_402 : memref<102400x16xf32, #tpu.memory_space<vmem_shared>>) offsets(%dma_start3A_399 : memref<128xi32, #tpu.memory_space<vmem>>) semaphore(%run_scoped3A_394 : memref<!tpu.dma_semaphore, #tpu.memory_space<semaphore_mem>>) {add = true}
        %dma_wait3A_403 = arith.constant 0 : i32
        %dma_wait3A_404 = tpu.memref_slice %arg10[%mul3A_293, %dma_wait3A_403] : memref<1536x16xf32, #tpu.memory_space<vmem>> -> memref<128x16xf32, #tpu.memory_space<vmem>>
        %dma_wait3A_405 = arith.constant 0 : i32
        %dma_wait3A_406 = tpu.memref_slice %arg9[%add3A_297, %dma_wait3A_405] : memref<24x128xi32, #tpu.memory_space<vmem>> -> memref<1x128xi32, #tpu.memory_space<vmem>>
        %dma_wait3A_407 = tpu.memref_squeeze %dma_wait3A_406 : memref<1x128xi32, #tpu.memory_space<vmem>> -> memref<128xi32, #tpu.memory_space<vmem>>
        %dma_wait3A_408 = arith.constant 0 : i32
        %dma_wait3A_409 = arith.constant 0 : i32
        %dma_wait3A_410 = tpu.memref_slice %arg11[%dma_wait3A_408, %dma_wait3A_409] : memref<102400x16xf32, #tpu.memory_space<vmem_shared>> -> memref<102400x16xf32, #tpu.memory_space<vmem_shared>>
        tpu.wait_indirect_dma semaphore(%run_scoped3A_394 : memref<!tpu.dma_semaphore, #tpu.memory_space<semaphore_mem>>) src(%dma_wait3A_404 : memref<128x16xf32, #tpu.memory_space<vmem>>) dst(%dma_wait3A_410 : memref<102400x16xf32, #tpu.memory_space<vmem_shared>>)
        tpu.yield
      }) : () -> ()
      %add3A_298 = arith.constant 2 : i32
      %add3A_299 = arith.addi %sub3A_281, %add3A_298 : i32
      %mul3A_300 = arith.constant 128 : i32
      %mul3A_301 = arith.muli %add3A_299, %mul3A_300 : i32
      %add3A_302 = arith.constant 6 : i32
      %add3A_303 = arith.addi %sub3A_279, %add3A_302 : i32
      %add3A_304 = arith.constant 2 : i32
      %add3A_305 = arith.addi %add3A_303, %add3A_304 : i32
      "tpu.region"() ({
        %run_scoped3A_394 = tpu.sem_alloc : memref<!tpu.dma_semaphore, #tpu.memory_space<semaphore_mem>>
        %dma_start3A_395 = arith.constant 0 : i32
        %dma_start3A_396 = tpu.memref_slice %arg10[%mul3A_301, %dma_start3A_395] : memref<1536x16xf32, #tpu.memory_space<vmem>> -> memref<128x16xf32, #tpu.memory_space<vmem>>
        %dma_start3A_397 = arith.constant 0 : i32
        %dma_start3A_398 = tpu.memref_slice %arg9[%add3A_305, %dma_start3A_397] : memref<24x128xi32, #tpu.memory_space<vmem>> -> memref<1x128xi32, #tpu.memory_space<vmem>>
        %dma_start3A_399 = tpu.memref_squeeze %dma_start3A_398 : memref<1x128xi32, #tpu.memory_space<vmem>> -> memref<128xi32, #tpu.memory_space<vmem>>
        %dma_start3A_400 = arith.constant 0 : i32
        %dma_start3A_401 = arith.constant 0 : i32
        %dma_start3A_402 = tpu.memref_slice %arg11[%dma_start3A_400, %dma_start3A_401] : memref<102400x16xf32, #tpu.memory_space<vmem_shared>> -> memref<102400x16xf32, #tpu.memory_space<vmem_shared>>
        tpu.enqueue_indirect_dma source(%dma_start3A_396 : memref<128x16xf32, #tpu.memory_space<vmem>>) target(%dma_start3A_402 : memref<102400x16xf32, #tpu.memory_space<vmem_shared>>) offsets(%dma_start3A_399 : memref<128xi32, #tpu.memory_space<vmem>>) semaphore(%run_scoped3A_394 : memref<!tpu.dma_semaphore, #tpu.memory_space<semaphore_mem>>) {add = true}
        %dma_wait3A_403 = arith.constant 0 : i32
        %dma_wait3A_404 = tpu.memref_slice %arg10[%mul3A_301, %dma_wait3A_403] : memref<1536x16xf32, #tpu.memory_space<vmem>> -> memref<128x16xf32, #tpu.memory_space<vmem>>
        %dma_wait3A_405 = arith.constant 0 : i32
        %dma_wait3A_406 = tpu.memref_slice %arg9[%add3A_305, %dma_wait3A_405] : memref<24x128xi32, #tpu.memory_space<vmem>> -> memref<1x128xi32, #tpu.memory_space<vmem>>
        %dma_wait3A_407 = tpu.memref_squeeze %dma_wait3A_406 : memref<1x128xi32, #tpu.memory_space<vmem>> -> memref<128xi32, #tpu.memory_space<vmem>>
        %dma_wait3A_408 = arith.constant 0 : i32
        %dma_wait3A_409 = arith.constant 0 : i32
        %dma_wait3A_410 = tpu.memref_slice %arg11[%dma_wait3A_408, %dma_wait3A_409] : memref<102400x16xf32, #tpu.memory_space<vmem_shared>> -> memref<102400x16xf32, #tpu.memory_space<vmem_shared>>
        tpu.wait_indirect_dma semaphore(%run_scoped3A_394 : memref<!tpu.dma_semaphore, #tpu.memory_space<semaphore_mem>>) src(%dma_wait3A_404 : memref<128x16xf32, #tpu.memory_space<vmem>>) dst(%dma_wait3A_410 : memref<102400x16xf32, #tpu.memory_space<vmem_shared>>)
        tpu.yield
      }) : () -> ()
      %add3A_306 = arith.constant 3 : i32
      %add3A_307 = arith.addi %sub3A_281, %add3A_306 : i32
      %mul3A_308 = arith.constant 128 : i32
      %mul3A_309 = arith.muli %add3A_307, %mul3A_308 : i32
      %add3A_310 = arith.constant 6 : i32
      %add3A_311 = arith.addi %sub3A_279, %add3A_310 : i32
      %add3A_312 = arith.constant 3 : i32
      %add3A_313 = arith.addi %add3A_311, %add3A_312 : i32
      "tpu.region"() ({
        %run_scoped3A_394 = tpu.sem_alloc : memref<!tpu.dma_semaphore, #tpu.memory_space<semaphore_mem>>
        %dma_start3A_395 = arith.constant 0 : i32
        %dma_start3A_396 = tpu.memref_slice %arg10[%mul3A_309, %dma_start3A_395] : memref<1536x16xf32, #tpu.memory_space<vmem>> -> memref<128x16xf32, #tpu.memory_space<vmem>>
        %dma_start3A_397 = arith.constant 0 : i32
        %dma_start3A_398 = tpu.memref_slice %arg9[%add3A_313, %dma_start3A_397] : memref<24x128xi32, #tpu.memory_space<vmem>> -> memref<1x128xi32, #tpu.memory_space<vmem>>
        %dma_start3A_399 = tpu.memref_squeeze %dma_start3A_398 : memref<1x128xi32, #tpu.memory_space<vmem>> -> memref<128xi32, #tpu.memory_space<vmem>>
        %dma_start3A_400 = arith.constant 0 : i32
        %dma_start3A_401 = arith.constant 0 : i32
        %dma_start3A_402 = tpu.memref_slice %arg11[%dma_start3A_400, %dma_start3A_401] : memref<102400x16xf32, #tpu.memory_space<vmem_shared>> -> memref<102400x16xf32, #tpu.memory_space<vmem_shared>>
        tpu.enqueue_indirect_dma source(%dma_start3A_396 : memref<128x16xf32, #tpu.memory_space<vmem>>) target(%dma_start3A_402 : memref<102400x16xf32, #tpu.memory_space<vmem_shared>>) offsets(%dma_start3A_399 : memref<128xi32, #tpu.memory_space<vmem>>) semaphore(%run_scoped3A_394 : memref<!tpu.dma_semaphore, #tpu.memory_space<semaphore_mem>>) {add = true}
        %dma_wait3A_403 = arith.constant 0 : i32
        %dma_wait3A_404 = tpu.memref_slice %arg10[%mul3A_309, %dma_wait3A_403] : memref<1536x16xf32, #tpu.memory_space<vmem>> -> memref<128x16xf32, #tpu.memory_space<vmem>>
        %dma_wait3A_405 = arith.constant 0 : i32
        %dma_wait3A_406 = tpu.memref_slice %arg9[%add3A_313, %dma_wait3A_405] : memref<24x128xi32, #tpu.memory_space<vmem>> -> memref<1x128xi32, #tpu.memory_space<vmem>>
        %dma_wait3A_407 = tpu.memref_squeeze %dma_wait3A_406 : memref<1x128xi32, #tpu.memory_space<vmem>> -> memref<128xi32, #tpu.memory_space<vmem>>
        %dma_wait3A_408 = arith.constant 0 : i32
        %dma_wait3A_409 = arith.constant 0 : i32
        %dma_wait3A_410 = tpu.memref_slice %arg11[%dma_wait3A_408, %dma_wait3A_409] : memref<102400x16xf32, #tpu.memory_space<vmem_shared>> -> memref<102400x16xf32, #tpu.memory_space<vmem_shared>>
        tpu.wait_indirect_dma semaphore(%run_scoped3A_394 : memref<!tpu.dma_semaphore, #tpu.memory_space<semaphore_mem>>) src(%dma_wait3A_404 : memref<128x16xf32, #tpu.memory_space<vmem>>) dst(%dma_wait3A_410 : memref<102400x16xf32, #tpu.memory_space<vmem_shared>>)
        tpu.yield
      }) : () -> ()
      %add3A_314 = arith.constant 4 : i32
      %add3A_315 = arith.addi %sub3A_281, %add3A_314 : i32
      %mul3A_316 = arith.constant 128 : i32
      %mul3A_317 = arith.muli %add3A_315, %mul3A_316 : i32
      %add3A_318 = arith.constant 6 : i32
      %add3A_319 = arith.addi %sub3A_279, %add3A_318 : i32
      %add3A_320 = arith.constant 4 : i32
      %add3A_321 = arith.addi %add3A_319, %add3A_320 : i32
      "tpu.region"() ({
        %run_scoped3A_394 = tpu.sem_alloc : memref<!tpu.dma_semaphore, #tpu.memory_space<semaphore_mem>>
        %dma_start3A_395 = arith.constant 0 : i32
        %dma_start3A_396 = tpu.memref_slice %arg10[%mul3A_317, %dma_start3A_395] : memref<1536x16xf32, #tpu.memory_space<vmem>> -> memref<128x16xf32, #tpu.memory_space<vmem>>
        %dma_start3A_397 = arith.constant 0 : i32
        %dma_start3A_398 = tpu.memref_slice %arg9[%add3A_321, %dma_start3A_397] : memref<24x128xi32, #tpu.memory_space<vmem>> -> memref<1x128xi32, #tpu.memory_space<vmem>>
        %dma_start3A_399 = tpu.memref_squeeze %dma_start3A_398 : memref<1x128xi32, #tpu.memory_space<vmem>> -> memref<128xi32, #tpu.memory_space<vmem>>
        %dma_start3A_400 = arith.constant 0 : i32
        %dma_start3A_401 = arith.constant 0 : i32
        %dma_start3A_402 = tpu.memref_slice %arg11[%dma_start3A_400, %dma_start3A_401] : memref<102400x16xf32, #tpu.memory_space<vmem_shared>> -> memref<102400x16xf32, #tpu.memory_space<vmem_shared>>
        tpu.enqueue_indirect_dma source(%dma_start3A_396 : memref<128x16xf32, #tpu.memory_space<vmem>>) target(%dma_start3A_402 : memref<102400x16xf32, #tpu.memory_space<vmem_shared>>) offsets(%dma_start3A_399 : memref<128xi32, #tpu.memory_space<vmem>>) semaphore(%run_scoped3A_394 : memref<!tpu.dma_semaphore, #tpu.memory_space<semaphore_mem>>) {add = true}
        %dma_wait3A_403 = arith.constant 0 : i32
        %dma_wait3A_404 = tpu.memref_slice %arg10[%mul3A_317, %dma_wait3A_403] : memref<1536x16xf32, #tpu.memory_space<vmem>> -> memref<128x16xf32, #tpu.memory_space<vmem>>
        %dma_wait3A_405 = arith.constant 0 : i32
        %dma_wait3A_406 = tpu.memref_slice %arg9[%add3A_321, %dma_wait3A_405] : memref<24x128xi32, #tpu.memory_space<vmem>> -> memref<1x128xi32, #tpu.memory_space<vmem>>
        %dma_wait3A_407 = tpu.memref_squeeze %dma_wait3A_406 : memref<1x128xi32, #tpu.memory_space<vmem>> -> memref<128xi32, #tpu.memory_space<vmem>>
        %dma_wait3A_408 = arith.constant 0 : i32
        %dma_wait3A_409 = arith.constant 0 : i32
        %dma_wait3A_410 = tpu.memref_slice %arg11[%dma_wait3A_408, %dma_wait3A_409] : memref<102400x16xf32, #tpu.memory_space<vmem_shared>> -> memref<102400x16xf32, #tpu.memory_space<vmem_shared>>
        tpu.wait_indirect_dma semaphore(%run_scoped3A_394 : memref<!tpu.dma_semaphore, #tpu.memory_space<semaphore_mem>>) src(%dma_wait3A_404 : memref<128x16xf32, #tpu.memory_space<vmem>>) dst(%dma_wait3A_410 : memref<102400x16xf32, #tpu.memory_space<vmem_shared>>)
        tpu.yield
      }) : () -> ()
      %add3A_322 = arith.constant 5 : i32
      %add3A_323 = arith.addi %sub3A_281, %add3A_322 : i32
      %mul3A_324 = arith.constant 128 : i32
      %mul3A_325 = arith.muli %add3A_323, %mul3A_324 : i32
      %add3A_326 = arith.constant 6 : i32
      %add3A_327 = arith.addi %sub3A_279, %add3A_326 : i32
      %add3A_328 = arith.constant 5 : i32
      %add3A_329 = arith.addi %add3A_327, %add3A_328 : i32
      "tpu.region"() ({
        %run_scoped3A_394 = tpu.sem_alloc : memref<!tpu.dma_semaphore, #tpu.memory_space<semaphore_mem>>
        %dma_start3A_395 = arith.constant 0 : i32
        %dma_start3A_396 = tpu.memref_slice %arg10[%mul3A_325, %dma_start3A_395] : memref<1536x16xf32, #tpu.memory_space<vmem>> -> memref<128x16xf32, #tpu.memory_space<vmem>>
        %dma_start3A_397 = arith.constant 0 : i32
        %dma_start3A_398 = tpu.memref_slice %arg9[%add3A_329, %dma_start3A_397] : memref<24x128xi32, #tpu.memory_space<vmem>> -> memref<1x128xi32, #tpu.memory_space<vmem>>
        %dma_start3A_399 = tpu.memref_squeeze %dma_start3A_398 : memref<1x128xi32, #tpu.memory_space<vmem>> -> memref<128xi32, #tpu.memory_space<vmem>>
        %dma_start3A_400 = arith.constant 0 : i32
        %dma_start3A_401 = arith.constant 0 : i32
        %dma_start3A_402 = tpu.memref_slice %arg11[%dma_start3A_400, %dma_start3A_401] : memref<102400x16xf32, #tpu.memory_space<vmem_shared>> -> memref<102400x16xf32, #tpu.memory_space<vmem_shared>>
        tpu.enqueue_indirect_dma source(%dma_start3A_396 : memref<128x16xf32, #tpu.memory_space<vmem>>) target(%dma_start3A_402 : memref<102400x16xf32, #tpu.memory_space<vmem_shared>>) offsets(%dma_start3A_399 : memref<128xi32, #tpu.memory_space<vmem>>) semaphore(%run_scoped3A_394 : memref<!tpu.dma_semaphore, #tpu.memory_space<semaphore_mem>>) {add = true}
        %dma_wait3A_403 = arith.constant 0 : i32
        %dma_wait3A_404 = tpu.memref_slice %arg10[%mul3A_325, %dma_wait3A_403] : memref<1536x16xf32, #tpu.memory_space<vmem>> -> memref<128x16xf32, #tpu.memory_space<vmem>>
        %dma_wait3A_405 = arith.constant 0 : i32
        %dma_wait3A_406 = tpu.memref_slice %arg9[%add3A_329, %dma_wait3A_405] : memref<24x128xi32, #tpu.memory_space<vmem>> -> memref<1x128xi32, #tpu.memory_space<vmem>>
        %dma_wait3A_407 = tpu.memref_squeeze %dma_wait3A_406 : memref<1x128xi32, #tpu.memory_space<vmem>> -> memref<128xi32, #tpu.memory_space<vmem>>
        %dma_wait3A_408 = arith.constant 0 : i32
        %dma_wait3A_409 = arith.constant 0 : i32
        %dma_wait3A_410 = tpu.memref_slice %arg11[%dma_wait3A_408, %dma_wait3A_409] : memref<102400x16xf32, #tpu.memory_space<vmem_shared>> -> memref<102400x16xf32, #tpu.memory_space<vmem_shared>>
        tpu.wait_indirect_dma semaphore(%run_scoped3A_394 : memref<!tpu.dma_semaphore, #tpu.memory_space<semaphore_mem>>) src(%dma_wait3A_404 : memref<128x16xf32, #tpu.memory_space<vmem>>) dst(%dma_wait3A_410 : memref<102400x16xf32, #tpu.memory_space<vmem_shared>>)
        tpu.yield
      }) : () -> ()
      %add3A_330 = arith.constant 1 : i32
      %add3A_331 = arith.addi %scan3A_176, %add3A_330 : i32
      %mul3A_332 = arith.constant 2 : i32
      %mul3A_333 = arith.muli %add3A_331, %mul3A_332 : i32
      %mul3A_334 = arith.constant 6 : i32
      %mul3A_335 = arith.muli %mul3A_333, %mul3A_334 : i32
      %add3A_336 = arith.addi %mul3A_6, %mul3A_335 : i32
      %dma_start3A_337 = arith.constant 0 : i32
      %dma_start3A_338 = tpu.memref_slice %arg9[%sub3A_279, %dma_start3A_337] : memref<24x128xi32, #tpu.memory_space<vmem>> -> memref<12x128xi32, #tpu.memory_space<vmem>>
      %dma_start3A_339 = arith.constant 0 : i32
      %dma_start3A_340 = tpu.memref_slice %arg6[%add3A_336, %dma_start3A_339] : memref<26112x128xi32, #tpu.memory_space<hbm>> -> memref<12x128xi32, #tpu.memory_space<hbm>>
      %dma_start3A_341 = arith.constant 0 : i32
      %dma_start3A_342 = tpu.memref_slice %arg9[%sub3A_279, %dma_start3A_341] : memref<24x128xi32, #tpu.memory_space<vmem>> -> memref<12x128xi32, #tpu.memory_space<vmem>>
      %dma_start3A_343 = arith.constant 0 : i32
      %dma_start3A_344 = tpu.memref_slice %arg6[%add3A_336, %dma_start3A_343] : memref<26112x128xi32, #tpu.memory_space<hbm>> -> memref<12x128xi32, #tpu.memory_space<hbm>>
      tpu.enqueue_dma source(%dma_start3A_344 : memref<12x128xi32, #tpu.memory_space<hbm>>) target(%dma_start3A_342 : memref<12x128xi32, #tpu.memory_space<vmem>>) target_semaphore(%arg13 : memref<!tpu.dma_semaphore, #tpu.memory_space<semaphore_mem>>)
      %dma_wait3A_345 = arith.constant 0 : i32
      %dma_wait3A_346 = tpu.memref_slice %arg10[%mul3A_200, %dma_wait3A_345] : memref<1536x16xf32, #tpu.memory_space<vmem>> -> memref<128x16xf32, #tpu.memory_space<vmem>>
      %dma_wait3A_347 = arith.constant 0 : i32
      %dma_wait3A_348 = tpu.memref_slice %arg9[%add3A_196, %dma_wait3A_347] : memref<24x128xi32, #tpu.memory_space<vmem>> -> memref<1x128xi32, #tpu.memory_space<vmem>>
      %dma_wait3A_349 = tpu.memref_squeeze %dma_wait3A_348 : memref<1x128xi32, #tpu.memory_space<vmem>> -> memref<128xi32, #tpu.memory_space<vmem>>
      %dma_wait3A_350 = arith.constant 0 : i32
      %dma_wait3A_351 = arith.constant 0 : i32
      %dma_wait3A_352 = tpu.memref_slice %arg2[%dma_wait3A_350, %dma_wait3A_351] : memref<102400x16xf32, #tpu.memory_space<hbm>> -> memref<102400x16xf32, #tpu.memory_space<hbm>>
      tpu.wait_indirect_dma semaphore(%arg12 : memref<!tpu.dma_semaphore, #tpu.memory_space<semaphore_mem>>) src(%dma_wait3A_352 : memref<102400x16xf32, #tpu.memory_space<hbm>>) dst(%dma_wait3A_346 : memref<128x16xf32, #tpu.memory_space<vmem>>)
      %dma_wait3A_353 = arith.constant 0 : i32
      %dma_wait3A_354 = tpu.memref_slice %arg10[%mul3A_214, %dma_wait3A_353] : memref<1536x16xf32, #tpu.memory_space<vmem>> -> memref<128x16xf32, #tpu.memory_space<vmem>>
      %dma_wait3A_355 = arith.constant 0 : i32
      %dma_wait3A_356 = tpu.memref_slice %arg9[%add3A_210, %dma_wait3A_355] : memref<24x128xi32, #tpu.memory_space<vmem>> -> memref<1x128xi32, #tpu.memory_space<vmem>>
      %dma_wait3A_357 = tpu.memref_squeeze %dma_wait3A_356 : memref<1x128xi32, #tpu.memory_space<vmem>> -> memref<128xi32, #tpu.memory_space<vmem>>
      %dma_wait3A_358 = arith.constant 0 : i32
      %dma_wait3A_359 = arith.constant 0 : i32
      %dma_wait3A_360 = tpu.memref_slice %arg2[%dma_wait3A_358, %dma_wait3A_359] : memref<102400x16xf32, #tpu.memory_space<hbm>> -> memref<102400x16xf32, #tpu.memory_space<hbm>>
      tpu.wait_indirect_dma semaphore(%arg12 : memref<!tpu.dma_semaphore, #tpu.memory_space<semaphore_mem>>) src(%dma_wait3A_360 : memref<102400x16xf32, #tpu.memory_space<hbm>>) dst(%dma_wait3A_354 : memref<128x16xf32, #tpu.memory_space<vmem>>)
      %dma_wait3A_361 = arith.constant 0 : i32
      %dma_wait3A_362 = tpu.memref_slice %arg10[%mul3A_228, %dma_wait3A_361] : memref<1536x16xf32, #tpu.memory_space<vmem>> -> memref<128x16xf32, #tpu.memory_space<vmem>>
      %dma_wait3A_363 = arith.constant 0 : i32
      %dma_wait3A_364 = tpu.memref_slice %arg9[%add3A_224, %dma_wait3A_363] : memref<24x128xi32, #tpu.memory_space<vmem>> -> memref<1x128xi32, #tpu.memory_space<vmem>>
      %dma_wait3A_365 = tpu.memref_squeeze %dma_wait3A_364 : memref<1x128xi32, #tpu.memory_space<vmem>> -> memref<128xi32, #tpu.memory_space<vmem>>
      %dma_wait3A_366 = arith.constant 0 : i32
      %dma_wait3A_367 = arith.constant 0 : i32
      %dma_wait3A_368 = tpu.memref_slice %arg2[%dma_wait3A_366, %dma_wait3A_367] : memref<102400x16xf32, #tpu.memory_space<hbm>> -> memref<102400x16xf32, #tpu.memory_space<hbm>>
      tpu.wait_indirect_dma semaphore(%arg12 : memref<!tpu.dma_semaphore, #tpu.memory_space<semaphore_mem>>) src(%dma_wait3A_368 : memref<102400x16xf32, #tpu.memory_space<hbm>>) dst(%dma_wait3A_362 : memref<128x16xf32, #tpu.memory_space<vmem>>)
      %dma_wait3A_369 = arith.constant 0 : i32
      %dma_wait3A_370 = tpu.memref_slice %arg10[%mul3A_242, %dma_wait3A_369] : memref<1536x16xf32, #tpu.memory_space<vmem>> -> memref<128x16xf32, #tpu.memory_space<vmem>>
      %dma_wait3A_371 = arith.constant 0 : i32
      %dma_wait3A_372 = tpu.memref_slice %arg9[%add3A_238, %dma_wait3A_371] : memref<24x128xi32, #tpu.memory_space<vmem>> -> memref<1x128xi32, #tpu.memory_space<vmem>>
      %dma_wait3A_373 = tpu.memref_squeeze %dma_wait3A_372 : memref<1x128xi32, #tpu.memory_space<vmem>> -> memref<128xi32, #tpu.memory_space<vmem>>
      %dma_wait3A_374 = arith.constant 0 : i32
      %dma_wait3A_375 = arith.constant 0 : i32
      %dma_wait3A_376 = tpu.memref_slice %arg2[%dma_wait3A_374, %dma_wait3A_375] : memref<102400x16xf32, #tpu.memory_space<hbm>> -> memref<102400x16xf32, #tpu.memory_space<hbm>>
      tpu.wait_indirect_dma semaphore(%arg12 : memref<!tpu.dma_semaphore, #tpu.memory_space<semaphore_mem>>) src(%dma_wait3A_376 : memref<102400x16xf32, #tpu.memory_space<hbm>>) dst(%dma_wait3A_370 : memref<128x16xf32, #tpu.memory_space<vmem>>)
      %dma_wait3A_377 = arith.constant 0 : i32
      %dma_wait3A_378 = tpu.memref_slice %arg10[%mul3A_256, %dma_wait3A_377] : memref<1536x16xf32, #tpu.memory_space<vmem>> -> memref<128x16xf32, #tpu.memory_space<vmem>>
      %dma_wait3A_379 = arith.constant 0 : i32
      %dma_wait3A_380 = tpu.memref_slice %arg9[%add3A_252, %dma_wait3A_379] : memref<24x128xi32, #tpu.memory_space<vmem>> -> memref<1x128xi32, #tpu.memory_space<vmem>>
      %dma_wait3A_381 = tpu.memref_squeeze %dma_wait3A_380 : memref<1x128xi32, #tpu.memory_space<vmem>> -> memref<128xi32, #tpu.memory_space<vmem>>
      %dma_wait3A_382 = arith.constant 0 : i32
      %dma_wait3A_383 = arith.constant 0 : i32
      %dma_wait3A_384 = tpu.memref_slice %arg2[%dma_wait3A_382, %dma_wait3A_383] : memref<102400x16xf32, #tpu.memory_space<hbm>> -> memref<102400x16xf32, #tpu.memory_space<hbm>>
      tpu.wait_indirect_dma semaphore(%arg12 : memref<!tpu.dma_semaphore, #tpu.memory_space<semaphore_mem>>) src(%dma_wait3A_384 : memref<102400x16xf32, #tpu.memory_space<hbm>>) dst(%dma_wait3A_378 : memref<128x16xf32, #tpu.memory_space<vmem>>)
      %dma_wait3A_385 = arith.constant 0 : i32
      %dma_wait3A_386 = tpu.memref_slice %arg10[%mul3A_270, %dma_wait3A_385] : memref<1536x16xf32, #tpu.memory_space<vmem>> -> memref<128x16xf32, #tpu.memory_space<vmem>>
      %dma_wait3A_387 = arith.constant 0 : i32
      %dma_wait3A_388 = tpu.memref_slice %arg9[%add3A_266, %dma_wait3A_387] : memref<24x128xi32, #tpu.memory_space<vmem>> -> memref<1x128xi32, #tpu.memory_space<vmem>>
      %dma_wait3A_389 = tpu.memref_squeeze %dma_wait3A_388 : memref<1x128xi32, #tpu.memory_space<vmem>> -> memref<128xi32, #tpu.memory_space<vmem>>
      %dma_wait3A_390 = arith.constant 0 : i32
      %dma_wait3A_391 = arith.constant 0 : i32
      %dma_wait3A_392 = tpu.memref_slice %arg2[%dma_wait3A_390, %dma_wait3A_391] : memref<102400x16xf32, #tpu.memory_space<hbm>> -> memref<102400x16xf32, #tpu.memory_space<hbm>>
      tpu.wait_indirect_dma semaphore(%arg12 : memref<!tpu.dma_semaphore, #tpu.memory_space<semaphore_mem>>) src(%dma_wait3A_392 : memref<102400x16xf32, #tpu.memory_space<hbm>>) dst(%dma_wait3A_386 : memref<128x16xf32, #tpu.memory_space<vmem>>)
      %scan3A_393 = arith.constant 0 : i32
      scf.yield %scan3A_393 : i32
    }
    %scan3A_23 = arith.constant 67 : i32
    %dma_wait3A = arith.constant 0 : i32
    %dma_wait3A_24 = arith.constant 0 : i32
    %dma_wait3A_25 = tpu.memref_slice %arg9[%dma_wait3A, %dma_wait3A_24] : memref<24x128xi32, #tpu.memory_space<vmem>> -> memref<12x128xi32, #tpu.memory_space<vmem>>
    %dma_wait3A_26 = arith.constant 0 : i32
    %dma_wait3A_27 = arith.constant 0 : i32
    %dma_wait3A_28 = tpu.memref_slice %arg6[%dma_wait3A_26, %dma_wait3A_27] : memref<26112x128xi32, #tpu.memory_space<hbm>> -> memref<12x128xi32, #tpu.memory_space<hbm>>
    %dma_wait3A_29 = arith.constant 0 : i32
    %dma_wait3A_30 = arith.constant 0 : i32
    %dma_wait3A_31 = tpu.memref_slice %arg9[%dma_wait3A_29, %dma_wait3A_30] : memref<24x128xi32, #tpu.memory_space<vmem>> -> memref<12x128xi32, #tpu.memory_space<vmem>>
    %dma_wait3A_32 = arith.constant 0 : i32
    %dma_wait3A_33 = arith.constant 0 : i32
    %dma_wait3A_34 = tpu.memref_slice %arg6[%dma_wait3A_32, %dma_wait3A_33] : memref<26112x128xi32, #tpu.memory_space<hbm>> -> memref<12x128xi32, #tpu.memory_space<hbm>>
    tpu.wait_dma2 semaphore(%arg13 : memref<!tpu.dma_semaphore, #tpu.memory_space<semaphore_mem>>) src(%dma_wait3A_34 : memref<12x128xi32, #tpu.memory_space<hbm>>) dst(%dma_wait3A_31 : memref<12x128xi32, #tpu.memory_space<vmem>>)
    %barrier3A_35 = arith.constant 0 : index
    tpu.barrier barrier_id(%barrier3A_35)
    %mul3A_36 = arith.constant 6400 : i32
    %mul3A_37 = arith.muli %arg1, %mul3A_36 : i32
    %mul3A_38 = arith.constant 6400 : i32
    %mul3A_39 = arith.muli %arg1, %mul3A_38 : i32
    %run_scoped3A = arith.constant 0 : i32
    "tpu.region"() ({
      %run_scoped3A_176 = tpu.sem_alloc : memref<!tpu.dma_semaphore, #tpu.memory_space<semaphore_mem>>
      %dma_start3A_177 = arith.constant 0 : i32
      %dma_start3A_178 = tpu.memref_slice %arg8[%run_scoped3A, %arg0, %mul3A_39, %dma_start3A_177] : memref<4x2x102400x16xf32, #tpu.memory_space<hbm>> -> memref<1x1x6400x16xf32, #tpu.memory_space<hbm>>
      %dma_start3A_179 = tpu.memref_squeeze %dma_start3A_178 : memref<1x1x6400x16xf32, #tpu.memory_space<hbm>> -> memref<6400x16xf32, #tpu.memory_space<hbm>>
      %dma_start3A_180 = arith.constant 0 : i32
      %dma_start3A_181 = tpu.memref_slice %arg11[%mul3A_37, %dma_start3A_180] : memref<102400x16xf32, #tpu.memory_space<vmem_shared>> -> memref<6400x16xf32, #tpu.memory_space<vmem_shared>>
      tpu.enqueue_dma source(%dma_start3A_181 : memref<6400x16xf32, #tpu.memory_space<vmem_shared>>) target(%dma_start3A_179 : memref<6400x16xf32, #tpu.memory_space<hbm>>) target_semaphore(%run_scoped3A_176 : memref<!tpu.dma_semaphore, #tpu.memory_space<semaphore_mem>>)
      %dma_wait3A_182 = arith.constant 0 : i32
      %dma_wait3A_183 = tpu.memref_slice %arg8[%run_scoped3A, %arg0, %mul3A_39, %dma_wait3A_182] : memref<4x2x102400x16xf32, #tpu.memory_space<hbm>> -> memref<1x1x6400x16xf32, #tpu.memory_space<hbm>>
      %dma_wait3A_184 = tpu.memref_squeeze %dma_wait3A_183 : memref<1x1x6400x16xf32, #tpu.memory_space<hbm>> -> memref<6400x16xf32, #tpu.memory_space<hbm>>
      %dma_wait3A_185 = arith.constant 0 : i32
      %dma_wait3A_186 = tpu.memref_slice %arg11[%mul3A_37, %dma_wait3A_185] : memref<102400x16xf32, #tpu.memory_space<vmem_shared>> -> memref<6400x16xf32, #tpu.memory_space<vmem_shared>>
      tpu.wait_dma2 semaphore(%run_scoped3A_176 : memref<!tpu.dma_semaphore, #tpu.memory_space<semaphore_mem>>) src(%dma_wait3A_186 : memref<6400x16xf32, #tpu.memory_space<vmem_shared>>) dst(%dma_wait3A_184 : memref<6400x16xf32, #tpu.memory_space<hbm>>)
      tpu.yield
    }) : () -> ()
    %barrier3A_40 = arith.constant 0 : index
    tpu.barrier barrier_id(%barrier3A_40)
    %mul3A_41 = arith.constant 6400 : i32
    %mul3A_42 = arith.muli %arg1, %mul3A_41 : i32
    %mul3A_43 = arith.constant 6400 : i32
    %mul3A_44 = arith.muli %arg1, %mul3A_43 : i32
    "tpu.region"() ({
      %run_scoped3A_176 = tpu.sem_alloc : memref<!tpu.dma_semaphore, #tpu.memory_space<semaphore_mem>>
      %dma_start3A_177 = arith.constant 0 : i32
      %dma_start3A_178 = tpu.memref_slice %arg11[%mul3A_44, %dma_start3A_177] : memref<102400x16xf32, #tpu.memory_space<vmem_shared>> -> memref<6400x16xf32, #tpu.memory_space<vmem_shared>>
      %dma_start3A_179 = arith.constant 0 : i32
      %dma_start3A_180 = tpu.memref_slice %arg7[%mul3A_42, %dma_start3A_179] : memref<102400x16xf32, #tpu.memory_space<hbm>> -> memref<6400x16xf32, #tpu.memory_space<hbm>>
      tpu.enqueue_dma source(%dma_start3A_180 : memref<6400x16xf32, #tpu.memory_space<hbm>>) target(%dma_start3A_178 : memref<6400x16xf32, #tpu.memory_space<vmem_shared>>) target_semaphore(%run_scoped3A_176 : memref<!tpu.dma_semaphore, #tpu.memory_space<semaphore_mem>>)
      %dma_wait3A_181 = arith.constant 0 : i32
      %dma_wait3A_182 = tpu.memref_slice %arg11[%mul3A_44, %dma_wait3A_181] : memref<102400x16xf32, #tpu.memory_space<vmem_shared>> -> memref<6400x16xf32, #tpu.memory_space<vmem_shared>>
      %dma_wait3A_183 = arith.constant 0 : i32
      %dma_wait3A_184 = tpu.memref_slice %arg7[%mul3A_42, %dma_wait3A_183] : memref<102400x16xf32, #tpu.memory_space<hbm>> -> memref<6400x16xf32, #tpu.memory_space<hbm>>
      tpu.wait_dma2 semaphore(%run_scoped3A_176 : memref<!tpu.dma_semaphore, #tpu.memory_space<semaphore_mem>>) src(%dma_wait3A_184 : memref<6400x16xf32, #tpu.memory_space<hbm>>) dst(%dma_wait3A_182 : memref<6400x16xf32, #tpu.memory_space<vmem_shared>>)
      tpu.yield
    }) : () -> ()
    %barrier3A_45 = arith.constant 0 : index
    tpu.barrier barrier_id(%barrier3A_45)
    %mul3A_46 = arith.constant 816 : i32
    %mul3A_47 = arith.muli %add3A, %mul3A_46 : i32
    "tpu.region"() ({
      %run_scoped3A_176 = tpu.sem_alloc : memref<!tpu.dma_semaphore, #tpu.memory_space<semaphore_mem>>
      %dma_start3A_177 = arith.constant 0 : i32
      %dma_start3A_178 = arith.constant 0 : i32
      %dma_start3A_179 = tpu.memref_slice %arg7[%dma_start3A_177, %dma_start3A_178] : memref<102400x16xf32, #tpu.memory_space<hbm>> -> memref<1536x16xf32, #tpu.memory_space<hbm>>
      %dma_start3A_180 = arith.constant 0 : i32
      %dma_start3A_181 = arith.constant 0 : i32
      %dma_start3A_182 = tpu.memref_slice %arg7[%dma_start3A_180, %dma_start3A_181] : memref<102400x16xf32, #tpu.memory_space<hbm>> -> memref<1536x16xf32, #tpu.memory_space<hbm>>
      tpu.enqueue_dma source(%dma_start3A_182 : memref<1536x16xf32, #tpu.memory_space<hbm>>) target(%arg10 : memref<1536x16xf32, #tpu.memory_space<vmem>>) target_semaphore(%run_scoped3A_176 : memref<!tpu.dma_semaphore, #tpu.memory_space<semaphore_mem>>)
      %dma_wait3A_183 = arith.constant 0 : i32
      %dma_wait3A_184 = arith.constant 0 : i32
      %dma_wait3A_185 = tpu.memref_slice %arg7[%dma_wait3A_183, %dma_wait3A_184] : memref<102400x16xf32, #tpu.memory_space<hbm>> -> memref<1536x16xf32, #tpu.memory_space<hbm>>
      %dma_wait3A_186 = arith.constant 0 : i32
      %dma_wait3A_187 = arith.constant 0 : i32
      %dma_wait3A_188 = tpu.memref_slice %arg7[%dma_wait3A_186, %dma_wait3A_187] : memref<102400x16xf32, #tpu.memory_space<hbm>> -> memref<1536x16xf32, #tpu.memory_space<hbm>>
      tpu.wait_dma2 semaphore(%run_scoped3A_176 : memref<!tpu.dma_semaphore, #tpu.memory_space<semaphore_mem>>) src(%dma_wait3A_188 : memref<1536x16xf32, #tpu.memory_space<hbm>>) dst(%arg10 : memref<1536x16xf32, #tpu.memory_space<vmem>>)
      tpu.yield
    }) : () -> ()
    %add3A_48 = arith.constant 792 : i32
    %add3A_49 = arith.addi %mul3A_47, %add3A_48 : i32
    "tpu.region"() ({
      %run_scoped3A_176 = tpu.sem_alloc : memref<!tpu.dma_semaphore, #tpu.memory_space<semaphore_mem>>
      %dma_start3A_177 = arith.constant 12 : i32
      %dma_start3A_178 = arith.constant 0 : i32
      %dma_start3A_179 = tpu.memref_slice %arg9[%dma_start3A_177, %dma_start3A_178] : memref<24x128xi32, #tpu.memory_space<vmem>> -> memref<12x128xi32, #tpu.memory_space<vmem>>
      %dma_start3A_180 = arith.constant 0 : i32
      %dma_start3A_181 = tpu.memref_slice %arg6[%add3A_49, %dma_start3A_180] : memref<26112x128xi32, #tpu.memory_space<hbm>> -> memref<12x128xi32, #tpu.memory_space<hbm>>
      %dma_start3A_182 = arith.constant 12 : i32
      %dma_start3A_183 = arith.constant 0 : i32
      %dma_start3A_184 = tpu.memref_slice %arg9[%dma_start3A_182, %dma_start3A_183] : memref<24x128xi32, #tpu.memory_space<vmem>> -> memref<12x128xi32, #tpu.memory_space<vmem>>
      %dma_start3A_185 = arith.constant 0 : i32
      %dma_start3A_186 = tpu.memref_slice %arg6[%add3A_49, %dma_start3A_185] : memref<26112x128xi32, #tpu.memory_space<hbm>> -> memref<12x128xi32, #tpu.memory_space<hbm>>
      tpu.enqueue_dma source(%dma_start3A_186 : memref<12x128xi32, #tpu.memory_space<hbm>>) target(%dma_start3A_184 : memref<12x128xi32, #tpu.memory_space<vmem>>) target_semaphore(%run_scoped3A_176 : memref<!tpu.dma_semaphore, #tpu.memory_space<semaphore_mem>>)
      %dma_wait3A_187 = arith.constant 12 : i32
      %dma_wait3A_188 = arith.constant 0 : i32
      %dma_wait3A_189 = tpu.memref_slice %arg9[%dma_wait3A_187, %dma_wait3A_188] : memref<24x128xi32, #tpu.memory_space<vmem>> -> memref<12x128xi32, #tpu.memory_space<vmem>>
      %dma_wait3A_190 = arith.constant 0 : i32
      %dma_wait3A_191 = tpu.memref_slice %arg6[%add3A_49, %dma_wait3A_190] : memref<26112x128xi32, #tpu.memory_space<hbm>> -> memref<12x128xi32, #tpu.memory_space<hbm>>
      %dma_wait3A_192 = arith.constant 12 : i32
      %dma_wait3A_193 = arith.constant 0 : i32
      %dma_wait3A_194 = tpu.memref_slice %arg9[%dma_wait3A_192, %dma_wait3A_193] : memref<24x128xi32, #tpu.memory_space<vmem>> -> memref<12x128xi32, #tpu.memory_space<vmem>>
      %dma_wait3A_195 = arith.constant 0 : i32
      %dma_wait3A_196 = tpu.memref_slice %arg6[%add3A_49, %dma_wait3A_195] : memref<26112x128xi32, #tpu.memory_space<hbm>> -> memref<12x128xi32, #tpu.memory_space<hbm>>
      tpu.wait_dma2 semaphore(%run_scoped3A_176 : memref<!tpu.dma_semaphore, #tpu.memory_space<semaphore_mem>>) src(%dma_wait3A_196 : memref<12x128xi32, #tpu.memory_space<hbm>>) dst(%dma_wait3A_194 : memref<12x128xi32, #tpu.memory_space<vmem>>)
      tpu.yield
    }) : () -> ()
    %dma_start3A_50 = arith.constant 0 : i32
    %dma_start3A_51 = arith.constant 0 : i32
    %dma_start3A_52 = tpu.memref_slice %arg9[%dma_start3A_50, %dma_start3A_51] : memref<24x128xi32, #tpu.memory_space<vmem>> -> memref<12x128xi32, #tpu.memory_space<vmem>>
    %dma_start3A_53 = arith.constant 0 : i32
    %dma_start3A_54 = tpu.memref_slice %arg6[%mul3A_47, %dma_start3A_53] : memref<26112x128xi32, #tpu.memory_space<hbm>> -> memref<12x128xi32, #tpu.memory_space<hbm>>
    %dma_start3A_55 = arith.constant 0 : i32
    %dma_start3A_56 = arith.constant 0 : i32
    %dma_start3A_57 = tpu.memref_slice %arg9[%dma_start3A_55, %dma_start3A_56] : memref<24x128xi32, #tpu.memory_space<vmem>> -> memref<12x128xi32, #tpu.memory_space<vmem>>
    %dma_start3A_58 = arith.constant 0 : i32
    %dma_start3A_59 = tpu.memref_slice %arg6[%mul3A_47, %dma_start3A_58] : memref<26112x128xi32, #tpu.memory_space<hbm>> -> memref<12x128xi32, #tpu.memory_space<hbm>>
    tpu.enqueue_dma source(%dma_start3A_59 : memref<12x128xi32, #tpu.memory_space<hbm>>) target(%dma_start3A_57 : memref<12x128xi32, #tpu.memory_space<vmem>>) target_semaphore(%arg13 : memref<!tpu.dma_semaphore, #tpu.memory_space<semaphore_mem>>)
    %scan3A_60 = arith.constant 0 : i32
    %scan3A_61 = arith.constant 0 : i32
    %scan3A_62 = arith.constant 67 : i32
    %scan3A_63 = arith.addi %scan3A_61, %scan3A_62 : i32
    %scan3A_64 = arith.constant 1 : i32
    %scan3A_65 = scf.for %scan3A_176 = %scan3A_61 to %scan3A_63 step %scan3A_64 iter_args(%scan3A_177 = %scan3A_60) -> (i32)  : i32 {
      %rem3A = arith.constant 2 : i32
      %rem3A_178 = arith.remsi %scan3A_176, %rem3A : i32
      %mul3A_179 = arith.constant 2 : i32
      %mul3A_180 = arith.muli %rem3A_178, %mul3A_179 : i32
      %mul3A_181 = arith.constant 6 : i32
      %mul3A_182 = arith.muli %mul3A_180, %mul3A_181 : i32
      %mul3A_183 = arith.constant 6 : i32
      %mul3A_184 = arith.muli %rem3A_178, %mul3A_183 : i32
      %dma_wait3A_185 = arith.constant 0 : i32
      %dma_wait3A_186 = tpu.memref_slice %arg9[%mul3A_182, %dma_wait3A_185] : memref<24x128xi32, #tpu.memory_space<vmem>> -> memref<12x128xi32, #tpu.memory_space<vmem>>
      %dma_wait3A_187 = arith.constant 0 : i32
      %dma_wait3A_188 = arith.constant 0 : i32
      %dma_wait3A_189 = tpu.memref_slice %arg6[%dma_wait3A_187, %dma_wait3A_188] : memref<26112x128xi32, #tpu.memory_space<hbm>> -> memref<12x128xi32, #tpu.memory_space<hbm>>
      %dma_wait3A_190 = arith.constant 0 : i32
      %dma_wait3A_191 = tpu.memref_slice %arg9[%mul3A_182, %dma_wait3A_190] : memref<24x128xi32, #tpu.memory_space<vmem>> -> memref<12x128xi32, #tpu.memory_space<vmem>>
      %dma_wait3A_192 = arith.constant 0 : i32
      %dma_wait3A_193 = arith.constant 0 : i32
      %dma_wait3A_194 = tpu.memref_slice %arg6[%dma_wait3A_192, %dma_wait3A_193] : memref<26112x128xi32, #tpu.memory_space<hbm>> -> memref<12x128xi32, #tpu.memory_space<hbm>>
      tpu.wait_dma2 semaphore(%arg13 : memref<!tpu.dma_semaphore, #tpu.memory_space<semaphore_mem>>) src(%dma_wait3A_194 : memref<12x128xi32, #tpu.memory_space<hbm>>) dst(%dma_wait3A_191 : memref<12x128xi32, #tpu.memory_space<vmem>>)
      %add3A_195 = arith.constant 0 : i32
      %add3A_196 = arith.addi %mul3A_182, %add3A_195 : i32
      %add3A_197 = arith.constant 0 : i32
      %add3A_198 = arith.addi %mul3A_184, %add3A_197 : i32
      %mul3A_199 = arith.constant 128 : i32
      %mul3A_200 = arith.muli %add3A_198, %mul3A_199 : i32
      %dma_start3A_201 = arith.constant 0 : i32
      %dma_start3A_202 = tpu.memref_slice %arg10[%mul3A_200, %dma_start3A_201] : memref<1536x16xf32, #tpu.memory_space<vmem>> -> memref<128x16xf32, #tpu.memory_space<vmem>>
      %dma_start3A_203 = arith.constant 0 : i32
      %dma_start3A_204 = tpu.memref_slice %arg9[%add3A_196, %dma_start3A_203] : memref<24x128xi32, #tpu.memory_space<vmem>> -> memref<1x128xi32, #tpu.memory_space<vmem>>
      %dma_start3A_205 = tpu.memref_squeeze %dma_start3A_204 : memref<1x128xi32, #tpu.memory_space<vmem>> -> memref<128xi32, #tpu.memory_space<vmem>>
      %dma_start3A_206 = arith.constant 0 : i32
      %dma_start3A_207 = arith.constant 0 : i32
      %dma_start3A_208 = tpu.memref_slice %arg3[%dma_start3A_206, %dma_start3A_207] : memref<102400x16xf32, #tpu.memory_space<hbm>> -> memref<102400x16xf32, #tpu.memory_space<hbm>>
      tpu.enqueue_indirect_dma source(%dma_start3A_208 : memref<102400x16xf32, #tpu.memory_space<hbm>>) target(%dma_start3A_202 : memref<128x16xf32, #tpu.memory_space<vmem>>) offsets(%dma_start3A_205 : memref<128xi32, #tpu.memory_space<vmem>>) semaphore(%arg12 : memref<!tpu.dma_semaphore, #tpu.memory_space<semaphore_mem>>)
      %add3A_209 = arith.constant 1 : i32
      %add3A_210 = arith.addi %mul3A_182, %add3A_209 : i32
      %add3A_211 = arith.constant 1 : i32
      %add3A_212 = arith.addi %mul3A_184, %add3A_211 : i32
      %mul3A_213 = arith.constant 128 : i32
      %mul3A_214 = arith.muli %add3A_212, %mul3A_213 : i32
      %dma_start3A_215 = arith.constant 0 : i32
      %dma_start3A_216 = tpu.memref_slice %arg10[%mul3A_214, %dma_start3A_215] : memref<1536x16xf32, #tpu.memory_space<vmem>> -> memref<128x16xf32, #tpu.memory_space<vmem>>
      %dma_start3A_217 = arith.constant 0 : i32
      %dma_start3A_218 = tpu.memref_slice %arg9[%add3A_210, %dma_start3A_217] : memref<24x128xi32, #tpu.memory_space<vmem>> -> memref<1x128xi32, #tpu.memory_space<vmem>>
      %dma_start3A_219 = tpu.memref_squeeze %dma_start3A_218 : memref<1x128xi32, #tpu.memory_space<vmem>> -> memref<128xi32, #tpu.memory_space<vmem>>
      %dma_start3A_220 = arith.constant 0 : i32
      %dma_start3A_221 = arith.constant 0 : i32
      %dma_start3A_222 = tpu.memref_slice %arg3[%dma_start3A_220, %dma_start3A_221] : memref<102400x16xf32, #tpu.memory_space<hbm>> -> memref<102400x16xf32, #tpu.memory_space<hbm>>
      tpu.enqueue_indirect_dma source(%dma_start3A_222 : memref<102400x16xf32, #tpu.memory_space<hbm>>) target(%dma_start3A_216 : memref<128x16xf32, #tpu.memory_space<vmem>>) offsets(%dma_start3A_219 : memref<128xi32, #tpu.memory_space<vmem>>) semaphore(%arg12 : memref<!tpu.dma_semaphore, #tpu.memory_space<semaphore_mem>>)
      %add3A_223 = arith.constant 2 : i32
      %add3A_224 = arith.addi %mul3A_182, %add3A_223 : i32
      %add3A_225 = arith.constant 2 : i32
      %add3A_226 = arith.addi %mul3A_184, %add3A_225 : i32
      %mul3A_227 = arith.constant 128 : i32
      %mul3A_228 = arith.muli %add3A_226, %mul3A_227 : i32
      %dma_start3A_229 = arith.constant 0 : i32
      %dma_start3A_230 = tpu.memref_slice %arg10[%mul3A_228, %dma_start3A_229] : memref<1536x16xf32, #tpu.memory_space<vmem>> -> memref<128x16xf32, #tpu.memory_space<vmem>>
      %dma_start3A_231 = arith.constant 0 : i32
      %dma_start3A_232 = tpu.memref_slice %arg9[%add3A_224, %dma_start3A_231] : memref<24x128xi32, #tpu.memory_space<vmem>> -> memref<1x128xi32, #tpu.memory_space<vmem>>
      %dma_start3A_233 = tpu.memref_squeeze %dma_start3A_232 : memref<1x128xi32, #tpu.memory_space<vmem>> -> memref<128xi32, #tpu.memory_space<vmem>>
      %dma_start3A_234 = arith.constant 0 : i32
      %dma_start3A_235 = arith.constant 0 : i32
      %dma_start3A_236 = tpu.memref_slice %arg3[%dma_start3A_234, %dma_start3A_235] : memref<102400x16xf32, #tpu.memory_space<hbm>> -> memref<102400x16xf32, #tpu.memory_space<hbm>>
      tpu.enqueue_indirect_dma source(%dma_start3A_236 : memref<102400x16xf32, #tpu.memory_space<hbm>>) target(%dma_start3A_230 : memref<128x16xf32, #tpu.memory_space<vmem>>) offsets(%dma_start3A_233 : memref<128xi32, #tpu.memory_space<vmem>>) semaphore(%arg12 : memref<!tpu.dma_semaphore, #tpu.memory_space<semaphore_mem>>)
      %add3A_237 = arith.constant 3 : i32
      %add3A_238 = arith.addi %mul3A_182, %add3A_237 : i32
      %add3A_239 = arith.constant 3 : i32
      %add3A_240 = arith.addi %mul3A_184, %add3A_239 : i32
      %mul3A_241 = arith.constant 128 : i32
      %mul3A_242 = arith.muli %add3A_240, %mul3A_241 : i32
      %dma_start3A_243 = arith.constant 0 : i32
      %dma_start3A_244 = tpu.memref_slice %arg10[%mul3A_242, %dma_start3A_243] : memref<1536x16xf32, #tpu.memory_space<vmem>> -> memref<128x16xf32, #tpu.memory_space<vmem>>
      %dma_start3A_245 = arith.constant 0 : i32
      %dma_start3A_246 = tpu.memref_slice %arg9[%add3A_238, %dma_start3A_245] : memref<24x128xi32, #tpu.memory_space<vmem>> -> memref<1x128xi32, #tpu.memory_space<vmem>>
      %dma_start3A_247 = tpu.memref_squeeze %dma_start3A_246 : memref<1x128xi32, #tpu.memory_space<vmem>> -> memref<128xi32, #tpu.memory_space<vmem>>
      %dma_start3A_248 = arith.constant 0 : i32
      %dma_start3A_249 = arith.constant 0 : i32
      %dma_start3A_250 = tpu.memref_slice %arg3[%dma_start3A_248, %dma_start3A_249] : memref<102400x16xf32, #tpu.memory_space<hbm>> -> memref<102400x16xf32, #tpu.memory_space<hbm>>
      tpu.enqueue_indirect_dma source(%dma_start3A_250 : memref<102400x16xf32, #tpu.memory_space<hbm>>) target(%dma_start3A_244 : memref<128x16xf32, #tpu.memory_space<vmem>>) offsets(%dma_start3A_247 : memref<128xi32, #tpu.memory_space<vmem>>) semaphore(%arg12 : memref<!tpu.dma_semaphore, #tpu.memory_space<semaphore_mem>>)
      %add3A_251 = arith.constant 4 : i32
      %add3A_252 = arith.addi %mul3A_182, %add3A_251 : i32
      %add3A_253 = arith.constant 4 : i32
      %add3A_254 = arith.addi %mul3A_184, %add3A_253 : i32
      %mul3A_255 = arith.constant 128 : i32
      %mul3A_256 = arith.muli %add3A_254, %mul3A_255 : i32
      %dma_start3A_257 = arith.constant 0 : i32
      %dma_start3A_258 = tpu.memref_slice %arg10[%mul3A_256, %dma_start3A_257] : memref<1536x16xf32, #tpu.memory_space<vmem>> -> memref<128x16xf32, #tpu.memory_space<vmem>>
      %dma_start3A_259 = arith.constant 0 : i32
      %dma_start3A_260 = tpu.memref_slice %arg9[%add3A_252, %dma_start3A_259] : memref<24x128xi32, #tpu.memory_space<vmem>> -> memref<1x128xi32, #tpu.memory_space<vmem>>
      %dma_start3A_261 = tpu.memref_squeeze %dma_start3A_260 : memref<1x128xi32, #tpu.memory_space<vmem>> -> memref<128xi32, #tpu.memory_space<vmem>>
      %dma_start3A_262 = arith.constant 0 : i32
      %dma_start3A_263 = arith.constant 0 : i32
      %dma_start3A_264 = tpu.memref_slice %arg3[%dma_start3A_262, %dma_start3A_263] : memref<102400x16xf32, #tpu.memory_space<hbm>> -> memref<102400x16xf32, #tpu.memory_space<hbm>>
      tpu.enqueue_indirect_dma source(%dma_start3A_264 : memref<102400x16xf32, #tpu.memory_space<hbm>>) target(%dma_start3A_258 : memref<128x16xf32, #tpu.memory_space<vmem>>) offsets(%dma_start3A_261 : memref<128xi32, #tpu.memory_space<vmem>>) semaphore(%arg12 : memref<!tpu.dma_semaphore, #tpu.memory_space<semaphore_mem>>)
      %add3A_265 = arith.constant 5 : i32
      %add3A_266 = arith.addi %mul3A_182, %add3A_265 : i32
      %add3A_267 = arith.constant 5 : i32
      %add3A_268 = arith.addi %mul3A_184, %add3A_267 : i32
      %mul3A_269 = arith.constant 128 : i32
      %mul3A_270 = arith.muli %add3A_268, %mul3A_269 : i32
      %dma_start3A_271 = arith.constant 0 : i32
      %dma_start3A_272 = tpu.memref_slice %arg10[%mul3A_270, %dma_start3A_271] : memref<1536x16xf32, #tpu.memory_space<vmem>> -> memref<128x16xf32, #tpu.memory_space<vmem>>
      %dma_start3A_273 = arith.constant 0 : i32
      %dma_start3A_274 = tpu.memref_slice %arg9[%add3A_266, %dma_start3A_273] : memref<24x128xi32, #tpu.memory_space<vmem>> -> memref<1x128xi32, #tpu.memory_space<vmem>>
      %dma_start3A_275 = tpu.memref_squeeze %dma_start3A_274 : memref<1x128xi32, #tpu.memory_space<vmem>> -> memref<128xi32, #tpu.memory_space<vmem>>
      %dma_start3A_276 = arith.constant 0 : i32
      %dma_start3A_277 = arith.constant 0 : i32
      %dma_start3A_278 = tpu.memref_slice %arg3[%dma_start3A_276, %dma_start3A_277] : memref<102400x16xf32, #tpu.memory_space<hbm>> -> memref<102400x16xf32, #tpu.memory_space<hbm>>
      tpu.enqueue_indirect_dma source(%dma_start3A_278 : memref<102400x16xf32, #tpu.memory_space<hbm>>) target(%dma_start3A_272 : memref<128x16xf32, #tpu.memory_space<vmem>>) offsets(%dma_start3A_275 : memref<128xi32, #tpu.memory_space<vmem>>) semaphore(%arg12 : memref<!tpu.dma_semaphore, #tpu.memory_space<semaphore_mem>>)
      %sub3A = arith.constant 12 : i32
      %sub3A_279 = arith.subi %sub3A, %mul3A_182 : i32
      %sub3A_280 = arith.constant 6 : i32
      %sub3A_281 = arith.subi %sub3A_280, %mul3A_184 : i32
      %add3A_282 = arith.constant 0 : i32
      %add3A_283 = arith.addi %sub3A_281, %add3A_282 : i32
      %mul3A_284 = arith.constant 128 : i32
      %mul3A_285 = arith.muli %add3A_283, %mul3A_284 : i32
      %add3A_286 = arith.constant 6 : i32
      %add3A_287 = arith.addi %sub3A_279, %add3A_286 : i32
      %add3A_288 = arith.constant 0 : i32
      %add3A_289 = arith.addi %add3A_287, %add3A_288 : i32
      "tpu.region"() ({
        %run_scoped3A_394 = tpu.sem_alloc : memref<!tpu.dma_semaphore, #tpu.memory_space<semaphore_mem>>
        %dma_start3A_395 = arith.constant 0 : i32
        %dma_start3A_396 = tpu.memref_slice %arg10[%mul3A_285, %dma_start3A_395] : memref<1536x16xf32, #tpu.memory_space<vmem>> -> memref<128x16xf32, #tpu.memory_space<vmem>>
        %dma_start3A_397 = arith.constant 0 : i32
        %dma_start3A_398 = tpu.memref_slice %arg9[%add3A_289, %dma_start3A_397] : memref<24x128xi32, #tpu.memory_space<vmem>> -> memref<1x128xi32, #tpu.memory_space<vmem>>
        %dma_start3A_399 = tpu.memref_squeeze %dma_start3A_398 : memref<1x128xi32, #tpu.memory_space<vmem>> -> memref<128xi32, #tpu.memory_space<vmem>>
        %dma_start3A_400 = arith.constant 0 : i32
        %dma_start3A_401 = arith.constant 0 : i32
        %dma_start3A_402 = tpu.memref_slice %arg11[%dma_start3A_400, %dma_start3A_401] : memref<102400x16xf32, #tpu.memory_space<vmem_shared>> -> memref<102400x16xf32, #tpu.memory_space<vmem_shared>>
        tpu.enqueue_indirect_dma source(%dma_start3A_396 : memref<128x16xf32, #tpu.memory_space<vmem>>) target(%dma_start3A_402 : memref<102400x16xf32, #tpu.memory_space<vmem_shared>>) offsets(%dma_start3A_399 : memref<128xi32, #tpu.memory_space<vmem>>) semaphore(%run_scoped3A_394 : memref<!tpu.dma_semaphore, #tpu.memory_space<semaphore_mem>>) {add = true}
        %dma_wait3A_403 = arith.constant 0 : i32
        %dma_wait3A_404 = tpu.memref_slice %arg10[%mul3A_285, %dma_wait3A_403] : memref<1536x16xf32, #tpu.memory_space<vmem>> -> memref<128x16xf32, #tpu.memory_space<vmem>>
        %dma_wait3A_405 = arith.constant 0 : i32
        %dma_wait3A_406 = tpu.memref_slice %arg9[%add3A_289, %dma_wait3A_405] : memref<24x128xi32, #tpu.memory_space<vmem>> -> memref<1x128xi32, #tpu.memory_space<vmem>>
        %dma_wait3A_407 = tpu.memref_squeeze %dma_wait3A_406 : memref<1x128xi32, #tpu.memory_space<vmem>> -> memref<128xi32, #tpu.memory_space<vmem>>
        %dma_wait3A_408 = arith.constant 0 : i32
        %dma_wait3A_409 = arith.constant 0 : i32
        %dma_wait3A_410 = tpu.memref_slice %arg11[%dma_wait3A_408, %dma_wait3A_409] : memref<102400x16xf32, #tpu.memory_space<vmem_shared>> -> memref<102400x16xf32, #tpu.memory_space<vmem_shared>>
        tpu.wait_indirect_dma semaphore(%run_scoped3A_394 : memref<!tpu.dma_semaphore, #tpu.memory_space<semaphore_mem>>) src(%dma_wait3A_404 : memref<128x16xf32, #tpu.memory_space<vmem>>) dst(%dma_wait3A_410 : memref<102400x16xf32, #tpu.memory_space<vmem_shared>>)
        tpu.yield
      }) : () -> ()
      %add3A_290 = arith.constant 1 : i32
      %add3A_291 = arith.addi %sub3A_281, %add3A_290 : i32
      %mul3A_292 = arith.constant 128 : i32
      %mul3A_293 = arith.muli %add3A_291, %mul3A_292 : i32
      %add3A_294 = arith.constant 6 : i32
      %add3A_295 = arith.addi %sub3A_279, %add3A_294 : i32
      %add3A_296 = arith.constant 1 : i32
      %add3A_297 = arith.addi %add3A_295, %add3A_296 : i32
      "tpu.region"() ({
        %run_scoped3A_394 = tpu.sem_alloc : memref<!tpu.dma_semaphore, #tpu.memory_space<semaphore_mem>>
        %dma_start3A_395 = arith.constant 0 : i32
        %dma_start3A_396 = tpu.memref_slice %arg10[%mul3A_293, %dma_start3A_395] : memref<1536x16xf32, #tpu.memory_space<vmem>> -> memref<128x16xf32, #tpu.memory_space<vmem>>
        %dma_start3A_397 = arith.constant 0 : i32
        %dma_start3A_398 = tpu.memref_slice %arg9[%add3A_297, %dma_start3A_397] : memref<24x128xi32, #tpu.memory_space<vmem>> -> memref<1x128xi32, #tpu.memory_space<vmem>>
        %dma_start3A_399 = tpu.memref_squeeze %dma_start3A_398 : memref<1x128xi32, #tpu.memory_space<vmem>> -> memref<128xi32, #tpu.memory_space<vmem>>
        %dma_start3A_400 = arith.constant 0 : i32
        %dma_start3A_401 = arith.constant 0 : i32
        %dma_start3A_402 = tpu.memref_slice %arg11[%dma_start3A_400, %dma_start3A_401] : memref<102400x16xf32, #tpu.memory_space<vmem_shared>> -> memref<102400x16xf32, #tpu.memory_space<vmem_shared>>
        tpu.enqueue_indirect_dma source(%dma_start3A_396 : memref<128x16xf32, #tpu.memory_space<vmem>>) target(%dma_start3A_402 : memref<102400x16xf32, #tpu.memory_space<vmem_shared>>) offsets(%dma_start3A_399 : memref<128xi32, #tpu.memory_space<vmem>>) semaphore(%run_scoped3A_394 : memref<!tpu.dma_semaphore, #tpu.memory_space<semaphore_mem>>) {add = true}
        %dma_wait3A_403 = arith.constant 0 : i32
        %dma_wait3A_404 = tpu.memref_slice %arg10[%mul3A_293, %dma_wait3A_403] : memref<1536x16xf32, #tpu.memory_space<vmem>> -> memref<128x16xf32, #tpu.memory_space<vmem>>
        %dma_wait3A_405 = arith.constant 0 : i32
        %dma_wait3A_406 = tpu.memref_slice %arg9[%add3A_297, %dma_wait3A_405] : memref<24x128xi32, #tpu.memory_space<vmem>> -> memref<1x128xi32, #tpu.memory_space<vmem>>
        %dma_wait3A_407 = tpu.memref_squeeze %dma_wait3A_406 : memref<1x128xi32, #tpu.memory_space<vmem>> -> memref<128xi32, #tpu.memory_space<vmem>>
        %dma_wait3A_408 = arith.constant 0 : i32
        %dma_wait3A_409 = arith.constant 0 : i32
        %dma_wait3A_410 = tpu.memref_slice %arg11[%dma_wait3A_408, %dma_wait3A_409] : memref<102400x16xf32, #tpu.memory_space<vmem_shared>> -> memref<102400x16xf32, #tpu.memory_space<vmem_shared>>
        tpu.wait_indirect_dma semaphore(%run_scoped3A_394 : memref<!tpu.dma_semaphore, #tpu.memory_space<semaphore_mem>>) src(%dma_wait3A_404 : memref<128x16xf32, #tpu.memory_space<vmem>>) dst(%dma_wait3A_410 : memref<102400x16xf32, #tpu.memory_space<vmem_shared>>)
        tpu.yield
      }) : () -> ()
      %add3A_298 = arith.constant 2 : i32
      %add3A_299 = arith.addi %sub3A_281, %add3A_298 : i32
      %mul3A_300 = arith.constant 128 : i32
      %mul3A_301 = arith.muli %add3A_299, %mul3A_300 : i32
      %add3A_302 = arith.constant 6 : i32
      %add3A_303 = arith.addi %sub3A_279, %add3A_302 : i32
      %add3A_304 = arith.constant 2 : i32
      %add3A_305 = arith.addi %add3A_303, %add3A_304 : i32
      "tpu.region"() ({
        %run_scoped3A_394 = tpu.sem_alloc : memref<!tpu.dma_semaphore, #tpu.memory_space<semaphore_mem>>
        %dma_start3A_395 = arith.constant 0 : i32
        %dma_start3A_396 = tpu.memref_slice %arg10[%mul3A_301, %dma_start3A_395] : memref<1536x16xf32, #tpu.memory_space<vmem>> -> memref<128x16xf32, #tpu.memory_space<vmem>>
        %dma_start3A_397 = arith.constant 0 : i32
        %dma_start3A_398 = tpu.memref_slice %arg9[%add3A_305, %dma_start3A_397] : memref<24x128xi32, #tpu.memory_space<vmem>> -> memref<1x128xi32, #tpu.memory_space<vmem>>
        %dma_start3A_399 = tpu.memref_squeeze %dma_start3A_398 : memref<1x128xi32, #tpu.memory_space<vmem>> -> memref<128xi32, #tpu.memory_space<vmem>>
        %dma_start3A_400 = arith.constant 0 : i32
        %dma_start3A_401 = arith.constant 0 : i32
        %dma_start3A_402 = tpu.memref_slice %arg11[%dma_start3A_400, %dma_start3A_401] : memref<102400x16xf32, #tpu.memory_space<vmem_shared>> -> memref<102400x16xf32, #tpu.memory_space<vmem_shared>>
        tpu.enqueue_indirect_dma source(%dma_start3A_396 : memref<128x16xf32, #tpu.memory_space<vmem>>) target(%dma_start3A_402 : memref<102400x16xf32, #tpu.memory_space<vmem_shared>>) offsets(%dma_start3A_399 : memref<128xi32, #tpu.memory_space<vmem>>) semaphore(%run_scoped3A_394 : memref<!tpu.dma_semaphore, #tpu.memory_space<semaphore_mem>>) {add = true}
        %dma_wait3A_403 = arith.constant 0 : i32
        %dma_wait3A_404 = tpu.memref_slice %arg10[%mul3A_301, %dma_wait3A_403] : memref<1536x16xf32, #tpu.memory_space<vmem>> -> memref<128x16xf32, #tpu.memory_space<vmem>>
        %dma_wait3A_405 = arith.constant 0 : i32
        %dma_wait3A_406 = tpu.memref_slice %arg9[%add3A_305, %dma_wait3A_405] : memref<24x128xi32, #tpu.memory_space<vmem>> -> memref<1x128xi32, #tpu.memory_space<vmem>>
        %dma_wait3A_407 = tpu.memref_squeeze %dma_wait3A_406 : memref<1x128xi32, #tpu.memory_space<vmem>> -> memref<128xi32, #tpu.memory_space<vmem>>
        %dma_wait3A_408 = arith.constant 0 : i32
        %dma_wait3A_409 = arith.constant 0 : i32
        %dma_wait3A_410 = tpu.memref_slice %arg11[%dma_wait3A_408, %dma_wait3A_409] : memref<102400x16xf32, #tpu.memory_space<vmem_shared>> -> memref<102400x16xf32, #tpu.memory_space<vmem_shared>>
        tpu.wait_indirect_dma semaphore(%run_scoped3A_394 : memref<!tpu.dma_semaphore, #tpu.memory_space<semaphore_mem>>) src(%dma_wait3A_404 : memref<128x16xf32, #tpu.memory_space<vmem>>) dst(%dma_wait3A_410 : memref<102400x16xf32, #tpu.memory_space<vmem_shared>>)
        tpu.yield
      }) : () -> ()
      %add3A_306 = arith.constant 3 : i32
      %add3A_307 = arith.addi %sub3A_281, %add3A_306 : i32
      %mul3A_308 = arith.constant 128 : i32
      %mul3A_309 = arith.muli %add3A_307, %mul3A_308 : i32
      %add3A_310 = arith.constant 6 : i32
      %add3A_311 = arith.addi %sub3A_279, %add3A_310 : i32
      %add3A_312 = arith.constant 3 : i32
      %add3A_313 = arith.addi %add3A_311, %add3A_312 : i32
      "tpu.region"() ({
        %run_scoped3A_394 = tpu.sem_alloc : memref<!tpu.dma_semaphore, #tpu.memory_space<semaphore_mem>>
        %dma_start3A_395 = arith.constant 0 : i32
        %dma_start3A_396 = tpu.memref_slice %arg10[%mul3A_309, %dma_start3A_395] : memref<1536x16xf32, #tpu.memory_space<vmem>> -> memref<128x16xf32, #tpu.memory_space<vmem>>
        %dma_start3A_397 = arith.constant 0 : i32
        %dma_start3A_398 = tpu.memref_slice %arg9[%add3A_313, %dma_start3A_397] : memref<24x128xi32, #tpu.memory_space<vmem>> -> memref<1x128xi32, #tpu.memory_space<vmem>>
        %dma_start3A_399 = tpu.memref_squeeze %dma_start3A_398 : memref<1x128xi32, #tpu.memory_space<vmem>> -> memref<128xi32, #tpu.memory_space<vmem>>
        %dma_start3A_400 = arith.constant 0 : i32
        %dma_start3A_401 = arith.constant 0 : i32
        %dma_start3A_402 = tpu.memref_slice %arg11[%dma_start3A_400, %dma_start3A_401] : memref<102400x16xf32, #tpu.memory_space<vmem_shared>> -> memref<102400x16xf32, #tpu.memory_space<vmem_shared>>
        tpu.enqueue_indirect_dma source(%dma_start3A_396 : memref<128x16xf32, #tpu.memory_space<vmem>>) target(%dma_start3A_402 : memref<102400x16xf32, #tpu.memory_space<vmem_shared>>) offsets(%dma_start3A_399 : memref<128xi32, #tpu.memory_space<vmem>>) semaphore(%run_scoped3A_394 : memref<!tpu.dma_semaphore, #tpu.memory_space<semaphore_mem>>) {add = true}
        %dma_wait3A_403 = arith.constant 0 : i32
        %dma_wait3A_404 = tpu.memref_slice %arg10[%mul3A_309, %dma_wait3A_403] : memref<1536x16xf32, #tpu.memory_space<vmem>> -> memref<128x16xf32, #tpu.memory_space<vmem>>
        %dma_wait3A_405 = arith.constant 0 : i32
        %dma_wait3A_406 = tpu.memref_slice %arg9[%add3A_313, %dma_wait3A_405] : memref<24x128xi32, #tpu.memory_space<vmem>> -> memref<1x128xi32, #tpu.memory_space<vmem>>
        %dma_wait3A_407 = tpu.memref_squeeze %dma_wait3A_406 : memref<1x128xi32, #tpu.memory_space<vmem>> -> memref<128xi32, #tpu.memory_space<vmem>>
        %dma_wait3A_408 = arith.constant 0 : i32
        %dma_wait3A_409 = arith.constant 0 : i32
        %dma_wait3A_410 = tpu.memref_slice %arg11[%dma_wait3A_408, %dma_wait3A_409] : memref<102400x16xf32, #tpu.memory_space<vmem_shared>> -> memref<102400x16xf32, #tpu.memory_space<vmem_shared>>
        tpu.wait_indirect_dma semaphore(%run_scoped3A_394 : memref<!tpu.dma_semaphore, #tpu.memory_space<semaphore_mem>>) src(%dma_wait3A_404 : memref<128x16xf32, #tpu.memory_space<vmem>>) dst(%dma_wait3A_410 : memref<102400x16xf32, #tpu.memory_space<vmem_shared>>)
        tpu.yield
      }) : () -> ()
      %add3A_314 = arith.constant 4 : i32
      %add3A_315 = arith.addi %sub3A_281, %add3A_314 : i32
      %mul3A_316 = arith.constant 128 : i32
      %mul3A_317 = arith.muli %add3A_315, %mul3A_316 : i32
      %add3A_318 = arith.constant 6 : i32
      %add3A_319 = arith.addi %sub3A_279, %add3A_318 : i32
      %add3A_320 = arith.constant 4 : i32
      %add3A_321 = arith.addi %add3A_319, %add3A_320 : i32
      "tpu.region"() ({
        %run_scoped3A_394 = tpu.sem_alloc : memref<!tpu.dma_semaphore, #tpu.memory_space<semaphore_mem>>
        %dma_start3A_395 = arith.constant 0 : i32
        %dma_start3A_396 = tpu.memref_slice %arg10[%mul3A_317, %dma_start3A_395] : memref<1536x16xf32, #tpu.memory_space<vmem>> -> memref<128x16xf32, #tpu.memory_space<vmem>>
        %dma_start3A_397 = arith.constant 0 : i32
        %dma_start3A_398 = tpu.memref_slice %arg9[%add3A_321, %dma_start3A_397] : memref<24x128xi32, #tpu.memory_space<vmem>> -> memref<1x128xi32, #tpu.memory_space<vmem>>
        %dma_start3A_399 = tpu.memref_squeeze %dma_start3A_398 : memref<1x128xi32, #tpu.memory_space<vmem>> -> memref<128xi32, #tpu.memory_space<vmem>>
        %dma_start3A_400 = arith.constant 0 : i32
        %dma_start3A_401 = arith.constant 0 : i32
        %dma_start3A_402 = tpu.memref_slice %arg11[%dma_start3A_400, %dma_start3A_401] : memref<102400x16xf32, #tpu.memory_space<vmem_shared>> -> memref<102400x16xf32, #tpu.memory_space<vmem_shared>>
        tpu.enqueue_indirect_dma source(%dma_start3A_396 : memref<128x16xf32, #tpu.memory_space<vmem>>) target(%dma_start3A_402 : memref<102400x16xf32, #tpu.memory_space<vmem_shared>>) offsets(%dma_start3A_399 : memref<128xi32, #tpu.memory_space<vmem>>) semaphore(%run_scoped3A_394 : memref<!tpu.dma_semaphore, #tpu.memory_space<semaphore_mem>>) {add = true}
        %dma_wait3A_403 = arith.constant 0 : i32
        %dma_wait3A_404 = tpu.memref_slice %arg10[%mul3A_317, %dma_wait3A_403] : memref<1536x16xf32, #tpu.memory_space<vmem>> -> memref<128x16xf32, #tpu.memory_space<vmem>>
        %dma_wait3A_405 = arith.constant 0 : i32
        %dma_wait3A_406 = tpu.memref_slice %arg9[%add3A_321, %dma_wait3A_405] : memref<24x128xi32, #tpu.memory_space<vmem>> -> memref<1x128xi32, #tpu.memory_space<vmem>>
        %dma_wait3A_407 = tpu.memref_squeeze %dma_wait3A_406 : memref<1x128xi32, #tpu.memory_space<vmem>> -> memref<128xi32, #tpu.memory_space<vmem>>
        %dma_wait3A_408 = arith.constant 0 : i32
        %dma_wait3A_409 = arith.constant 0 : i32
        %dma_wait3A_410 = tpu.memref_slice %arg11[%dma_wait3A_408, %dma_wait3A_409] : memref<102400x16xf32, #tpu.memory_space<vmem_shared>> -> memref<102400x16xf32, #tpu.memory_space<vmem_shared>>
        tpu.wait_indirect_dma semaphore(%run_scoped3A_394 : memref<!tpu.dma_semaphore, #tpu.memory_space<semaphore_mem>>) src(%dma_wait3A_404 : memref<128x16xf32, #tpu.memory_space<vmem>>) dst(%dma_wait3A_410 : memref<102400x16xf32, #tpu.memory_space<vmem_shared>>)
        tpu.yield
      }) : () -> ()
      %add3A_322 = arith.constant 5 : i32
      %add3A_323 = arith.addi %sub3A_281, %add3A_322 : i32
      %mul3A_324 = arith.constant 128 : i32
      %mul3A_325 = arith.muli %add3A_323, %mul3A_324 : i32
      %add3A_326 = arith.constant 6 : i32
      %add3A_327 = arith.addi %sub3A_279, %add3A_326 : i32
      %add3A_328 = arith.constant 5 : i32
      %add3A_329 = arith.addi %add3A_327, %add3A_328 : i32
      "tpu.region"() ({
        %run_scoped3A_394 = tpu.sem_alloc : memref<!tpu.dma_semaphore, #tpu.memory_space<semaphore_mem>>
        %dma_start3A_395 = arith.constant 0 : i32
        %dma_start3A_396 = tpu.memref_slice %arg10[%mul3A_325, %dma_start3A_395] : memref<1536x16xf32, #tpu.memory_space<vmem>> -> memref<128x16xf32, #tpu.memory_space<vmem>>
        %dma_start3A_397 = arith.constant 0 : i32
        %dma_start3A_398 = tpu.memref_slice %arg9[%add3A_329, %dma_start3A_397] : memref<24x128xi32, #tpu.memory_space<vmem>> -> memref<1x128xi32, #tpu.memory_space<vmem>>
        %dma_start3A_399 = tpu.memref_squeeze %dma_start3A_398 : memref<1x128xi32, #tpu.memory_space<vmem>> -> memref<128xi32, #tpu.memory_space<vmem>>
        %dma_start3A_400 = arith.constant 0 : i32
        %dma_start3A_401 = arith.constant 0 : i32
        %dma_start3A_402 = tpu.memref_slice %arg11[%dma_start3A_400, %dma_start3A_401] : memref<102400x16xf32, #tpu.memory_space<vmem_shared>> -> memref<102400x16xf32, #tpu.memory_space<vmem_shared>>
        tpu.enqueue_indirect_dma source(%dma_start3A_396 : memref<128x16xf32, #tpu.memory_space<vmem>>) target(%dma_start3A_402 : memref<102400x16xf32, #tpu.memory_space<vmem_shared>>) offsets(%dma_start3A_399 : memref<128xi32, #tpu.memory_space<vmem>>) semaphore(%run_scoped3A_394 : memref<!tpu.dma_semaphore, #tpu.memory_space<semaphore_mem>>) {add = true}
        %dma_wait3A_403 = arith.constant 0 : i32
        %dma_wait3A_404 = tpu.memref_slice %arg10[%mul3A_325, %dma_wait3A_403] : memref<1536x16xf32, #tpu.memory_space<vmem>> -> memref<128x16xf32, #tpu.memory_space<vmem>>
        %dma_wait3A_405 = arith.constant 0 : i32
        %dma_wait3A_406 = tpu.memref_slice %arg9[%add3A_329, %dma_wait3A_405] : memref<24x128xi32, #tpu.memory_space<vmem>> -> memref<1x128xi32, #tpu.memory_space<vmem>>
        %dma_wait3A_407 = tpu.memref_squeeze %dma_wait3A_406 : memref<1x128xi32, #tpu.memory_space<vmem>> -> memref<128xi32, #tpu.memory_space<vmem>>
        %dma_wait3A_408 = arith.constant 0 : i32
        %dma_wait3A_409 = arith.constant 0 : i32
        %dma_wait3A_410 = tpu.memref_slice %arg11[%dma_wait3A_408, %dma_wait3A_409] : memref<102400x16xf32, #tpu.memory_space<vmem_shared>> -> memref<102400x16xf32, #tpu.memory_space<vmem_shared>>
        tpu.wait_indirect_dma semaphore(%run_scoped3A_394 : memref<!tpu.dma_semaphore, #tpu.memory_space<semaphore_mem>>) src(%dma_wait3A_404 : memref<128x16xf32, #tpu.memory_space<vmem>>) dst(%dma_wait3A_410 : memref<102400x16xf32, #tpu.memory_space<vmem_shared>>)
        tpu.yield
      }) : () -> ()
      %add3A_330 = arith.constant 1 : i32
      %add3A_331 = arith.addi %scan3A_176, %add3A_330 : i32
      %mul3A_332 = arith.constant 2 : i32
      %mul3A_333 = arith.muli %add3A_331, %mul3A_332 : i32
      %mul3A_334 = arith.constant 6 : i32
      %mul3A_335 = arith.muli %mul3A_333, %mul3A_334 : i32
      %add3A_336 = arith.addi %mul3A_47, %mul3A_335 : i32
      %dma_start3A_337 = arith.constant 0 : i32
      %dma_start3A_338 = tpu.memref_slice %arg9[%sub3A_279, %dma_start3A_337] : memref<24x128xi32, #tpu.memory_space<vmem>> -> memref<12x128xi32, #tpu.memory_space<vmem>>
      %dma_start3A_339 = arith.constant 0 : i32
      %dma_start3A_340 = tpu.memref_slice %arg6[%add3A_336, %dma_start3A_339] : memref<26112x128xi32, #tpu.memory_space<hbm>> -> memref<12x128xi32, #tpu.memory_space<hbm>>
      %dma_start3A_341 = arith.constant 0 : i32
      %dma_start3A_342 = tpu.memref_slice %arg9[%sub3A_279, %dma_start3A_341] : memref<24x128xi32, #tpu.memory_space<vmem>> -> memref<12x128xi32, #tpu.memory_space<vmem>>
      %dma_start3A_343 = arith.constant 0 : i32
      %dma_start3A_344 = tpu.memref_slice %arg6[%add3A_336, %dma_start3A_343] : memref<26112x128xi32, #tpu.memory_space<hbm>> -> memref<12x128xi32, #tpu.memory_space<hbm>>
      tpu.enqueue_dma source(%dma_start3A_344 : memref<12x128xi32, #tpu.memory_space<hbm>>) target(%dma_start3A_342 : memref<12x128xi32, #tpu.memory_space<vmem>>) target_semaphore(%arg13 : memref<!tpu.dma_semaphore, #tpu.memory_space<semaphore_mem>>)
      %dma_wait3A_345 = arith.constant 0 : i32
      %dma_wait3A_346 = tpu.memref_slice %arg10[%mul3A_200, %dma_wait3A_345] : memref<1536x16xf32, #tpu.memory_space<vmem>> -> memref<128x16xf32, #tpu.memory_space<vmem>>
      %dma_wait3A_347 = arith.constant 0 : i32
      %dma_wait3A_348 = tpu.memref_slice %arg9[%add3A_196, %dma_wait3A_347] : memref<24x128xi32, #tpu.memory_space<vmem>> -> memref<1x128xi32, #tpu.memory_space<vmem>>
      %dma_wait3A_349 = tpu.memref_squeeze %dma_wait3A_348 : memref<1x128xi32, #tpu.memory_space<vmem>> -> memref<128xi32, #tpu.memory_space<vmem>>
      %dma_wait3A_350 = arith.constant 0 : i32
      %dma_wait3A_351 = arith.constant 0 : i32
      %dma_wait3A_352 = tpu.memref_slice %arg3[%dma_wait3A_350, %dma_wait3A_351] : memref<102400x16xf32, #tpu.memory_space<hbm>> -> memref<102400x16xf32, #tpu.memory_space<hbm>>
      tpu.wait_indirect_dma semaphore(%arg12 : memref<!tpu.dma_semaphore, #tpu.memory_space<semaphore_mem>>) src(%dma_wait3A_352 : memref<102400x16xf32, #tpu.memory_space<hbm>>) dst(%dma_wait3A_346 : memref<128x16xf32, #tpu.memory_space<vmem>>)
      %dma_wait3A_353 = arith.constant 0 : i32
      %dma_wait3A_354 = tpu.memref_slice %arg10[%mul3A_214, %dma_wait3A_353] : memref<1536x16xf32, #tpu.memory_space<vmem>> -> memref<128x16xf32, #tpu.memory_space<vmem>>
      %dma_wait3A_355 = arith.constant 0 : i32
      %dma_wait3A_356 = tpu.memref_slice %arg9[%add3A_210, %dma_wait3A_355] : memref<24x128xi32, #tpu.memory_space<vmem>> -> memref<1x128xi32, #tpu.memory_space<vmem>>
      %dma_wait3A_357 = tpu.memref_squeeze %dma_wait3A_356 : memref<1x128xi32, #tpu.memory_space<vmem>> -> memref<128xi32, #tpu.memory_space<vmem>>
      %dma_wait3A_358 = arith.constant 0 : i32
      %dma_wait3A_359 = arith.constant 0 : i32
      %dma_wait3A_360 = tpu.memref_slice %arg3[%dma_wait3A_358, %dma_wait3A_359] : memref<102400x16xf32, #tpu.memory_space<hbm>> -> memref<102400x16xf32, #tpu.memory_space<hbm>>
      tpu.wait_indirect_dma semaphore(%arg12 : memref<!tpu.dma_semaphore, #tpu.memory_space<semaphore_mem>>) src(%dma_wait3A_360 : memref<102400x16xf32, #tpu.memory_space<hbm>>) dst(%dma_wait3A_354 : memref<128x16xf32, #tpu.memory_space<vmem>>)
      %dma_wait3A_361 = arith.constant 0 : i32
      %dma_wait3A_362 = tpu.memref_slice %arg10[%mul3A_228, %dma_wait3A_361] : memref<1536x16xf32, #tpu.memory_space<vmem>> -> memref<128x16xf32, #tpu.memory_space<vmem>>
      %dma_wait3A_363 = arith.constant 0 : i32
      %dma_wait3A_364 = tpu.memref_slice %arg9[%add3A_224, %dma_wait3A_363] : memref<24x128xi32, #tpu.memory_space<vmem>> -> memref<1x128xi32, #tpu.memory_space<vmem>>
      %dma_wait3A_365 = tpu.memref_squeeze %dma_wait3A_364 : memref<1x128xi32, #tpu.memory_space<vmem>> -> memref<128xi32, #tpu.memory_space<vmem>>
      %dma_wait3A_366 = arith.constant 0 : i32
      %dma_wait3A_367 = arith.constant 0 : i32
      %dma_wait3A_368 = tpu.memref_slice %arg3[%dma_wait3A_366, %dma_wait3A_367] : memref<102400x16xf32, #tpu.memory_space<hbm>> -> memref<102400x16xf32, #tpu.memory_space<hbm>>
      tpu.wait_indirect_dma semaphore(%arg12 : memref<!tpu.dma_semaphore, #tpu.memory_space<semaphore_mem>>) src(%dma_wait3A_368 : memref<102400x16xf32, #tpu.memory_space<hbm>>) dst(%dma_wait3A_362 : memref<128x16xf32, #tpu.memory_space<vmem>>)
      %dma_wait3A_369 = arith.constant 0 : i32
      %dma_wait3A_370 = tpu.memref_slice %arg10[%mul3A_242, %dma_wait3A_369] : memref<1536x16xf32, #tpu.memory_space<vmem>> -> memref<128x16xf32, #tpu.memory_space<vmem>>
      %dma_wait3A_371 = arith.constant 0 : i32
      %dma_wait3A_372 = tpu.memref_slice %arg9[%add3A_238, %dma_wait3A_371] : memref<24x128xi32, #tpu.memory_space<vmem>> -> memref<1x128xi32, #tpu.memory_space<vmem>>
      %dma_wait3A_373 = tpu.memref_squeeze %dma_wait3A_372 : memref<1x128xi32, #tpu.memory_space<vmem>> -> memref<128xi32, #tpu.memory_space<vmem>>
      %dma_wait3A_374 = arith.constant 0 : i32
      %dma_wait3A_375 = arith.constant 0 : i32
      %dma_wait3A_376 = tpu.memref_slice %arg3[%dma_wait3A_374, %dma_wait3A_375] : memref<102400x16xf32, #tpu.memory_space<hbm>> -> memref<102400x16xf32, #tpu.memory_space<hbm>>
      tpu.wait_indirect_dma semaphore(%arg12 : memref<!tpu.dma_semaphore, #tpu.memory_space<semaphore_mem>>) src(%dma_wait3A_376 : memref<102400x16xf32, #tpu.memory_space<hbm>>) dst(%dma_wait3A_370 : memref<128x16xf32, #tpu.memory_space<vmem>>)
      %dma_wait3A_377 = arith.constant 0 : i32
      %dma_wait3A_378 = tpu.memref_slice %arg10[%mul3A_256, %dma_wait3A_377] : memref<1536x16xf32, #tpu.memory_space<vmem>> -> memref<128x16xf32, #tpu.memory_space<vmem>>
      %dma_wait3A_379 = arith.constant 0 : i32
      %dma_wait3A_380 = tpu.memref_slice %arg9[%add3A_252, %dma_wait3A_379] : memref<24x128xi32, #tpu.memory_space<vmem>> -> memref<1x128xi32, #tpu.memory_space<vmem>>
      %dma_wait3A_381 = tpu.memref_squeeze %dma_wait3A_380 : memref<1x128xi32, #tpu.memory_space<vmem>> -> memref<128xi32, #tpu.memory_space<vmem>>
      %dma_wait3A_382 = arith.constant 0 : i32
      %dma_wait3A_383 = arith.constant 0 : i32
      %dma_wait3A_384 = tpu.memref_slice %arg3[%dma_wait3A_382, %dma_wait3A_383] : memref<102400x16xf32, #tpu.memory_space<hbm>> -> memref<102400x16xf32, #tpu.memory_space<hbm>>
      tpu.wait_indirect_dma semaphore(%arg12 : memref<!tpu.dma_semaphore, #tpu.memory_space<semaphore_mem>>) src(%dma_wait3A_384 : memref<102400x16xf32, #tpu.memory_space<hbm>>) dst(%dma_wait3A_378 : memref<128x16xf32, #tpu.memory_space<vmem>>)
      %dma_wait3A_385 = arith.constant 0 : i32
      %dma_wait3A_386 = tpu.memref_slice %arg10[%mul3A_270, %dma_wait3A_385] : memref<1536x16xf32, #tpu.memory_space<vmem>> -> memref<128x16xf32, #tpu.memory_space<vmem>>
      %dma_wait3A_387 = arith.constant 0 : i32
      %dma_wait3A_388 = tpu.memref_slice %arg9[%add3A_266, %dma_wait3A_387] : memref<24x128xi32, #tpu.memory_space<vmem>> -> memref<1x128xi32, #tpu.memory_space<vmem>>
      %dma_wait3A_389 = tpu.memref_squeeze %dma_wait3A_388 : memref<1x128xi32, #tpu.memory_space<vmem>> -> memref<128xi32, #tpu.memory_space<vmem>>
      %dma_wait3A_390 = arith.constant 0 : i32
      %dma_wait3A_391 = arith.constant 0 : i32
      %dma_wait3A_392 = tpu.memref_slice %arg3[%dma_wait3A_390, %dma_wait3A_391] : memref<102400x16xf32, #tpu.memory_space<hbm>> -> memref<102400x16xf32, #tpu.memory_space<hbm>>
      tpu.wait_indirect_dma semaphore(%arg12 : memref<!tpu.dma_semaphore, #tpu.memory_space<semaphore_mem>>) src(%dma_wait3A_392 : memref<102400x16xf32, #tpu.memory_space<hbm>>) dst(%dma_wait3A_386 : memref<128x16xf32, #tpu.memory_space<vmem>>)
      %scan3A_393 = arith.constant 0 : i32
      scf.yield %scan3A_393 : i32
    }
    %scan3A_66 = arith.constant 67 : i32
    %dma_wait3A_67 = arith.constant 0 : i32
    %dma_wait3A_68 = arith.constant 0 : i32
    %dma_wait3A_69 = tpu.memref_slice %arg9[%dma_wait3A_67, %dma_wait3A_68] : memref<24x128xi32, #tpu.memory_space<vmem>> -> memref<12x128xi32, #tpu.memory_space<vmem>>
    %dma_wait3A_70 = arith.constant 0 : i32
    %dma_wait3A_71 = arith.constant 0 : i32
    %dma_wait3A_72 = tpu.memref_slice %arg6[%dma_wait3A_70, %dma_wait3A_71] : memref<26112x128xi32, #tpu.memory_space<hbm>> -> memref<12x128xi32, #tpu.memory_space<hbm>>
    %dma_wait3A_73 = arith.constant 0 : i32
    %dma_wait3A_74 = arith.constant 0 : i32
    %dma_wait3A_75 = tpu.memref_slice %arg9[%dma_wait3A_73, %dma_wait3A_74] : memref<24x128xi32, #tpu.memory_space<vmem>> -> memref<12x128xi32, #tpu.memory_space<vmem>>
    %dma_wait3A_76 = arith.constant 0 : i32
    %dma_wait3A_77 = arith.constant 0 : i32
    %dma_wait3A_78 = tpu.memref_slice %arg6[%dma_wait3A_76, %dma_wait3A_77] : memref<26112x128xi32, #tpu.memory_space<hbm>> -> memref<12x128xi32, #tpu.memory_space<hbm>>
    tpu.wait_dma2 semaphore(%arg13 : memref<!tpu.dma_semaphore, #tpu.memory_space<semaphore_mem>>) src(%dma_wait3A_78 : memref<12x128xi32, #tpu.memory_space<hbm>>) dst(%dma_wait3A_75 : memref<12x128xi32, #tpu.memory_space<vmem>>)
    %barrier3A_79 = arith.constant 0 : index
    tpu.barrier barrier_id(%barrier3A_79)
    %mul3A_80 = arith.constant 6400 : i32
    %mul3A_81 = arith.muli %arg1, %mul3A_80 : i32
    %mul3A_82 = arith.constant 6400 : i32
    %mul3A_83 = arith.muli %arg1, %mul3A_82 : i32
    %run_scoped3A_84 = arith.constant 1 : i32
    "tpu.region"() ({
      %run_scoped3A_176 = tpu.sem_alloc : memref<!tpu.dma_semaphore, #tpu.memory_space<semaphore_mem>>
      %dma_start3A_177 = arith.constant 0 : i32
      %dma_start3A_178 = tpu.memref_slice %arg8[%run_scoped3A_84, %arg0, %mul3A_83, %dma_start3A_177] : memref<4x2x102400x16xf32, #tpu.memory_space<hbm>> -> memref<1x1x6400x16xf32, #tpu.memory_space<hbm>>
      %dma_start3A_179 = tpu.memref_squeeze %dma_start3A_178 : memref<1x1x6400x16xf32, #tpu.memory_space<hbm>> -> memref<6400x16xf32, #tpu.memory_space<hbm>>
      %dma_start3A_180 = arith.constant 0 : i32
      %dma_start3A_181 = tpu.memref_slice %arg11[%mul3A_81, %dma_start3A_180] : memref<102400x16xf32, #tpu.memory_space<vmem_shared>> -> memref<6400x16xf32, #tpu.memory_space<vmem_shared>>
      tpu.enqueue_dma source(%dma_start3A_181 : memref<6400x16xf32, #tpu.memory_space<vmem_shared>>) target(%dma_start3A_179 : memref<6400x16xf32, #tpu.memory_space<hbm>>) target_semaphore(%run_scoped3A_176 : memref<!tpu.dma_semaphore, #tpu.memory_space<semaphore_mem>>)
      %dma_wait3A_182 = arith.constant 0 : i32
      %dma_wait3A_183 = tpu.memref_slice %arg8[%run_scoped3A_84, %arg0, %mul3A_83, %dma_wait3A_182] : memref<4x2x102400x16xf32, #tpu.memory_space<hbm>> -> memref<1x1x6400x16xf32, #tpu.memory_space<hbm>>
      %dma_wait3A_184 = tpu.memref_squeeze %dma_wait3A_183 : memref<1x1x6400x16xf32, #tpu.memory_space<hbm>> -> memref<6400x16xf32, #tpu.memory_space<hbm>>
      %dma_wait3A_185 = arith.constant 0 : i32
      %dma_wait3A_186 = tpu.memref_slice %arg11[%mul3A_81, %dma_wait3A_185] : memref<102400x16xf32, #tpu.memory_space<vmem_shared>> -> memref<6400x16xf32, #tpu.memory_space<vmem_shared>>
      tpu.wait_dma2 semaphore(%run_scoped3A_176 : memref<!tpu.dma_semaphore, #tpu.memory_space<semaphore_mem>>) src(%dma_wait3A_186 : memref<6400x16xf32, #tpu.memory_space<vmem_shared>>) dst(%dma_wait3A_184 : memref<6400x16xf32, #tpu.memory_space<hbm>>)
      tpu.yield
    }) : () -> ()
    %barrier3A_85 = arith.constant 0 : index
    tpu.barrier barrier_id(%barrier3A_85)
    %mul3A_86 = arith.constant 6400 : i32
    %mul3A_87 = arith.muli %arg1, %mul3A_86 : i32
    %mul3A_88 = arith.constant 6400 : i32
    %mul3A_89 = arith.muli %arg1, %mul3A_88 : i32
    "tpu.region"() ({
      %run_scoped3A_176 = tpu.sem_alloc : memref<!tpu.dma_semaphore, #tpu.memory_space<semaphore_mem>>
      %dma_start3A_177 = arith.constant 0 : i32
      %dma_start3A_178 = tpu.memref_slice %arg11[%mul3A_89, %dma_start3A_177] : memref<102400x16xf32, #tpu.memory_space<vmem_shared>> -> memref<6400x16xf32, #tpu.memory_space<vmem_shared>>
      %dma_start3A_179 = arith.constant 0 : i32
      %dma_start3A_180 = tpu.memref_slice %arg7[%mul3A_87, %dma_start3A_179] : memref<102400x16xf32, #tpu.memory_space<hbm>> -> memref<6400x16xf32, #tpu.memory_space<hbm>>
      tpu.enqueue_dma source(%dma_start3A_180 : memref<6400x16xf32, #tpu.memory_space<hbm>>) target(%dma_start3A_178 : memref<6400x16xf32, #tpu.memory_space<vmem_shared>>) target_semaphore(%run_scoped3A_176 : memref<!tpu.dma_semaphore, #tpu.memory_space<semaphore_mem>>)
      %dma_wait3A_181 = arith.constant 0 : i32
      %dma_wait3A_182 = tpu.memref_slice %arg11[%mul3A_89, %dma_wait3A_181] : memref<102400x16xf32, #tpu.memory_space<vmem_shared>> -> memref<6400x16xf32, #tpu.memory_space<vmem_shared>>
      %dma_wait3A_183 = arith.constant 0 : i32
      %dma_wait3A_184 = tpu.memref_slice %arg7[%mul3A_87, %dma_wait3A_183] : memref<102400x16xf32, #tpu.memory_space<hbm>> -> memref<6400x16xf32, #tpu.memory_space<hbm>>
      tpu.wait_dma2 semaphore(%run_scoped3A_176 : memref<!tpu.dma_semaphore, #tpu.memory_space<semaphore_mem>>) src(%dma_wait3A_184 : memref<6400x16xf32, #tpu.memory_space<hbm>>) dst(%dma_wait3A_182 : memref<6400x16xf32, #tpu.memory_space<vmem_shared>>)
      tpu.yield
    }) : () -> ()
    %barrier3A_90 = arith.constant 0 : index
    tpu.barrier barrier_id(%barrier3A_90)
    %mul3A_91 = arith.constant 816 : i32
    %mul3A_92 = arith.muli %add3A, %mul3A_91 : i32
    "tpu.region"() ({
      %run_scoped3A_176 = tpu.sem_alloc : memref<!tpu.dma_semaphore, #tpu.memory_space<semaphore_mem>>
      %dma_start3A_177 = arith.constant 0 : i32
      %dma_start3A_178 = arith.constant 0 : i32
      %dma_start3A_179 = tpu.memref_slice %arg7[%dma_start3A_177, %dma_start3A_178] : memref<102400x16xf32, #tpu.memory_space<hbm>> -> memref<1536x16xf32, #tpu.memory_space<hbm>>
      %dma_start3A_180 = arith.constant 0 : i32
      %dma_start3A_181 = arith.constant 0 : i32
      %dma_start3A_182 = tpu.memref_slice %arg7[%dma_start3A_180, %dma_start3A_181] : memref<102400x16xf32, #tpu.memory_space<hbm>> -> memref<1536x16xf32, #tpu.memory_space<hbm>>
      tpu.enqueue_dma source(%dma_start3A_182 : memref<1536x16xf32, #tpu.memory_space<hbm>>) target(%arg10 : memref<1536x16xf32, #tpu.memory_space<vmem>>) target_semaphore(%run_scoped3A_176 : memref<!tpu.dma_semaphore, #tpu.memory_space<semaphore_mem>>)
      %dma_wait3A_183 = arith.constant 0 : i32
      %dma_wait3A_184 = arith.constant 0 : i32
      %dma_wait3A_185 = tpu.memref_slice %arg7[%dma_wait3A_183, %dma_wait3A_184] : memref<102400x16xf32, #tpu.memory_space<hbm>> -> memref<1536x16xf32, #tpu.memory_space<hbm>>
      %dma_wait3A_186 = arith.constant 0 : i32
      %dma_wait3A_187 = arith.constant 0 : i32
      %dma_wait3A_188 = tpu.memref_slice %arg7[%dma_wait3A_186, %dma_wait3A_187] : memref<102400x16xf32, #tpu.memory_space<hbm>> -> memref<1536x16xf32, #tpu.memory_space<hbm>>
      tpu.wait_dma2 semaphore(%run_scoped3A_176 : memref<!tpu.dma_semaphore, #tpu.memory_space<semaphore_mem>>) src(%dma_wait3A_188 : memref<1536x16xf32, #tpu.memory_space<hbm>>) dst(%arg10 : memref<1536x16xf32, #tpu.memory_space<vmem>>)
      tpu.yield
    }) : () -> ()
    %add3A_93 = arith.constant 792 : i32
    %add3A_94 = arith.addi %mul3A_92, %add3A_93 : i32
    "tpu.region"() ({
      %run_scoped3A_176 = tpu.sem_alloc : memref<!tpu.dma_semaphore, #tpu.memory_space<semaphore_mem>>
      %dma_start3A_177 = arith.constant 12 : i32
      %dma_start3A_178 = arith.constant 0 : i32
      %dma_start3A_179 = tpu.memref_slice %arg9[%dma_start3A_177, %dma_start3A_178] : memref<24x128xi32, #tpu.memory_space<vmem>> -> memref<12x128xi32, #tpu.memory_space<vmem>>
      %dma_start3A_180 = arith.constant 0 : i32
      %dma_start3A_181 = tpu.memref_slice %arg6[%add3A_94, %dma_start3A_180] : memref<26112x128xi32, #tpu.memory_space<hbm>> -> memref<12x128xi32, #tpu.memory_space<hbm>>
      %dma_start3A_182 = arith.constant 12 : i32
      %dma_start3A_183 = arith.constant 0 : i32
      %dma_start3A_184 = tpu.memref_slice %arg9[%dma_start3A_182, %dma_start3A_183] : memref<24x128xi32, #tpu.memory_space<vmem>> -> memref<12x128xi32, #tpu.memory_space<vmem>>
      %dma_start3A_185 = arith.constant 0 : i32
      %dma_start3A_186 = tpu.memref_slice %arg6[%add3A_94, %dma_start3A_185] : memref<26112x128xi32, #tpu.memory_space<hbm>> -> memref<12x128xi32, #tpu.memory_space<hbm>>
      tpu.enqueue_dma source(%dma_start3A_186 : memref<12x128xi32, #tpu.memory_space<hbm>>) target(%dma_start3A_184 : memref<12x128xi32, #tpu.memory_space<vmem>>) target_semaphore(%run_scoped3A_176 : memref<!tpu.dma_semaphore, #tpu.memory_space<semaphore_mem>>)
      %dma_wait3A_187 = arith.constant 12 : i32
      %dma_wait3A_188 = arith.constant 0 : i32
      %dma_wait3A_189 = tpu.memref_slice %arg9[%dma_wait3A_187, %dma_wait3A_188] : memref<24x128xi32, #tpu.memory_space<vmem>> -> memref<12x128xi32, #tpu.memory_space<vmem>>
      %dma_wait3A_190 = arith.constant 0 : i32
      %dma_wait3A_191 = tpu.memref_slice %arg6[%add3A_94, %dma_wait3A_190] : memref<26112x128xi32, #tpu.memory_space<hbm>> -> memref<12x128xi32, #tpu.memory_space<hbm>>
      %dma_wait3A_192 = arith.constant 12 : i32
      %dma_wait3A_193 = arith.constant 0 : i32
      %dma_wait3A_194 = tpu.memref_slice %arg9[%dma_wait3A_192, %dma_wait3A_193] : memref<24x128xi32, #tpu.memory_space<vmem>> -> memref<12x128xi32, #tpu.memory_space<vmem>>
      %dma_wait3A_195 = arith.constant 0 : i32
      %dma_wait3A_196 = tpu.memref_slice %arg6[%add3A_94, %dma_wait3A_195] : memref<26112x128xi32, #tpu.memory_space<hbm>> -> memref<12x128xi32, #tpu.memory_space<hbm>>
      tpu.wait_dma2 semaphore(%run_scoped3A_176 : memref<!tpu.dma_semaphore, #tpu.memory_space<semaphore_mem>>) src(%dma_wait3A_196 : memref<12x128xi32, #tpu.memory_space<hbm>>) dst(%dma_wait3A_194 : memref<12x128xi32, #tpu.memory_space<vmem>>)
      tpu.yield
    }) : () -> ()
    %dma_start3A_95 = arith.constant 0 : i32
    %dma_start3A_96 = arith.constant 0 : i32
    %dma_start3A_97 = tpu.memref_slice %arg9[%dma_start3A_95, %dma_start3A_96] : memref<24x128xi32, #tpu.memory_space<vmem>> -> memref<12x128xi32, #tpu.memory_space<vmem>>
    %dma_start3A_98 = arith.constant 0 : i32
    %dma_start3A_99 = tpu.memref_slice %arg6[%mul3A_92, %dma_start3A_98] : memref<26112x128xi32, #tpu.memory_space<hbm>> -> memref<12x128xi32, #tpu.memory_space<hbm>>
    %dma_start3A_100 = arith.constant 0 : i32
    %dma_start3A_101 = arith.constant 0 : i32
    %dma_start3A_102 = tpu.memref_slice %arg9[%dma_start3A_100, %dma_start3A_101] : memref<24x128xi32, #tpu.memory_space<vmem>> -> memref<12x128xi32, #tpu.memory_space<vmem>>
    %dma_start3A_103 = arith.constant 0 : i32
    %dma_start3A_104 = tpu.memref_slice %arg6[%mul3A_92, %dma_start3A_103] : memref<26112x128xi32, #tpu.memory_space<hbm>> -> memref<12x128xi32, #tpu.memory_space<hbm>>
    tpu.enqueue_dma source(%dma_start3A_104 : memref<12x128xi32, #tpu.memory_space<hbm>>) target(%dma_start3A_102 : memref<12x128xi32, #tpu.memory_space<vmem>>) target_semaphore(%arg13 : memref<!tpu.dma_semaphore, #tpu.memory_space<semaphore_mem>>)
    %scan3A_105 = arith.constant 0 : i32
    %scan3A_106 = arith.constant 0 : i32
    %scan3A_107 = arith.constant 67 : i32
    %scan3A_108 = arith.addi %scan3A_106, %scan3A_107 : i32
    %scan3A_109 = arith.constant 1 : i32
    %scan3A_110 = scf.for %scan3A_176 = %scan3A_106 to %scan3A_108 step %scan3A_109 iter_args(%scan3A_177 = %scan3A_105) -> (i32)  : i32 {
      %rem3A = arith.constant 2 : i32
      %rem3A_178 = arith.remsi %scan3A_176, %rem3A : i32
      %mul3A_179 = arith.constant 2 : i32
      %mul3A_180 = arith.muli %rem3A_178, %mul3A_179 : i32
      %mul3A_181 = arith.constant 6 : i32
      %mul3A_182 = arith.muli %mul3A_180, %mul3A_181 : i32
      %mul3A_183 = arith.constant 6 : i32
      %mul3A_184 = arith.muli %rem3A_178, %mul3A_183 : i32
      %dma_wait3A_185 = arith.constant 0 : i32
      %dma_wait3A_186 = tpu.memref_slice %arg9[%mul3A_182, %dma_wait3A_185] : memref<24x128xi32, #tpu.memory_space<vmem>> -> memref<12x128xi32, #tpu.memory_space<vmem>>
      %dma_wait3A_187 = arith.constant 0 : i32
      %dma_wait3A_188 = arith.constant 0 : i32
      %dma_wait3A_189 = tpu.memref_slice %arg6[%dma_wait3A_187, %dma_wait3A_188] : memref<26112x128xi32, #tpu.memory_space<hbm>> -> memref<12x128xi32, #tpu.memory_space<hbm>>
      %dma_wait3A_190 = arith.constant 0 : i32
      %dma_wait3A_191 = tpu.memref_slice %arg9[%mul3A_182, %dma_wait3A_190] : memref<24x128xi32, #tpu.memory_space<vmem>> -> memref<12x128xi32, #tpu.memory_space<vmem>>
      %dma_wait3A_192 = arith.constant 0 : i32
      %dma_wait3A_193 = arith.constant 0 : i32
      %dma_wait3A_194 = tpu.memref_slice %arg6[%dma_wait3A_192, %dma_wait3A_193] : memref<26112x128xi32, #tpu.memory_space<hbm>> -> memref<12x128xi32, #tpu.memory_space<hbm>>
      tpu.wait_dma2 semaphore(%arg13 : memref<!tpu.dma_semaphore, #tpu.memory_space<semaphore_mem>>) src(%dma_wait3A_194 : memref<12x128xi32, #tpu.memory_space<hbm>>) dst(%dma_wait3A_191 : memref<12x128xi32, #tpu.memory_space<vmem>>)
      %add3A_195 = arith.constant 0 : i32
      %add3A_196 = arith.addi %mul3A_182, %add3A_195 : i32
      %add3A_197 = arith.constant 0 : i32
      %add3A_198 = arith.addi %mul3A_184, %add3A_197 : i32
      %mul3A_199 = arith.constant 128 : i32
      %mul3A_200 = arith.muli %add3A_198, %mul3A_199 : i32
      %dma_start3A_201 = arith.constant 0 : i32
      %dma_start3A_202 = tpu.memref_slice %arg10[%mul3A_200, %dma_start3A_201] : memref<1536x16xf32, #tpu.memory_space<vmem>> -> memref<128x16xf32, #tpu.memory_space<vmem>>
      %dma_start3A_203 = arith.constant 0 : i32
      %dma_start3A_204 = tpu.memref_slice %arg9[%add3A_196, %dma_start3A_203] : memref<24x128xi32, #tpu.memory_space<vmem>> -> memref<1x128xi32, #tpu.memory_space<vmem>>
      %dma_start3A_205 = tpu.memref_squeeze %dma_start3A_204 : memref<1x128xi32, #tpu.memory_space<vmem>> -> memref<128xi32, #tpu.memory_space<vmem>>
      %dma_start3A_206 = arith.constant 0 : i32
      %dma_start3A_207 = arith.constant 0 : i32
      %dma_start3A_208 = tpu.memref_slice %arg4[%dma_start3A_206, %dma_start3A_207] : memref<102400x16xf32, #tpu.memory_space<hbm>> -> memref<102400x16xf32, #tpu.memory_space<hbm>>
      tpu.enqueue_indirect_dma source(%dma_start3A_208 : memref<102400x16xf32, #tpu.memory_space<hbm>>) target(%dma_start3A_202 : memref<128x16xf32, #tpu.memory_space<vmem>>) offsets(%dma_start3A_205 : memref<128xi32, #tpu.memory_space<vmem>>) semaphore(%arg12 : memref<!tpu.dma_semaphore, #tpu.memory_space<semaphore_mem>>)
      %add3A_209 = arith.constant 1 : i32
      %add3A_210 = arith.addi %mul3A_182, %add3A_209 : i32
      %add3A_211 = arith.constant 1 : i32
      %add3A_212 = arith.addi %mul3A_184, %add3A_211 : i32
      %mul3A_213 = arith.constant 128 : i32
      %mul3A_214 = arith.muli %add3A_212, %mul3A_213 : i32
      %dma_start3A_215 = arith.constant 0 : i32
      %dma_start3A_216 = tpu.memref_slice %arg10[%mul3A_214, %dma_start3A_215] : memref<1536x16xf32, #tpu.memory_space<vmem>> -> memref<128x16xf32, #tpu.memory_space<vmem>>
      %dma_start3A_217 = arith.constant 0 : i32
      %dma_start3A_218 = tpu.memref_slice %arg9[%add3A_210, %dma_start3A_217] : memref<24x128xi32, #tpu.memory_space<vmem>> -> memref<1x128xi32, #tpu.memory_space<vmem>>
      %dma_start3A_219 = tpu.memref_squeeze %dma_start3A_218 : memref<1x128xi32, #tpu.memory_space<vmem>> -> memref<128xi32, #tpu.memory_space<vmem>>
      %dma_start3A_220 = arith.constant 0 : i32
      %dma_start3A_221 = arith.constant 0 : i32
      %dma_start3A_222 = tpu.memref_slice %arg4[%dma_start3A_220, %dma_start3A_221] : memref<102400x16xf32, #tpu.memory_space<hbm>> -> memref<102400x16xf32, #tpu.memory_space<hbm>>
      tpu.enqueue_indirect_dma source(%dma_start3A_222 : memref<102400x16xf32, #tpu.memory_space<hbm>>) target(%dma_start3A_216 : memref<128x16xf32, #tpu.memory_space<vmem>>) offsets(%dma_start3A_219 : memref<128xi32, #tpu.memory_space<vmem>>) semaphore(%arg12 : memref<!tpu.dma_semaphore, #tpu.memory_space<semaphore_mem>>)
      %add3A_223 = arith.constant 2 : i32
      %add3A_224 = arith.addi %mul3A_182, %add3A_223 : i32
      %add3A_225 = arith.constant 2 : i32
      %add3A_226 = arith.addi %mul3A_184, %add3A_225 : i32
      %mul3A_227 = arith.constant 128 : i32
      %mul3A_228 = arith.muli %add3A_226, %mul3A_227 : i32
      %dma_start3A_229 = arith.constant 0 : i32
      %dma_start3A_230 = tpu.memref_slice %arg10[%mul3A_228, %dma_start3A_229] : memref<1536x16xf32, #tpu.memory_space<vmem>> -> memref<128x16xf32, #tpu.memory_space<vmem>>
      %dma_start3A_231 = arith.constant 0 : i32
      %dma_start3A_232 = tpu.memref_slice %arg9[%add3A_224, %dma_start3A_231] : memref<24x128xi32, #tpu.memory_space<vmem>> -> memref<1x128xi32, #tpu.memory_space<vmem>>
      %dma_start3A_233 = tpu.memref_squeeze %dma_start3A_232 : memref<1x128xi32, #tpu.memory_space<vmem>> -> memref<128xi32, #tpu.memory_space<vmem>>
      %dma_start3A_234 = arith.constant 0 : i32
      %dma_start3A_235 = arith.constant 0 : i32
      %dma_start3A_236 = tpu.memref_slice %arg4[%dma_start3A_234, %dma_start3A_235] : memref<102400x16xf32, #tpu.memory_space<hbm>> -> memref<102400x16xf32, #tpu.memory_space<hbm>>
      tpu.enqueue_indirect_dma source(%dma_start3A_236 : memref<102400x16xf32, #tpu.memory_space<hbm>>) target(%dma_start3A_230 : memref<128x16xf32, #tpu.memory_space<vmem>>) offsets(%dma_start3A_233 : memref<128xi32, #tpu.memory_space<vmem>>) semaphore(%arg12 : memref<!tpu.dma_semaphore, #tpu.memory_space<semaphore_mem>>)
      %add3A_237 = arith.constant 3 : i32
      %add3A_238 = arith.addi %mul3A_182, %add3A_237 : i32
      %add3A_239 = arith.constant 3 : i32
      %add3A_240 = arith.addi %mul3A_184, %add3A_239 : i32
      %mul3A_241 = arith.constant 128 : i32
      %mul3A_242 = arith.muli %add3A_240, %mul3A_241 : i32
      %dma_start3A_243 = arith.constant 0 : i32
      %dma_start3A_244 = tpu.memref_slice %arg10[%mul3A_242, %dma_start3A_243] : memref<1536x16xf32, #tpu.memory_space<vmem>> -> memref<128x16xf32, #tpu.memory_space<vmem>>
      %dma_start3A_245 = arith.constant 0 : i32
      %dma_start3A_246 = tpu.memref_slice %arg9[%add3A_238, %dma_start3A_245] : memref<24x128xi32, #tpu.memory_space<vmem>> -> memref<1x128xi32, #tpu.memory_space<vmem>>
      %dma_start3A_247 = tpu.memref_squeeze %dma_start3A_246 : memref<1x128xi32, #tpu.memory_space<vmem>> -> memref<128xi32, #tpu.memory_space<vmem>>
      %dma_start3A_248 = arith.constant 0 : i32
      %dma_start3A_249 = arith.constant 0 : i32
      %dma_start3A_250 = tpu.memref_slice %arg4[%dma_start3A_248, %dma_start3A_249] : memref<102400x16xf32, #tpu.memory_space<hbm>> -> memref<102400x16xf32, #tpu.memory_space<hbm>>
      tpu.enqueue_indirect_dma source(%dma_start3A_250 : memref<102400x16xf32, #tpu.memory_space<hbm>>) target(%dma_start3A_244 : memref<128x16xf32, #tpu.memory_space<vmem>>) offsets(%dma_start3A_247 : memref<128xi32, #tpu.memory_space<vmem>>) semaphore(%arg12 : memref<!tpu.dma_semaphore, #tpu.memory_space<semaphore_mem>>)
      %add3A_251 = arith.constant 4 : i32
      %add3A_252 = arith.addi %mul3A_182, %add3A_251 : i32
      %add3A_253 = arith.constant 4 : i32
      %add3A_254 = arith.addi %mul3A_184, %add3A_253 : i32
      %mul3A_255 = arith.constant 128 : i32
      %mul3A_256 = arith.muli %add3A_254, %mul3A_255 : i32
      %dma_start3A_257 = arith.constant 0 : i32
      %dma_start3A_258 = tpu.memref_slice %arg10[%mul3A_256, %dma_start3A_257] : memref<1536x16xf32, #tpu.memory_space<vmem>> -> memref<128x16xf32, #tpu.memory_space<vmem>>
      %dma_start3A_259 = arith.constant 0 : i32
      %dma_start3A_260 = tpu.memref_slice %arg9[%add3A_252, %dma_start3A_259] : memref<24x128xi32, #tpu.memory_space<vmem>> -> memref<1x128xi32, #tpu.memory_space<vmem>>
      %dma_start3A_261 = tpu.memref_squeeze %dma_start3A_260 : memref<1x128xi32, #tpu.memory_space<vmem>> -> memref<128xi32, #tpu.memory_space<vmem>>
      %dma_start3A_262 = arith.constant 0 : i32
      %dma_start3A_263 = arith.constant 0 : i32
      %dma_start3A_264 = tpu.memref_slice %arg4[%dma_start3A_262, %dma_start3A_263] : memref<102400x16xf32, #tpu.memory_space<hbm>> -> memref<102400x16xf32, #tpu.memory_space<hbm>>
      tpu.enqueue_indirect_dma source(%dma_start3A_264 : memref<102400x16xf32, #tpu.memory_space<hbm>>) target(%dma_start3A_258 : memref<128x16xf32, #tpu.memory_space<vmem>>) offsets(%dma_start3A_261 : memref<128xi32, #tpu.memory_space<vmem>>) semaphore(%arg12 : memref<!tpu.dma_semaphore, #tpu.memory_space<semaphore_mem>>)
      %add3A_265 = arith.constant 5 : i32
      %add3A_266 = arith.addi %mul3A_182, %add3A_265 : i32
      %add3A_267 = arith.constant 5 : i32
      %add3A_268 = arith.addi %mul3A_184, %add3A_267 : i32
      %mul3A_269 = arith.constant 128 : i32
      %mul3A_270 = arith.muli %add3A_268, %mul3A_269 : i32
      %dma_start3A_271 = arith.constant 0 : i32
      %dma_start3A_272 = tpu.memref_slice %arg10[%mul3A_270, %dma_start3A_271] : memref<1536x16xf32, #tpu.memory_space<vmem>> -> memref<128x16xf32, #tpu.memory_space<vmem>>
      %dma_start3A_273 = arith.constant 0 : i32
      %dma_start3A_274 = tpu.memref_slice %arg9[%add3A_266, %dma_start3A_273] : memref<24x128xi32, #tpu.memory_space<vmem>> -> memref<1x128xi32, #tpu.memory_space<vmem>>
      %dma_start3A_275 = tpu.memref_squeeze %dma_start3A_274 : memref<1x128xi32, #tpu.memory_space<vmem>> -> memref<128xi32, #tpu.memory_space<vmem>>
      %dma_start3A_276 = arith.constant 0 : i32
      %dma_start3A_277 = arith.constant 0 : i32
      %dma_start3A_278 = tpu.memref_slice %arg4[%dma_start3A_276, %dma_start3A_277] : memref<102400x16xf32, #tpu.memory_space<hbm>> -> memref<102400x16xf32, #tpu.memory_space<hbm>>
      tpu.enqueue_indirect_dma source(%dma_start3A_278 : memref<102400x16xf32, #tpu.memory_space<hbm>>) target(%dma_start3A_272 : memref<128x16xf32, #tpu.memory_space<vmem>>) offsets(%dma_start3A_275 : memref<128xi32, #tpu.memory_space<vmem>>) semaphore(%arg12 : memref<!tpu.dma_semaphore, #tpu.memory_space<semaphore_mem>>)
      %sub3A = arith.constant 12 : i32
      %sub3A_279 = arith.subi %sub3A, %mul3A_182 : i32
      %sub3A_280 = arith.constant 6 : i32
      %sub3A_281 = arith.subi %sub3A_280, %mul3A_184 : i32
      %add3A_282 = arith.constant 0 : i32
      %add3A_283 = arith.addi %sub3A_281, %add3A_282 : i32
      %mul3A_284 = arith.constant 128 : i32
      %mul3A_285 = arith.muli %add3A_283, %mul3A_284 : i32
      %add3A_286 = arith.constant 6 : i32
      %add3A_287 = arith.addi %sub3A_279, %add3A_286 : i32
      %add3A_288 = arith.constant 0 : i32
      %add3A_289 = arith.addi %add3A_287, %add3A_288 : i32
      "tpu.region"() ({
        %run_scoped3A_394 = tpu.sem_alloc : memref<!tpu.dma_semaphore, #tpu.memory_space<semaphore_mem>>
        %dma_start3A_395 = arith.constant 0 : i32
        %dma_start3A_396 = tpu.memref_slice %arg10[%mul3A_285, %dma_start3A_395] : memref<1536x16xf32, #tpu.memory_space<vmem>> -> memref<128x16xf32, #tpu.memory_space<vmem>>
        %dma_start3A_397 = arith.constant 0 : i32
        %dma_start3A_398 = tpu.memref_slice %arg9[%add3A_289, %dma_start3A_397] : memref<24x128xi32, #tpu.memory_space<vmem>> -> memref<1x128xi32, #tpu.memory_space<vmem>>
        %dma_start3A_399 = tpu.memref_squeeze %dma_start3A_398 : memref<1x128xi32, #tpu.memory_space<vmem>> -> memref<128xi32, #tpu.memory_space<vmem>>
        %dma_start3A_400 = arith.constant 0 : i32
        %dma_start3A_401 = arith.constant 0 : i32
        %dma_start3A_402 = tpu.memref_slice %arg11[%dma_start3A_400, %dma_start3A_401] : memref<102400x16xf32, #tpu.memory_space<vmem_shared>> -> memref<102400x16xf32, #tpu.memory_space<vmem_shared>>
        tpu.enqueue_indirect_dma source(%dma_start3A_396 : memref<128x16xf32, #tpu.memory_space<vmem>>) target(%dma_start3A_402 : memref<102400x16xf32, #tpu.memory_space<vmem_shared>>) offsets(%dma_start3A_399 : memref<128xi32, #tpu.memory_space<vmem>>) semaphore(%run_scoped3A_394 : memref<!tpu.dma_semaphore, #tpu.memory_space<semaphore_mem>>) {add = true}
        %dma_wait3A_403 = arith.constant 0 : i32
        %dma_wait3A_404 = tpu.memref_slice %arg10[%mul3A_285, %dma_wait3A_403] : memref<1536x16xf32, #tpu.memory_space<vmem>> -> memref<128x16xf32, #tpu.memory_space<vmem>>
        %dma_wait3A_405 = arith.constant 0 : i32
        %dma_wait3A_406 = tpu.memref_slice %arg9[%add3A_289, %dma_wait3A_405] : memref<24x128xi32, #tpu.memory_space<vmem>> -> memref<1x128xi32, #tpu.memory_space<vmem>>
        %dma_wait3A_407 = tpu.memref_squeeze %dma_wait3A_406 : memref<1x128xi32, #tpu.memory_space<vmem>> -> memref<128xi32, #tpu.memory_space<vmem>>
        %dma_wait3A_408 = arith.constant 0 : i32
        %dma_wait3A_409 = arith.constant 0 : i32
        %dma_wait3A_410 = tpu.memref_slice %arg11[%dma_wait3A_408, %dma_wait3A_409] : memref<102400x16xf32, #tpu.memory_space<vmem_shared>> -> memref<102400x16xf32, #tpu.memory_space<vmem_shared>>
        tpu.wait_indirect_dma semaphore(%run_scoped3A_394 : memref<!tpu.dma_semaphore, #tpu.memory_space<semaphore_mem>>) src(%dma_wait3A_404 : memref<128x16xf32, #tpu.memory_space<vmem>>) dst(%dma_wait3A_410 : memref<102400x16xf32, #tpu.memory_space<vmem_shared>>)
        tpu.yield
      }) : () -> ()
      %add3A_290 = arith.constant 1 : i32
      %add3A_291 = arith.addi %sub3A_281, %add3A_290 : i32
      %mul3A_292 = arith.constant 128 : i32
      %mul3A_293 = arith.muli %add3A_291, %mul3A_292 : i32
      %add3A_294 = arith.constant 6 : i32
      %add3A_295 = arith.addi %sub3A_279, %add3A_294 : i32
      %add3A_296 = arith.constant 1 : i32
      %add3A_297 = arith.addi %add3A_295, %add3A_296 : i32
      "tpu.region"() ({
        %run_scoped3A_394 = tpu.sem_alloc : memref<!tpu.dma_semaphore, #tpu.memory_space<semaphore_mem>>
        %dma_start3A_395 = arith.constant 0 : i32
        %dma_start3A_396 = tpu.memref_slice %arg10[%mul3A_293, %dma_start3A_395] : memref<1536x16xf32, #tpu.memory_space<vmem>> -> memref<128x16xf32, #tpu.memory_space<vmem>>
        %dma_start3A_397 = arith.constant 0 : i32
        %dma_start3A_398 = tpu.memref_slice %arg9[%add3A_297, %dma_start3A_397] : memref<24x128xi32, #tpu.memory_space<vmem>> -> memref<1x128xi32, #tpu.memory_space<vmem>>
        %dma_start3A_399 = tpu.memref_squeeze %dma_start3A_398 : memref<1x128xi32, #tpu.memory_space<vmem>> -> memref<128xi32, #tpu.memory_space<vmem>>
        %dma_start3A_400 = arith.constant 0 : i32
        %dma_start3A_401 = arith.constant 0 : i32
        %dma_start3A_402 = tpu.memref_slice %arg11[%dma_start3A_400, %dma_start3A_401] : memref<102400x16xf32, #tpu.memory_space<vmem_shared>> -> memref<102400x16xf32, #tpu.memory_space<vmem_shared>>
        tpu.enqueue_indirect_dma source(%dma_start3A_396 : memref<128x16xf32, #tpu.memory_space<vmem>>) target(%dma_start3A_402 : memref<102400x16xf32, #tpu.memory_space<vmem_shared>>) offsets(%dma_start3A_399 : memref<128xi32, #tpu.memory_space<vmem>>) semaphore(%run_scoped3A_394 : memref<!tpu.dma_semaphore, #tpu.memory_space<semaphore_mem>>) {add = true}
        %dma_wait3A_403 = arith.constant 0 : i32
        %dma_wait3A_404 = tpu.memref_slice %arg10[%mul3A_293, %dma_wait3A_403] : memref<1536x16xf32, #tpu.memory_space<vmem>> -> memref<128x16xf32, #tpu.memory_space<vmem>>
        %dma_wait3A_405 = arith.constant 0 : i32
        %dma_wait3A_406 = tpu.memref_slice %arg9[%add3A_297, %dma_wait3A_405] : memref<24x128xi32, #tpu.memory_space<vmem>> -> memref<1x128xi32, #tpu.memory_space<vmem>>
        %dma_wait3A_407 = tpu.memref_squeeze %dma_wait3A_406 : memref<1x128xi32, #tpu.memory_space<vmem>> -> memref<128xi32, #tpu.memory_space<vmem>>
        %dma_wait3A_408 = arith.constant 0 : i32
        %dma_wait3A_409 = arith.constant 0 : i32
        %dma_wait3A_410 = tpu.memref_slice %arg11[%dma_wait3A_408, %dma_wait3A_409] : memref<102400x16xf32, #tpu.memory_space<vmem_shared>> -> memref<102400x16xf32, #tpu.memory_space<vmem_shared>>
        tpu.wait_indirect_dma semaphore(%run_scoped3A_394 : memref<!tpu.dma_semaphore, #tpu.memory_space<semaphore_mem>>) src(%dma_wait3A_404 : memref<128x16xf32, #tpu.memory_space<vmem>>) dst(%dma_wait3A_410 : memref<102400x16xf32, #tpu.memory_space<vmem_shared>>)
        tpu.yield
      }) : () -> ()
      %add3A_298 = arith.constant 2 : i32
      %add3A_299 = arith.addi %sub3A_281, %add3A_298 : i32
      %mul3A_300 = arith.constant 128 : i32
      %mul3A_301 = arith.muli %add3A_299, %mul3A_300 : i32
      %add3A_302 = arith.constant 6 : i32
      %add3A_303 = arith.addi %sub3A_279, %add3A_302 : i32
      %add3A_304 = arith.constant 2 : i32
      %add3A_305 = arith.addi %add3A_303, %add3A_304 : i32
      "tpu.region"() ({
        %run_scoped3A_394 = tpu.sem_alloc : memref<!tpu.dma_semaphore, #tpu.memory_space<semaphore_mem>>
        %dma_start3A_395 = arith.constant 0 : i32
        %dma_start3A_396 = tpu.memref_slice %arg10[%mul3A_301, %dma_start3A_395] : memref<1536x16xf32, #tpu.memory_space<vmem>> -> memref<128x16xf32, #tpu.memory_space<vmem>>
        %dma_start3A_397 = arith.constant 0 : i32
        %dma_start3A_398 = tpu.memref_slice %arg9[%add3A_305, %dma_start3A_397] : memref<24x128xi32, #tpu.memory_space<vmem>> -> memref<1x128xi32, #tpu.memory_space<vmem>>
        %dma_start3A_399 = tpu.memref_squeeze %dma_start3A_398 : memref<1x128xi32, #tpu.memory_space<vmem>> -> memref<128xi32, #tpu.memory_space<vmem>>
        %dma_start3A_400 = arith.constant 0 : i32
        %dma_start3A_401 = arith.constant 0 : i32
        %dma_start3A_402 = tpu.memref_slice %arg11[%dma_start3A_400, %dma_start3A_401] : memref<102400x16xf32, #tpu.memory_space<vmem_shared>> -> memref<102400x16xf32, #tpu.memory_space<vmem_shared>>
        tpu.enqueue_indirect_dma source(%dma_start3A_396 : memref<128x16xf32, #tpu.memory_space<vmem>>) target(%dma_start3A_402 : memref<102400x16xf32, #tpu.memory_space<vmem_shared>>) offsets(%dma_start3A_399 : memref<128xi32, #tpu.memory_space<vmem>>) semaphore(%run_scoped3A_394 : memref<!tpu.dma_semaphore, #tpu.memory_space<semaphore_mem>>) {add = true}
        %dma_wait3A_403 = arith.constant 0 : i32
        %dma_wait3A_404 = tpu.memref_slice %arg10[%mul3A_301, %dma_wait3A_403] : memref<1536x16xf32, #tpu.memory_space<vmem>> -> memref<128x16xf32, #tpu.memory_space<vmem>>
        %dma_wait3A_405 = arith.constant 0 : i32
        %dma_wait3A_406 = tpu.memref_slice %arg9[%add3A_305, %dma_wait3A_405] : memref<24x128xi32, #tpu.memory_space<vmem>> -> memref<1x128xi32, #tpu.memory_space<vmem>>
        %dma_wait3A_407 = tpu.memref_squeeze %dma_wait3A_406 : memref<1x128xi32, #tpu.memory_space<vmem>> -> memref<128xi32, #tpu.memory_space<vmem>>
        %dma_wait3A_408 = arith.constant 0 : i32
        %dma_wait3A_409 = arith.constant 0 : i32
        %dma_wait3A_410 = tpu.memref_slice %arg11[%dma_wait3A_408, %dma_wait3A_409] : memref<102400x16xf32, #tpu.memory_space<vmem_shared>> -> memref<102400x16xf32, #tpu.memory_space<vmem_shared>>
        tpu.wait_indirect_dma semaphore(%run_scoped3A_394 : memref<!tpu.dma_semaphore, #tpu.memory_space<semaphore_mem>>) src(%dma_wait3A_404 : memref<128x16xf32, #tpu.memory_space<vmem>>) dst(%dma_wait3A_410 : memref<102400x16xf32, #tpu.memory_space<vmem_shared>>)
        tpu.yield
      }) : () -> ()
      %add3A_306 = arith.constant 3 : i32
      %add3A_307 = arith.addi %sub3A_281, %add3A_306 : i32
      %mul3A_308 = arith.constant 128 : i32
      %mul3A_309 = arith.muli %add3A_307, %mul3A_308 : i32
      %add3A_310 = arith.constant 6 : i32
      %add3A_311 = arith.addi %sub3A_279, %add3A_310 : i32
      %add3A_312 = arith.constant 3 : i32
      %add3A_313 = arith.addi %add3A_311, %add3A_312 : i32
      "tpu.region"() ({
        %run_scoped3A_394 = tpu.sem_alloc : memref<!tpu.dma_semaphore, #tpu.memory_space<semaphore_mem>>
        %dma_start3A_395 = arith.constant 0 : i32
        %dma_start3A_396 = tpu.memref_slice %arg10[%mul3A_309, %dma_start3A_395] : memref<1536x16xf32, #tpu.memory_space<vmem>> -> memref<128x16xf32, #tpu.memory_space<vmem>>
        %dma_start3A_397 = arith.constant 0 : i32
        %dma_start3A_398 = tpu.memref_slice %arg9[%add3A_313, %dma_start3A_397] : memref<24x128xi32, #tpu.memory_space<vmem>> -> memref<1x128xi32, #tpu.memory_space<vmem>>
        %dma_start3A_399 = tpu.memref_squeeze %dma_start3A_398 : memref<1x128xi32, #tpu.memory_space<vmem>> -> memref<128xi32, #tpu.memory_space<vmem>>
        %dma_start3A_400 = arith.constant 0 : i32
        %dma_start3A_401 = arith.constant 0 : i32
        %dma_start3A_402 = tpu.memref_slice %arg11[%dma_start3A_400, %dma_start3A_401] : memref<102400x16xf32, #tpu.memory_space<vmem_shared>> -> memref<102400x16xf32, #tpu.memory_space<vmem_shared>>
        tpu.enqueue_indirect_dma source(%dma_start3A_396 : memref<128x16xf32, #tpu.memory_space<vmem>>) target(%dma_start3A_402 : memref<102400x16xf32, #tpu.memory_space<vmem_shared>>) offsets(%dma_start3A_399 : memref<128xi32, #tpu.memory_space<vmem>>) semaphore(%run_scoped3A_394 : memref<!tpu.dma_semaphore, #tpu.memory_space<semaphore_mem>>) {add = true}
        %dma_wait3A_403 = arith.constant 0 : i32
        %dma_wait3A_404 = tpu.memref_slice %arg10[%mul3A_309, %dma_wait3A_403] : memref<1536x16xf32, #tpu.memory_space<vmem>> -> memref<128x16xf32, #tpu.memory_space<vmem>>
        %dma_wait3A_405 = arith.constant 0 : i32
        %dma_wait3A_406 = tpu.memref_slice %arg9[%add3A_313, %dma_wait3A_405] : memref<24x128xi32, #tpu.memory_space<vmem>> -> memref<1x128xi32, #tpu.memory_space<vmem>>
        %dma_wait3A_407 = tpu.memref_squeeze %dma_wait3A_406 : memref<1x128xi32, #tpu.memory_space<vmem>> -> memref<128xi32, #tpu.memory_space<vmem>>
        %dma_wait3A_408 = arith.constant 0 : i32
        %dma_wait3A_409 = arith.constant 0 : i32
        %dma_wait3A_410 = tpu.memref_slice %arg11[%dma_wait3A_408, %dma_wait3A_409] : memref<102400x16xf32, #tpu.memory_space<vmem_shared>> -> memref<102400x16xf32, #tpu.memory_space<vmem_shared>>
        tpu.wait_indirect_dma semaphore(%run_scoped3A_394 : memref<!tpu.dma_semaphore, #tpu.memory_space<semaphore_mem>>) src(%dma_wait3A_404 : memref<128x16xf32, #tpu.memory_space<vmem>>) dst(%dma_wait3A_410 : memref<102400x16xf32, #tpu.memory_space<vmem_shared>>)
        tpu.yield
      }) : () -> ()
      %add3A_314 = arith.constant 4 : i32
      %add3A_315 = arith.addi %sub3A_281, %add3A_314 : i32
      %mul3A_316 = arith.constant 128 : i32
      %mul3A_317 = arith.muli %add3A_315, %mul3A_316 : i32
      %add3A_318 = arith.constant 6 : i32
      %add3A_319 = arith.addi %sub3A_279, %add3A_318 : i32
      %add3A_320 = arith.constant 4 : i32
      %add3A_321 = arith.addi %add3A_319, %add3A_320 : i32
      "tpu.region"() ({
        %run_scoped3A_394 = tpu.sem_alloc : memref<!tpu.dma_semaphore, #tpu.memory_space<semaphore_mem>>
        %dma_start3A_395 = arith.constant 0 : i32
        %dma_start3A_396 = tpu.memref_slice %arg10[%mul3A_317, %dma_start3A_395] : memref<1536x16xf32, #tpu.memory_space<vmem>> -> memref<128x16xf32, #tpu.memory_space<vmem>>
        %dma_start3A_397 = arith.constant 0 : i32
        %dma_start3A_398 = tpu.memref_slice %arg9[%add3A_321, %dma_start3A_397] : memref<24x128xi32, #tpu.memory_space<vmem>> -> memref<1x128xi32, #tpu.memory_space<vmem>>
        %dma_start3A_399 = tpu.memref_squeeze %dma_start3A_398 : memref<1x128xi32, #tpu.memory_space<vmem>> -> memref<128xi32, #tpu.memory_space<vmem>>
        %dma_start3A_400 = arith.constant 0 : i32
        %dma_start3A_401 = arith.constant 0 : i32
        %dma_start3A_402 = tpu.memref_slice %arg11[%dma_start3A_400, %dma_start3A_401] : memref<102400x16xf32, #tpu.memory_space<vmem_shared>> -> memref<102400x16xf32, #tpu.memory_space<vmem_shared>>
        tpu.enqueue_indirect_dma source(%dma_start3A_396 : memref<128x16xf32, #tpu.memory_space<vmem>>) target(%dma_start3A_402 : memref<102400x16xf32, #tpu.memory_space<vmem_shared>>) offsets(%dma_start3A_399 : memref<128xi32, #tpu.memory_space<vmem>>) semaphore(%run_scoped3A_394 : memref<!tpu.dma_semaphore, #tpu.memory_space<semaphore_mem>>) {add = true}
        %dma_wait3A_403 = arith.constant 0 : i32
        %dma_wait3A_404 = tpu.memref_slice %arg10[%mul3A_317, %dma_wait3A_403] : memref<1536x16xf32, #tpu.memory_space<vmem>> -> memref<128x16xf32, #tpu.memory_space<vmem>>
        %dma_wait3A_405 = arith.constant 0 : i32
        %dma_wait3A_406 = tpu.memref_slice %arg9[%add3A_321, %dma_wait3A_405] : memref<24x128xi32, #tpu.memory_space<vmem>> -> memref<1x128xi32, #tpu.memory_space<vmem>>
        %dma_wait3A_407 = tpu.memref_squeeze %dma_wait3A_406 : memref<1x128xi32, #tpu.memory_space<vmem>> -> memref<128xi32, #tpu.memory_space<vmem>>
        %dma_wait3A_408 = arith.constant 0 : i32
        %dma_wait3A_409 = arith.constant 0 : i32
        %dma_wait3A_410 = tpu.memref_slice %arg11[%dma_wait3A_408, %dma_wait3A_409] : memref<102400x16xf32, #tpu.memory_space<vmem_shared>> -> memref<102400x16xf32, #tpu.memory_space<vmem_shared>>
        tpu.wait_indirect_dma semaphore(%run_scoped3A_394 : memref<!tpu.dma_semaphore, #tpu.memory_space<semaphore_mem>>) src(%dma_wait3A_404 : memref<128x16xf32, #tpu.memory_space<vmem>>) dst(%dma_wait3A_410 : memref<102400x16xf32, #tpu.memory_space<vmem_shared>>)
        tpu.yield
      }) : () -> ()
      %add3A_322 = arith.constant 5 : i32
      %add3A_323 = arith.addi %sub3A_281, %add3A_322 : i32
      %mul3A_324 = arith.constant 128 : i32
      %mul3A_325 = arith.muli %add3A_323, %mul3A_324 : i32
      %add3A_326 = arith.constant 6 : i32
      %add3A_327 = arith.addi %sub3A_279, %add3A_326 : i32
      %add3A_328 = arith.constant 5 : i32
      %add3A_329 = arith.addi %add3A_327, %add3A_328 : i32
      "tpu.region"() ({
        %run_scoped3A_394 = tpu.sem_alloc : memref<!tpu.dma_semaphore, #tpu.memory_space<semaphore_mem>>
        %dma_start3A_395 = arith.constant 0 : i32
        %dma_start3A_396 = tpu.memref_slice %arg10[%mul3A_325, %dma_start3A_395] : memref<1536x16xf32, #tpu.memory_space<vmem>> -> memref<128x16xf32, #tpu.memory_space<vmem>>
        %dma_start3A_397 = arith.constant 0 : i32
        %dma_start3A_398 = tpu.memref_slice %arg9[%add3A_329, %dma_start3A_397] : memref<24x128xi32, #tpu.memory_space<vmem>> -> memref<1x128xi32, #tpu.memory_space<vmem>>
        %dma_start3A_399 = tpu.memref_squeeze %dma_start3A_398 : memref<1x128xi32, #tpu.memory_space<vmem>> -> memref<128xi32, #tpu.memory_space<vmem>>
        %dma_start3A_400 = arith.constant 0 : i32
        %dma_start3A_401 = arith.constant 0 : i32
        %dma_start3A_402 = tpu.memref_slice %arg11[%dma_start3A_400, %dma_start3A_401] : memref<102400x16xf32, #tpu.memory_space<vmem_shared>> -> memref<102400x16xf32, #tpu.memory_space<vmem_shared>>
        tpu.enqueue_indirect_dma source(%dma_start3A_396 : memref<128x16xf32, #tpu.memory_space<vmem>>) target(%dma_start3A_402 : memref<102400x16xf32, #tpu.memory_space<vmem_shared>>) offsets(%dma_start3A_399 : memref<128xi32, #tpu.memory_space<vmem>>) semaphore(%run_scoped3A_394 : memref<!tpu.dma_semaphore, #tpu.memory_space<semaphore_mem>>) {add = true}
        %dma_wait3A_403 = arith.constant 0 : i32
        %dma_wait3A_404 = tpu.memref_slice %arg10[%mul3A_325, %dma_wait3A_403] : memref<1536x16xf32, #tpu.memory_space<vmem>> -> memref<128x16xf32, #tpu.memory_space<vmem>>
        %dma_wait3A_405 = arith.constant 0 : i32
        %dma_wait3A_406 = tpu.memref_slice %arg9[%add3A_329, %dma_wait3A_405] : memref<24x128xi32, #tpu.memory_space<vmem>> -> memref<1x128xi32, #tpu.memory_space<vmem>>
        %dma_wait3A_407 = tpu.memref_squeeze %dma_wait3A_406 : memref<1x128xi32, #tpu.memory_space<vmem>> -> memref<128xi32, #tpu.memory_space<vmem>>
        %dma_wait3A_408 = arith.constant 0 : i32
        %dma_wait3A_409 = arith.constant 0 : i32
        %dma_wait3A_410 = tpu.memref_slice %arg11[%dma_wait3A_408, %dma_wait3A_409] : memref<102400x16xf32, #tpu.memory_space<vmem_shared>> -> memref<102400x16xf32, #tpu.memory_space<vmem_shared>>
        tpu.wait_indirect_dma semaphore(%run_scoped3A_394 : memref<!tpu.dma_semaphore, #tpu.memory_space<semaphore_mem>>) src(%dma_wait3A_404 : memref<128x16xf32, #tpu.memory_space<vmem>>) dst(%dma_wait3A_410 : memref<102400x16xf32, #tpu.memory_space<vmem_shared>>)
        tpu.yield
      }) : () -> ()
      %add3A_330 = arith.constant 1 : i32
      %add3A_331 = arith.addi %scan3A_176, %add3A_330 : i32
      %mul3A_332 = arith.constant 2 : i32
      %mul3A_333 = arith.muli %add3A_331, %mul3A_332 : i32
      %mul3A_334 = arith.constant 6 : i32
      %mul3A_335 = arith.muli %mul3A_333, %mul3A_334 : i32
      %add3A_336 = arith.addi %mul3A_92, %mul3A_335 : i32
      %dma_start3A_337 = arith.constant 0 : i32
      %dma_start3A_338 = tpu.memref_slice %arg9[%sub3A_279, %dma_start3A_337] : memref<24x128xi32, #tpu.memory_space<vmem>> -> memref<12x128xi32, #tpu.memory_space<vmem>>
      %dma_start3A_339 = arith.constant 0 : i32
      %dma_start3A_340 = tpu.memref_slice %arg6[%add3A_336, %dma_start3A_339] : memref<26112x128xi32, #tpu.memory_space<hbm>> -> memref<12x128xi32, #tpu.memory_space<hbm>>
      %dma_start3A_341 = arith.constant 0 : i32
      %dma_start3A_342 = tpu.memref_slice %arg9[%sub3A_279, %dma_start3A_341] : memref<24x128xi32, #tpu.memory_space<vmem>> -> memref<12x128xi32, #tpu.memory_space<vmem>>
      %dma_start3A_343 = arith.constant 0 : i32
      %dma_start3A_344 = tpu.memref_slice %arg6[%add3A_336, %dma_start3A_343] : memref<26112x128xi32, #tpu.memory_space<hbm>> -> memref<12x128xi32, #tpu.memory_space<hbm>>
      tpu.enqueue_dma source(%dma_start3A_344 : memref<12x128xi32, #tpu.memory_space<hbm>>) target(%dma_start3A_342 : memref<12x128xi32, #tpu.memory_space<vmem>>) target_semaphore(%arg13 : memref<!tpu.dma_semaphore, #tpu.memory_space<semaphore_mem>>)
      %dma_wait3A_345 = arith.constant 0 : i32
      %dma_wait3A_346 = tpu.memref_slice %arg10[%mul3A_200, %dma_wait3A_345] : memref<1536x16xf32, #tpu.memory_space<vmem>> -> memref<128x16xf32, #tpu.memory_space<vmem>>
      %dma_wait3A_347 = arith.constant 0 : i32
      %dma_wait3A_348 = tpu.memref_slice %arg9[%add3A_196, %dma_wait3A_347] : memref<24x128xi32, #tpu.memory_space<vmem>> -> memref<1x128xi32, #tpu.memory_space<vmem>>
      %dma_wait3A_349 = tpu.memref_squeeze %dma_wait3A_348 : memref<1x128xi32, #tpu.memory_space<vmem>> -> memref<128xi32, #tpu.memory_space<vmem>>
      %dma_wait3A_350 = arith.constant 0 : i32
      %dma_wait3A_351 = arith.constant 0 : i32
      %dma_wait3A_352 = tpu.memref_slice %arg4[%dma_wait3A_350, %dma_wait3A_351] : memref<102400x16xf32, #tpu.memory_space<hbm>> -> memref<102400x16xf32, #tpu.memory_space<hbm>>
      tpu.wait_indirect_dma semaphore(%arg12 : memref<!tpu.dma_semaphore, #tpu.memory_space<semaphore_mem>>) src(%dma_wait3A_352 : memref<102400x16xf32, #tpu.memory_space<hbm>>) dst(%dma_wait3A_346 : memref<128x16xf32, #tpu.memory_space<vmem>>)
      %dma_wait3A_353 = arith.constant 0 : i32
      %dma_wait3A_354 = tpu.memref_slice %arg10[%mul3A_214, %dma_wait3A_353] : memref<1536x16xf32, #tpu.memory_space<vmem>> -> memref<128x16xf32, #tpu.memory_space<vmem>>
      %dma_wait3A_355 = arith.constant 0 : i32
      %dma_wait3A_356 = tpu.memref_slice %arg9[%add3A_210, %dma_wait3A_355] : memref<24x128xi32, #tpu.memory_space<vmem>> -> memref<1x128xi32, #tpu.memory_space<vmem>>
      %dma_wait3A_357 = tpu.memref_squeeze %dma_wait3A_356 : memref<1x128xi32, #tpu.memory_space<vmem>> -> memref<128xi32, #tpu.memory_space<vmem>>
      %dma_wait3A_358 = arith.constant 0 : i32
      %dma_wait3A_359 = arith.constant 0 : i32
      %dma_wait3A_360 = tpu.memref_slice %arg4[%dma_wait3A_358, %dma_wait3A_359] : memref<102400x16xf32, #tpu.memory_space<hbm>> -> memref<102400x16xf32, #tpu.memory_space<hbm>>
      tpu.wait_indirect_dma semaphore(%arg12 : memref<!tpu.dma_semaphore, #tpu.memory_space<semaphore_mem>>) src(%dma_wait3A_360 : memref<102400x16xf32, #tpu.memory_space<hbm>>) dst(%dma_wait3A_354 : memref<128x16xf32, #tpu.memory_space<vmem>>)
      %dma_wait3A_361 = arith.constant 0 : i32
      %dma_wait3A_362 = tpu.memref_slice %arg10[%mul3A_228, %dma_wait3A_361] : memref<1536x16xf32, #tpu.memory_space<vmem>> -> memref<128x16xf32, #tpu.memory_space<vmem>>
      %dma_wait3A_363 = arith.constant 0 : i32
      %dma_wait3A_364 = tpu.memref_slice %arg9[%add3A_224, %dma_wait3A_363] : memref<24x128xi32, #tpu.memory_space<vmem>> -> memref<1x128xi32, #tpu.memory_space<vmem>>
      %dma_wait3A_365 = tpu.memref_squeeze %dma_wait3A_364 : memref<1x128xi32, #tpu.memory_space<vmem>> -> memref<128xi32, #tpu.memory_space<vmem>>
      %dma_wait3A_366 = arith.constant 0 : i32
      %dma_wait3A_367 = arith.constant 0 : i32
      %dma_wait3A_368 = tpu.memref_slice %arg4[%dma_wait3A_366, %dma_wait3A_367] : memref<102400x16xf32, #tpu.memory_space<hbm>> -> memref<102400x16xf32, #tpu.memory_space<hbm>>
      tpu.wait_indirect_dma semaphore(%arg12 : memref<!tpu.dma_semaphore, #tpu.memory_space<semaphore_mem>>) src(%dma_wait3A_368 : memref<102400x16xf32, #tpu.memory_space<hbm>>) dst(%dma_wait3A_362 : memref<128x16xf32, #tpu.memory_space<vmem>>)
      %dma_wait3A_369 = arith.constant 0 : i32
      %dma_wait3A_370 = tpu.memref_slice %arg10[%mul3A_242, %dma_wait3A_369] : memref<1536x16xf32, #tpu.memory_space<vmem>> -> memref<128x16xf32, #tpu.memory_space<vmem>>
      %dma_wait3A_371 = arith.constant 0 : i32
      %dma_wait3A_372 = tpu.memref_slice %arg9[%add3A_238, %dma_wait3A_371] : memref<24x128xi32, #tpu.memory_space<vmem>> -> memref<1x128xi32, #tpu.memory_space<vmem>>
      %dma_wait3A_373 = tpu.memref_squeeze %dma_wait3A_372 : memref<1x128xi32, #tpu.memory_space<vmem>> -> memref<128xi32, #tpu.memory_space<vmem>>
      %dma_wait3A_374 = arith.constant 0 : i32
      %dma_wait3A_375 = arith.constant 0 : i32
      %dma_wait3A_376 = tpu.memref_slice %arg4[%dma_wait3A_374, %dma_wait3A_375] : memref<102400x16xf32, #tpu.memory_space<hbm>> -> memref<102400x16xf32, #tpu.memory_space<hbm>>
      tpu.wait_indirect_dma semaphore(%arg12 : memref<!tpu.dma_semaphore, #tpu.memory_space<semaphore_mem>>) src(%dma_wait3A_376 : memref<102400x16xf32, #tpu.memory_space<hbm>>) dst(%dma_wait3A_370 : memref<128x16xf32, #tpu.memory_space<vmem>>)
      %dma_wait3A_377 = arith.constant 0 : i32
      %dma_wait3A_378 = tpu.memref_slice %arg10[%mul3A_256, %dma_wait3A_377] : memref<1536x16xf32, #tpu.memory_space<vmem>> -> memref<128x16xf32, #tpu.memory_space<vmem>>
      %dma_wait3A_379 = arith.constant 0 : i32
      %dma_wait3A_380 = tpu.memref_slice %arg9[%add3A_252, %dma_wait3A_379] : memref<24x128xi32, #tpu.memory_space<vmem>> -> memref<1x128xi32, #tpu.memory_space<vmem>>
      %dma_wait3A_381 = tpu.memref_squeeze %dma_wait3A_380 : memref<1x128xi32, #tpu.memory_space<vmem>> -> memref<128xi32, #tpu.memory_space<vmem>>
      %dma_wait3A_382 = arith.constant 0 : i32
      %dma_wait3A_383 = arith.constant 0 : i32
      %dma_wait3A_384 = tpu.memref_slice %arg4[%dma_wait3A_382, %dma_wait3A_383] : memref<102400x16xf32, #tpu.memory_space<hbm>> -> memref<102400x16xf32, #tpu.memory_space<hbm>>
      tpu.wait_indirect_dma semaphore(%arg12 : memref<!tpu.dma_semaphore, #tpu.memory_space<semaphore_mem>>) src(%dma_wait3A_384 : memref<102400x16xf32, #tpu.memory_space<hbm>>) dst(%dma_wait3A_378 : memref<128x16xf32, #tpu.memory_space<vmem>>)
      %dma_wait3A_385 = arith.constant 0 : i32
      %dma_wait3A_386 = tpu.memref_slice %arg10[%mul3A_270, %dma_wait3A_385] : memref<1536x16xf32, #tpu.memory_space<vmem>> -> memref<128x16xf32, #tpu.memory_space<vmem>>
      %dma_wait3A_387 = arith.constant 0 : i32
      %dma_wait3A_388 = tpu.memref_slice %arg9[%add3A_266, %dma_wait3A_387] : memref<24x128xi32, #tpu.memory_space<vmem>> -> memref<1x128xi32, #tpu.memory_space<vmem>>
      %dma_wait3A_389 = tpu.memref_squeeze %dma_wait3A_388 : memref<1x128xi32, #tpu.memory_space<vmem>> -> memref<128xi32, #tpu.memory_space<vmem>>
      %dma_wait3A_390 = arith.constant 0 : i32
      %dma_wait3A_391 = arith.constant 0 : i32
      %dma_wait3A_392 = tpu.memref_slice %arg4[%dma_wait3A_390, %dma_wait3A_391] : memref<102400x16xf32, #tpu.memory_space<hbm>> -> memref<102400x16xf32, #tpu.memory_space<hbm>>
      tpu.wait_indirect_dma semaphore(%arg12 : memref<!tpu.dma_semaphore, #tpu.memory_space<semaphore_mem>>) src(%dma_wait3A_392 : memref<102400x16xf32, #tpu.memory_space<hbm>>) dst(%dma_wait3A_386 : memref<128x16xf32, #tpu.memory_space<vmem>>)
      %scan3A_393 = arith.constant 0 : i32
      scf.yield %scan3A_393 : i32
    }
    %scan3A_111 = arith.constant 67 : i32
    %dma_wait3A_112 = arith.constant 0 : i32
    %dma_wait3A_113 = arith.constant 0 : i32
    %dma_wait3A_114 = tpu.memref_slice %arg9[%dma_wait3A_112, %dma_wait3A_113] : memref<24x128xi32, #tpu.memory_space<vmem>> -> memref<12x128xi32, #tpu.memory_space<vmem>>
    %dma_wait3A_115 = arith.constant 0 : i32
    %dma_wait3A_116 = arith.constant 0 : i32
    %dma_wait3A_117 = tpu.memref_slice %arg6[%dma_wait3A_115, %dma_wait3A_116] : memref<26112x128xi32, #tpu.memory_space<hbm>> -> memref<12x128xi32, #tpu.memory_space<hbm>>
    %dma_wait3A_118 = arith.constant 0 : i32
    %dma_wait3A_119 = arith.constant 0 : i32
    %dma_wait3A_120 = tpu.memref_slice %arg9[%dma_wait3A_118, %dma_wait3A_119] : memref<24x128xi32, #tpu.memory_space<vmem>> -> memref<12x128xi32, #tpu.memory_space<vmem>>
    %dma_wait3A_121 = arith.constant 0 : i32
    %dma_wait3A_122 = arith.constant 0 : i32
    %dma_wait3A_123 = tpu.memref_slice %arg6[%dma_wait3A_121, %dma_wait3A_122] : memref<26112x128xi32, #tpu.memory_space<hbm>> -> memref<12x128xi32, #tpu.memory_space<hbm>>
    tpu.wait_dma2 semaphore(%arg13 : memref<!tpu.dma_semaphore, #tpu.memory_space<semaphore_mem>>) src(%dma_wait3A_123 : memref<12x128xi32, #tpu.memory_space<hbm>>) dst(%dma_wait3A_120 : memref<12x128xi32, #tpu.memory_space<vmem>>)
    %barrier3A_124 = arith.constant 0 : index
    tpu.barrier barrier_id(%barrier3A_124)
    %mul3A_125 = arith.constant 6400 : i32
    %mul3A_126 = arith.muli %arg1, %mul3A_125 : i32
    %mul3A_127 = arith.constant 6400 : i32
    %mul3A_128 = arith.muli %arg1, %mul3A_127 : i32
    %run_scoped3A_129 = arith.constant 2 : i32
    "tpu.region"() ({
      %run_scoped3A_176 = tpu.sem_alloc : memref<!tpu.dma_semaphore, #tpu.memory_space<semaphore_mem>>
      %dma_start3A_177 = arith.constant 0 : i32
      %dma_start3A_178 = tpu.memref_slice %arg8[%run_scoped3A_129, %arg0, %mul3A_128, %dma_start3A_177] : memref<4x2x102400x16xf32, #tpu.memory_space<hbm>> -> memref<1x1x6400x16xf32, #tpu.memory_space<hbm>>
      %dma_start3A_179 = tpu.memref_squeeze %dma_start3A_178 : memref<1x1x6400x16xf32, #tpu.memory_space<hbm>> -> memref<6400x16xf32, #tpu.memory_space<hbm>>
      %dma_start3A_180 = arith.constant 0 : i32
      %dma_start3A_181 = tpu.memref_slice %arg11[%mul3A_126, %dma_start3A_180] : memref<102400x16xf32, #tpu.memory_space<vmem_shared>> -> memref<6400x16xf32, #tpu.memory_space<vmem_shared>>
      tpu.enqueue_dma source(%dma_start3A_181 : memref<6400x16xf32, #tpu.memory_space<vmem_shared>>) target(%dma_start3A_179 : memref<6400x16xf32, #tpu.memory_space<hbm>>) target_semaphore(%run_scoped3A_176 : memref<!tpu.dma_semaphore, #tpu.memory_space<semaphore_mem>>)
      %dma_wait3A_182 = arith.constant 0 : i32
      %dma_wait3A_183 = tpu.memref_slice %arg8[%run_scoped3A_129, %arg0, %mul3A_128, %dma_wait3A_182] : memref<4x2x102400x16xf32, #tpu.memory_space<hbm>> -> memref<1x1x6400x16xf32, #tpu.memory_space<hbm>>
      %dma_wait3A_184 = tpu.memref_squeeze %dma_wait3A_183 : memref<1x1x6400x16xf32, #tpu.memory_space<hbm>> -> memref<6400x16xf32, #tpu.memory_space<hbm>>
      %dma_wait3A_185 = arith.constant 0 : i32
      %dma_wait3A_186 = tpu.memref_slice %arg11[%mul3A_126, %dma_wait3A_185] : memref<102400x16xf32, #tpu.memory_space<vmem_shared>> -> memref<6400x16xf32, #tpu.memory_space<vmem_shared>>
      tpu.wait_dma2 semaphore(%run_scoped3A_176 : memref<!tpu.dma_semaphore, #tpu.memory_space<semaphore_mem>>) src(%dma_wait3A_186 : memref<6400x16xf32, #tpu.memory_space<vmem_shared>>) dst(%dma_wait3A_184 : memref<6400x16xf32, #tpu.memory_space<hbm>>)
      tpu.yield
    }) : () -> ()
    %barrier3A_130 = arith.constant 0 : index
    tpu.barrier barrier_id(%barrier3A_130)
    %mul3A_131 = arith.constant 6400 : i32
    %mul3A_132 = arith.muli %arg1, %mul3A_131 : i32
    %mul3A_133 = arith.constant 6400 : i32
    %mul3A_134 = arith.muli %arg1, %mul3A_133 : i32
    "tpu.region"() ({
      %run_scoped3A_176 = tpu.sem_alloc : memref<!tpu.dma_semaphore, #tpu.memory_space<semaphore_mem>>
      %dma_start3A_177 = arith.constant 0 : i32
      %dma_start3A_178 = tpu.memref_slice %arg11[%mul3A_134, %dma_start3A_177] : memref<102400x16xf32, #tpu.memory_space<vmem_shared>> -> memref<6400x16xf32, #tpu.memory_space<vmem_shared>>
      %dma_start3A_179 = arith.constant 0 : i32
      %dma_start3A_180 = tpu.memref_slice %arg7[%mul3A_132, %dma_start3A_179] : memref<102400x16xf32, #tpu.memory_space<hbm>> -> memref<6400x16xf32, #tpu.memory_space<hbm>>
      tpu.enqueue_dma source(%dma_start3A_180 : memref<6400x16xf32, #tpu.memory_space<hbm>>) target(%dma_start3A_178 : memref<6400x16xf32, #tpu.memory_space<vmem_shared>>) target_semaphore(%run_scoped3A_176 : memref<!tpu.dma_semaphore, #tpu.memory_space<semaphore_mem>>)
      %dma_wait3A_181 = arith.constant 0 : i32
      %dma_wait3A_182 = tpu.memref_slice %arg11[%mul3A_134, %dma_wait3A_181] : memref<102400x16xf32, #tpu.memory_space<vmem_shared>> -> memref<6400x16xf32, #tpu.memory_space<vmem_shared>>
      %dma_wait3A_183 = arith.constant 0 : i32
      %dma_wait3A_184 = tpu.memref_slice %arg7[%mul3A_132, %dma_wait3A_183] : memref<102400x16xf32, #tpu.memory_space<hbm>> -> memref<6400x16xf32, #tpu.memory_space<hbm>>
      tpu.wait_dma2 semaphore(%run_scoped3A_176 : memref<!tpu.dma_semaphore, #tpu.memory_space<semaphore_mem>>) src(%dma_wait3A_184 : memref<6400x16xf32, #tpu.memory_space<hbm>>) dst(%dma_wait3A_182 : memref<6400x16xf32, #tpu.memory_space<vmem_shared>>)
      tpu.yield
    }) : () -> ()
    %barrier3A_135 = arith.constant 0 : index
    tpu.barrier barrier_id(%barrier3A_135)
    %mul3A_136 = arith.constant 816 : i32
    %mul3A_137 = arith.muli %add3A, %mul3A_136 : i32
    "tpu.region"() ({
      %run_scoped3A_176 = tpu.sem_alloc : memref<!tpu.dma_semaphore, #tpu.memory_space<semaphore_mem>>
      %dma_start3A_177 = arith.constant 0 : i32
      %dma_start3A_178 = arith.constant 0 : i32
      %dma_start3A_179 = tpu.memref_slice %arg7[%dma_start3A_177, %dma_start3A_178] : memref<102400x16xf32, #tpu.memory_space<hbm>> -> memref<1536x16xf32, #tpu.memory_space<hbm>>
      %dma_start3A_180 = arith.constant 0 : i32
      %dma_start3A_181 = arith.constant 0 : i32
      %dma_start3A_182 = tpu.memref_slice %arg7[%dma_start3A_180, %dma_start3A_181] : memref<102400x16xf32, #tpu.memory_space<hbm>> -> memref<1536x16xf32, #tpu.memory_space<hbm>>
      tpu.enqueue_dma source(%dma_start3A_182 : memref<1536x16xf32, #tpu.memory_space<hbm>>) target(%arg10 : memref<1536x16xf32, #tpu.memory_space<vmem>>) target_semaphore(%run_scoped3A_176 : memref<!tpu.dma_semaphore, #tpu.memory_space<semaphore_mem>>)
      %dma_wait3A_183 = arith.constant 0 : i32
      %dma_wait3A_184 = arith.constant 0 : i32
      %dma_wait3A_185 = tpu.memref_slice %arg7[%dma_wait3A_183, %dma_wait3A_184] : memref<102400x16xf32, #tpu.memory_space<hbm>> -> memref<1536x16xf32, #tpu.memory_space<hbm>>
      %dma_wait3A_186 = arith.constant 0 : i32
      %dma_wait3A_187 = arith.constant 0 : i32
      %dma_wait3A_188 = tpu.memref_slice %arg7[%dma_wait3A_186, %dma_wait3A_187] : memref<102400x16xf32, #tpu.memory_space<hbm>> -> memref<1536x16xf32, #tpu.memory_space<hbm>>
      tpu.wait_dma2 semaphore(%run_scoped3A_176 : memref<!tpu.dma_semaphore, #tpu.memory_space<semaphore_mem>>) src(%dma_wait3A_188 : memref<1536x16xf32, #tpu.memory_space<hbm>>) dst(%arg10 : memref<1536x16xf32, #tpu.memory_space<vmem>>)
      tpu.yield
    }) : () -> ()
    %add3A_138 = arith.constant 792 : i32
    %add3A_139 = arith.addi %mul3A_137, %add3A_138 : i32
    "tpu.region"() ({
      %run_scoped3A_176 = tpu.sem_alloc : memref<!tpu.dma_semaphore, #tpu.memory_space<semaphore_mem>>
      %dma_start3A_177 = arith.constant 12 : i32
      %dma_start3A_178 = arith.constant 0 : i32
      %dma_start3A_179 = tpu.memref_slice %arg9[%dma_start3A_177, %dma_start3A_178] : memref<24x128xi32, #tpu.memory_space<vmem>> -> memref<12x128xi32, #tpu.memory_space<vmem>>
      %dma_start3A_180 = arith.constant 0 : i32
      %dma_start3A_181 = tpu.memref_slice %arg6[%add3A_139, %dma_start3A_180] : memref<26112x128xi32, #tpu.memory_space<hbm>> -> memref<12x128xi32, #tpu.memory_space<hbm>>
      %dma_start3A_182 = arith.constant 12 : i32
      %dma_start3A_183 = arith.constant 0 : i32
      %dma_start3A_184 = tpu.memref_slice %arg9[%dma_start3A_182, %dma_start3A_183] : memref<24x128xi32, #tpu.memory_space<vmem>> -> memref<12x128xi32, #tpu.memory_space<vmem>>
      %dma_start3A_185 = arith.constant 0 : i32
      %dma_start3A_186 = tpu.memref_slice %arg6[%add3A_139, %dma_start3A_185] : memref<26112x128xi32, #tpu.memory_space<hbm>> -> memref<12x128xi32, #tpu.memory_space<hbm>>
      tpu.enqueue_dma source(%dma_start3A_186 : memref<12x128xi32, #tpu.memory_space<hbm>>) target(%dma_start3A_184 : memref<12x128xi32, #tpu.memory_space<vmem>>) target_semaphore(%run_scoped3A_176 : memref<!tpu.dma_semaphore, #tpu.memory_space<semaphore_mem>>)
      %dma_wait3A_187 = arith.constant 12 : i32
      %dma_wait3A_188 = arith.constant 0 : i32
      %dma_wait3A_189 = tpu.memref_slice %arg9[%dma_wait3A_187, %dma_wait3A_188] : memref<24x128xi32, #tpu.memory_space<vmem>> -> memref<12x128xi32, #tpu.memory_space<vmem>>
      %dma_wait3A_190 = arith.constant 0 : i32
      %dma_wait3A_191 = tpu.memref_slice %arg6[%add3A_139, %dma_wait3A_190] : memref<26112x128xi32, #tpu.memory_space<hbm>> -> memref<12x128xi32, #tpu.memory_space<hbm>>
      %dma_wait3A_192 = arith.constant 12 : i32
      %dma_wait3A_193 = arith.constant 0 : i32
      %dma_wait3A_194 = tpu.memref_slice %arg9[%dma_wait3A_192, %dma_wait3A_193] : memref<24x128xi32, #tpu.memory_space<vmem>> -> memref<12x128xi32, #tpu.memory_space<vmem>>
      %dma_wait3A_195 = arith.constant 0 : i32
      %dma_wait3A_196 = tpu.memref_slice %arg6[%add3A_139, %dma_wait3A_195] : memref<26112x128xi32, #tpu.memory_space<hbm>> -> memref<12x128xi32, #tpu.memory_space<hbm>>
      tpu.wait_dma2 semaphore(%run_scoped3A_176 : memref<!tpu.dma_semaphore, #tpu.memory_space<semaphore_mem>>) src(%dma_wait3A_196 : memref<12x128xi32, #tpu.memory_space<hbm>>) dst(%dma_wait3A_194 : memref<12x128xi32, #tpu.memory_space<vmem>>)
      tpu.yield
    }) : () -> ()
    %dma_start3A_140 = arith.constant 0 : i32
    %dma_start3A_141 = arith.constant 0 : i32
    %dma_start3A_142 = tpu.memref_slice %arg9[%dma_start3A_140, %dma_start3A_141] : memref<24x128xi32, #tpu.memory_space<vmem>> -> memref<12x128xi32, #tpu.memory_space<vmem>>
    %dma_start3A_143 = arith.constant 0 : i32
    %dma_start3A_144 = tpu.memref_slice %arg6[%mul3A_137, %dma_start3A_143] : memref<26112x128xi32, #tpu.memory_space<hbm>> -> memref<12x128xi32, #tpu.memory_space<hbm>>
    %dma_start3A_145 = arith.constant 0 : i32
    %dma_start3A_146 = arith.constant 0 : i32
    %dma_start3A_147 = tpu.memref_slice %arg9[%dma_start3A_145, %dma_start3A_146] : memref<24x128xi32, #tpu.memory_space<vmem>> -> memref<12x128xi32, #tpu.memory_space<vmem>>
    %dma_start3A_148 = arith.constant 0 : i32
    %dma_start3A_149 = tpu.memref_slice %arg6[%mul3A_137, %dma_start3A_148] : memref<26112x128xi32, #tpu.memory_space<hbm>> -> memref<12x128xi32, #tpu.memory_space<hbm>>
    tpu.enqueue_dma source(%dma_start3A_149 : memref<12x128xi32, #tpu.memory_space<hbm>>) target(%dma_start3A_147 : memref<12x128xi32, #tpu.memory_space<vmem>>) target_semaphore(%arg13 : memref<!tpu.dma_semaphore, #tpu.memory_space<semaphore_mem>>)
    %scan3A_150 = arith.constant 0 : i32
    %scan3A_151 = arith.constant 0 : i32
    %scan3A_152 = arith.constant 67 : i32
    %scan3A_153 = arith.addi %scan3A_151, %scan3A_152 : i32
    %scan3A_154 = arith.constant 1 : i32
    %scan3A_155 = scf.for %scan3A_176 = %scan3A_151 to %scan3A_153 step %scan3A_154 iter_args(%scan3A_177 = %scan3A_150) -> (i32)  : i32 {
      %rem3A = arith.constant 2 : i32
      %rem3A_178 = arith.remsi %scan3A_176, %rem3A : i32
      %mul3A_179 = arith.constant 2 : i32
      %mul3A_180 = arith.muli %rem3A_178, %mul3A_179 : i32
      %mul3A_181 = arith.constant 6 : i32
      %mul3A_182 = arith.muli %mul3A_180, %mul3A_181 : i32
      %mul3A_183 = arith.constant 6 : i32
      %mul3A_184 = arith.muli %rem3A_178, %mul3A_183 : i32
      %dma_wait3A_185 = arith.constant 0 : i32
      %dma_wait3A_186 = tpu.memref_slice %arg9[%mul3A_182, %dma_wait3A_185] : memref<24x128xi32, #tpu.memory_space<vmem>> -> memref<12x128xi32, #tpu.memory_space<vmem>>
      %dma_wait3A_187 = arith.constant 0 : i32
      %dma_wait3A_188 = arith.constant 0 : i32
      %dma_wait3A_189 = tpu.memref_slice %arg6[%dma_wait3A_187, %dma_wait3A_188] : memref<26112x128xi32, #tpu.memory_space<hbm>> -> memref<12x128xi32, #tpu.memory_space<hbm>>
      %dma_wait3A_190 = arith.constant 0 : i32
      %dma_wait3A_191 = tpu.memref_slice %arg9[%mul3A_182, %dma_wait3A_190] : memref<24x128xi32, #tpu.memory_space<vmem>> -> memref<12x128xi32, #tpu.memory_space<vmem>>
      %dma_wait3A_192 = arith.constant 0 : i32
      %dma_wait3A_193 = arith.constant 0 : i32
      %dma_wait3A_194 = tpu.memref_slice %arg6[%dma_wait3A_192, %dma_wait3A_193] : memref<26112x128xi32, #tpu.memory_space<hbm>> -> memref<12x128xi32, #tpu.memory_space<hbm>>
      tpu.wait_dma2 semaphore(%arg13 : memref<!tpu.dma_semaphore, #tpu.memory_space<semaphore_mem>>) src(%dma_wait3A_194 : memref<12x128xi32, #tpu.memory_space<hbm>>) dst(%dma_wait3A_191 : memref<12x128xi32, #tpu.memory_space<vmem>>)
      %add3A_195 = arith.constant 0 : i32
      %add3A_196 = arith.addi %mul3A_182, %add3A_195 : i32
      %add3A_197 = arith.constant 0 : i32
      %add3A_198 = arith.addi %mul3A_184, %add3A_197 : i32
      %mul3A_199 = arith.constant 128 : i32
      %mul3A_200 = arith.muli %add3A_198, %mul3A_199 : i32
      %dma_start3A_201 = arith.constant 0 : i32
      %dma_start3A_202 = tpu.memref_slice %arg10[%mul3A_200, %dma_start3A_201] : memref<1536x16xf32, #tpu.memory_space<vmem>> -> memref<128x16xf32, #tpu.memory_space<vmem>>
      %dma_start3A_203 = arith.constant 0 : i32
      %dma_start3A_204 = tpu.memref_slice %arg9[%add3A_196, %dma_start3A_203] : memref<24x128xi32, #tpu.memory_space<vmem>> -> memref<1x128xi32, #tpu.memory_space<vmem>>
      %dma_start3A_205 = tpu.memref_squeeze %dma_start3A_204 : memref<1x128xi32, #tpu.memory_space<vmem>> -> memref<128xi32, #tpu.memory_space<vmem>>
      %dma_start3A_206 = arith.constant 0 : i32
      %dma_start3A_207 = arith.constant 0 : i32
      %dma_start3A_208 = tpu.memref_slice %arg5[%dma_start3A_206, %dma_start3A_207] : memref<102400x16xf32, #tpu.memory_space<hbm>> -> memref<102400x16xf32, #tpu.memory_space<hbm>>
      tpu.enqueue_indirect_dma source(%dma_start3A_208 : memref<102400x16xf32, #tpu.memory_space<hbm>>) target(%dma_start3A_202 : memref<128x16xf32, #tpu.memory_space<vmem>>) offsets(%dma_start3A_205 : memref<128xi32, #tpu.memory_space<vmem>>) semaphore(%arg12 : memref<!tpu.dma_semaphore, #tpu.memory_space<semaphore_mem>>)
      %add3A_209 = arith.constant 1 : i32
      %add3A_210 = arith.addi %mul3A_182, %add3A_209 : i32
      %add3A_211 = arith.constant 1 : i32
      %add3A_212 = arith.addi %mul3A_184, %add3A_211 : i32
      %mul3A_213 = arith.constant 128 : i32
      %mul3A_214 = arith.muli %add3A_212, %mul3A_213 : i32
      %dma_start3A_215 = arith.constant 0 : i32
      %dma_start3A_216 = tpu.memref_slice %arg10[%mul3A_214, %dma_start3A_215] : memref<1536x16xf32, #tpu.memory_space<vmem>> -> memref<128x16xf32, #tpu.memory_space<vmem>>
      %dma_start3A_217 = arith.constant 0 : i32
      %dma_start3A_218 = tpu.memref_slice %arg9[%add3A_210, %dma_start3A_217] : memref<24x128xi32, #tpu.memory_space<vmem>> -> memref<1x128xi32, #tpu.memory_space<vmem>>
      %dma_start3A_219 = tpu.memref_squeeze %dma_start3A_218 : memref<1x128xi32, #tpu.memory_space<vmem>> -> memref<128xi32, #tpu.memory_space<vmem>>
      %dma_start3A_220 = arith.constant 0 : i32
      %dma_start3A_221 = arith.constant 0 : i32
      %dma_start3A_222 = tpu.memref_slice %arg5[%dma_start3A_220, %dma_start3A_221] : memref<102400x16xf32, #tpu.memory_space<hbm>> -> memref<102400x16xf32, #tpu.memory_space<hbm>>
      tpu.enqueue_indirect_dma source(%dma_start3A_222 : memref<102400x16xf32, #tpu.memory_space<hbm>>) target(%dma_start3A_216 : memref<128x16xf32, #tpu.memory_space<vmem>>) offsets(%dma_start3A_219 : memref<128xi32, #tpu.memory_space<vmem>>) semaphore(%arg12 : memref<!tpu.dma_semaphore, #tpu.memory_space<semaphore_mem>>)
      %add3A_223 = arith.constant 2 : i32
      %add3A_224 = arith.addi %mul3A_182, %add3A_223 : i32
      %add3A_225 = arith.constant 2 : i32
      %add3A_226 = arith.addi %mul3A_184, %add3A_225 : i32
      %mul3A_227 = arith.constant 128 : i32
      %mul3A_228 = arith.muli %add3A_226, %mul3A_227 : i32
      %dma_start3A_229 = arith.constant 0 : i32
      %dma_start3A_230 = tpu.memref_slice %arg10[%mul3A_228, %dma_start3A_229] : memref<1536x16xf32, #tpu.memory_space<vmem>> -> memref<128x16xf32, #tpu.memory_space<vmem>>
      %dma_start3A_231 = arith.constant 0 : i32
      %dma_start3A_232 = tpu.memref_slice %arg9[%add3A_224, %dma_start3A_231] : memref<24x128xi32, #tpu.memory_space<vmem>> -> memref<1x128xi32, #tpu.memory_space<vmem>>
      %dma_start3A_233 = tpu.memref_squeeze %dma_start3A_232 : memref<1x128xi32, #tpu.memory_space<vmem>> -> memref<128xi32, #tpu.memory_space<vmem>>
      %dma_start3A_234 = arith.constant 0 : i32
      %dma_start3A_235 = arith.constant 0 : i32
      %dma_start3A_236 = tpu.memref_slice %arg5[%dma_start3A_234, %dma_start3A_235] : memref<102400x16xf32, #tpu.memory_space<hbm>> -> memref<102400x16xf32, #tpu.memory_space<hbm>>
      tpu.enqueue_indirect_dma source(%dma_start3A_236 : memref<102400x16xf32, #tpu.memory_space<hbm>>) target(%dma_start3A_230 : memref<128x16xf32, #tpu.memory_space<vmem>>) offsets(%dma_start3A_233 : memref<128xi32, #tpu.memory_space<vmem>>) semaphore(%arg12 : memref<!tpu.dma_semaphore, #tpu.memory_space<semaphore_mem>>)
      %add3A_237 = arith.constant 3 : i32
      %add3A_238 = arith.addi %mul3A_182, %add3A_237 : i32
      %add3A_239 = arith.constant 3 : i32
      %add3A_240 = arith.addi %mul3A_184, %add3A_239 : i32
      %mul3A_241 = arith.constant 128 : i32
      %mul3A_242 = arith.muli %add3A_240, %mul3A_241 : i32
      %dma_start3A_243 = arith.constant 0 : i32
      %dma_start3A_244 = tpu.memref_slice %arg10[%mul3A_242, %dma_start3A_243] : memref<1536x16xf32, #tpu.memory_space<vmem>> -> memref<128x16xf32, #tpu.memory_space<vmem>>
      %dma_start3A_245 = arith.constant 0 : i32
      %dma_start3A_246 = tpu.memref_slice %arg9[%add3A_238, %dma_start3A_245] : memref<24x128xi32, #tpu.memory_space<vmem>> -> memref<1x128xi32, #tpu.memory_space<vmem>>
      %dma_start3A_247 = tpu.memref_squeeze %dma_start3A_246 : memref<1x128xi32, #tpu.memory_space<vmem>> -> memref<128xi32, #tpu.memory_space<vmem>>
      %dma_start3A_248 = arith.constant 0 : i32
      %dma_start3A_249 = arith.constant 0 : i32
      %dma_start3A_250 = tpu.memref_slice %arg5[%dma_start3A_248, %dma_start3A_249] : memref<102400x16xf32, #tpu.memory_space<hbm>> -> memref<102400x16xf32, #tpu.memory_space<hbm>>
      tpu.enqueue_indirect_dma source(%dma_start3A_250 : memref<102400x16xf32, #tpu.memory_space<hbm>>) target(%dma_start3A_244 : memref<128x16xf32, #tpu.memory_space<vmem>>) offsets(%dma_start3A_247 : memref<128xi32, #tpu.memory_space<vmem>>) semaphore(%arg12 : memref<!tpu.dma_semaphore, #tpu.memory_space<semaphore_mem>>)
      %add3A_251 = arith.constant 4 : i32
      %add3A_252 = arith.addi %mul3A_182, %add3A_251 : i32
      %add3A_253 = arith.constant 4 : i32
      %add3A_254 = arith.addi %mul3A_184, %add3A_253 : i32
      %mul3A_255 = arith.constant 128 : i32
      %mul3A_256 = arith.muli %add3A_254, %mul3A_255 : i32
      %dma_start3A_257 = arith.constant 0 : i32
      %dma_start3A_258 = tpu.memref_slice %arg10[%mul3A_256, %dma_start3A_257] : memref<1536x16xf32, #tpu.memory_space<vmem>> -> memref<128x16xf32, #tpu.memory_space<vmem>>
      %dma_start3A_259 = arith.constant 0 : i32
      %dma_start3A_260 = tpu.memref_slice %arg9[%add3A_252, %dma_start3A_259] : memref<24x128xi32, #tpu.memory_space<vmem>> -> memref<1x128xi32, #tpu.memory_space<vmem>>
      %dma_start3A_261 = tpu.memref_squeeze %dma_start3A_260 : memref<1x128xi32, #tpu.memory_space<vmem>> -> memref<128xi32, #tpu.memory_space<vmem>>
      %dma_start3A_262 = arith.constant 0 : i32
      %dma_start3A_263 = arith.constant 0 : i32
      %dma_start3A_264 = tpu.memref_slice %arg5[%dma_start3A_262, %dma_start3A_263] : memref<102400x16xf32, #tpu.memory_space<hbm>> -> memref<102400x16xf32, #tpu.memory_space<hbm>>
      tpu.enqueue_indirect_dma source(%dma_start3A_264 : memref<102400x16xf32, #tpu.memory_space<hbm>>) target(%dma_start3A_258 : memref<128x16xf32, #tpu.memory_space<vmem>>) offsets(%dma_start3A_261 : memref<128xi32, #tpu.memory_space<vmem>>) semaphore(%arg12 : memref<!tpu.dma_semaphore, #tpu.memory_space<semaphore_mem>>)
      %add3A_265 = arith.constant 5 : i32
      %add3A_266 = arith.addi %mul3A_182, %add3A_265 : i32
      %add3A_267 = arith.constant 5 : i32
      %add3A_268 = arith.addi %mul3A_184, %add3A_267 : i32
      %mul3A_269 = arith.constant 128 : i32
      %mul3A_270 = arith.muli %add3A_268, %mul3A_269 : i32
      %dma_start3A_271 = arith.constant 0 : i32
      %dma_start3A_272 = tpu.memref_slice %arg10[%mul3A_270, %dma_start3A_271] : memref<1536x16xf32, #tpu.memory_space<vmem>> -> memref<128x16xf32, #tpu.memory_space<vmem>>
      %dma_start3A_273 = arith.constant 0 : i32
      %dma_start3A_274 = tpu.memref_slice %arg9[%add3A_266, %dma_start3A_273] : memref<24x128xi32, #tpu.memory_space<vmem>> -> memref<1x128xi32, #tpu.memory_space<vmem>>
      %dma_start3A_275 = tpu.memref_squeeze %dma_start3A_274 : memref<1x128xi32, #tpu.memory_space<vmem>> -> memref<128xi32, #tpu.memory_space<vmem>>
      %dma_start3A_276 = arith.constant 0 : i32
      %dma_start3A_277 = arith.constant 0 : i32
      %dma_start3A_278 = tpu.memref_slice %arg5[%dma_start3A_276, %dma_start3A_277] : memref<102400x16xf32, #tpu.memory_space<hbm>> -> memref<102400x16xf32, #tpu.memory_space<hbm>>
      tpu.enqueue_indirect_dma source(%dma_start3A_278 : memref<102400x16xf32, #tpu.memory_space<hbm>>) target(%dma_start3A_272 : memref<128x16xf32, #tpu.memory_space<vmem>>) offsets(%dma_start3A_275 : memref<128xi32, #tpu.memory_space<vmem>>) semaphore(%arg12 : memref<!tpu.dma_semaphore, #tpu.memory_space<semaphore_mem>>)
      %sub3A = arith.constant 12 : i32
      %sub3A_279 = arith.subi %sub3A, %mul3A_182 : i32
      %sub3A_280 = arith.constant 6 : i32
      %sub3A_281 = arith.subi %sub3A_280, %mul3A_184 : i32
      %add3A_282 = arith.constant 0 : i32
      %add3A_283 = arith.addi %sub3A_281, %add3A_282 : i32
      %mul3A_284 = arith.constant 128 : i32
      %mul3A_285 = arith.muli %add3A_283, %mul3A_284 : i32
      %add3A_286 = arith.constant 6 : i32
      %add3A_287 = arith.addi %sub3A_279, %add3A_286 : i32
      %add3A_288 = arith.constant 0 : i32
      %add3A_289 = arith.addi %add3A_287, %add3A_288 : i32
      "tpu.region"() ({
        %run_scoped3A_394 = tpu.sem_alloc : memref<!tpu.dma_semaphore, #tpu.memory_space<semaphore_mem>>
        %dma_start3A_395 = arith.constant 0 : i32
        %dma_start3A_396 = tpu.memref_slice %arg10[%mul3A_285, %dma_start3A_395] : memref<1536x16xf32, #tpu.memory_space<vmem>> -> memref<128x16xf32, #tpu.memory_space<vmem>>
        %dma_start3A_397 = arith.constant 0 : i32
        %dma_start3A_398 = tpu.memref_slice %arg9[%add3A_289, %dma_start3A_397] : memref<24x128xi32, #tpu.memory_space<vmem>> -> memref<1x128xi32, #tpu.memory_space<vmem>>
        %dma_start3A_399 = tpu.memref_squeeze %dma_start3A_398 : memref<1x128xi32, #tpu.memory_space<vmem>> -> memref<128xi32, #tpu.memory_space<vmem>>
        %dma_start3A_400 = arith.constant 0 : i32
        %dma_start3A_401 = arith.constant 0 : i32
        %dma_start3A_402 = tpu.memref_slice %arg11[%dma_start3A_400, %dma_start3A_401] : memref<102400x16xf32, #tpu.memory_space<vmem_shared>> -> memref<102400x16xf32, #tpu.memory_space<vmem_shared>>
        tpu.enqueue_indirect_dma source(%dma_start3A_396 : memref<128x16xf32, #tpu.memory_space<vmem>>) target(%dma_start3A_402 : memref<102400x16xf32, #tpu.memory_space<vmem_shared>>) offsets(%dma_start3A_399 : memref<128xi32, #tpu.memory_space<vmem>>) semaphore(%run_scoped3A_394 : memref<!tpu.dma_semaphore, #tpu.memory_space<semaphore_mem>>) {add = true}
        %dma_wait3A_403 = arith.constant 0 : i32
        %dma_wait3A_404 = tpu.memref_slice %arg10[%mul3A_285, %dma_wait3A_403] : memref<1536x16xf32, #tpu.memory_space<vmem>> -> memref<128x16xf32, #tpu.memory_space<vmem>>
        %dma_wait3A_405 = arith.constant 0 : i32
        %dma_wait3A_406 = tpu.memref_slice %arg9[%add3A_289, %dma_wait3A_405] : memref<24x128xi32, #tpu.memory_space<vmem>> -> memref<1x128xi32, #tpu.memory_space<vmem>>
        %dma_wait3A_407 = tpu.memref_squeeze %dma_wait3A_406 : memref<1x128xi32, #tpu.memory_space<vmem>> -> memref<128xi32, #tpu.memory_space<vmem>>
        %dma_wait3A_408 = arith.constant 0 : i32
        %dma_wait3A_409 = arith.constant 0 : i32
        %dma_wait3A_410 = tpu.memref_slice %arg11[%dma_wait3A_408, %dma_wait3A_409] : memref<102400x16xf32, #tpu.memory_space<vmem_shared>> -> memref<102400x16xf32, #tpu.memory_space<vmem_shared>>
        tpu.wait_indirect_dma semaphore(%run_scoped3A_394 : memref<!tpu.dma_semaphore, #tpu.memory_space<semaphore_mem>>) src(%dma_wait3A_404 : memref<128x16xf32, #tpu.memory_space<vmem>>) dst(%dma_wait3A_410 : memref<102400x16xf32, #tpu.memory_space<vmem_shared>>)
        tpu.yield
      }) : () -> ()
      %add3A_290 = arith.constant 1 : i32
      %add3A_291 = arith.addi %sub3A_281, %add3A_290 : i32
      %mul3A_292 = arith.constant 128 : i32
      %mul3A_293 = arith.muli %add3A_291, %mul3A_292 : i32
      %add3A_294 = arith.constant 6 : i32
      %add3A_295 = arith.addi %sub3A_279, %add3A_294 : i32
      %add3A_296 = arith.constant 1 : i32
      %add3A_297 = arith.addi %add3A_295, %add3A_296 : i32
      "tpu.region"() ({
        %run_scoped3A_394 = tpu.sem_alloc : memref<!tpu.dma_semaphore, #tpu.memory_space<semaphore_mem>>
        %dma_start3A_395 = arith.constant 0 : i32
        %dma_start3A_396 = tpu.memref_slice %arg10[%mul3A_293, %dma_start3A_395] : memref<1536x16xf32, #tpu.memory_space<vmem>> -> memref<128x16xf32, #tpu.memory_space<vmem>>
        %dma_start3A_397 = arith.constant 0 : i32
        %dma_start3A_398 = tpu.memref_slice %arg9[%add3A_297, %dma_start3A_397] : memref<24x128xi32, #tpu.memory_space<vmem>> -> memref<1x128xi32, #tpu.memory_space<vmem>>
        %dma_start3A_399 = tpu.memref_squeeze %dma_start3A_398 : memref<1x128xi32, #tpu.memory_space<vmem>> -> memref<128xi32, #tpu.memory_space<vmem>>
        %dma_start3A_400 = arith.constant 0 : i32
        %dma_start3A_401 = arith.constant 0 : i32
        %dma_start3A_402 = tpu.memref_slice %arg11[%dma_start3A_400, %dma_start3A_401] : memref<102400x16xf32, #tpu.memory_space<vmem_shared>> -> memref<102400x16xf32, #tpu.memory_space<vmem_shared>>
        tpu.enqueue_indirect_dma source(%dma_start3A_396 : memref<128x16xf32, #tpu.memory_space<vmem>>) target(%dma_start3A_402 : memref<102400x16xf32, #tpu.memory_space<vmem_shared>>) offsets(%dma_start3A_399 : memref<128xi32, #tpu.memory_space<vmem>>) semaphore(%run_scoped3A_394 : memref<!tpu.dma_semaphore, #tpu.memory_space<semaphore_mem>>) {add = true}
        %dma_wait3A_403 = arith.constant 0 : i32
        %dma_wait3A_404 = tpu.memref_slice %arg10[%mul3A_293, %dma_wait3A_403] : memref<1536x16xf32, #tpu.memory_space<vmem>> -> memref<128x16xf32, #tpu.memory_space<vmem>>
        %dma_wait3A_405 = arith.constant 0 : i32
        %dma_wait3A_406 = tpu.memref_slice %arg9[%add3A_297, %dma_wait3A_405] : memref<24x128xi32, #tpu.memory_space<vmem>> -> memref<1x128xi32, #tpu.memory_space<vmem>>
        %dma_wait3A_407 = tpu.memref_squeeze %dma_wait3A_406 : memref<1x128xi32, #tpu.memory_space<vmem>> -> memref<128xi32, #tpu.memory_space<vmem>>
        %dma_wait3A_408 = arith.constant 0 : i32
        %dma_wait3A_409 = arith.constant 0 : i32
        %dma_wait3A_410 = tpu.memref_slice %arg11[%dma_wait3A_408, %dma_wait3A_409] : memref<102400x16xf32, #tpu.memory_space<vmem_shared>> -> memref<102400x16xf32, #tpu.memory_space<vmem_shared>>
        tpu.wait_indirect_dma semaphore(%run_scoped3A_394 : memref<!tpu.dma_semaphore, #tpu.memory_space<semaphore_mem>>) src(%dma_wait3A_404 : memref<128x16xf32, #tpu.memory_space<vmem>>) dst(%dma_wait3A_410 : memref<102400x16xf32, #tpu.memory_space<vmem_shared>>)
        tpu.yield
      }) : () -> ()
      %add3A_298 = arith.constant 2 : i32
      %add3A_299 = arith.addi %sub3A_281, %add3A_298 : i32
      %mul3A_300 = arith.constant 128 : i32
      %mul3A_301 = arith.muli %add3A_299, %mul3A_300 : i32
      %add3A_302 = arith.constant 6 : i32
      %add3A_303 = arith.addi %sub3A_279, %add3A_302 : i32
      %add3A_304 = arith.constant 2 : i32
      %add3A_305 = arith.addi %add3A_303, %add3A_304 : i32
      "tpu.region"() ({
        %run_scoped3A_394 = tpu.sem_alloc : memref<!tpu.dma_semaphore, #tpu.memory_space<semaphore_mem>>
        %dma_start3A_395 = arith.constant 0 : i32
        %dma_start3A_396 = tpu.memref_slice %arg10[%mul3A_301, %dma_start3A_395] : memref<1536x16xf32, #tpu.memory_space<vmem>> -> memref<128x16xf32, #tpu.memory_space<vmem>>
        %dma_start3A_397 = arith.constant 0 : i32
        %dma_start3A_398 = tpu.memref_slice %arg9[%add3A_305, %dma_start3A_397] : memref<24x128xi32, #tpu.memory_space<vmem>> -> memref<1x128xi32, #tpu.memory_space<vmem>>
        %dma_start3A_399 = tpu.memref_squeeze %dma_start3A_398 : memref<1x128xi32, #tpu.memory_space<vmem>> -> memref<128xi32, #tpu.memory_space<vmem>>
        %dma_start3A_400 = arith.constant 0 : i32
        %dma_start3A_401 = arith.constant 0 : i32
        %dma_start3A_402 = tpu.memref_slice %arg11[%dma_start3A_400, %dma_start3A_401] : memref<102400x16xf32, #tpu.memory_space<vmem_shared>> -> memref<102400x16xf32, #tpu.memory_space<vmem_shared>>
        tpu.enqueue_indirect_dma source(%dma_start3A_396 : memref<128x16xf32, #tpu.memory_space<vmem>>) target(%dma_start3A_402 : memref<102400x16xf32, #tpu.memory_space<vmem_shared>>) offsets(%dma_start3A_399 : memref<128xi32, #tpu.memory_space<vmem>>) semaphore(%run_scoped3A_394 : memref<!tpu.dma_semaphore, #tpu.memory_space<semaphore_mem>>) {add = true}
        %dma_wait3A_403 = arith.constant 0 : i32
        %dma_wait3A_404 = tpu.memref_slice %arg10[%mul3A_301, %dma_wait3A_403] : memref<1536x16xf32, #tpu.memory_space<vmem>> -> memref<128x16xf32, #tpu.memory_space<vmem>>
        %dma_wait3A_405 = arith.constant 0 : i32
        %dma_wait3A_406 = tpu.memref_slice %arg9[%add3A_305, %dma_wait3A_405] : memref<24x128xi32, #tpu.memory_space<vmem>> -> memref<1x128xi32, #tpu.memory_space<vmem>>
        %dma_wait3A_407 = tpu.memref_squeeze %dma_wait3A_406 : memref<1x128xi32, #tpu.memory_space<vmem>> -> memref<128xi32, #tpu.memory_space<vmem>>
        %dma_wait3A_408 = arith.constant 0 : i32
        %dma_wait3A_409 = arith.constant 0 : i32
        %dma_wait3A_410 = tpu.memref_slice %arg11[%dma_wait3A_408, %dma_wait3A_409] : memref<102400x16xf32, #tpu.memory_space<vmem_shared>> -> memref<102400x16xf32, #tpu.memory_space<vmem_shared>>
        tpu.wait_indirect_dma semaphore(%run_scoped3A_394 : memref<!tpu.dma_semaphore, #tpu.memory_space<semaphore_mem>>) src(%dma_wait3A_404 : memref<128x16xf32, #tpu.memory_space<vmem>>) dst(%dma_wait3A_410 : memref<102400x16xf32, #tpu.memory_space<vmem_shared>>)
        tpu.yield
      }) : () -> ()
      %add3A_306 = arith.constant 3 : i32
      %add3A_307 = arith.addi %sub3A_281, %add3A_306 : i32
      %mul3A_308 = arith.constant 128 : i32
      %mul3A_309 = arith.muli %add3A_307, %mul3A_308 : i32
      %add3A_310 = arith.constant 6 : i32
      %add3A_311 = arith.addi %sub3A_279, %add3A_310 : i32
      %add3A_312 = arith.constant 3 : i32
      %add3A_313 = arith.addi %add3A_311, %add3A_312 : i32
      "tpu.region"() ({
        %run_scoped3A_394 = tpu.sem_alloc : memref<!tpu.dma_semaphore, #tpu.memory_space<semaphore_mem>>
        %dma_start3A_395 = arith.constant 0 : i32
        %dma_start3A_396 = tpu.memref_slice %arg10[%mul3A_309, %dma_start3A_395] : memref<1536x16xf32, #tpu.memory_space<vmem>> -> memref<128x16xf32, #tpu.memory_space<vmem>>
        %dma_start3A_397 = arith.constant 0 : i32
        %dma_start3A_398 = tpu.memref_slice %arg9[%add3A_313, %dma_start3A_397] : memref<24x128xi32, #tpu.memory_space<vmem>> -> memref<1x128xi32, #tpu.memory_space<vmem>>
        %dma_start3A_399 = tpu.memref_squeeze %dma_start3A_398 : memref<1x128xi32, #tpu.memory_space<vmem>> -> memref<128xi32, #tpu.memory_space<vmem>>
        %dma_start3A_400 = arith.constant 0 : i32
        %dma_start3A_401 = arith.constant 0 : i32
        %dma_start3A_402 = tpu.memref_slice %arg11[%dma_start3A_400, %dma_start3A_401] : memref<102400x16xf32, #tpu.memory_space<vmem_shared>> -> memref<102400x16xf32, #tpu.memory_space<vmem_shared>>
        tpu.enqueue_indirect_dma source(%dma_start3A_396 : memref<128x16xf32, #tpu.memory_space<vmem>>) target(%dma_start3A_402 : memref<102400x16xf32, #tpu.memory_space<vmem_shared>>) offsets(%dma_start3A_399 : memref<128xi32, #tpu.memory_space<vmem>>) semaphore(%run_scoped3A_394 : memref<!tpu.dma_semaphore, #tpu.memory_space<semaphore_mem>>) {add = true}
        %dma_wait3A_403 = arith.constant 0 : i32
        %dma_wait3A_404 = tpu.memref_slice %arg10[%mul3A_309, %dma_wait3A_403] : memref<1536x16xf32, #tpu.memory_space<vmem>> -> memref<128x16xf32, #tpu.memory_space<vmem>>
        %dma_wait3A_405 = arith.constant 0 : i32
        %dma_wait3A_406 = tpu.memref_slice %arg9[%add3A_313, %dma_wait3A_405] : memref<24x128xi32, #tpu.memory_space<vmem>> -> memref<1x128xi32, #tpu.memory_space<vmem>>
        %dma_wait3A_407 = tpu.memref_squeeze %dma_wait3A_406 : memref<1x128xi32, #tpu.memory_space<vmem>> -> memref<128xi32, #tpu.memory_space<vmem>>
        %dma_wait3A_408 = arith.constant 0 : i32
        %dma_wait3A_409 = arith.constant 0 : i32
        %dma_wait3A_410 = tpu.memref_slice %arg11[%dma_wait3A_408, %dma_wait3A_409] : memref<102400x16xf32, #tpu.memory_space<vmem_shared>> -> memref<102400x16xf32, #tpu.memory_space<vmem_shared>>
        tpu.wait_indirect_dma semaphore(%run_scoped3A_394 : memref<!tpu.dma_semaphore, #tpu.memory_space<semaphore_mem>>) src(%dma_wait3A_404 : memref<128x16xf32, #tpu.memory_space<vmem>>) dst(%dma_wait3A_410 : memref<102400x16xf32, #tpu.memory_space<vmem_shared>>)
        tpu.yield
      }) : () -> ()
      %add3A_314 = arith.constant 4 : i32
      %add3A_315 = arith.addi %sub3A_281, %add3A_314 : i32
      %mul3A_316 = arith.constant 128 : i32
      %mul3A_317 = arith.muli %add3A_315, %mul3A_316 : i32
      %add3A_318 = arith.constant 6 : i32
      %add3A_319 = arith.addi %sub3A_279, %add3A_318 : i32
      %add3A_320 = arith.constant 4 : i32
      %add3A_321 = arith.addi %add3A_319, %add3A_320 : i32
      "tpu.region"() ({
        %run_scoped3A_394 = tpu.sem_alloc : memref<!tpu.dma_semaphore, #tpu.memory_space<semaphore_mem>>
        %dma_start3A_395 = arith.constant 0 : i32
        %dma_start3A_396 = tpu.memref_slice %arg10[%mul3A_317, %dma_start3A_395] : memref<1536x16xf32, #tpu.memory_space<vmem>> -> memref<128x16xf32, #tpu.memory_space<vmem>>
        %dma_start3A_397 = arith.constant 0 : i32
        %dma_start3A_398 = tpu.memref_slice %arg9[%add3A_321, %dma_start3A_397] : memref<24x128xi32, #tpu.memory_space<vmem>> -> memref<1x128xi32, #tpu.memory_space<vmem>>
        %dma_start3A_399 = tpu.memref_squeeze %dma_start3A_398 : memref<1x128xi32, #tpu.memory_space<vmem>> -> memref<128xi32, #tpu.memory_space<vmem>>
        %dma_start3A_400 = arith.constant 0 : i32
        %dma_start3A_401 = arith.constant 0 : i32
        %dma_start3A_402 = tpu.memref_slice %arg11[%dma_start3A_400, %dma_start3A_401] : memref<102400x16xf32, #tpu.memory_space<vmem_shared>> -> memref<102400x16xf32, #tpu.memory_space<vmem_shared>>
        tpu.enqueue_indirect_dma source(%dma_start3A_396 : memref<128x16xf32, #tpu.memory_space<vmem>>) target(%dma_start3A_402 : memref<102400x16xf32, #tpu.memory_space<vmem_shared>>) offsets(%dma_start3A_399 : memref<128xi32, #tpu.memory_space<vmem>>) semaphore(%run_scoped3A_394 : memref<!tpu.dma_semaphore, #tpu.memory_space<semaphore_mem>>) {add = true}
        %dma_wait3A_403 = arith.constant 0 : i32
        %dma_wait3A_404 = tpu.memref_slice %arg10[%mul3A_317, %dma_wait3A_403] : memref<1536x16xf32, #tpu.memory_space<vmem>> -> memref<128x16xf32, #tpu.memory_space<vmem>>
        %dma_wait3A_405 = arith.constant 0 : i32
        %dma_wait3A_406 = tpu.memref_slice %arg9[%add3A_321, %dma_wait3A_405] : memref<24x128xi32, #tpu.memory_space<vmem>> -> memref<1x128xi32, #tpu.memory_space<vmem>>
        %dma_wait3A_407 = tpu.memref_squeeze %dma_wait3A_406 : memref<1x128xi32, #tpu.memory_space<vmem>> -> memref<128xi32, #tpu.memory_space<vmem>>
        %dma_wait3A_408 = arith.constant 0 : i32
        %dma_wait3A_409 = arith.constant 0 : i32
        %dma_wait3A_410 = tpu.memref_slice %arg11[%dma_wait3A_408, %dma_wait3A_409] : memref<102400x16xf32, #tpu.memory_space<vmem_shared>> -> memref<102400x16xf32, #tpu.memory_space<vmem_shared>>
        tpu.wait_indirect_dma semaphore(%run_scoped3A_394 : memref<!tpu.dma_semaphore, #tpu.memory_space<semaphore_mem>>) src(%dma_wait3A_404 : memref<128x16xf32, #tpu.memory_space<vmem>>) dst(%dma_wait3A_410 : memref<102400x16xf32, #tpu.memory_space<vmem_shared>>)
        tpu.yield
      }) : () -> ()
      %add3A_322 = arith.constant 5 : i32
      %add3A_323 = arith.addi %sub3A_281, %add3A_322 : i32
      %mul3A_324 = arith.constant 128 : i32
      %mul3A_325 = arith.muli %add3A_323, %mul3A_324 : i32
      %add3A_326 = arith.constant 6 : i32
      %add3A_327 = arith.addi %sub3A_279, %add3A_326 : i32
      %add3A_328 = arith.constant 5 : i32
      %add3A_329 = arith.addi %add3A_327, %add3A_328 : i32
      "tpu.region"() ({
        %run_scoped3A_394 = tpu.sem_alloc : memref<!tpu.dma_semaphore, #tpu.memory_space<semaphore_mem>>
        %dma_start3A_395 = arith.constant 0 : i32
        %dma_start3A_396 = tpu.memref_slice %arg10[%mul3A_325, %dma_start3A_395] : memref<1536x16xf32, #tpu.memory_space<vmem>> -> memref<128x16xf32, #tpu.memory_space<vmem>>
        %dma_start3A_397 = arith.constant 0 : i32
        %dma_start3A_398 = tpu.memref_slice %arg9[%add3A_329, %dma_start3A_397] : memref<24x128xi32, #tpu.memory_space<vmem>> -> memref<1x128xi32, #tpu.memory_space<vmem>>
        %dma_start3A_399 = tpu.memref_squeeze %dma_start3A_398 : memref<1x128xi32, #tpu.memory_space<vmem>> -> memref<128xi32, #tpu.memory_space<vmem>>
        %dma_start3A_400 = arith.constant 0 : i32
        %dma_start3A_401 = arith.constant 0 : i32
        %dma_start3A_402 = tpu.memref_slice %arg11[%dma_start3A_400, %dma_start3A_401] : memref<102400x16xf32, #tpu.memory_space<vmem_shared>> -> memref<102400x16xf32, #tpu.memory_space<vmem_shared>>
        tpu.enqueue_indirect_dma source(%dma_start3A_396 : memref<128x16xf32, #tpu.memory_space<vmem>>) target(%dma_start3A_402 : memref<102400x16xf32, #tpu.memory_space<vmem_shared>>) offsets(%dma_start3A_399 : memref<128xi32, #tpu.memory_space<vmem>>) semaphore(%run_scoped3A_394 : memref<!tpu.dma_semaphore, #tpu.memory_space<semaphore_mem>>) {add = true}
        %dma_wait3A_403 = arith.constant 0 : i32
        %dma_wait3A_404 = tpu.memref_slice %arg10[%mul3A_325, %dma_wait3A_403] : memref<1536x16xf32, #tpu.memory_space<vmem>> -> memref<128x16xf32, #tpu.memory_space<vmem>>
        %dma_wait3A_405 = arith.constant 0 : i32
        %dma_wait3A_406 = tpu.memref_slice %arg9[%add3A_329, %dma_wait3A_405] : memref<24x128xi32, #tpu.memory_space<vmem>> -> memref<1x128xi32, #tpu.memory_space<vmem>>
        %dma_wait3A_407 = tpu.memref_squeeze %dma_wait3A_406 : memref<1x128xi32, #tpu.memory_space<vmem>> -> memref<128xi32, #tpu.memory_space<vmem>>
        %dma_wait3A_408 = arith.constant 0 : i32
        %dma_wait3A_409 = arith.constant 0 : i32
        %dma_wait3A_410 = tpu.memref_slice %arg11[%dma_wait3A_408, %dma_wait3A_409] : memref<102400x16xf32, #tpu.memory_space<vmem_shared>> -> memref<102400x16xf32, #tpu.memory_space<vmem_shared>>
        tpu.wait_indirect_dma semaphore(%run_scoped3A_394 : memref<!tpu.dma_semaphore, #tpu.memory_space<semaphore_mem>>) src(%dma_wait3A_404 : memref<128x16xf32, #tpu.memory_space<vmem>>) dst(%dma_wait3A_410 : memref<102400x16xf32, #tpu.memory_space<vmem_shared>>)
        tpu.yield
      }) : () -> ()
      %add3A_330 = arith.constant 1 : i32
      %add3A_331 = arith.addi %scan3A_176, %add3A_330 : i32
      %mul3A_332 = arith.constant 2 : i32
      %mul3A_333 = arith.muli %add3A_331, %mul3A_332 : i32
      %mul3A_334 = arith.constant 6 : i32
      %mul3A_335 = arith.muli %mul3A_333, %mul3A_334 : i32
      %add3A_336 = arith.addi %mul3A_137, %mul3A_335 : i32
      %dma_start3A_337 = arith.constant 0 : i32
      %dma_start3A_338 = tpu.memref_slice %arg9[%sub3A_279, %dma_start3A_337] : memref<24x128xi32, #tpu.memory_space<vmem>> -> memref<12x128xi32, #tpu.memory_space<vmem>>
      %dma_start3A_339 = arith.constant 0 : i32
      %dma_start3A_340 = tpu.memref_slice %arg6[%add3A_336, %dma_start3A_339] : memref<26112x128xi32, #tpu.memory_space<hbm>> -> memref<12x128xi32, #tpu.memory_space<hbm>>
      %dma_start3A_341 = arith.constant 0 : i32
      %dma_start3A_342 = tpu.memref_slice %arg9[%sub3A_279, %dma_start3A_341] : memref<24x128xi32, #tpu.memory_space<vmem>> -> memref<12x128xi32, #tpu.memory_space<vmem>>
      %dma_start3A_343 = arith.constant 0 : i32
      %dma_start3A_344 = tpu.memref_slice %arg6[%add3A_336, %dma_start3A_343] : memref<26112x128xi32, #tpu.memory_space<hbm>> -> memref<12x128xi32, #tpu.memory_space<hbm>>
      tpu.enqueue_dma source(%dma_start3A_344 : memref<12x128xi32, #tpu.memory_space<hbm>>) target(%dma_start3A_342 : memref<12x128xi32, #tpu.memory_space<vmem>>) target_semaphore(%arg13 : memref<!tpu.dma_semaphore, #tpu.memory_space<semaphore_mem>>)
      %dma_wait3A_345 = arith.constant 0 : i32
      %dma_wait3A_346 = tpu.memref_slice %arg10[%mul3A_200, %dma_wait3A_345] : memref<1536x16xf32, #tpu.memory_space<vmem>> -> memref<128x16xf32, #tpu.memory_space<vmem>>
      %dma_wait3A_347 = arith.constant 0 : i32
      %dma_wait3A_348 = tpu.memref_slice %arg9[%add3A_196, %dma_wait3A_347] : memref<24x128xi32, #tpu.memory_space<vmem>> -> memref<1x128xi32, #tpu.memory_space<vmem>>
      %dma_wait3A_349 = tpu.memref_squeeze %dma_wait3A_348 : memref<1x128xi32, #tpu.memory_space<vmem>> -> memref<128xi32, #tpu.memory_space<vmem>>
      %dma_wait3A_350 = arith.constant 0 : i32
      %dma_wait3A_351 = arith.constant 0 : i32
      %dma_wait3A_352 = tpu.memref_slice %arg5[%dma_wait3A_350, %dma_wait3A_351] : memref<102400x16xf32, #tpu.memory_space<hbm>> -> memref<102400x16xf32, #tpu.memory_space<hbm>>
      tpu.wait_indirect_dma semaphore(%arg12 : memref<!tpu.dma_semaphore, #tpu.memory_space<semaphore_mem>>) src(%dma_wait3A_352 : memref<102400x16xf32, #tpu.memory_space<hbm>>) dst(%dma_wait3A_346 : memref<128x16xf32, #tpu.memory_space<vmem>>)
      %dma_wait3A_353 = arith.constant 0 : i32
      %dma_wait3A_354 = tpu.memref_slice %arg10[%mul3A_214, %dma_wait3A_353] : memref<1536x16xf32, #tpu.memory_space<vmem>> -> memref<128x16xf32, #tpu.memory_space<vmem>>
      %dma_wait3A_355 = arith.constant 0 : i32
      %dma_wait3A_356 = tpu.memref_slice %arg9[%add3A_210, %dma_wait3A_355] : memref<24x128xi32, #tpu.memory_space<vmem>> -> memref<1x128xi32, #tpu.memory_space<vmem>>
      %dma_wait3A_357 = tpu.memref_squeeze %dma_wait3A_356 : memref<1x128xi32, #tpu.memory_space<vmem>> -> memref<128xi32, #tpu.memory_space<vmem>>
      %dma_wait3A_358 = arith.constant 0 : i32
      %dma_wait3A_359 = arith.constant 0 : i32
      %dma_wait3A_360 = tpu.memref_slice %arg5[%dma_wait3A_358, %dma_wait3A_359] : memref<102400x16xf32, #tpu.memory_space<hbm>> -> memref<102400x16xf32, #tpu.memory_space<hbm>>
      tpu.wait_indirect_dma semaphore(%arg12 : memref<!tpu.dma_semaphore, #tpu.memory_space<semaphore_mem>>) src(%dma_wait3A_360 : memref<102400x16xf32, #tpu.memory_space<hbm>>) dst(%dma_wait3A_354 : memref<128x16xf32, #tpu.memory_space<vmem>>)
      %dma_wait3A_361 = arith.constant 0 : i32
      %dma_wait3A_362 = tpu.memref_slice %arg10[%mul3A_228, %dma_wait3A_361] : memref<1536x16xf32, #tpu.memory_space<vmem>> -> memref<128x16xf32, #tpu.memory_space<vmem>>
      %dma_wait3A_363 = arith.constant 0 : i32
      %dma_wait3A_364 = tpu.memref_slice %arg9[%add3A_224, %dma_wait3A_363] : memref<24x128xi32, #tpu.memory_space<vmem>> -> memref<1x128xi32, #tpu.memory_space<vmem>>
      %dma_wait3A_365 = tpu.memref_squeeze %dma_wait3A_364 : memref<1x128xi32, #tpu.memory_space<vmem>> -> memref<128xi32, #tpu.memory_space<vmem>>
      %dma_wait3A_366 = arith.constant 0 : i32
      %dma_wait3A_367 = arith.constant 0 : i32
      %dma_wait3A_368 = tpu.memref_slice %arg5[%dma_wait3A_366, %dma_wait3A_367] : memref<102400x16xf32, #tpu.memory_space<hbm>> -> memref<102400x16xf32, #tpu.memory_space<hbm>>
      tpu.wait_indirect_dma semaphore(%arg12 : memref<!tpu.dma_semaphore, #tpu.memory_space<semaphore_mem>>) src(%dma_wait3A_368 : memref<102400x16xf32, #tpu.memory_space<hbm>>) dst(%dma_wait3A_362 : memref<128x16xf32, #tpu.memory_space<vmem>>)
      %dma_wait3A_369 = arith.constant 0 : i32
      %dma_wait3A_370 = tpu.memref_slice %arg10[%mul3A_242, %dma_wait3A_369] : memref<1536x16xf32, #tpu.memory_space<vmem>> -> memref<128x16xf32, #tpu.memory_space<vmem>>
      %dma_wait3A_371 = arith.constant 0 : i32
      %dma_wait3A_372 = tpu.memref_slice %arg9[%add3A_238, %dma_wait3A_371] : memref<24x128xi32, #tpu.memory_space<vmem>> -> memref<1x128xi32, #tpu.memory_space<vmem>>
      %dma_wait3A_373 = tpu.memref_squeeze %dma_wait3A_372 : memref<1x128xi32, #tpu.memory_space<vmem>> -> memref<128xi32, #tpu.memory_space<vmem>>
      %dma_wait3A_374 = arith.constant 0 : i32
      %dma_wait3A_375 = arith.constant 0 : i32
      %dma_wait3A_376 = tpu.memref_slice %arg5[%dma_wait3A_374, %dma_wait3A_375] : memref<102400x16xf32, #tpu.memory_space<hbm>> -> memref<102400x16xf32, #tpu.memory_space<hbm>>
      tpu.wait_indirect_dma semaphore(%arg12 : memref<!tpu.dma_semaphore, #tpu.memory_space<semaphore_mem>>) src(%dma_wait3A_376 : memref<102400x16xf32, #tpu.memory_space<hbm>>) dst(%dma_wait3A_370 : memref<128x16xf32, #tpu.memory_space<vmem>>)
      %dma_wait3A_377 = arith.constant 0 : i32
      %dma_wait3A_378 = tpu.memref_slice %arg10[%mul3A_256, %dma_wait3A_377] : memref<1536x16xf32, #tpu.memory_space<vmem>> -> memref<128x16xf32, #tpu.memory_space<vmem>>
      %dma_wait3A_379 = arith.constant 0 : i32
      %dma_wait3A_380 = tpu.memref_slice %arg9[%add3A_252, %dma_wait3A_379] : memref<24x128xi32, #tpu.memory_space<vmem>> -> memref<1x128xi32, #tpu.memory_space<vmem>>
      %dma_wait3A_381 = tpu.memref_squeeze %dma_wait3A_380 : memref<1x128xi32, #tpu.memory_space<vmem>> -> memref<128xi32, #tpu.memory_space<vmem>>
      %dma_wait3A_382 = arith.constant 0 : i32
      %dma_wait3A_383 = arith.constant 0 : i32
      %dma_wait3A_384 = tpu.memref_slice %arg5[%dma_wait3A_382, %dma_wait3A_383] : memref<102400x16xf32, #tpu.memory_space<hbm>> -> memref<102400x16xf32, #tpu.memory_space<hbm>>
      tpu.wait_indirect_dma semaphore(%arg12 : memref<!tpu.dma_semaphore, #tpu.memory_space<semaphore_mem>>) src(%dma_wait3A_384 : memref<102400x16xf32, #tpu.memory_space<hbm>>) dst(%dma_wait3A_378 : memref<128x16xf32, #tpu.memory_space<vmem>>)
      %dma_wait3A_385 = arith.constant 0 : i32
      %dma_wait3A_386 = tpu.memref_slice %arg10[%mul3A_270, %dma_wait3A_385] : memref<1536x16xf32, #tpu.memory_space<vmem>> -> memref<128x16xf32, #tpu.memory_space<vmem>>
      %dma_wait3A_387 = arith.constant 0 : i32
      %dma_wait3A_388 = tpu.memref_slice %arg9[%add3A_266, %dma_wait3A_387] : memref<24x128xi32, #tpu.memory_space<vmem>> -> memref<1x128xi32, #tpu.memory_space<vmem>>
      %dma_wait3A_389 = tpu.memref_squeeze %dma_wait3A_388 : memref<1x128xi32, #tpu.memory_space<vmem>> -> memref<128xi32, #tpu.memory_space<vmem>>
      %dma_wait3A_390 = arith.constant 0 : i32
      %dma_wait3A_391 = arith.constant 0 : i32
      %dma_wait3A_392 = tpu.memref_slice %arg5[%dma_wait3A_390, %dma_wait3A_391] : memref<102400x16xf32, #tpu.memory_space<hbm>> -> memref<102400x16xf32, #tpu.memory_space<hbm>>
      tpu.wait_indirect_dma semaphore(%arg12 : memref<!tpu.dma_semaphore, #tpu.memory_space<semaphore_mem>>) src(%dma_wait3A_392 : memref<102400x16xf32, #tpu.memory_space<hbm>>) dst(%dma_wait3A_386 : memref<128x16xf32, #tpu.memory_space<vmem>>)
      %scan3A_393 = arith.constant 0 : i32
      scf.yield %scan3A_393 : i32
    }
    %scan3A_156 = arith.constant 67 : i32
    %dma_wait3A_157 = arith.constant 0 : i32
    %dma_wait3A_158 = arith.constant 0 : i32
    %dma_wait3A_159 = tpu.memref_slice %arg9[%dma_wait3A_157, %dma_wait3A_158] : memref<24x128xi32, #tpu.memory_space<vmem>> -> memref<12x128xi32, #tpu.memory_space<vmem>>
    %dma_wait3A_160 = arith.constant 0 : i32
    %dma_wait3A_161 = arith.constant 0 : i32
    %dma_wait3A_162 = tpu.memref_slice %arg6[%dma_wait3A_160, %dma_wait3A_161] : memref<26112x128xi32, #tpu.memory_space<hbm>> -> memref<12x128xi32, #tpu.memory_space<hbm>>
    %dma_wait3A_163 = arith.constant 0 : i32
    %dma_wait3A_164 = arith.constant 0 : i32
    %dma_wait3A_165 = tpu.memref_slice %arg9[%dma_wait3A_163, %dma_wait3A_164] : memref<24x128xi32, #tpu.memory_space<vmem>> -> memref<12x128xi32, #tpu.memory_space<vmem>>
    %dma_wait3A_166 = arith.constant 0 : i32
    %dma_wait3A_167 = arith.constant 0 : i32
    %dma_wait3A_168 = tpu.memref_slice %arg6[%dma_wait3A_166, %dma_wait3A_167] : memref<26112x128xi32, #tpu.memory_space<hbm>> -> memref<12x128xi32, #tpu.memory_space<hbm>>
    tpu.wait_dma2 semaphore(%arg13 : memref<!tpu.dma_semaphore, #tpu.memory_space<semaphore_mem>>) src(%dma_wait3A_168 : memref<12x128xi32, #tpu.memory_space<hbm>>) dst(%dma_wait3A_165 : memref<12x128xi32, #tpu.memory_space<vmem>>)
    %barrier3A_169 = arith.constant 0 : index
    tpu.barrier barrier_id(%barrier3A_169)
    %mul3A_170 = arith.constant 6400 : i32
    %mul3A_171 = arith.muli %arg1, %mul3A_170 : i32
    %mul3A_172 = arith.constant 6400 : i32
    %mul3A_173 = arith.muli %arg1, %mul3A_172 : i32
    %run_scoped3A_174 = arith.constant 3 : i32
    "tpu.region"() ({
      %run_scoped3A_176 = tpu.sem_alloc : memref<!tpu.dma_semaphore, #tpu.memory_space<semaphore_mem>>
      %dma_start3A_177 = arith.constant 0 : i32
      %dma_start3A_178 = tpu.memref_slice %arg8[%run_scoped3A_174, %arg0, %mul3A_173, %dma_start3A_177] : memref<4x2x102400x16xf32, #tpu.memory_space<hbm>> -> memref<1x1x6400x16xf32, #tpu.memory_space<hbm>>
      %dma_start3A_179 = tpu.memref_squeeze %dma_start3A_178 : memref<1x1x6400x16xf32, #tpu.memory_space<hbm>> -> memref<6400x16xf32, #tpu.memory_space<hbm>>
      %dma_start3A_180 = arith.constant 0 : i32
      %dma_start3A_181 = tpu.memref_slice %arg11[%mul3A_171, %dma_start3A_180] : memref<102400x16xf32, #tpu.memory_space<vmem_shared>> -> memref<6400x16xf32, #tpu.memory_space<vmem_shared>>
      tpu.enqueue_dma source(%dma_start3A_181 : memref<6400x16xf32, #tpu.memory_space<vmem_shared>>) target(%dma_start3A_179 : memref<6400x16xf32, #tpu.memory_space<hbm>>) target_semaphore(%run_scoped3A_176 : memref<!tpu.dma_semaphore, #tpu.memory_space<semaphore_mem>>)
      %dma_wait3A_182 = arith.constant 0 : i32
      %dma_wait3A_183 = tpu.memref_slice %arg8[%run_scoped3A_174, %arg0, %mul3A_173, %dma_wait3A_182] : memref<4x2x102400x16xf32, #tpu.memory_space<hbm>> -> memref<1x1x6400x16xf32, #tpu.memory_space<hbm>>
      %dma_wait3A_184 = tpu.memref_squeeze %dma_wait3A_183 : memref<1x1x6400x16xf32, #tpu.memory_space<hbm>> -> memref<6400x16xf32, #tpu.memory_space<hbm>>
      %dma_wait3A_185 = arith.constant 0 : i32
      %dma_wait3A_186 = tpu.memref_slice %arg11[%mul3A_171, %dma_wait3A_185] : memref<102400x16xf32, #tpu.memory_space<vmem_shared>> -> memref<6400x16xf32, #tpu.memory_space<vmem_shared>>
      tpu.wait_dma2 semaphore(%run_scoped3A_176 : memref<!tpu.dma_semaphore, #tpu.memory_space<semaphore_mem>>) src(%dma_wait3A_186 : memref<6400x16xf32, #tpu.memory_space<vmem_shared>>) dst(%dma_wait3A_184 : memref<6400x16xf32, #tpu.memory_space<hbm>>)
      tpu.yield
    }) : () -> ()
    %barrier3A_175 = arith.constant 0 : index
    tpu.barrier barrier_id(%barrier3A_175)
    return
  }
}

#map = affine_map<(d0, d1) -> (0, 0)>
#map1 = affine_map<(d0, d1) -> (0, 0, 0)>
module attributes {stable_mosaic.version = 14 : i64} {
  func.func @_agg_body(%arg0: i32, %arg1: i32, %arg2: memref<102400x16xf32, #tpu.memory_space<hbm>>, %arg3: memref<26112x128xi32, #tpu.memory_space<hbm>>, %arg4: memref<102400x16xf32, #tpu.memory_space<hbm>>, %arg5: memref<2x102400x16xf32, #tpu.memory_space<hbm>>, %arg6: memref<24x128xi32, #tpu.memory_space<vmem>>, %arg7: memref<1536x16xf32, #tpu.memory_space<vmem>>, %arg8: memref<102400x16xf32, #tpu.memory_space<vmem_shared>>, %arg9: memref<!tpu.dma_semaphore, #tpu.memory_space<semaphore_mem>>, %arg10: memref<!tpu.dma_semaphore, #tpu.memory_space<semaphore_mem>>) attributes {dimension_semantics = [#tpu.dimension_semantics<core_parallel>, #tpu.dimension_semantics<subcore_parallel>], iteration_bounds = array<i64: 2, 16>, scalar_prefetch = 0 : i64, scratch_operands = 5 : i64, tpu.core_type = #tpu.core_type<sc_vector_subcore>, window_params = [{transform_indices = #map}, {transform_indices = #map}, {transform_indices = #map}, {transform_indices = #map1}]} {
    %mul3A = arith.constant 6400 : i32
    %mul3A_0 = arith.muli %arg1, %mul3A : i32
    %mul3A_1 = arith.constant 6400 : i32
    %mul3A_2 = arith.muli %arg1, %mul3A_1 : i32
    "tpu.region"() ({
      %run_scoped3A = tpu.sem_alloc : memref<!tpu.dma_semaphore, #tpu.memory_space<semaphore_mem>>
      %dma_start3A_40 = arith.constant 0 : i32
      %dma_start3A_41 = tpu.memref_slice %arg8[%mul3A_2, %dma_start3A_40] : memref<102400x16xf32, #tpu.memory_space<vmem_shared>> -> memref<6400x16xf32, #tpu.memory_space<vmem_shared>>
      %dma_start3A_42 = arith.constant 0 : i32
      %dma_start3A_43 = tpu.memref_slice %arg4[%mul3A_0, %dma_start3A_42] : memref<102400x16xf32, #tpu.memory_space<hbm>> -> memref<6400x16xf32, #tpu.memory_space<hbm>>
      tpu.enqueue_dma source(%dma_start3A_43 : memref<6400x16xf32, #tpu.memory_space<hbm>>) target(%dma_start3A_41 : memref<6400x16xf32, #tpu.memory_space<vmem_shared>>) target_semaphore(%run_scoped3A : memref<!tpu.dma_semaphore, #tpu.memory_space<semaphore_mem>>)
      %dma_wait3A_44 = arith.constant 0 : i32
      %dma_wait3A_45 = tpu.memref_slice %arg8[%mul3A_2, %dma_wait3A_44] : memref<102400x16xf32, #tpu.memory_space<vmem_shared>> -> memref<6400x16xf32, #tpu.memory_space<vmem_shared>>
      %dma_wait3A_46 = arith.constant 0 : i32
      %dma_wait3A_47 = tpu.memref_slice %arg4[%mul3A_0, %dma_wait3A_46] : memref<102400x16xf32, #tpu.memory_space<hbm>> -> memref<6400x16xf32, #tpu.memory_space<hbm>>
      tpu.wait_dma2 semaphore(%run_scoped3A : memref<!tpu.dma_semaphore, #tpu.memory_space<semaphore_mem>>) src(%dma_wait3A_47 : memref<6400x16xf32, #tpu.memory_space<hbm>>) dst(%dma_wait3A_45 : memref<6400x16xf32, #tpu.memory_space<vmem_shared>>)
      tpu.yield
    }) : () -> ()
    %barrier3A = arith.constant 0 : index
    tpu.barrier barrier_id(%barrier3A)
    %mul3A_3 = arith.constant 16 : i32
    %mul3A_4 = arith.muli %arg0, %mul3A_3 : i32
    %add3A = arith.addi %mul3A_4, %arg1 : i32
    %mul3A_5 = arith.constant 816 : i32
    %mul3A_6 = arith.muli %add3A, %mul3A_5 : i32
    "tpu.region"() ({
      %run_scoped3A = tpu.sem_alloc : memref<!tpu.dma_semaphore, #tpu.memory_space<semaphore_mem>>
      %dma_start3A_40 = arith.constant 0 : i32
      %dma_start3A_41 = arith.constant 0 : i32
      %dma_start3A_42 = tpu.memref_slice %arg4[%dma_start3A_40, %dma_start3A_41] : memref<102400x16xf32, #tpu.memory_space<hbm>> -> memref<1536x16xf32, #tpu.memory_space<hbm>>
      %dma_start3A_43 = arith.constant 0 : i32
      %dma_start3A_44 = arith.constant 0 : i32
      %dma_start3A_45 = tpu.memref_slice %arg4[%dma_start3A_43, %dma_start3A_44] : memref<102400x16xf32, #tpu.memory_space<hbm>> -> memref<1536x16xf32, #tpu.memory_space<hbm>>
      tpu.enqueue_dma source(%dma_start3A_45 : memref<1536x16xf32, #tpu.memory_space<hbm>>) target(%arg7 : memref<1536x16xf32, #tpu.memory_space<vmem>>) target_semaphore(%run_scoped3A : memref<!tpu.dma_semaphore, #tpu.memory_space<semaphore_mem>>)
      %dma_wait3A_46 = arith.constant 0 : i32
      %dma_wait3A_47 = arith.constant 0 : i32
      %dma_wait3A_48 = tpu.memref_slice %arg4[%dma_wait3A_46, %dma_wait3A_47] : memref<102400x16xf32, #tpu.memory_space<hbm>> -> memref<1536x16xf32, #tpu.memory_space<hbm>>
      %dma_wait3A_49 = arith.constant 0 : i32
      %dma_wait3A_50 = arith.constant 0 : i32
      %dma_wait3A_51 = tpu.memref_slice %arg4[%dma_wait3A_49, %dma_wait3A_50] : memref<102400x16xf32, #tpu.memory_space<hbm>> -> memref<1536x16xf32, #tpu.memory_space<hbm>>
      tpu.wait_dma2 semaphore(%run_scoped3A : memref<!tpu.dma_semaphore, #tpu.memory_space<semaphore_mem>>) src(%dma_wait3A_51 : memref<1536x16xf32, #tpu.memory_space<hbm>>) dst(%arg7 : memref<1536x16xf32, #tpu.memory_space<vmem>>)
      tpu.yield
    }) : () -> ()
    %add3A_7 = arith.constant 792 : i32
    %add3A_8 = arith.addi %mul3A_6, %add3A_7 : i32
    "tpu.region"() ({
      %run_scoped3A = tpu.sem_alloc : memref<!tpu.dma_semaphore, #tpu.memory_space<semaphore_mem>>
      %dma_start3A_40 = arith.constant 12 : i32
      %dma_start3A_41 = arith.constant 0 : i32
      %dma_start3A_42 = tpu.memref_slice %arg6[%dma_start3A_40, %dma_start3A_41] : memref<24x128xi32, #tpu.memory_space<vmem>> -> memref<12x128xi32, #tpu.memory_space<vmem>>
      %dma_start3A_43 = arith.constant 0 : i32
      %dma_start3A_44 = tpu.memref_slice %arg3[%add3A_8, %dma_start3A_43] : memref<26112x128xi32, #tpu.memory_space<hbm>> -> memref<12x128xi32, #tpu.memory_space<hbm>>
      %dma_start3A_45 = arith.constant 12 : i32
      %dma_start3A_46 = arith.constant 0 : i32
      %dma_start3A_47 = tpu.memref_slice %arg6[%dma_start3A_45, %dma_start3A_46] : memref<24x128xi32, #tpu.memory_space<vmem>> -> memref<12x128xi32, #tpu.memory_space<vmem>>
      %dma_start3A_48 = arith.constant 0 : i32
      %dma_start3A_49 = tpu.memref_slice %arg3[%add3A_8, %dma_start3A_48] : memref<26112x128xi32, #tpu.memory_space<hbm>> -> memref<12x128xi32, #tpu.memory_space<hbm>>
      tpu.enqueue_dma source(%dma_start3A_49 : memref<12x128xi32, #tpu.memory_space<hbm>>) target(%dma_start3A_47 : memref<12x128xi32, #tpu.memory_space<vmem>>) target_semaphore(%run_scoped3A : memref<!tpu.dma_semaphore, #tpu.memory_space<semaphore_mem>>)
      %dma_wait3A_50 = arith.constant 12 : i32
      %dma_wait3A_51 = arith.constant 0 : i32
      %dma_wait3A_52 = tpu.memref_slice %arg6[%dma_wait3A_50, %dma_wait3A_51] : memref<24x128xi32, #tpu.memory_space<vmem>> -> memref<12x128xi32, #tpu.memory_space<vmem>>
      %dma_wait3A_53 = arith.constant 0 : i32
      %dma_wait3A_54 = tpu.memref_slice %arg3[%add3A_8, %dma_wait3A_53] : memref<26112x128xi32, #tpu.memory_space<hbm>> -> memref<12x128xi32, #tpu.memory_space<hbm>>
      %dma_wait3A_55 = arith.constant 12 : i32
      %dma_wait3A_56 = arith.constant 0 : i32
      %dma_wait3A_57 = tpu.memref_slice %arg6[%dma_wait3A_55, %dma_wait3A_56] : memref<24x128xi32, #tpu.memory_space<vmem>> -> memref<12x128xi32, #tpu.memory_space<vmem>>
      %dma_wait3A_58 = arith.constant 0 : i32
      %dma_wait3A_59 = tpu.memref_slice %arg3[%add3A_8, %dma_wait3A_58] : memref<26112x128xi32, #tpu.memory_space<hbm>> -> memref<12x128xi32, #tpu.memory_space<hbm>>
      tpu.wait_dma2 semaphore(%run_scoped3A : memref<!tpu.dma_semaphore, #tpu.memory_space<semaphore_mem>>) src(%dma_wait3A_59 : memref<12x128xi32, #tpu.memory_space<hbm>>) dst(%dma_wait3A_57 : memref<12x128xi32, #tpu.memory_space<vmem>>)
      tpu.yield
    }) : () -> ()
    %dma_start3A = arith.constant 0 : i32
    %dma_start3A_9 = arith.constant 0 : i32
    %dma_start3A_10 = tpu.memref_slice %arg6[%dma_start3A, %dma_start3A_9] : memref<24x128xi32, #tpu.memory_space<vmem>> -> memref<12x128xi32, #tpu.memory_space<vmem>>
    %dma_start3A_11 = arith.constant 0 : i32
    %dma_start3A_12 = tpu.memref_slice %arg3[%mul3A_6, %dma_start3A_11] : memref<26112x128xi32, #tpu.memory_space<hbm>> -> memref<12x128xi32, #tpu.memory_space<hbm>>
    %dma_start3A_13 = arith.constant 0 : i32
    %dma_start3A_14 = arith.constant 0 : i32
    %dma_start3A_15 = tpu.memref_slice %arg6[%dma_start3A_13, %dma_start3A_14] : memref<24x128xi32, #tpu.memory_space<vmem>> -> memref<12x128xi32, #tpu.memory_space<vmem>>
    %dma_start3A_16 = arith.constant 0 : i32
    %dma_start3A_17 = tpu.memref_slice %arg3[%mul3A_6, %dma_start3A_16] : memref<26112x128xi32, #tpu.memory_space<hbm>> -> memref<12x128xi32, #tpu.memory_space<hbm>>
    tpu.enqueue_dma source(%dma_start3A_17 : memref<12x128xi32, #tpu.memory_space<hbm>>) target(%dma_start3A_15 : memref<12x128xi32, #tpu.memory_space<vmem>>) target_semaphore(%arg10 : memref<!tpu.dma_semaphore, #tpu.memory_space<semaphore_mem>>)
    %scan3A = arith.constant 0 : i32
    %scan3A_18 = arith.constant 0 : i32
    %scan3A_19 = arith.constant 67 : i32
    %scan3A_20 = arith.addi %scan3A_18, %scan3A_19 : i32
    %scan3A_21 = arith.constant 1 : i32
    %scan3A_22 = scf.for %scan3A_40 = %scan3A_18 to %scan3A_20 step %scan3A_21 iter_args(%scan3A_41 = %scan3A) -> (i32)  : i32 {
      %rem3A = arith.constant 2 : i32
      %rem3A_42 = arith.remsi %scan3A_40, %rem3A : i32
      %mul3A_43 = arith.constant 2 : i32
      %mul3A_44 = arith.muli %rem3A_42, %mul3A_43 : i32
      %mul3A_45 = arith.constant 6 : i32
      %mul3A_46 = arith.muli %mul3A_44, %mul3A_45 : i32
      %mul3A_47 = arith.constant 6 : i32
      %mul3A_48 = arith.muli %rem3A_42, %mul3A_47 : i32
      %dma_wait3A_49 = arith.constant 0 : i32
      %dma_wait3A_50 = tpu.memref_slice %arg6[%mul3A_46, %dma_wait3A_49] : memref<24x128xi32, #tpu.memory_space<vmem>> -> memref<12x128xi32, #tpu.memory_space<vmem>>
      %dma_wait3A_51 = arith.constant 0 : i32
      %dma_wait3A_52 = arith.constant 0 : i32
      %dma_wait3A_53 = tpu.memref_slice %arg3[%dma_wait3A_51, %dma_wait3A_52] : memref<26112x128xi32, #tpu.memory_space<hbm>> -> memref<12x128xi32, #tpu.memory_space<hbm>>
      %dma_wait3A_54 = arith.constant 0 : i32
      %dma_wait3A_55 = tpu.memref_slice %arg6[%mul3A_46, %dma_wait3A_54] : memref<24x128xi32, #tpu.memory_space<vmem>> -> memref<12x128xi32, #tpu.memory_space<vmem>>
      %dma_wait3A_56 = arith.constant 0 : i32
      %dma_wait3A_57 = arith.constant 0 : i32
      %dma_wait3A_58 = tpu.memref_slice %arg3[%dma_wait3A_56, %dma_wait3A_57] : memref<26112x128xi32, #tpu.memory_space<hbm>> -> memref<12x128xi32, #tpu.memory_space<hbm>>
      tpu.wait_dma2 semaphore(%arg10 : memref<!tpu.dma_semaphore, #tpu.memory_space<semaphore_mem>>) src(%dma_wait3A_58 : memref<12x128xi32, #tpu.memory_space<hbm>>) dst(%dma_wait3A_55 : memref<12x128xi32, #tpu.memory_space<vmem>>)
      %add3A_59 = arith.constant 0 : i32
      %add3A_60 = arith.addi %mul3A_46, %add3A_59 : i32
      %add3A_61 = arith.constant 0 : i32
      %add3A_62 = arith.addi %mul3A_48, %add3A_61 : i32
      %mul3A_63 = arith.constant 128 : i32
      %mul3A_64 = arith.muli %add3A_62, %mul3A_63 : i32
      %dma_start3A_65 = arith.constant 0 : i32
      %dma_start3A_66 = tpu.memref_slice %arg7[%mul3A_64, %dma_start3A_65] : memref<1536x16xf32, #tpu.memory_space<vmem>> -> memref<128x16xf32, #tpu.memory_space<vmem>>
      %dma_start3A_67 = arith.constant 0 : i32
      %dma_start3A_68 = tpu.memref_slice %arg6[%add3A_60, %dma_start3A_67] : memref<24x128xi32, #tpu.memory_space<vmem>> -> memref<1x128xi32, #tpu.memory_space<vmem>>
      %dma_start3A_69 = tpu.memref_squeeze %dma_start3A_68 : memref<1x128xi32, #tpu.memory_space<vmem>> -> memref<128xi32, #tpu.memory_space<vmem>>
      %dma_start3A_70 = arith.constant 0 : i32
      %dma_start3A_71 = arith.constant 0 : i32
      %dma_start3A_72 = tpu.memref_slice %arg2[%dma_start3A_70, %dma_start3A_71] : memref<102400x16xf32, #tpu.memory_space<hbm>> -> memref<102400x16xf32, #tpu.memory_space<hbm>>
      tpu.enqueue_indirect_dma source(%dma_start3A_72 : memref<102400x16xf32, #tpu.memory_space<hbm>>) target(%dma_start3A_66 : memref<128x16xf32, #tpu.memory_space<vmem>>) offsets(%dma_start3A_69 : memref<128xi32, #tpu.memory_space<vmem>>) semaphore(%arg9 : memref<!tpu.dma_semaphore, #tpu.memory_space<semaphore_mem>>)
      %add3A_73 = arith.constant 1 : i32
      %add3A_74 = arith.addi %mul3A_46, %add3A_73 : i32
      %add3A_75 = arith.constant 1 : i32
      %add3A_76 = arith.addi %mul3A_48, %add3A_75 : i32
      %mul3A_77 = arith.constant 128 : i32
      %mul3A_78 = arith.muli %add3A_76, %mul3A_77 : i32
      %dma_start3A_79 = arith.constant 0 : i32
      %dma_start3A_80 = tpu.memref_slice %arg7[%mul3A_78, %dma_start3A_79] : memref<1536x16xf32, #tpu.memory_space<vmem>> -> memref<128x16xf32, #tpu.memory_space<vmem>>
      %dma_start3A_81 = arith.constant 0 : i32
      %dma_start3A_82 = tpu.memref_slice %arg6[%add3A_74, %dma_start3A_81] : memref<24x128xi32, #tpu.memory_space<vmem>> -> memref<1x128xi32, #tpu.memory_space<vmem>>
      %dma_start3A_83 = tpu.memref_squeeze %dma_start3A_82 : memref<1x128xi32, #tpu.memory_space<vmem>> -> memref<128xi32, #tpu.memory_space<vmem>>
      %dma_start3A_84 = arith.constant 0 : i32
      %dma_start3A_85 = arith.constant 0 : i32
      %dma_start3A_86 = tpu.memref_slice %arg2[%dma_start3A_84, %dma_start3A_85] : memref<102400x16xf32, #tpu.memory_space<hbm>> -> memref<102400x16xf32, #tpu.memory_space<hbm>>
      tpu.enqueue_indirect_dma source(%dma_start3A_86 : memref<102400x16xf32, #tpu.memory_space<hbm>>) target(%dma_start3A_80 : memref<128x16xf32, #tpu.memory_space<vmem>>) offsets(%dma_start3A_83 : memref<128xi32, #tpu.memory_space<vmem>>) semaphore(%arg9 : memref<!tpu.dma_semaphore, #tpu.memory_space<semaphore_mem>>)
      %add3A_87 = arith.constant 2 : i32
      %add3A_88 = arith.addi %mul3A_46, %add3A_87 : i32
      %add3A_89 = arith.constant 2 : i32
      %add3A_90 = arith.addi %mul3A_48, %add3A_89 : i32
      %mul3A_91 = arith.constant 128 : i32
      %mul3A_92 = arith.muli %add3A_90, %mul3A_91 : i32
      %dma_start3A_93 = arith.constant 0 : i32
      %dma_start3A_94 = tpu.memref_slice %arg7[%mul3A_92, %dma_start3A_93] : memref<1536x16xf32, #tpu.memory_space<vmem>> -> memref<128x16xf32, #tpu.memory_space<vmem>>
      %dma_start3A_95 = arith.constant 0 : i32
      %dma_start3A_96 = tpu.memref_slice %arg6[%add3A_88, %dma_start3A_95] : memref<24x128xi32, #tpu.memory_space<vmem>> -> memref<1x128xi32, #tpu.memory_space<vmem>>
      %dma_start3A_97 = tpu.memref_squeeze %dma_start3A_96 : memref<1x128xi32, #tpu.memory_space<vmem>> -> memref<128xi32, #tpu.memory_space<vmem>>
      %dma_start3A_98 = arith.constant 0 : i32
      %dma_start3A_99 = arith.constant 0 : i32
      %dma_start3A_100 = tpu.memref_slice %arg2[%dma_start3A_98, %dma_start3A_99] : memref<102400x16xf32, #tpu.memory_space<hbm>> -> memref<102400x16xf32, #tpu.memory_space<hbm>>
      tpu.enqueue_indirect_dma source(%dma_start3A_100 : memref<102400x16xf32, #tpu.memory_space<hbm>>) target(%dma_start3A_94 : memref<128x16xf32, #tpu.memory_space<vmem>>) offsets(%dma_start3A_97 : memref<128xi32, #tpu.memory_space<vmem>>) semaphore(%arg9 : memref<!tpu.dma_semaphore, #tpu.memory_space<semaphore_mem>>)
      %add3A_101 = arith.constant 3 : i32
      %add3A_102 = arith.addi %mul3A_46, %add3A_101 : i32
      %add3A_103 = arith.constant 3 : i32
      %add3A_104 = arith.addi %mul3A_48, %add3A_103 : i32
      %mul3A_105 = arith.constant 128 : i32
      %mul3A_106 = arith.muli %add3A_104, %mul3A_105 : i32
      %dma_start3A_107 = arith.constant 0 : i32
      %dma_start3A_108 = tpu.memref_slice %arg7[%mul3A_106, %dma_start3A_107] : memref<1536x16xf32, #tpu.memory_space<vmem>> -> memref<128x16xf32, #tpu.memory_space<vmem>>
      %dma_start3A_109 = arith.constant 0 : i32
      %dma_start3A_110 = tpu.memref_slice %arg6[%add3A_102, %dma_start3A_109] : memref<24x128xi32, #tpu.memory_space<vmem>> -> memref<1x128xi32, #tpu.memory_space<vmem>>
      %dma_start3A_111 = tpu.memref_squeeze %dma_start3A_110 : memref<1x128xi32, #tpu.memory_space<vmem>> -> memref<128xi32, #tpu.memory_space<vmem>>
      %dma_start3A_112 = arith.constant 0 : i32
      %dma_start3A_113 = arith.constant 0 : i32
      %dma_start3A_114 = tpu.memref_slice %arg2[%dma_start3A_112, %dma_start3A_113] : memref<102400x16xf32, #tpu.memory_space<hbm>> -> memref<102400x16xf32, #tpu.memory_space<hbm>>
      tpu.enqueue_indirect_dma source(%dma_start3A_114 : memref<102400x16xf32, #tpu.memory_space<hbm>>) target(%dma_start3A_108 : memref<128x16xf32, #tpu.memory_space<vmem>>) offsets(%dma_start3A_111 : memref<128xi32, #tpu.memory_space<vmem>>) semaphore(%arg9 : memref<!tpu.dma_semaphore, #tpu.memory_space<semaphore_mem>>)
      %add3A_115 = arith.constant 4 : i32
      %add3A_116 = arith.addi %mul3A_46, %add3A_115 : i32
      %add3A_117 = arith.constant 4 : i32
      %add3A_118 = arith.addi %mul3A_48, %add3A_117 : i32
      %mul3A_119 = arith.constant 128 : i32
      %mul3A_120 = arith.muli %add3A_118, %mul3A_119 : i32
      %dma_start3A_121 = arith.constant 0 : i32
      %dma_start3A_122 = tpu.memref_slice %arg7[%mul3A_120, %dma_start3A_121] : memref<1536x16xf32, #tpu.memory_space<vmem>> -> memref<128x16xf32, #tpu.memory_space<vmem>>
      %dma_start3A_123 = arith.constant 0 : i32
      %dma_start3A_124 = tpu.memref_slice %arg6[%add3A_116, %dma_start3A_123] : memref<24x128xi32, #tpu.memory_space<vmem>> -> memref<1x128xi32, #tpu.memory_space<vmem>>
      %dma_start3A_125 = tpu.memref_squeeze %dma_start3A_124 : memref<1x128xi32, #tpu.memory_space<vmem>> -> memref<128xi32, #tpu.memory_space<vmem>>
      %dma_start3A_126 = arith.constant 0 : i32
      %dma_start3A_127 = arith.constant 0 : i32
      %dma_start3A_128 = tpu.memref_slice %arg2[%dma_start3A_126, %dma_start3A_127] : memref<102400x16xf32, #tpu.memory_space<hbm>> -> memref<102400x16xf32, #tpu.memory_space<hbm>>
      tpu.enqueue_indirect_dma source(%dma_start3A_128 : memref<102400x16xf32, #tpu.memory_space<hbm>>) target(%dma_start3A_122 : memref<128x16xf32, #tpu.memory_space<vmem>>) offsets(%dma_start3A_125 : memref<128xi32, #tpu.memory_space<vmem>>) semaphore(%arg9 : memref<!tpu.dma_semaphore, #tpu.memory_space<semaphore_mem>>)
      %add3A_129 = arith.constant 5 : i32
      %add3A_130 = arith.addi %mul3A_46, %add3A_129 : i32
      %add3A_131 = arith.constant 5 : i32
      %add3A_132 = arith.addi %mul3A_48, %add3A_131 : i32
      %mul3A_133 = arith.constant 128 : i32
      %mul3A_134 = arith.muli %add3A_132, %mul3A_133 : i32
      %dma_start3A_135 = arith.constant 0 : i32
      %dma_start3A_136 = tpu.memref_slice %arg7[%mul3A_134, %dma_start3A_135] : memref<1536x16xf32, #tpu.memory_space<vmem>> -> memref<128x16xf32, #tpu.memory_space<vmem>>
      %dma_start3A_137 = arith.constant 0 : i32
      %dma_start3A_138 = tpu.memref_slice %arg6[%add3A_130, %dma_start3A_137] : memref<24x128xi32, #tpu.memory_space<vmem>> -> memref<1x128xi32, #tpu.memory_space<vmem>>
      %dma_start3A_139 = tpu.memref_squeeze %dma_start3A_138 : memref<1x128xi32, #tpu.memory_space<vmem>> -> memref<128xi32, #tpu.memory_space<vmem>>
      %dma_start3A_140 = arith.constant 0 : i32
      %dma_start3A_141 = arith.constant 0 : i32
      %dma_start3A_142 = tpu.memref_slice %arg2[%dma_start3A_140, %dma_start3A_141] : memref<102400x16xf32, #tpu.memory_space<hbm>> -> memref<102400x16xf32, #tpu.memory_space<hbm>>
      tpu.enqueue_indirect_dma source(%dma_start3A_142 : memref<102400x16xf32, #tpu.memory_space<hbm>>) target(%dma_start3A_136 : memref<128x16xf32, #tpu.memory_space<vmem>>) offsets(%dma_start3A_139 : memref<128xi32, #tpu.memory_space<vmem>>) semaphore(%arg9 : memref<!tpu.dma_semaphore, #tpu.memory_space<semaphore_mem>>)
      %sub3A = arith.constant 12 : i32
      %sub3A_143 = arith.subi %sub3A, %mul3A_46 : i32
      %sub3A_144 = arith.constant 6 : i32
      %sub3A_145 = arith.subi %sub3A_144, %mul3A_48 : i32
      %add3A_146 = arith.constant 0 : i32
      %add3A_147 = arith.addi %sub3A_145, %add3A_146 : i32
      %mul3A_148 = arith.constant 128 : i32
      %mul3A_149 = arith.muli %add3A_147, %mul3A_148 : i32
      %add3A_150 = arith.constant 6 : i32
      %add3A_151 = arith.addi %sub3A_143, %add3A_150 : i32
      %add3A_152 = arith.constant 0 : i32
      %add3A_153 = arith.addi %add3A_151, %add3A_152 : i32
      "tpu.region"() ({
        %run_scoped3A = tpu.sem_alloc : memref<!tpu.dma_semaphore, #tpu.memory_space<semaphore_mem>>
        %dma_start3A_258 = arith.constant 0 : i32
        %dma_start3A_259 = tpu.memref_slice %arg7[%mul3A_149, %dma_start3A_258] : memref<1536x16xf32, #tpu.memory_space<vmem>> -> memref<128x16xf32, #tpu.memory_space<vmem>>
        %dma_start3A_260 = arith.constant 0 : i32
        %dma_start3A_261 = tpu.memref_slice %arg6[%add3A_153, %dma_start3A_260] : memref<24x128xi32, #tpu.memory_space<vmem>> -> memref<1x128xi32, #tpu.memory_space<vmem>>
        %dma_start3A_262 = tpu.memref_squeeze %dma_start3A_261 : memref<1x128xi32, #tpu.memory_space<vmem>> -> memref<128xi32, #tpu.memory_space<vmem>>
        %dma_start3A_263 = arith.constant 0 : i32
        %dma_start3A_264 = arith.constant 0 : i32
        %dma_start3A_265 = tpu.memref_slice %arg8[%dma_start3A_263, %dma_start3A_264] : memref<102400x16xf32, #tpu.memory_space<vmem_shared>> -> memref<102400x16xf32, #tpu.memory_space<vmem_shared>>
        tpu.enqueue_indirect_dma source(%dma_start3A_259 : memref<128x16xf32, #tpu.memory_space<vmem>>) target(%dma_start3A_265 : memref<102400x16xf32, #tpu.memory_space<vmem_shared>>) offsets(%dma_start3A_262 : memref<128xi32, #tpu.memory_space<vmem>>) semaphore(%run_scoped3A : memref<!tpu.dma_semaphore, #tpu.memory_space<semaphore_mem>>) {add = true}
        %dma_wait3A_266 = arith.constant 0 : i32
        %dma_wait3A_267 = tpu.memref_slice %arg7[%mul3A_149, %dma_wait3A_266] : memref<1536x16xf32, #tpu.memory_space<vmem>> -> memref<128x16xf32, #tpu.memory_space<vmem>>
        %dma_wait3A_268 = arith.constant 0 : i32
        %dma_wait3A_269 = tpu.memref_slice %arg6[%add3A_153, %dma_wait3A_268] : memref<24x128xi32, #tpu.memory_space<vmem>> -> memref<1x128xi32, #tpu.memory_space<vmem>>
        %dma_wait3A_270 = tpu.memref_squeeze %dma_wait3A_269 : memref<1x128xi32, #tpu.memory_space<vmem>> -> memref<128xi32, #tpu.memory_space<vmem>>
        %dma_wait3A_271 = arith.constant 0 : i32
        %dma_wait3A_272 = arith.constant 0 : i32
        %dma_wait3A_273 = tpu.memref_slice %arg8[%dma_wait3A_271, %dma_wait3A_272] : memref<102400x16xf32, #tpu.memory_space<vmem_shared>> -> memref<102400x16xf32, #tpu.memory_space<vmem_shared>>
        tpu.wait_indirect_dma semaphore(%run_scoped3A : memref<!tpu.dma_semaphore, #tpu.memory_space<semaphore_mem>>) src(%dma_wait3A_267 : memref<128x16xf32, #tpu.memory_space<vmem>>) dst(%dma_wait3A_273 : memref<102400x16xf32, #tpu.memory_space<vmem_shared>>)
        tpu.yield
      }) : () -> ()
      %add3A_154 = arith.constant 1 : i32
      %add3A_155 = arith.addi %sub3A_145, %add3A_154 : i32
      %mul3A_156 = arith.constant 128 : i32
      %mul3A_157 = arith.muli %add3A_155, %mul3A_156 : i32
      %add3A_158 = arith.constant 6 : i32
      %add3A_159 = arith.addi %sub3A_143, %add3A_158 : i32
      %add3A_160 = arith.constant 1 : i32
      %add3A_161 = arith.addi %add3A_159, %add3A_160 : i32
      "tpu.region"() ({
        %run_scoped3A = tpu.sem_alloc : memref<!tpu.dma_semaphore, #tpu.memory_space<semaphore_mem>>
        %dma_start3A_258 = arith.constant 0 : i32
        %dma_start3A_259 = tpu.memref_slice %arg7[%mul3A_157, %dma_start3A_258] : memref<1536x16xf32, #tpu.memory_space<vmem>> -> memref<128x16xf32, #tpu.memory_space<vmem>>
        %dma_start3A_260 = arith.constant 0 : i32
        %dma_start3A_261 = tpu.memref_slice %arg6[%add3A_161, %dma_start3A_260] : memref<24x128xi32, #tpu.memory_space<vmem>> -> memref<1x128xi32, #tpu.memory_space<vmem>>
        %dma_start3A_262 = tpu.memref_squeeze %dma_start3A_261 : memref<1x128xi32, #tpu.memory_space<vmem>> -> memref<128xi32, #tpu.memory_space<vmem>>
        %dma_start3A_263 = arith.constant 0 : i32
        %dma_start3A_264 = arith.constant 0 : i32
        %dma_start3A_265 = tpu.memref_slice %arg8[%dma_start3A_263, %dma_start3A_264] : memref<102400x16xf32, #tpu.memory_space<vmem_shared>> -> memref<102400x16xf32, #tpu.memory_space<vmem_shared>>
        tpu.enqueue_indirect_dma source(%dma_start3A_259 : memref<128x16xf32, #tpu.memory_space<vmem>>) target(%dma_start3A_265 : memref<102400x16xf32, #tpu.memory_space<vmem_shared>>) offsets(%dma_start3A_262 : memref<128xi32, #tpu.memory_space<vmem>>) semaphore(%run_scoped3A : memref<!tpu.dma_semaphore, #tpu.memory_space<semaphore_mem>>) {add = true}
        %dma_wait3A_266 = arith.constant 0 : i32
        %dma_wait3A_267 = tpu.memref_slice %arg7[%mul3A_157, %dma_wait3A_266] : memref<1536x16xf32, #tpu.memory_space<vmem>> -> memref<128x16xf32, #tpu.memory_space<vmem>>
        %dma_wait3A_268 = arith.constant 0 : i32
        %dma_wait3A_269 = tpu.memref_slice %arg6[%add3A_161, %dma_wait3A_268] : memref<24x128xi32, #tpu.memory_space<vmem>> -> memref<1x128xi32, #tpu.memory_space<vmem>>
        %dma_wait3A_270 = tpu.memref_squeeze %dma_wait3A_269 : memref<1x128xi32, #tpu.memory_space<vmem>> -> memref<128xi32, #tpu.memory_space<vmem>>
        %dma_wait3A_271 = arith.constant 0 : i32
        %dma_wait3A_272 = arith.constant 0 : i32
        %dma_wait3A_273 = tpu.memref_slice %arg8[%dma_wait3A_271, %dma_wait3A_272] : memref<102400x16xf32, #tpu.memory_space<vmem_shared>> -> memref<102400x16xf32, #tpu.memory_space<vmem_shared>>
        tpu.wait_indirect_dma semaphore(%run_scoped3A : memref<!tpu.dma_semaphore, #tpu.memory_space<semaphore_mem>>) src(%dma_wait3A_267 : memref<128x16xf32, #tpu.memory_space<vmem>>) dst(%dma_wait3A_273 : memref<102400x16xf32, #tpu.memory_space<vmem_shared>>)
        tpu.yield
      }) : () -> ()
      %add3A_162 = arith.constant 2 : i32
      %add3A_163 = arith.addi %sub3A_145, %add3A_162 : i32
      %mul3A_164 = arith.constant 128 : i32
      %mul3A_165 = arith.muli %add3A_163, %mul3A_164 : i32
      %add3A_166 = arith.constant 6 : i32
      %add3A_167 = arith.addi %sub3A_143, %add3A_166 : i32
      %add3A_168 = arith.constant 2 : i32
      %add3A_169 = arith.addi %add3A_167, %add3A_168 : i32
      "tpu.region"() ({
        %run_scoped3A = tpu.sem_alloc : memref<!tpu.dma_semaphore, #tpu.memory_space<semaphore_mem>>
        %dma_start3A_258 = arith.constant 0 : i32
        %dma_start3A_259 = tpu.memref_slice %arg7[%mul3A_165, %dma_start3A_258] : memref<1536x16xf32, #tpu.memory_space<vmem>> -> memref<128x16xf32, #tpu.memory_space<vmem>>
        %dma_start3A_260 = arith.constant 0 : i32
        %dma_start3A_261 = tpu.memref_slice %arg6[%add3A_169, %dma_start3A_260] : memref<24x128xi32, #tpu.memory_space<vmem>> -> memref<1x128xi32, #tpu.memory_space<vmem>>
        %dma_start3A_262 = tpu.memref_squeeze %dma_start3A_261 : memref<1x128xi32, #tpu.memory_space<vmem>> -> memref<128xi32, #tpu.memory_space<vmem>>
        %dma_start3A_263 = arith.constant 0 : i32
        %dma_start3A_264 = arith.constant 0 : i32
        %dma_start3A_265 = tpu.memref_slice %arg8[%dma_start3A_263, %dma_start3A_264] : memref<102400x16xf32, #tpu.memory_space<vmem_shared>> -> memref<102400x16xf32, #tpu.memory_space<vmem_shared>>
        tpu.enqueue_indirect_dma source(%dma_start3A_259 : memref<128x16xf32, #tpu.memory_space<vmem>>) target(%dma_start3A_265 : memref<102400x16xf32, #tpu.memory_space<vmem_shared>>) offsets(%dma_start3A_262 : memref<128xi32, #tpu.memory_space<vmem>>) semaphore(%run_scoped3A : memref<!tpu.dma_semaphore, #tpu.memory_space<semaphore_mem>>) {add = true}
        %dma_wait3A_266 = arith.constant 0 : i32
        %dma_wait3A_267 = tpu.memref_slice %arg7[%mul3A_165, %dma_wait3A_266] : memref<1536x16xf32, #tpu.memory_space<vmem>> -> memref<128x16xf32, #tpu.memory_space<vmem>>
        %dma_wait3A_268 = arith.constant 0 : i32
        %dma_wait3A_269 = tpu.memref_slice %arg6[%add3A_169, %dma_wait3A_268] : memref<24x128xi32, #tpu.memory_space<vmem>> -> memref<1x128xi32, #tpu.memory_space<vmem>>
        %dma_wait3A_270 = tpu.memref_squeeze %dma_wait3A_269 : memref<1x128xi32, #tpu.memory_space<vmem>> -> memref<128xi32, #tpu.memory_space<vmem>>
        %dma_wait3A_271 = arith.constant 0 : i32
        %dma_wait3A_272 = arith.constant 0 : i32
        %dma_wait3A_273 = tpu.memref_slice %arg8[%dma_wait3A_271, %dma_wait3A_272] : memref<102400x16xf32, #tpu.memory_space<vmem_shared>> -> memref<102400x16xf32, #tpu.memory_space<vmem_shared>>
        tpu.wait_indirect_dma semaphore(%run_scoped3A : memref<!tpu.dma_semaphore, #tpu.memory_space<semaphore_mem>>) src(%dma_wait3A_267 : memref<128x16xf32, #tpu.memory_space<vmem>>) dst(%dma_wait3A_273 : memref<102400x16xf32, #tpu.memory_space<vmem_shared>>)
        tpu.yield
      }) : () -> ()
      %add3A_170 = arith.constant 3 : i32
      %add3A_171 = arith.addi %sub3A_145, %add3A_170 : i32
      %mul3A_172 = arith.constant 128 : i32
      %mul3A_173 = arith.muli %add3A_171, %mul3A_172 : i32
      %add3A_174 = arith.constant 6 : i32
      %add3A_175 = arith.addi %sub3A_143, %add3A_174 : i32
      %add3A_176 = arith.constant 3 : i32
      %add3A_177 = arith.addi %add3A_175, %add3A_176 : i32
      "tpu.region"() ({
        %run_scoped3A = tpu.sem_alloc : memref<!tpu.dma_semaphore, #tpu.memory_space<semaphore_mem>>
        %dma_start3A_258 = arith.constant 0 : i32
        %dma_start3A_259 = tpu.memref_slice %arg7[%mul3A_173, %dma_start3A_258] : memref<1536x16xf32, #tpu.memory_space<vmem>> -> memref<128x16xf32, #tpu.memory_space<vmem>>
        %dma_start3A_260 = arith.constant 0 : i32
        %dma_start3A_261 = tpu.memref_slice %arg6[%add3A_177, %dma_start3A_260] : memref<24x128xi32, #tpu.memory_space<vmem>> -> memref<1x128xi32, #tpu.memory_space<vmem>>
        %dma_start3A_262 = tpu.memref_squeeze %dma_start3A_261 : memref<1x128xi32, #tpu.memory_space<vmem>> -> memref<128xi32, #tpu.memory_space<vmem>>
        %dma_start3A_263 = arith.constant 0 : i32
        %dma_start3A_264 = arith.constant 0 : i32
        %dma_start3A_265 = tpu.memref_slice %arg8[%dma_start3A_263, %dma_start3A_264] : memref<102400x16xf32, #tpu.memory_space<vmem_shared>> -> memref<102400x16xf32, #tpu.memory_space<vmem_shared>>
        tpu.enqueue_indirect_dma source(%dma_start3A_259 : memref<128x16xf32, #tpu.memory_space<vmem>>) target(%dma_start3A_265 : memref<102400x16xf32, #tpu.memory_space<vmem_shared>>) offsets(%dma_start3A_262 : memref<128xi32, #tpu.memory_space<vmem>>) semaphore(%run_scoped3A : memref<!tpu.dma_semaphore, #tpu.memory_space<semaphore_mem>>) {add = true}
        %dma_wait3A_266 = arith.constant 0 : i32
        %dma_wait3A_267 = tpu.memref_slice %arg7[%mul3A_173, %dma_wait3A_266] : memref<1536x16xf32, #tpu.memory_space<vmem>> -> memref<128x16xf32, #tpu.memory_space<vmem>>
        %dma_wait3A_268 = arith.constant 0 : i32
        %dma_wait3A_269 = tpu.memref_slice %arg6[%add3A_177, %dma_wait3A_268] : memref<24x128xi32, #tpu.memory_space<vmem>> -> memref<1x128xi32, #tpu.memory_space<vmem>>
        %dma_wait3A_270 = tpu.memref_squeeze %dma_wait3A_269 : memref<1x128xi32, #tpu.memory_space<vmem>> -> memref<128xi32, #tpu.memory_space<vmem>>
        %dma_wait3A_271 = arith.constant 0 : i32
        %dma_wait3A_272 = arith.constant 0 : i32
        %dma_wait3A_273 = tpu.memref_slice %arg8[%dma_wait3A_271, %dma_wait3A_272] : memref<102400x16xf32, #tpu.memory_space<vmem_shared>> -> memref<102400x16xf32, #tpu.memory_space<vmem_shared>>
        tpu.wait_indirect_dma semaphore(%run_scoped3A : memref<!tpu.dma_semaphore, #tpu.memory_space<semaphore_mem>>) src(%dma_wait3A_267 : memref<128x16xf32, #tpu.memory_space<vmem>>) dst(%dma_wait3A_273 : memref<102400x16xf32, #tpu.memory_space<vmem_shared>>)
        tpu.yield
      }) : () -> ()
      %add3A_178 = arith.constant 4 : i32
      %add3A_179 = arith.addi %sub3A_145, %add3A_178 : i32
      %mul3A_180 = arith.constant 128 : i32
      %mul3A_181 = arith.muli %add3A_179, %mul3A_180 : i32
      %add3A_182 = arith.constant 6 : i32
      %add3A_183 = arith.addi %sub3A_143, %add3A_182 : i32
      %add3A_184 = arith.constant 4 : i32
      %add3A_185 = arith.addi %add3A_183, %add3A_184 : i32
      "tpu.region"() ({
        %run_scoped3A = tpu.sem_alloc : memref<!tpu.dma_semaphore, #tpu.memory_space<semaphore_mem>>
        %dma_start3A_258 = arith.constant 0 : i32
        %dma_start3A_259 = tpu.memref_slice %arg7[%mul3A_181, %dma_start3A_258] : memref<1536x16xf32, #tpu.memory_space<vmem>> -> memref<128x16xf32, #tpu.memory_space<vmem>>
        %dma_start3A_260 = arith.constant 0 : i32
        %dma_start3A_261 = tpu.memref_slice %arg6[%add3A_185, %dma_start3A_260] : memref<24x128xi32, #tpu.memory_space<vmem>> -> memref<1x128xi32, #tpu.memory_space<vmem>>
        %dma_start3A_262 = tpu.memref_squeeze %dma_start3A_261 : memref<1x128xi32, #tpu.memory_space<vmem>> -> memref<128xi32, #tpu.memory_space<vmem>>
        %dma_start3A_263 = arith.constant 0 : i32
        %dma_start3A_264 = arith.constant 0 : i32
        %dma_start3A_265 = tpu.memref_slice %arg8[%dma_start3A_263, %dma_start3A_264] : memref<102400x16xf32, #tpu.memory_space<vmem_shared>> -> memref<102400x16xf32, #tpu.memory_space<vmem_shared>>
        tpu.enqueue_indirect_dma source(%dma_start3A_259 : memref<128x16xf32, #tpu.memory_space<vmem>>) target(%dma_start3A_265 : memref<102400x16xf32, #tpu.memory_space<vmem_shared>>) offsets(%dma_start3A_262 : memref<128xi32, #tpu.memory_space<vmem>>) semaphore(%run_scoped3A : memref<!tpu.dma_semaphore, #tpu.memory_space<semaphore_mem>>) {add = true}
        %dma_wait3A_266 = arith.constant 0 : i32
        %dma_wait3A_267 = tpu.memref_slice %arg7[%mul3A_181, %dma_wait3A_266] : memref<1536x16xf32, #tpu.memory_space<vmem>> -> memref<128x16xf32, #tpu.memory_space<vmem>>
        %dma_wait3A_268 = arith.constant 0 : i32
        %dma_wait3A_269 = tpu.memref_slice %arg6[%add3A_185, %dma_wait3A_268] : memref<24x128xi32, #tpu.memory_space<vmem>> -> memref<1x128xi32, #tpu.memory_space<vmem>>
        %dma_wait3A_270 = tpu.memref_squeeze %dma_wait3A_269 : memref<1x128xi32, #tpu.memory_space<vmem>> -> memref<128xi32, #tpu.memory_space<vmem>>
        %dma_wait3A_271 = arith.constant 0 : i32
        %dma_wait3A_272 = arith.constant 0 : i32
        %dma_wait3A_273 = tpu.memref_slice %arg8[%dma_wait3A_271, %dma_wait3A_272] : memref<102400x16xf32, #tpu.memory_space<vmem_shared>> -> memref<102400x16xf32, #tpu.memory_space<vmem_shared>>
        tpu.wait_indirect_dma semaphore(%run_scoped3A : memref<!tpu.dma_semaphore, #tpu.memory_space<semaphore_mem>>) src(%dma_wait3A_267 : memref<128x16xf32, #tpu.memory_space<vmem>>) dst(%dma_wait3A_273 : memref<102400x16xf32, #tpu.memory_space<vmem_shared>>)
        tpu.yield
      }) : () -> ()
      %add3A_186 = arith.constant 5 : i32
      %add3A_187 = arith.addi %sub3A_145, %add3A_186 : i32
      %mul3A_188 = arith.constant 128 : i32
      %mul3A_189 = arith.muli %add3A_187, %mul3A_188 : i32
      %add3A_190 = arith.constant 6 : i32
      %add3A_191 = arith.addi %sub3A_143, %add3A_190 : i32
      %add3A_192 = arith.constant 5 : i32
      %add3A_193 = arith.addi %add3A_191, %add3A_192 : i32
      "tpu.region"() ({
        %run_scoped3A = tpu.sem_alloc : memref<!tpu.dma_semaphore, #tpu.memory_space<semaphore_mem>>
        %dma_start3A_258 = arith.constant 0 : i32
        %dma_start3A_259 = tpu.memref_slice %arg7[%mul3A_189, %dma_start3A_258] : memref<1536x16xf32, #tpu.memory_space<vmem>> -> memref<128x16xf32, #tpu.memory_space<vmem>>
        %dma_start3A_260 = arith.constant 0 : i32
        %dma_start3A_261 = tpu.memref_slice %arg6[%add3A_193, %dma_start3A_260] : memref<24x128xi32, #tpu.memory_space<vmem>> -> memref<1x128xi32, #tpu.memory_space<vmem>>
        %dma_start3A_262 = tpu.memref_squeeze %dma_start3A_261 : memref<1x128xi32, #tpu.memory_space<vmem>> -> memref<128xi32, #tpu.memory_space<vmem>>
        %dma_start3A_263 = arith.constant 0 : i32
        %dma_start3A_264 = arith.constant 0 : i32
        %dma_start3A_265 = tpu.memref_slice %arg8[%dma_start3A_263, %dma_start3A_264] : memref<102400x16xf32, #tpu.memory_space<vmem_shared>> -> memref<102400x16xf32, #tpu.memory_space<vmem_shared>>
        tpu.enqueue_indirect_dma source(%dma_start3A_259 : memref<128x16xf32, #tpu.memory_space<vmem>>) target(%dma_start3A_265 : memref<102400x16xf32, #tpu.memory_space<vmem_shared>>) offsets(%dma_start3A_262 : memref<128xi32, #tpu.memory_space<vmem>>) semaphore(%run_scoped3A : memref<!tpu.dma_semaphore, #tpu.memory_space<semaphore_mem>>) {add = true}
        %dma_wait3A_266 = arith.constant 0 : i32
        %dma_wait3A_267 = tpu.memref_slice %arg7[%mul3A_189, %dma_wait3A_266] : memref<1536x16xf32, #tpu.memory_space<vmem>> -> memref<128x16xf32, #tpu.memory_space<vmem>>
        %dma_wait3A_268 = arith.constant 0 : i32
        %dma_wait3A_269 = tpu.memref_slice %arg6[%add3A_193, %dma_wait3A_268] : memref<24x128xi32, #tpu.memory_space<vmem>> -> memref<1x128xi32, #tpu.memory_space<vmem>>
        %dma_wait3A_270 = tpu.memref_squeeze %dma_wait3A_269 : memref<1x128xi32, #tpu.memory_space<vmem>> -> memref<128xi32, #tpu.memory_space<vmem>>
        %dma_wait3A_271 = arith.constant 0 : i32
        %dma_wait3A_272 = arith.constant 0 : i32
        %dma_wait3A_273 = tpu.memref_slice %arg8[%dma_wait3A_271, %dma_wait3A_272] : memref<102400x16xf32, #tpu.memory_space<vmem_shared>> -> memref<102400x16xf32, #tpu.memory_space<vmem_shared>>
        tpu.wait_indirect_dma semaphore(%run_scoped3A : memref<!tpu.dma_semaphore, #tpu.memory_space<semaphore_mem>>) src(%dma_wait3A_267 : memref<128x16xf32, #tpu.memory_space<vmem>>) dst(%dma_wait3A_273 : memref<102400x16xf32, #tpu.memory_space<vmem_shared>>)
        tpu.yield
      }) : () -> ()
      %add3A_194 = arith.constant 1 : i32
      %add3A_195 = arith.addi %scan3A_40, %add3A_194 : i32
      %mul3A_196 = arith.constant 2 : i32
      %mul3A_197 = arith.muli %add3A_195, %mul3A_196 : i32
      %mul3A_198 = arith.constant 6 : i32
      %mul3A_199 = arith.muli %mul3A_197, %mul3A_198 : i32
      %add3A_200 = arith.addi %mul3A_6, %mul3A_199 : i32
      %dma_start3A_201 = arith.constant 0 : i32
      %dma_start3A_202 = tpu.memref_slice %arg6[%sub3A_143, %dma_start3A_201] : memref<24x128xi32, #tpu.memory_space<vmem>> -> memref<12x128xi32, #tpu.memory_space<vmem>>
      %dma_start3A_203 = arith.constant 0 : i32
      %dma_start3A_204 = tpu.memref_slice %arg3[%add3A_200, %dma_start3A_203] : memref<26112x128xi32, #tpu.memory_space<hbm>> -> memref<12x128xi32, #tpu.memory_space<hbm>>
      %dma_start3A_205 = arith.constant 0 : i32
      %dma_start3A_206 = tpu.memref_slice %arg6[%sub3A_143, %dma_start3A_205] : memref<24x128xi32, #tpu.memory_space<vmem>> -> memref<12x128xi32, #tpu.memory_space<vmem>>
      %dma_start3A_207 = arith.constant 0 : i32
      %dma_start3A_208 = tpu.memref_slice %arg3[%add3A_200, %dma_start3A_207] : memref<26112x128xi32, #tpu.memory_space<hbm>> -> memref<12x128xi32, #tpu.memory_space<hbm>>
      tpu.enqueue_dma source(%dma_start3A_208 : memref<12x128xi32, #tpu.memory_space<hbm>>) target(%dma_start3A_206 : memref<12x128xi32, #tpu.memory_space<vmem>>) target_semaphore(%arg10 : memref<!tpu.dma_semaphore, #tpu.memory_space<semaphore_mem>>)
      %dma_wait3A_209 = arith.constant 0 : i32
      %dma_wait3A_210 = tpu.memref_slice %arg7[%mul3A_64, %dma_wait3A_209] : memref<1536x16xf32, #tpu.memory_space<vmem>> -> memref<128x16xf32, #tpu.memory_space<vmem>>
      %dma_wait3A_211 = arith.constant 0 : i32
      %dma_wait3A_212 = tpu.memref_slice %arg6[%add3A_60, %dma_wait3A_211] : memref<24x128xi32, #tpu.memory_space<vmem>> -> memref<1x128xi32, #tpu.memory_space<vmem>>
      %dma_wait3A_213 = tpu.memref_squeeze %dma_wait3A_212 : memref<1x128xi32, #tpu.memory_space<vmem>> -> memref<128xi32, #tpu.memory_space<vmem>>
      %dma_wait3A_214 = arith.constant 0 : i32
      %dma_wait3A_215 = arith.constant 0 : i32
      %dma_wait3A_216 = tpu.memref_slice %arg2[%dma_wait3A_214, %dma_wait3A_215] : memref<102400x16xf32, #tpu.memory_space<hbm>> -> memref<102400x16xf32, #tpu.memory_space<hbm>>
      tpu.wait_indirect_dma semaphore(%arg9 : memref<!tpu.dma_semaphore, #tpu.memory_space<semaphore_mem>>) src(%dma_wait3A_216 : memref<102400x16xf32, #tpu.memory_space<hbm>>) dst(%dma_wait3A_210 : memref<128x16xf32, #tpu.memory_space<vmem>>)
      %dma_wait3A_217 = arith.constant 0 : i32
      %dma_wait3A_218 = tpu.memref_slice %arg7[%mul3A_78, %dma_wait3A_217] : memref<1536x16xf32, #tpu.memory_space<vmem>> -> memref<128x16xf32, #tpu.memory_space<vmem>>
      %dma_wait3A_219 = arith.constant 0 : i32
      %dma_wait3A_220 = tpu.memref_slice %arg6[%add3A_74, %dma_wait3A_219] : memref<24x128xi32, #tpu.memory_space<vmem>> -> memref<1x128xi32, #tpu.memory_space<vmem>>
      %dma_wait3A_221 = tpu.memref_squeeze %dma_wait3A_220 : memref<1x128xi32, #tpu.memory_space<vmem>> -> memref<128xi32, #tpu.memory_space<vmem>>
      %dma_wait3A_222 = arith.constant 0 : i32
      %dma_wait3A_223 = arith.constant 0 : i32
      %dma_wait3A_224 = tpu.memref_slice %arg2[%dma_wait3A_222, %dma_wait3A_223] : memref<102400x16xf32, #tpu.memory_space<hbm>> -> memref<102400x16xf32, #tpu.memory_space<hbm>>
      tpu.wait_indirect_dma semaphore(%arg9 : memref<!tpu.dma_semaphore, #tpu.memory_space<semaphore_mem>>) src(%dma_wait3A_224 : memref<102400x16xf32, #tpu.memory_space<hbm>>) dst(%dma_wait3A_218 : memref<128x16xf32, #tpu.memory_space<vmem>>)
      %dma_wait3A_225 = arith.constant 0 : i32
      %dma_wait3A_226 = tpu.memref_slice %arg7[%mul3A_92, %dma_wait3A_225] : memref<1536x16xf32, #tpu.memory_space<vmem>> -> memref<128x16xf32, #tpu.memory_space<vmem>>
      %dma_wait3A_227 = arith.constant 0 : i32
      %dma_wait3A_228 = tpu.memref_slice %arg6[%add3A_88, %dma_wait3A_227] : memref<24x128xi32, #tpu.memory_space<vmem>> -> memref<1x128xi32, #tpu.memory_space<vmem>>
      %dma_wait3A_229 = tpu.memref_squeeze %dma_wait3A_228 : memref<1x128xi32, #tpu.memory_space<vmem>> -> memref<128xi32, #tpu.memory_space<vmem>>
      %dma_wait3A_230 = arith.constant 0 : i32
      %dma_wait3A_231 = arith.constant 0 : i32
      %dma_wait3A_232 = tpu.memref_slice %arg2[%dma_wait3A_230, %dma_wait3A_231] : memref<102400x16xf32, #tpu.memory_space<hbm>> -> memref<102400x16xf32, #tpu.memory_space<hbm>>
      tpu.wait_indirect_dma semaphore(%arg9 : memref<!tpu.dma_semaphore, #tpu.memory_space<semaphore_mem>>) src(%dma_wait3A_232 : memref<102400x16xf32, #tpu.memory_space<hbm>>) dst(%dma_wait3A_226 : memref<128x16xf32, #tpu.memory_space<vmem>>)
      %dma_wait3A_233 = arith.constant 0 : i32
      %dma_wait3A_234 = tpu.memref_slice %arg7[%mul3A_106, %dma_wait3A_233] : memref<1536x16xf32, #tpu.memory_space<vmem>> -> memref<128x16xf32, #tpu.memory_space<vmem>>
      %dma_wait3A_235 = arith.constant 0 : i32
      %dma_wait3A_236 = tpu.memref_slice %arg6[%add3A_102, %dma_wait3A_235] : memref<24x128xi32, #tpu.memory_space<vmem>> -> memref<1x128xi32, #tpu.memory_space<vmem>>
      %dma_wait3A_237 = tpu.memref_squeeze %dma_wait3A_236 : memref<1x128xi32, #tpu.memory_space<vmem>> -> memref<128xi32, #tpu.memory_space<vmem>>
      %dma_wait3A_238 = arith.constant 0 : i32
      %dma_wait3A_239 = arith.constant 0 : i32
      %dma_wait3A_240 = tpu.memref_slice %arg2[%dma_wait3A_238, %dma_wait3A_239] : memref<102400x16xf32, #tpu.memory_space<hbm>> -> memref<102400x16xf32, #tpu.memory_space<hbm>>
      tpu.wait_indirect_dma semaphore(%arg9 : memref<!tpu.dma_semaphore, #tpu.memory_space<semaphore_mem>>) src(%dma_wait3A_240 : memref<102400x16xf32, #tpu.memory_space<hbm>>) dst(%dma_wait3A_234 : memref<128x16xf32, #tpu.memory_space<vmem>>)
      %dma_wait3A_241 = arith.constant 0 : i32
      %dma_wait3A_242 = tpu.memref_slice %arg7[%mul3A_120, %dma_wait3A_241] : memref<1536x16xf32, #tpu.memory_space<vmem>> -> memref<128x16xf32, #tpu.memory_space<vmem>>
      %dma_wait3A_243 = arith.constant 0 : i32
      %dma_wait3A_244 = tpu.memref_slice %arg6[%add3A_116, %dma_wait3A_243] : memref<24x128xi32, #tpu.memory_space<vmem>> -> memref<1x128xi32, #tpu.memory_space<vmem>>
      %dma_wait3A_245 = tpu.memref_squeeze %dma_wait3A_244 : memref<1x128xi32, #tpu.memory_space<vmem>> -> memref<128xi32, #tpu.memory_space<vmem>>
      %dma_wait3A_246 = arith.constant 0 : i32
      %dma_wait3A_247 = arith.constant 0 : i32
      %dma_wait3A_248 = tpu.memref_slice %arg2[%dma_wait3A_246, %dma_wait3A_247] : memref<102400x16xf32, #tpu.memory_space<hbm>> -> memref<102400x16xf32, #tpu.memory_space<hbm>>
      tpu.wait_indirect_dma semaphore(%arg9 : memref<!tpu.dma_semaphore, #tpu.memory_space<semaphore_mem>>) src(%dma_wait3A_248 : memref<102400x16xf32, #tpu.memory_space<hbm>>) dst(%dma_wait3A_242 : memref<128x16xf32, #tpu.memory_space<vmem>>)
      %dma_wait3A_249 = arith.constant 0 : i32
      %dma_wait3A_250 = tpu.memref_slice %arg7[%mul3A_134, %dma_wait3A_249] : memref<1536x16xf32, #tpu.memory_space<vmem>> -> memref<128x16xf32, #tpu.memory_space<vmem>>
      %dma_wait3A_251 = arith.constant 0 : i32
      %dma_wait3A_252 = tpu.memref_slice %arg6[%add3A_130, %dma_wait3A_251] : memref<24x128xi32, #tpu.memory_space<vmem>> -> memref<1x128xi32, #tpu.memory_space<vmem>>
      %dma_wait3A_253 = tpu.memref_squeeze %dma_wait3A_252 : memref<1x128xi32, #tpu.memory_space<vmem>> -> memref<128xi32, #tpu.memory_space<vmem>>
      %dma_wait3A_254 = arith.constant 0 : i32
      %dma_wait3A_255 = arith.constant 0 : i32
      %dma_wait3A_256 = tpu.memref_slice %arg2[%dma_wait3A_254, %dma_wait3A_255] : memref<102400x16xf32, #tpu.memory_space<hbm>> -> memref<102400x16xf32, #tpu.memory_space<hbm>>
      tpu.wait_indirect_dma semaphore(%arg9 : memref<!tpu.dma_semaphore, #tpu.memory_space<semaphore_mem>>) src(%dma_wait3A_256 : memref<102400x16xf32, #tpu.memory_space<hbm>>) dst(%dma_wait3A_250 : memref<128x16xf32, #tpu.memory_space<vmem>>)
      %scan3A_257 = arith.constant 0 : i32
      scf.yield %scan3A_257 : i32
    }
    %scan3A_23 = arith.constant 67 : i32
    %dma_wait3A = arith.constant 0 : i32
    %dma_wait3A_24 = arith.constant 0 : i32
    %dma_wait3A_25 = tpu.memref_slice %arg6[%dma_wait3A, %dma_wait3A_24] : memref<24x128xi32, #tpu.memory_space<vmem>> -> memref<12x128xi32, #tpu.memory_space<vmem>>
    %dma_wait3A_26 = arith.constant 0 : i32
    %dma_wait3A_27 = arith.constant 0 : i32
    %dma_wait3A_28 = tpu.memref_slice %arg3[%dma_wait3A_26, %dma_wait3A_27] : memref<26112x128xi32, #tpu.memory_space<hbm>> -> memref<12x128xi32, #tpu.memory_space<hbm>>
    %dma_wait3A_29 = arith.constant 0 : i32
    %dma_wait3A_30 = arith.constant 0 : i32
    %dma_wait3A_31 = tpu.memref_slice %arg6[%dma_wait3A_29, %dma_wait3A_30] : memref<24x128xi32, #tpu.memory_space<vmem>> -> memref<12x128xi32, #tpu.memory_space<vmem>>
    %dma_wait3A_32 = arith.constant 0 : i32
    %dma_wait3A_33 = arith.constant 0 : i32
    %dma_wait3A_34 = tpu.memref_slice %arg3[%dma_wait3A_32, %dma_wait3A_33] : memref<26112x128xi32, #tpu.memory_space<hbm>> -> memref<12x128xi32, #tpu.memory_space<hbm>>
    tpu.wait_dma2 semaphore(%arg10 : memref<!tpu.dma_semaphore, #tpu.memory_space<semaphore_mem>>) src(%dma_wait3A_34 : memref<12x128xi32, #tpu.memory_space<hbm>>) dst(%dma_wait3A_31 : memref<12x128xi32, #tpu.memory_space<vmem>>)
    %barrier3A_35 = arith.constant 0 : index
    tpu.barrier barrier_id(%barrier3A_35)
    %mul3A_36 = arith.constant 6400 : i32
    %mul3A_37 = arith.muli %arg1, %mul3A_36 : i32
    %mul3A_38 = arith.constant 6400 : i32
    %mul3A_39 = arith.muli %arg1, %mul3A_38 : i32
    "tpu.region"() ({
      %run_scoped3A = tpu.sem_alloc : memref<!tpu.dma_semaphore, #tpu.memory_space<semaphore_mem>>
      %dma_start3A_40 = arith.constant 0 : i32
      %dma_start3A_41 = tpu.memref_slice %arg5[%arg0, %mul3A_39, %dma_start3A_40] : memref<2x102400x16xf32, #tpu.memory_space<hbm>> -> memref<1x6400x16xf32, #tpu.memory_space<hbm>>
      %dma_start3A_42 = tpu.memref_squeeze %dma_start3A_41 : memref<1x6400x16xf32, #tpu.memory_space<hbm>> -> memref<6400x16xf32, #tpu.memory_space<hbm>>
      %dma_start3A_43 = arith.constant 0 : i32
      %dma_start3A_44 = tpu.memref_slice %arg8[%mul3A_37, %dma_start3A_43] : memref<102400x16xf32, #tpu.memory_space<vmem_shared>> -> memref<6400x16xf32, #tpu.memory_space<vmem_shared>>
      tpu.enqueue_dma source(%dma_start3A_44 : memref<6400x16xf32, #tpu.memory_space<vmem_shared>>) target(%dma_start3A_42 : memref<6400x16xf32, #tpu.memory_space<hbm>>) target_semaphore(%run_scoped3A : memref<!tpu.dma_semaphore, #tpu.memory_space<semaphore_mem>>)
      %dma_wait3A_45 = arith.constant 0 : i32
      %dma_wait3A_46 = tpu.memref_slice %arg5[%arg0, %mul3A_39, %dma_wait3A_45] : memref<2x102400x16xf32, #tpu.memory_space<hbm>> -> memref<1x6400x16xf32, #tpu.memory_space<hbm>>
      %dma_wait3A_47 = tpu.memref_squeeze %dma_wait3A_46 : memref<1x6400x16xf32, #tpu.memory_space<hbm>> -> memref<6400x16xf32, #tpu.memory_space<hbm>>
      %dma_wait3A_48 = arith.constant 0 : i32
      %dma_wait3A_49 = tpu.memref_slice %arg8[%mul3A_37, %dma_wait3A_48] : memref<102400x16xf32, #tpu.memory_space<vmem_shared>> -> memref<6400x16xf32, #tpu.memory_space<vmem_shared>>
      tpu.wait_dma2 semaphore(%run_scoped3A : memref<!tpu.dma_semaphore, #tpu.memory_space<semaphore_mem>>) src(%dma_wait3A_49 : memref<6400x16xf32, #tpu.memory_space<vmem_shared>>) dst(%dma_wait3A_47 : memref<6400x16xf32, #tpu.memory_space<hbm>>)
      tpu.yield
    }) : () -> ()
    return
  }
}

#map = affine_map<(d0, d1) -> (0, 0)>
#map1 = affine_map<(d0, d1) -> (0, 0, 0)>
module attributes {stable_mosaic.version = 14 : i64} {
  func.func @_deg_body(%arg0: i32, %arg1: i32, %arg2: memref<26112x128xi32, #tpu.memory_space<hbm>>, %arg3: memref<102400x16xf32, #tpu.memory_space<hbm>>, %arg4: memref<128x16xf32, #tpu.memory_space<hbm>>, %arg5: memref<2x102400x16xf32, #tpu.memory_space<hbm>>, %arg6: memref<12x128xi32, #tpu.memory_space<vmem>>, %arg7: memref<128x16xf32, #tpu.memory_space<vmem>>, %arg8: memref<102400x16xf32, #tpu.memory_space<vmem_shared>>, %arg9: memref<!tpu.dma_semaphore, #tpu.memory_space<semaphore_mem>>) attributes {dimension_semantics = [#tpu.dimension_semantics<core_parallel>, #tpu.dimension_semantics<subcore_parallel>], iteration_bounds = array<i64: 2, 16>, scalar_prefetch = 0 : i64, scratch_operands = 4 : i64, tpu.core_type = #tpu.core_type<sc_vector_subcore>, window_params = [{transform_indices = #map}, {transform_indices = #map}, {transform_indices = #map}, {transform_indices = #map1}]} {
    "tpu.region"() ({
      %run_scoped3A = tpu.sem_alloc : memref<!tpu.dma_semaphore, #tpu.memory_space<semaphore_mem>>
      tpu.enqueue_dma source(%arg4 : memref<128x16xf32, #tpu.memory_space<hbm>>) target(%arg7 : memref<128x16xf32, #tpu.memory_space<vmem>>) target_semaphore(%run_scoped3A : memref<!tpu.dma_semaphore, #tpu.memory_space<semaphore_mem>>)
      tpu.wait_dma2 semaphore(%run_scoped3A : memref<!tpu.dma_semaphore, #tpu.memory_space<semaphore_mem>>) src(%arg4 : memref<128x16xf32, #tpu.memory_space<hbm>>) dst(%arg7 : memref<128x16xf32, #tpu.memory_space<vmem>>)
      tpu.yield
    }) : () -> ()
    %mul3A = arith.constant 6400 : i32
    %mul3A_0 = arith.muli %arg1, %mul3A : i32
    %mul3A_1 = arith.constant 6400 : i32
    %mul3A_2 = arith.muli %arg1, %mul3A_1 : i32
    "tpu.region"() ({
      %run_scoped3A = tpu.sem_alloc : memref<!tpu.dma_semaphore, #tpu.memory_space<semaphore_mem>>
      %dma_start3A_40 = arith.constant 0 : i32
      %dma_start3A_41 = tpu.memref_slice %arg8[%mul3A_2, %dma_start3A_40] : memref<102400x16xf32, #tpu.memory_space<vmem_shared>> -> memref<6400x16xf32, #tpu.memory_space<vmem_shared>>
      %dma_start3A_42 = arith.constant 0 : i32
      %dma_start3A_43 = tpu.memref_slice %arg3[%mul3A_0, %dma_start3A_42] : memref<102400x16xf32, #tpu.memory_space<hbm>> -> memref<6400x16xf32, #tpu.memory_space<hbm>>
      tpu.enqueue_dma source(%dma_start3A_43 : memref<6400x16xf32, #tpu.memory_space<hbm>>) target(%dma_start3A_41 : memref<6400x16xf32, #tpu.memory_space<vmem_shared>>) target_semaphore(%run_scoped3A : memref<!tpu.dma_semaphore, #tpu.memory_space<semaphore_mem>>)
      %dma_wait3A_44 = arith.constant 0 : i32
      %dma_wait3A_45 = tpu.memref_slice %arg8[%mul3A_2, %dma_wait3A_44] : memref<102400x16xf32, #tpu.memory_space<vmem_shared>> -> memref<6400x16xf32, #tpu.memory_space<vmem_shared>>
      %dma_wait3A_46 = arith.constant 0 : i32
      %dma_wait3A_47 = tpu.memref_slice %arg3[%mul3A_0, %dma_wait3A_46] : memref<102400x16xf32, #tpu.memory_space<hbm>> -> memref<6400x16xf32, #tpu.memory_space<hbm>>
      tpu.wait_dma2 semaphore(%run_scoped3A : memref<!tpu.dma_semaphore, #tpu.memory_space<semaphore_mem>>) src(%dma_wait3A_47 : memref<6400x16xf32, #tpu.memory_space<hbm>>) dst(%dma_wait3A_45 : memref<6400x16xf32, #tpu.memory_space<vmem_shared>>)
      tpu.yield
    }) : () -> ()
    %barrier3A = arith.constant 0 : index
    tpu.barrier barrier_id(%barrier3A)
    %mul3A_3 = arith.constant 16 : i32
    %mul3A_4 = arith.muli %arg0, %mul3A_3 : i32
    %add3A = arith.addi %mul3A_4, %arg1 : i32
    %mul3A_5 = arith.constant 816 : i32
    %mul3A_6 = arith.muli %add3A, %mul3A_5 : i32
    %add3A_7 = arith.constant 6 : i32
    %add3A_8 = arith.addi %mul3A_6, %add3A_7 : i32
    %dma_start3A = arith.constant 0 : i32
    %dma_start3A_9 = arith.constant 0 : i32
    %dma_start3A_10 = tpu.memref_slice %arg6[%dma_start3A, %dma_start3A_9] : memref<12x128xi32, #tpu.memory_space<vmem>> -> memref<6x128xi32, #tpu.memory_space<vmem>>
    %dma_start3A_11 = arith.constant 0 : i32
    %dma_start3A_12 = tpu.memref_slice %arg2[%add3A_8, %dma_start3A_11] : memref<26112x128xi32, #tpu.memory_space<hbm>> -> memref<6x128xi32, #tpu.memory_space<hbm>>
    %dma_start3A_13 = arith.constant 0 : i32
    %dma_start3A_14 = arith.constant 0 : i32
    %dma_start3A_15 = tpu.memref_slice %arg6[%dma_start3A_13, %dma_start3A_14] : memref<12x128xi32, #tpu.memory_space<vmem>> -> memref<6x128xi32, #tpu.memory_space<vmem>>
    %dma_start3A_16 = arith.constant 0 : i32
    %dma_start3A_17 = tpu.memref_slice %arg2[%add3A_8, %dma_start3A_16] : memref<26112x128xi32, #tpu.memory_space<hbm>> -> memref<6x128xi32, #tpu.memory_space<hbm>>
    tpu.enqueue_dma source(%dma_start3A_17 : memref<6x128xi32, #tpu.memory_space<hbm>>) target(%dma_start3A_15 : memref<6x128xi32, #tpu.memory_space<vmem>>) target_semaphore(%arg9 : memref<!tpu.dma_semaphore, #tpu.memory_space<semaphore_mem>>)
    %scan3A = arith.constant 0 : i32
    %scan3A_18 = arith.constant 0 : i32
    %scan3A_19 = arith.constant 66 : i32
    %scan3A_20 = arith.addi %scan3A_18, %scan3A_19 : i32
    %scan3A_21 = arith.constant 1 : i32
    %scan3A_22 = scf.for %scan3A_40 = %scan3A_18 to %scan3A_20 step %scan3A_21 iter_args(%scan3A_41 = %scan3A) -> (i32)  : i32 {
      %rem3A = arith.constant 2 : i32
      %rem3A_42 = arith.remsi %scan3A_40, %rem3A : i32
      %mul3A_43 = arith.constant 6 : i32
      %mul3A_44 = arith.muli %rem3A_42, %mul3A_43 : i32
      %dma_wait3A_45 = arith.constant 0 : i32
      %dma_wait3A_46 = tpu.memref_slice %arg6[%mul3A_44, %dma_wait3A_45] : memref<12x128xi32, #tpu.memory_space<vmem>> -> memref<6x128xi32, #tpu.memory_space<vmem>>
      %dma_wait3A_47 = arith.constant 0 : i32
      %dma_wait3A_48 = arith.constant 0 : i32
      %dma_wait3A_49 = tpu.memref_slice %arg2[%dma_wait3A_47, %dma_wait3A_48] : memref<26112x128xi32, #tpu.memory_space<hbm>> -> memref<6x128xi32, #tpu.memory_space<hbm>>
      %dma_wait3A_50 = arith.constant 0 : i32
      %dma_wait3A_51 = tpu.memref_slice %arg6[%mul3A_44, %dma_wait3A_50] : memref<12x128xi32, #tpu.memory_space<vmem>> -> memref<6x128xi32, #tpu.memory_space<vmem>>
      %dma_wait3A_52 = arith.constant 0 : i32
      %dma_wait3A_53 = arith.constant 0 : i32
      %dma_wait3A_54 = tpu.memref_slice %arg2[%dma_wait3A_52, %dma_wait3A_53] : memref<26112x128xi32, #tpu.memory_space<hbm>> -> memref<6x128xi32, #tpu.memory_space<hbm>>
      tpu.wait_dma2 semaphore(%arg9 : memref<!tpu.dma_semaphore, #tpu.memory_space<semaphore_mem>>) src(%dma_wait3A_54 : memref<6x128xi32, #tpu.memory_space<hbm>>) dst(%dma_wait3A_51 : memref<6x128xi32, #tpu.memory_space<vmem>>)
      %sub3A = arith.constant 6 : i32
      %sub3A_55 = arith.subi %sub3A, %mul3A_44 : i32
      %add3A_56 = arith.constant 1 : i32
      %add3A_57 = arith.addi %scan3A_40, %add3A_56 : i32
      %mul3A_58 = arith.constant 2 : i32
      %mul3A_59 = arith.muli %add3A_57, %mul3A_58 : i32
      %mul3A_60 = arith.constant 6 : i32
      %mul3A_61 = arith.muli %mul3A_59, %mul3A_60 : i32
      %add3A_62 = arith.addi %mul3A_6, %mul3A_61 : i32
      %add3A_63 = arith.constant 6 : i32
      %add3A_64 = arith.addi %add3A_62, %add3A_63 : i32
      %dma_start3A_65 = arith.constant 0 : i32
      %dma_start3A_66 = tpu.memref_slice %arg6[%sub3A_55, %dma_start3A_65] : memref<12x128xi32, #tpu.memory_space<vmem>> -> memref<6x128xi32, #tpu.memory_space<vmem>>
      %dma_start3A_67 = arith.constant 0 : i32
      %dma_start3A_68 = tpu.memref_slice %arg2[%add3A_64, %dma_start3A_67] : memref<26112x128xi32, #tpu.memory_space<hbm>> -> memref<6x128xi32, #tpu.memory_space<hbm>>
      %dma_start3A_69 = arith.constant 0 : i32
      %dma_start3A_70 = tpu.memref_slice %arg6[%sub3A_55, %dma_start3A_69] : memref<12x128xi32, #tpu.memory_space<vmem>> -> memref<6x128xi32, #tpu.memory_space<vmem>>
      %dma_start3A_71 = arith.constant 0 : i32
      %dma_start3A_72 = tpu.memref_slice %arg2[%add3A_64, %dma_start3A_71] : memref<26112x128xi32, #tpu.memory_space<hbm>> -> memref<6x128xi32, #tpu.memory_space<hbm>>
      tpu.enqueue_dma source(%dma_start3A_72 : memref<6x128xi32, #tpu.memory_space<hbm>>) target(%dma_start3A_70 : memref<6x128xi32, #tpu.memory_space<vmem>>) target_semaphore(%arg9 : memref<!tpu.dma_semaphore, #tpu.memory_space<semaphore_mem>>)
      %add3A_73 = arith.constant 0 : i32
      %add3A_74 = arith.addi %mul3A_44, %add3A_73 : i32
      "tpu.region"() ({
        %run_scoped3A = tpu.sem_alloc : memref<!tpu.dma_semaphore, #tpu.memory_space<semaphore_mem>>
        %dma_start3A_86 = arith.constant 0 : i32
        %dma_start3A_87 = tpu.memref_slice %arg6[%add3A_74, %dma_start3A_86] : memref<12x128xi32, #tpu.memory_space<vmem>> -> memref<1x128xi32, #tpu.memory_space<vmem>>
        %dma_start3A_88 = tpu.memref_squeeze %dma_start3A_87 : memref<1x128xi32, #tpu.memory_space<vmem>> -> memref<128xi32, #tpu.memory_space<vmem>>
        %dma_start3A_89 = arith.constant 0 : i32
        %dma_start3A_90 = arith.constant 0 : i32
        %dma_start3A_91 = tpu.memref_slice %arg8[%dma_start3A_89, %dma_start3A_90] : memref<102400x16xf32, #tpu.memory_space<vmem_shared>> -> memref<102400x16xf32, #tpu.memory_space<vmem_shared>>
        tpu.enqueue_indirect_dma source(%arg7 : memref<128x16xf32, #tpu.memory_space<vmem>>) target(%dma_start3A_91 : memref<102400x16xf32, #tpu.memory_space<vmem_shared>>) offsets(%dma_start3A_88 : memref<128xi32, #tpu.memory_space<vmem>>) semaphore(%run_scoped3A : memref<!tpu.dma_semaphore, #tpu.memory_space<semaphore_mem>>) {add = true}
        %dma_wait3A_92 = arith.constant 0 : i32
        %dma_wait3A_93 = tpu.memref_slice %arg6[%add3A_74, %dma_wait3A_92] : memref<12x128xi32, #tpu.memory_space<vmem>> -> memref<1x128xi32, #tpu.memory_space<vmem>>
        %dma_wait3A_94 = tpu.memref_squeeze %dma_wait3A_93 : memref<1x128xi32, #tpu.memory_space<vmem>> -> memref<128xi32, #tpu.memory_space<vmem>>
        %dma_wait3A_95 = arith.constant 0 : i32
        %dma_wait3A_96 = arith.constant 0 : i32
        %dma_wait3A_97 = tpu.memref_slice %arg8[%dma_wait3A_95, %dma_wait3A_96] : memref<102400x16xf32, #tpu.memory_space<vmem_shared>> -> memref<102400x16xf32, #tpu.memory_space<vmem_shared>>
        tpu.wait_indirect_dma semaphore(%run_scoped3A : memref<!tpu.dma_semaphore, #tpu.memory_space<semaphore_mem>>) src(%arg7 : memref<128x16xf32, #tpu.memory_space<vmem>>) dst(%dma_wait3A_97 : memref<102400x16xf32, #tpu.memory_space<vmem_shared>>)
        tpu.yield
      }) : () -> ()
      %add3A_75 = arith.constant 1 : i32
      %add3A_76 = arith.addi %mul3A_44, %add3A_75 : i32
      "tpu.region"() ({
        %run_scoped3A = tpu.sem_alloc : memref<!tpu.dma_semaphore, #tpu.memory_space<semaphore_mem>>
        %dma_start3A_86 = arith.constant 0 : i32
        %dma_start3A_87 = tpu.memref_slice %arg6[%add3A_76, %dma_start3A_86] : memref<12x128xi32, #tpu.memory_space<vmem>> -> memref<1x128xi32, #tpu.memory_space<vmem>>
        %dma_start3A_88 = tpu.memref_squeeze %dma_start3A_87 : memref<1x128xi32, #tpu.memory_space<vmem>> -> memref<128xi32, #tpu.memory_space<vmem>>
        %dma_start3A_89 = arith.constant 0 : i32
        %dma_start3A_90 = arith.constant 0 : i32
        %dma_start3A_91 = tpu.memref_slice %arg8[%dma_start3A_89, %dma_start3A_90] : memref<102400x16xf32, #tpu.memory_space<vmem_shared>> -> memref<102400x16xf32, #tpu.memory_space<vmem_shared>>
        tpu.enqueue_indirect_dma source(%arg7 : memref<128x16xf32, #tpu.memory_space<vmem>>) target(%dma_start3A_91 : memref<102400x16xf32, #tpu.memory_space<vmem_shared>>) offsets(%dma_start3A_88 : memref<128xi32, #tpu.memory_space<vmem>>) semaphore(%run_scoped3A : memref<!tpu.dma_semaphore, #tpu.memory_space<semaphore_mem>>) {add = true}
        %dma_wait3A_92 = arith.constant 0 : i32
        %dma_wait3A_93 = tpu.memref_slice %arg6[%add3A_76, %dma_wait3A_92] : memref<12x128xi32, #tpu.memory_space<vmem>> -> memref<1x128xi32, #tpu.memory_space<vmem>>
        %dma_wait3A_94 = tpu.memref_squeeze %dma_wait3A_93 : memref<1x128xi32, #tpu.memory_space<vmem>> -> memref<128xi32, #tpu.memory_space<vmem>>
        %dma_wait3A_95 = arith.constant 0 : i32
        %dma_wait3A_96 = arith.constant 0 : i32
        %dma_wait3A_97 = tpu.memref_slice %arg8[%dma_wait3A_95, %dma_wait3A_96] : memref<102400x16xf32, #tpu.memory_space<vmem_shared>> -> memref<102400x16xf32, #tpu.memory_space<vmem_shared>>
        tpu.wait_indirect_dma semaphore(%run_scoped3A : memref<!tpu.dma_semaphore, #tpu.memory_space<semaphore_mem>>) src(%arg7 : memref<128x16xf32, #tpu.memory_space<vmem>>) dst(%dma_wait3A_97 : memref<102400x16xf32, #tpu.memory_space<vmem_shared>>)
        tpu.yield
      }) : () -> ()
      %add3A_77 = arith.constant 2 : i32
      %add3A_78 = arith.addi %mul3A_44, %add3A_77 : i32
      "tpu.region"() ({
        %run_scoped3A = tpu.sem_alloc : memref<!tpu.dma_semaphore, #tpu.memory_space<semaphore_mem>>
        %dma_start3A_86 = arith.constant 0 : i32
        %dma_start3A_87 = tpu.memref_slice %arg6[%add3A_78, %dma_start3A_86] : memref<12x128xi32, #tpu.memory_space<vmem>> -> memref<1x128xi32, #tpu.memory_space<vmem>>
        %dma_start3A_88 = tpu.memref_squeeze %dma_start3A_87 : memref<1x128xi32, #tpu.memory_space<vmem>> -> memref<128xi32, #tpu.memory_space<vmem>>
        %dma_start3A_89 = arith.constant 0 : i32
        %dma_start3A_90 = arith.constant 0 : i32
        %dma_start3A_91 = tpu.memref_slice %arg8[%dma_start3A_89, %dma_start3A_90] : memref<102400x16xf32, #tpu.memory_space<vmem_shared>> -> memref<102400x16xf32, #tpu.memory_space<vmem_shared>>
        tpu.enqueue_indirect_dma source(%arg7 : memref<128x16xf32, #tpu.memory_space<vmem>>) target(%dma_start3A_91 : memref<102400x16xf32, #tpu.memory_space<vmem_shared>>) offsets(%dma_start3A_88 : memref<128xi32, #tpu.memory_space<vmem>>) semaphore(%run_scoped3A : memref<!tpu.dma_semaphore, #tpu.memory_space<semaphore_mem>>) {add = true}
        %dma_wait3A_92 = arith.constant 0 : i32
        %dma_wait3A_93 = tpu.memref_slice %arg6[%add3A_78, %dma_wait3A_92] : memref<12x128xi32, #tpu.memory_space<vmem>> -> memref<1x128xi32, #tpu.memory_space<vmem>>
        %dma_wait3A_94 = tpu.memref_squeeze %dma_wait3A_93 : memref<1x128xi32, #tpu.memory_space<vmem>> -> memref<128xi32, #tpu.memory_space<vmem>>
        %dma_wait3A_95 = arith.constant 0 : i32
        %dma_wait3A_96 = arith.constant 0 : i32
        %dma_wait3A_97 = tpu.memref_slice %arg8[%dma_wait3A_95, %dma_wait3A_96] : memref<102400x16xf32, #tpu.memory_space<vmem_shared>> -> memref<102400x16xf32, #tpu.memory_space<vmem_shared>>
        tpu.wait_indirect_dma semaphore(%run_scoped3A : memref<!tpu.dma_semaphore, #tpu.memory_space<semaphore_mem>>) src(%arg7 : memref<128x16xf32, #tpu.memory_space<vmem>>) dst(%dma_wait3A_97 : memref<102400x16xf32, #tpu.memory_space<vmem_shared>>)
        tpu.yield
      }) : () -> ()
      %add3A_79 = arith.constant 3 : i32
      %add3A_80 = arith.addi %mul3A_44, %add3A_79 : i32
      "tpu.region"() ({
        %run_scoped3A = tpu.sem_alloc : memref<!tpu.dma_semaphore, #tpu.memory_space<semaphore_mem>>
        %dma_start3A_86 = arith.constant 0 : i32
        %dma_start3A_87 = tpu.memref_slice %arg6[%add3A_80, %dma_start3A_86] : memref<12x128xi32, #tpu.memory_space<vmem>> -> memref<1x128xi32, #tpu.memory_space<vmem>>
        %dma_start3A_88 = tpu.memref_squeeze %dma_start3A_87 : memref<1x128xi32, #tpu.memory_space<vmem>> -> memref<128xi32, #tpu.memory_space<vmem>>
        %dma_start3A_89 = arith.constant 0 : i32
        %dma_start3A_90 = arith.constant 0 : i32
        %dma_start3A_91 = tpu.memref_slice %arg8[%dma_start3A_89, %dma_start3A_90] : memref<102400x16xf32, #tpu.memory_space<vmem_shared>> -> memref<102400x16xf32, #tpu.memory_space<vmem_shared>>
        tpu.enqueue_indirect_dma source(%arg7 : memref<128x16xf32, #tpu.memory_space<vmem>>) target(%dma_start3A_91 : memref<102400x16xf32, #tpu.memory_space<vmem_shared>>) offsets(%dma_start3A_88 : memref<128xi32, #tpu.memory_space<vmem>>) semaphore(%run_scoped3A : memref<!tpu.dma_semaphore, #tpu.memory_space<semaphore_mem>>) {add = true}
        %dma_wait3A_92 = arith.constant 0 : i32
        %dma_wait3A_93 = tpu.memref_slice %arg6[%add3A_80, %dma_wait3A_92] : memref<12x128xi32, #tpu.memory_space<vmem>> -> memref<1x128xi32, #tpu.memory_space<vmem>>
        %dma_wait3A_94 = tpu.memref_squeeze %dma_wait3A_93 : memref<1x128xi32, #tpu.memory_space<vmem>> -> memref<128xi32, #tpu.memory_space<vmem>>
        %dma_wait3A_95 = arith.constant 0 : i32
        %dma_wait3A_96 = arith.constant 0 : i32
        %dma_wait3A_97 = tpu.memref_slice %arg8[%dma_wait3A_95, %dma_wait3A_96] : memref<102400x16xf32, #tpu.memory_space<vmem_shared>> -> memref<102400x16xf32, #tpu.memory_space<vmem_shared>>
        tpu.wait_indirect_dma semaphore(%run_scoped3A : memref<!tpu.dma_semaphore, #tpu.memory_space<semaphore_mem>>) src(%arg7 : memref<128x16xf32, #tpu.memory_space<vmem>>) dst(%dma_wait3A_97 : memref<102400x16xf32, #tpu.memory_space<vmem_shared>>)
        tpu.yield
      }) : () -> ()
      %add3A_81 = arith.constant 4 : i32
      %add3A_82 = arith.addi %mul3A_44, %add3A_81 : i32
      "tpu.region"() ({
        %run_scoped3A = tpu.sem_alloc : memref<!tpu.dma_semaphore, #tpu.memory_space<semaphore_mem>>
        %dma_start3A_86 = arith.constant 0 : i32
        %dma_start3A_87 = tpu.memref_slice %arg6[%add3A_82, %dma_start3A_86] : memref<12x128xi32, #tpu.memory_space<vmem>> -> memref<1x128xi32, #tpu.memory_space<vmem>>
        %dma_start3A_88 = tpu.memref_squeeze %dma_start3A_87 : memref<1x128xi32, #tpu.memory_space<vmem>> -> memref<128xi32, #tpu.memory_space<vmem>>
        %dma_start3A_89 = arith.constant 0 : i32
        %dma_start3A_90 = arith.constant 0 : i32
        %dma_start3A_91 = tpu.memref_slice %arg8[%dma_start3A_89, %dma_start3A_90] : memref<102400x16xf32, #tpu.memory_space<vmem_shared>> -> memref<102400x16xf32, #tpu.memory_space<vmem_shared>>
        tpu.enqueue_indirect_dma source(%arg7 : memref<128x16xf32, #tpu.memory_space<vmem>>) target(%dma_start3A_91 : memref<102400x16xf32, #tpu.memory_space<vmem_shared>>) offsets(%dma_start3A_88 : memref<128xi32, #tpu.memory_space<vmem>>) semaphore(%run_scoped3A : memref<!tpu.dma_semaphore, #tpu.memory_space<semaphore_mem>>) {add = true}
        %dma_wait3A_92 = arith.constant 0 : i32
        %dma_wait3A_93 = tpu.memref_slice %arg6[%add3A_82, %dma_wait3A_92] : memref<12x128xi32, #tpu.memory_space<vmem>> -> memref<1x128xi32, #tpu.memory_space<vmem>>
        %dma_wait3A_94 = tpu.memref_squeeze %dma_wait3A_93 : memref<1x128xi32, #tpu.memory_space<vmem>> -> memref<128xi32, #tpu.memory_space<vmem>>
        %dma_wait3A_95 = arith.constant 0 : i32
        %dma_wait3A_96 = arith.constant 0 : i32
        %dma_wait3A_97 = tpu.memref_slice %arg8[%dma_wait3A_95, %dma_wait3A_96] : memref<102400x16xf32, #tpu.memory_space<vmem_shared>> -> memref<102400x16xf32, #tpu.memory_space<vmem_shared>>
        tpu.wait_indirect_dma semaphore(%run_scoped3A : memref<!tpu.dma_semaphore, #tpu.memory_space<semaphore_mem>>) src(%arg7 : memref<128x16xf32, #tpu.memory_space<vmem>>) dst(%dma_wait3A_97 : memref<102400x16xf32, #tpu.memory_space<vmem_shared>>)
        tpu.yield
      }) : () -> ()
      %add3A_83 = arith.constant 5 : i32
      %add3A_84 = arith.addi %mul3A_44, %add3A_83 : i32
      "tpu.region"() ({
        %run_scoped3A = tpu.sem_alloc : memref<!tpu.dma_semaphore, #tpu.memory_space<semaphore_mem>>
        %dma_start3A_86 = arith.constant 0 : i32
        %dma_start3A_87 = tpu.memref_slice %arg6[%add3A_84, %dma_start3A_86] : memref<12x128xi32, #tpu.memory_space<vmem>> -> memref<1x128xi32, #tpu.memory_space<vmem>>
        %dma_start3A_88 = tpu.memref_squeeze %dma_start3A_87 : memref<1x128xi32, #tpu.memory_space<vmem>> -> memref<128xi32, #tpu.memory_space<vmem>>
        %dma_start3A_89 = arith.constant 0 : i32
        %dma_start3A_90 = arith.constant 0 : i32
        %dma_start3A_91 = tpu.memref_slice %arg8[%dma_start3A_89, %dma_start3A_90] : memref<102400x16xf32, #tpu.memory_space<vmem_shared>> -> memref<102400x16xf32, #tpu.memory_space<vmem_shared>>
        tpu.enqueue_indirect_dma source(%arg7 : memref<128x16xf32, #tpu.memory_space<vmem>>) target(%dma_start3A_91 : memref<102400x16xf32, #tpu.memory_space<vmem_shared>>) offsets(%dma_start3A_88 : memref<128xi32, #tpu.memory_space<vmem>>) semaphore(%run_scoped3A : memref<!tpu.dma_semaphore, #tpu.memory_space<semaphore_mem>>) {add = true}
        %dma_wait3A_92 = arith.constant 0 : i32
        %dma_wait3A_93 = tpu.memref_slice %arg6[%add3A_84, %dma_wait3A_92] : memref<12x128xi32, #tpu.memory_space<vmem>> -> memref<1x128xi32, #tpu.memory_space<vmem>>
        %dma_wait3A_94 = tpu.memref_squeeze %dma_wait3A_93 : memref<1x128xi32, #tpu.memory_space<vmem>> -> memref<128xi32, #tpu.memory_space<vmem>>
        %dma_wait3A_95 = arith.constant 0 : i32
        %dma_wait3A_96 = arith.constant 0 : i32
        %dma_wait3A_97 = tpu.memref_slice %arg8[%dma_wait3A_95, %dma_wait3A_96] : memref<102400x16xf32, #tpu.memory_space<vmem_shared>> -> memref<102400x16xf32, #tpu.memory_space<vmem_shared>>
        tpu.wait_indirect_dma semaphore(%run_scoped3A : memref<!tpu.dma_semaphore, #tpu.memory_space<semaphore_mem>>) src(%arg7 : memref<128x16xf32, #tpu.memory_space<vmem>>) dst(%dma_wait3A_97 : memref<102400x16xf32, #tpu.memory_space<vmem_shared>>)
        tpu.yield
      }) : () -> ()
      %scan3A_85 = arith.constant 0 : i32
      scf.yield %scan3A_85 : i32
    }
    %scan3A_23 = arith.constant 66 : i32
    %dma_wait3A = arith.constant 0 : i32
    %dma_wait3A_24 = arith.constant 0 : i32
    %dma_wait3A_25 = tpu.memref_slice %arg6[%dma_wait3A, %dma_wait3A_24] : memref<12x128xi32, #tpu.memory_space<vmem>> -> memref<6x128xi32, #tpu.memory_space<vmem>>
    %dma_wait3A_26 = arith.constant 0 : i32
    %dma_wait3A_27 = arith.constant 0 : i32
    %dma_wait3A_28 = tpu.memref_slice %arg2[%dma_wait3A_26, %dma_wait3A_27] : memref<26112x128xi32, #tpu.memory_space<hbm>> -> memref<6x128xi32, #tpu.memory_space<hbm>>
    %dma_wait3A_29 = arith.constant 0 : i32
    %dma_wait3A_30 = arith.constant 0 : i32
    %dma_wait3A_31 = tpu.memref_slice %arg6[%dma_wait3A_29, %dma_wait3A_30] : memref<12x128xi32, #tpu.memory_space<vmem>> -> memref<6x128xi32, #tpu.memory_space<vmem>>
    %dma_wait3A_32 = arith.constant 0 : i32
    %dma_wait3A_33 = arith.constant 0 : i32
    %dma_wait3A_34 = tpu.memref_slice %arg2[%dma_wait3A_32, %dma_wait3A_33] : memref<26112x128xi32, #tpu.memory_space<hbm>> -> memref<6x128xi32, #tpu.memory_space<hbm>>
    tpu.wait_dma2 semaphore(%arg9 : memref<!tpu.dma_semaphore, #tpu.memory_space<semaphore_mem>>) src(%dma_wait3A_34 : memref<6x128xi32, #tpu.memory_space<hbm>>) dst(%dma_wait3A_31 : memref<6x128xi32, #tpu.memory_space<vmem>>)
    %barrier3A_35 = arith.constant 0 : index
    tpu.barrier barrier_id(%barrier3A_35)
    %mul3A_36 = arith.constant 6400 : i32
    %mul3A_37 = arith.muli %arg1, %mul3A_36 : i32
    %mul3A_38 = arith.constant 6400 : i32
    %mul3A_39 = arith.muli %arg1, %mul3A_38 : i32
    "tpu.region"() ({
      %run_scoped3A = tpu.sem_alloc : memref<!tpu.dma_semaphore, #tpu.memory_space<semaphore_mem>>
      %dma_start3A_40 = arith.constant 0 : i32
      %dma_start3A_41 = tpu.memref_slice %arg5[%arg0, %mul3A_39, %dma_start3A_40] : memref<2x102400x16xf32, #tpu.memory_space<hbm>> -> memref<1x6400x16xf32, #tpu.memory_space<hbm>>
      %dma_start3A_42 = tpu.memref_squeeze %dma_start3A_41 : memref<1x6400x16xf32, #tpu.memory_space<hbm>> -> memref<6400x16xf32, #tpu.memory_space<hbm>>
      %dma_start3A_43 = arith.constant 0 : i32
      %dma_start3A_44 = tpu.memref_slice %arg8[%mul3A_37, %dma_start3A_43] : memref<102400x16xf32, #tpu.memory_space<vmem_shared>> -> memref<6400x16xf32, #tpu.memory_space<vmem_shared>>
      tpu.enqueue_dma source(%dma_start3A_44 : memref<6400x16xf32, #tpu.memory_space<vmem_shared>>) target(%dma_start3A_42 : memref<6400x16xf32, #tpu.memory_space<hbm>>) target_semaphore(%run_scoped3A : memref<!tpu.dma_semaphore, #tpu.memory_space<semaphore_mem>>)
      %dma_wait3A_45 = arith.constant 0 : i32
      %dma_wait3A_46 = tpu.memref_slice %arg5[%arg0, %mul3A_39, %dma_wait3A_45] : memref<2x102400x16xf32, #tpu.memory_space<hbm>> -> memref<1x6400x16xf32, #tpu.memory_space<hbm>>
      %dma_wait3A_47 = tpu.memref_squeeze %dma_wait3A_46 : memref<1x6400x16xf32, #tpu.memory_space<hbm>> -> memref<6400x16xf32, #tpu.memory_space<hbm>>
      %dma_wait3A_48 = arith.constant 0 : i32
      %dma_wait3A_49 = tpu.memref_slice %arg8[%mul3A_37, %dma_wait3A_48] : memref<102400x16xf32, #tpu.memory_space<vmem_shared>> -> memref<6400x16xf32, #tpu.memory_space<vmem_shared>>
      tpu.wait_dma2 semaphore(%run_scoped3A : memref<!tpu.dma_semaphore, #tpu.memory_space<semaphore_mem>>) src(%dma_wait3A_49 : memref<6400x16xf32, #tpu.memory_space<vmem_shared>>) dst(%dma_wait3A_47 : memref<6400x16xf32, #tpu.memory_space<hbm>>)
      tpu.yield
    }) : () -> ()
    return
  }
}

module attributes {stable_mosaic.version = 14 : i64} {
  func.func @_tc_a_body(%arg0: i32, %arg1: memref<2x256x128xf32, #tpu.memory_space<vmem>>, %arg2: memref<256x128xf32, #tpu.memory_space<vmem>>, %arg3: memref<128x8xf32, #tpu.memory_space<vmem>>, %arg4: memref<256x128xf32, #tpu.memory_space<vmem>>, %arg5: memref<256x128xf32, #tpu.memory_space<vmem>>, %arg6: memref<256x8xf32, #tpu.memory_space<vmem>>) attributes {dimension_semantics = [#tpu.dimension_semantics<arbitrary>], iteration_bounds = array<i64: 50>, scalar_prefetch = 0 : i64, scratch_operands = 0 : i64, tpu.core_type = #tpu.core_type<tc>, window_params = [{transform_indices = @transform_0, window_bounds = array<i64: 2, 256, 128>}, {transform_indices = @transform_1, window_bounds = array<i64: 256, 128>}, {pipeline_mode = #tpu.pipeline_mode<synchronous>, transform_indices = @transform_2, window_bounds = array<i64: 128, 8>}, {transform_indices = @transform_3, window_bounds = array<i64: 256, 128>}, {transform_indices = @transform_4, window_bounds = array<i64: 256, 128>}, {transform_indices = @transform_5, window_bounds = array<i64: 256, 8>}]} {
    %get3A = arith.constant 0 : index
    %get3A_0 = arith.constant 0 : index
    %get3A_1 = arith.constant 0 : index
    %get3A_2 = vector.load %arg1[%get3A, %get3A_0, %get3A_1] : memref<2x256x128xf32, #tpu.memory_space<vmem>>, vector<1x256x128xf32>
    %get3A_3 = vector.shape_cast %get3A_2 : vector<1x256x128xf32> to vector<256x128xf32>
    %get3A_4 = arith.constant 1 : index
    %get3A_5 = arith.constant 0 : index
    %get3A_6 = arith.constant 0 : index
    %get3A_7 = vector.load %arg1[%get3A_4, %get3A_5, %get3A_6] : memref<2x256x128xf32, #tpu.memory_space<vmem>>, vector<1x256x128xf32>
    %get3A_8 = vector.shape_cast %get3A_7 : vector<1x256x128xf32> to vector<256x128xf32>
    %add3A = arith.addf %get3A_3, %get3A_8 : vector<256x128xf32>
    %add3A_9 = arith.constant 1.000000e+00 : f32
    %add3A_10 = vector.broadcast %add3A_9 : f32 to vector<256x128xf32>
    %add3A_11 = arith.addf %add3A, %add3A_10 : vector<256x128xf32>
    %rsqrt3A = math.rsqrt %add3A_11 : vector<256x128xf32>
    %swap3A = arith.constant 0 : index
    %swap3A_12 = arith.constant 0 : index
    %swap3A_13 = vector.load %arg5[%swap3A, %swap3A_12] : memref<256x128xf32, #tpu.memory_space<vmem>>, vector<256x128xf32>
    tpu.vector_store %arg5[%swap3A, %swap3A_12], %rsqrt3A {strides = array<i32>} : memref<256x128xf32, #tpu.memory_space<vmem>>, vector<256x128xf32>,
    %get3A_14 = arith.constant 0 : index
    %get3A_15 = arith.constant 0 : index
    %get3A_16 = vector.load %arg2[%get3A_14, %get3A_15] : memref<256x128xf32, #tpu.memory_space<vmem>>, vector<256x128xf32>
    %mul3A = arith.mulf %get3A_16, %rsqrt3A : vector<256x128xf32>
    %swap3A_17 = arith.constant 0 : index
    %swap3A_18 = arith.constant 0 : index
    %swap3A_19 = vector.load %arg4[%swap3A_17, %swap3A_18] : memref<256x128xf32, #tpu.memory_space<vmem>>, vector<256x128xf32>
    tpu.vector_store %arg4[%swap3A_17, %swap3A_18], %mul3A {strides = array<i32>} : memref<256x128xf32, #tpu.memory_space<vmem>>, vector<256x128xf32>,
    %get3A_20 = arith.constant 0 : index
    %get3A_21 = arith.constant 0 : index
    %get3A_22 = vector.load %arg2[%get3A_20, %get3A_21] : memref<256x128xf32, #tpu.memory_space<vmem>>, vector<256x128xf32>
    %get3A_23 = arith.constant 0 : index
    %get3A_24 = arith.constant 0 : index
    %get3A_25 = vector.load %arg3[%get3A_23, %get3A_24] : memref<128x8xf32, #tpu.memory_space<vmem>>, vector<128x8xf32>
    %dot_general3A = arith.constant dense<0.000000e+00> : vector<256x8xf32>
    %dot_general3A_26 = tpu.matmul %get3A_22, %get3A_25, %dot_general3A {dimension_numbers = #tpu.dot_dimension_numbers<[1], [0], [0], [1], [0, 0, 1, 1], [], []>, transpose_lhs_hint = false} : vector<256x128xf32>, vector<128x8xf32>, vector<256x8xf32> -> vector<256x8xf32>
    %swap3A_27 = arith.constant 0 : index
    %swap3A_28 = arith.constant 0 : index
    %swap3A_29 = vector.load %arg6[%swap3A_27, %swap3A_28] : memref<256x8xf32, #tpu.memory_space<vmem>>, vector<256x8xf32>
    tpu.vector_store %arg6[%swap3A_27, %swap3A_28], %dot_general3A_26 {strides = array<i32>} : memref<256x8xf32, #tpu.memory_space<vmem>>, vector<256x8xf32>,
    return
  }
  func.func @transform_0(%arg0: i32) -> (i32, i32, i32) {
    %c0_i32 = arith.constant 0 : i32
    %c0_i32_0 = arith.constant 0 : i32
    %c0_i32_1 = arith.constant 0 : i32
    return %c0_i32, %arg0, %c0_i32_0 : i32, i32, i32
  }
  func.func @transform_1(%arg0: i32) -> (i32, i32) {
    %c0_i32 = arith.constant 0 : i32
    %c0_i32_0 = arith.constant 0 : i32
    return %arg0, %c0_i32 : i32, i32
  }
  func.func @transform_2(%arg0: i32) -> (i32, i32) {
    %c0_i32 = arith.constant 0 : i32
    %c0_i32_0 = arith.constant 0 : i32
    %c0_i32_1 = arith.constant 0 : i32
    return %c0_i32, %c0_i32_0 : i32, i32
  }
  func.func @transform_3(%arg0: i32) -> (i32, i32) {
    %c0_i32 = arith.constant 0 : i32
    %c0_i32_0 = arith.constant 0 : i32
    return %arg0, %c0_i32 : i32, i32
  }
  func.func @transform_4(%arg0: i32) -> (i32, i32) {
    %c0_i32 = arith.constant 0 : i32
    %c0_i32_0 = arith.constant 0 : i32
    return %arg0, %c0_i32 : i32, i32
  }
  func.func @transform_5(%arg0: i32) -> (i32, i32) {
    %c0_i32 = arith.constant 0 : i32
    %c0_i32_0 = arith.constant 0 : i32
    return %arg0, %c0_i32 : i32, i32
  }
}

module attributes {stable_mosaic.version = 14 : i64} {
  func.func @_tc_b_body(%arg0: i32, %arg1: memref<2x256x128xf32, #tpu.memory_space<vmem>>, %arg2: memref<256x128xf32, #tpu.memory_space<vmem>>, %arg3: memref<256x128xf32, #tpu.memory_space<vmem>>, %arg4: memref<128x512xf32, #tpu.memory_space<vmem>>, %arg5: memref<128x512xf32, #tpu.memory_space<vmem>>, %arg6: memref<1x512xf32, #tpu.memory_space<vmem>>, %arg7: memref<512x128xf32, #tpu.memory_space<vmem>>, %arg8: memref<512x128xf32, #tpu.memory_space<vmem>>, %arg9: memref<512x128xf32, #tpu.memory_space<vmem>>, %arg10: memref<512x128xf32, #tpu.memory_space<vmem>>, %arg11: memref<256x128xf32, #tpu.memory_space<vmem>>, %arg12: memref<256x128xf32, #tpu.memory_space<vmem>>, %arg13: memref<256x128xf32, #tpu.memory_space<vmem>>, %arg14: memref<256x128xf32, #tpu.memory_space<vmem>>) attributes {dimension_semantics = [#tpu.dimension_semantics<arbitrary>], iteration_bounds = array<i64: 50>, scalar_prefetch = 0 : i64, scratch_operands = 0 : i64, tpu.core_type = #tpu.core_type<tc>, window_params = [{transform_indices = @transform_0, window_bounds = array<i64: 2, 256, 128>}, {transform_indices = @transform_1, window_bounds = array<i64: 256, 128>}, {transform_indices = @transform_2, window_bounds = array<i64: 256, 128>}, {pipeline_mode = #tpu.pipeline_mode<synchronous>, transform_indices = @transform_3, window_bounds = array<i64: 128, 512>}, {pipeline_mode = #tpu.pipeline_mode<synchronous>, transform_indices = @transform_4, window_bounds = array<i64: 128, 512>}, {pipeline_mode = #tpu.pipeline_mode<synchronous>, transform_indices = @transform_5, window_bounds = array<i64: 1, 512>}, {pipeline_mode = #tpu.pipeline_mode<synchronous>, transform_indices = @transform_6, window_bounds = array<i64: 512, 128>}, {pipeline_mode = #tpu.pipeline_mode<synchronous>, transform_indices = @transform_7, window_bounds = array<i64: 512, 128>}, {pipeline_mode = #tpu.pipeline_mode<synchronous>, transform_indices = @transform_8, window_bounds = array<i64: 512, 128>}, {pipeline_mode = #tpu.pipeline_mode<synchronous>, transform_indices = @transform_9, window_bounds = array<i64: 512, 128>}, {transform_indices = @transform_10, window_bounds = array<i64: 256, 128>}, {transform_indices = @transform_11, window_bounds = array<i64: 256, 128>}, {transform_indices = @transform_12, window_bounds = array<i64: 256, 128>}, {transform_indices = @transform_13, window_bounds = array<i64: 256, 128>}]} {
    %get3A = arith.constant 0 : index
    %get3A_0 = arith.constant 0 : index
    %get3A_1 = arith.constant 0 : index
    %get3A_2 = vector.load %arg1[%get3A, %get3A_0, %get3A_1] : memref<2x256x128xf32, #tpu.memory_space<vmem>>, vector<1x256x128xf32>
    %get3A_3 = vector.shape_cast %get3A_2 : vector<1x256x128xf32> to vector<256x128xf32>
    %get3A_4 = arith.constant 1 : index
    %get3A_5 = arith.constant 0 : index
    %get3A_6 = arith.constant 0 : index
    %get3A_7 = vector.load %arg1[%get3A_4, %get3A_5, %get3A_6] : memref<2x256x128xf32, #tpu.memory_space<vmem>>, vector<1x256x128xf32>
    %get3A_8 = vector.shape_cast %get3A_7 : vector<1x256x128xf32> to vector<256x128xf32>
    %add3A = arith.addf %get3A_3, %get3A_8 : vector<256x128xf32>
    %get3A_9 = arith.constant 0 : index
    %get3A_10 = arith.constant 0 : index
    %get3A_11 = vector.load %arg2[%get3A_9, %get3A_10] : memref<256x128xf32, #tpu.memory_space<vmem>>, vector<256x128xf32>
    %add3A_12 = arith.addf %add3A, %get3A_11 : vector<256x128xf32>
    %get3A_13 = arith.constant 0 : index
    %get3A_14 = arith.constant 0 : index
    %get3A_15 = vector.load %arg3[%get3A_13, %get3A_14] : memref<256x128xf32, #tpu.memory_space<vmem>>, vector<256x128xf32>
    %mul3A = arith.mulf %add3A_12, %get3A_15 : vector<256x128xf32>
    %get3A_16 = arith.constant 0 : index
    %get3A_17 = arith.constant 0 : index
    %get3A_18 = vector.load %arg4[%get3A_16, %get3A_17] : memref<128x512xf32, #tpu.memory_space<vmem>>, vector<128x512xf32>
    %dot_general3A = arith.constant dense<0.000000e+00> : vector<256x512xf32>
    %dot_general3A_19 = tpu.matmul %mul3A, %get3A_18, %dot_general3A {dimension_numbers = #tpu.dot_dimension_numbers<[1], [0], [0], [1], [0, 0, 1, 1], [], []>, transpose_lhs_hint = false} : vector<256x128xf32>, vector<128x512xf32>, vector<256x512xf32> -> vector<256x512xf32>
    %get3A_20 = arith.constant 0 : index
    %get3A_21 = arith.constant 0 : index
    %get3A_22 = vector.load %arg6[%get3A_20, %get3A_21] : memref<1x512xf32, #tpu.memory_space<vmem>>, vector<1x512xf32>
    %add3A_23 = vector.broadcast %get3A_22 : vector<1x512xf32> to vector<256x512xf32>
    %add3A_24 = arith.addf %dot_general3A_19, %add3A_23 : vector<256x512xf32>
    %max3A = arith.constant 0.000000e+00 : f32
    %max3A_25 = vector.broadcast %max3A : f32 to vector<256x512xf32>
    %max3A_26 = arith.maximumf %add3A_24, %max3A_25 : vector<256x512xf32>
    %get3A_27 = arith.constant 0 : index
    %get3A_28 = arith.constant 0 : index
    %get3A_29 = vector.load %arg3[%get3A_27, %get3A_28] : memref<256x128xf32, #tpu.memory_space<vmem>>, vector<256x128xf32>
    %get3A_30 = arith.constant 0 : index
    %get3A_31 = arith.constant 0 : index
    %get3A_32 = vector.load %arg5[%get3A_30, %get3A_31] : memref<128x512xf32, #tpu.memory_space<vmem>>, vector<128x512xf32>
    %dot_general3A_33 = arith.constant dense<0.000000e+00> : vector<256x512xf32>
    %dot_general3A_34 = tpu.matmul %get3A_29, %get3A_32, %dot_general3A_33 {dimension_numbers = #tpu.dot_dimension_numbers<[1], [0], [0], [1], [0, 0, 1, 1], [], []>, transpose_lhs_hint = false} : vector<256x128xf32>, vector<128x512xf32>, vector<256x512xf32> -> vector<256x512xf32>
    %mul3A_35 = arith.mulf %max3A_26, %dot_general3A_34 : vector<256x512xf32>
    %get3A_36 = arith.constant 0 : index
    %get3A_37 = arith.constant 0 : index
    %get3A_38 = vector.load %arg7[%get3A_36, %get3A_37] : memref<512x128xf32, #tpu.memory_space<vmem>>, vector<512x128xf32>
    %dot_general3A_39 = arith.constant dense<0.000000e+00> : vector<256x128xf32>
    %dot_general3A_40 = tpu.matmul %mul3A_35, %get3A_38, %dot_general3A_39 {dimension_numbers = #tpu.dot_dimension_numbers<[1], [0], [0], [1], [0, 0, 1, 1], [], []>, transpose_lhs_hint = false} : vector<256x512xf32>, vector<512x128xf32>, vector<256x128xf32> -> vector<256x128xf32>
    %swap3A = arith.constant 0 : index
    %swap3A_41 = arith.constant 0 : index
    %swap3A_42 = vector.load %arg11[%swap3A, %swap3A_41] : memref<256x128xf32, #tpu.memory_space<vmem>>, vector<256x128xf32>
    tpu.vector_store %arg11[%swap3A, %swap3A_41], %dot_general3A_40 {strides = array<i32>} : memref<256x128xf32, #tpu.memory_space<vmem>>, vector<256x128xf32>,
    %get3A_43 = arith.constant 0 : index
    %get3A_44 = arith.constant 0 : index
    %get3A_45 = vector.load %arg8[%get3A_43, %get3A_44] : memref<512x128xf32, #tpu.memory_space<vmem>>, vector<512x128xf32>
    %dot_general3A_46 = arith.constant dense<0.000000e+00> : vector<256x128xf32>
    %dot_general3A_47 = tpu.matmul %mul3A_35, %get3A_45, %dot_general3A_46 {dimension_numbers = #tpu.dot_dimension_numbers<[1], [0], [0], [1], [0, 0, 1, 1], [], []>, transpose_lhs_hint = false} : vector<256x512xf32>, vector<512x128xf32>, vector<256x128xf32> -> vector<256x128xf32>
    %swap3A_48 = arith.constant 0 : index
    %swap3A_49 = arith.constant 0 : index
    %swap3A_50 = vector.load %arg12[%swap3A_48, %swap3A_49] : memref<256x128xf32, #tpu.memory_space<vmem>>, vector<256x128xf32>
    tpu.vector_store %arg12[%swap3A_48, %swap3A_49], %dot_general3A_47 {strides = array<i32>} : memref<256x128xf32, #tpu.memory_space<vmem>>, vector<256x128xf32>,
    %get3A_51 = arith.constant 0 : index
    %get3A_52 = arith.constant 0 : index
    %get3A_53 = vector.load %arg9[%get3A_51, %get3A_52] : memref<512x128xf32, #tpu.memory_space<vmem>>, vector<512x128xf32>
    %dot_general3A_54 = arith.constant dense<0.000000e+00> : vector<256x128xf32>
    %dot_general3A_55 = tpu.matmul %mul3A_35, %get3A_53, %dot_general3A_54 {dimension_numbers = #tpu.dot_dimension_numbers<[1], [0], [0], [1], [0, 0, 1, 1], [], []>, transpose_lhs_hint = false} : vector<256x512xf32>, vector<512x128xf32>, vector<256x128xf32> -> vector<256x128xf32>
    %swap3A_56 = arith.constant 0 : index
    %swap3A_57 = arith.constant 0 : index
    %swap3A_58 = vector.load %arg13[%swap3A_56, %swap3A_57] : memref<256x128xf32, #tpu.memory_space<vmem>>, vector<256x128xf32>
    tpu.vector_store %arg13[%swap3A_56, %swap3A_57], %dot_general3A_55 {strides = array<i32>} : memref<256x128xf32, #tpu.memory_space<vmem>>, vector<256x128xf32>,
    %get3A_59 = arith.constant 0 : index
    %get3A_60 = arith.constant 0 : index
    %get3A_61 = vector.load %arg10[%get3A_59, %get3A_60] : memref<512x128xf32, #tpu.memory_space<vmem>>, vector<512x128xf32>
    %dot_general3A_62 = arith.constant dense<0.000000e+00> : vector<256x128xf32>
    %dot_general3A_63 = tpu.matmul %mul3A_35, %get3A_61, %dot_general3A_62 {dimension_numbers = #tpu.dot_dimension_numbers<[1], [0], [0], [1], [0, 0, 1, 1], [], []>, transpose_lhs_hint = false} : vector<256x512xf32>, vector<512x128xf32>, vector<256x128xf32> -> vector<256x128xf32>
    %swap3A_64 = arith.constant 0 : index
    %swap3A_65 = arith.constant 0 : index
    %swap3A_66 = vector.load %arg14[%swap3A_64, %swap3A_65] : memref<256x128xf32, #tpu.memory_space<vmem>>, vector<256x128xf32>
    tpu.vector_store %arg14[%swap3A_64, %swap3A_65], %dot_general3A_63 {strides = array<i32>} : memref<256x128xf32, #tpu.memory_space<vmem>>, vector<256x128xf32>,
    return
  }
  func.func @transform_0(%arg0: i32) -> (i32, i32, i32) {
    %c0_i32 = arith.constant 0 : i32
    %c0_i32_0 = arith.constant 0 : i32
    %c0_i32_1 = arith.constant 0 : i32
    return %c0_i32, %arg0, %c0_i32_0 : i32, i32, i32
  }
  func.func @transform_1(%arg0: i32) -> (i32, i32) {
    %c0_i32 = arith.constant 0 : i32
    %c0_i32_0 = arith.constant 0 : i32
    return %arg0, %c0_i32 : i32, i32
  }
  func.func @transform_2(%arg0: i32) -> (i32, i32) {
    %c0_i32 = arith.constant 0 : i32
    %c0_i32_0 = arith.constant 0 : i32
    return %arg0, %c0_i32 : i32, i32
  }
  func.func @transform_3(%arg0: i32) -> (i32, i32) {
    %c0_i32 = arith.constant 0 : i32
    %c0_i32_0 = arith.constant 0 : i32
    %c0_i32_1 = arith.constant 0 : i32
    return %c0_i32, %c0_i32_0 : i32, i32
  }
  func.func @transform_4(%arg0: i32) -> (i32, i32) {
    %c0_i32 = arith.constant 0 : i32
    %c0_i32_0 = arith.constant 0 : i32
    %c0_i32_1 = arith.constant 0 : i32
    return %c0_i32, %c0_i32_0 : i32, i32
  }
  func.func @transform_5(%arg0: i32) -> (i32, i32) {
    %c0_i32 = arith.constant 0 : i32
    %c0_i32_0 = arith.constant 0 : i32
    %c0_i32_1 = arith.constant 0 : i32
    return %c0_i32, %c0_i32_0 : i32, i32
  }
  func.func @transform_6(%arg0: i32) -> (i32, i32) {
    %c0_i32 = arith.constant 0 : i32
    %c0_i32_0 = arith.constant 0 : i32
    %c0_i32_1 = arith.constant 0 : i32
    return %c0_i32, %c0_i32_0 : i32, i32
  }
  func.func @transform_7(%arg0: i32) -> (i32, i32) {
    %c0_i32 = arith.constant 0 : i32
    %c0_i32_0 = arith.constant 0 : i32
    %c0_i32_1 = arith.constant 0 : i32
    return %c0_i32, %c0_i32_0 : i32, i32
  }
  func.func @transform_8(%arg0: i32) -> (i32, i32) {
    %c0_i32 = arith.constant 0 : i32
    %c0_i32_0 = arith.constant 0 : i32
    %c0_i32_1 = arith.constant 0 : i32
    return %c0_i32, %c0_i32_0 : i32, i32
  }
  func.func @transform_9(%arg0: i32) -> (i32, i32) {
    %c0_i32 = arith.constant 0 : i32
    %c0_i32_0 = arith.constant 0 : i32
    %c0_i32_1 = arith.constant 0 : i32
    return %c0_i32, %c0_i32_0 : i32, i32
  }
  func.func @transform_10(%arg0: i32) -> (i32, i32) {
    %c0_i32 = arith.constant 0 : i32
    %c0_i32_0 = arith.constant 0 : i32
    return %arg0, %c0_i32 : i32, i32
  }
  func.func @transform_11(%arg0: i32) -> (i32, i32) {
    %c0_i32 = arith.constant 0 : i32
    %c0_i32_0 = arith.constant 0 : i32
    return %arg0, %c0_i32 : i32, i32
  }
  func.func @transform_12(%arg0: i32) -> (i32, i32) {
    %c0_i32 = arith.constant 0 : i32
    %c0_i32_0 = arith.constant 0 : i32
    return %arg0, %c0_i32 : i32, i32
  }
  func.func @transform_13(%arg0: i32) -> (i32, i32) {
    %c0_i32 = arith.constant 0 : i32
    %c0_i32_0 = arith.constant 0 : i32
    return %arg0, %c0_i32 : i32, i32
  }
}

module attributes {stable_mosaic.version = 14 : i64} {
  func.func @_tc_c_body(%arg0: i32, %arg1: memref<4x2x256x128xf32, #tpu.memory_space<vmem>>, %arg2: memref<256x128xf32, #tpu.memory_space<vmem>>, %arg3: memref<256x128xf32, #tpu.memory_space<vmem>>, %arg4: memref<256x128xf32, #tpu.memory_space<vmem>>, %arg5: memref<256x128xf32, #tpu.memory_space<vmem>>, %arg6: memref<256x128xf32, #tpu.memory_space<vmem>>, %arg7: memref<256x8xf32, #tpu.memory_space<vmem>>, %arg8: memref<128x1024xf32, #tpu.memory_space<vmem>>, %arg9: memref<128x1024xf32, #tpu.memory_space<vmem>>, %arg10: memref<128x1024xf32, #tpu.memory_space<vmem>>, %arg11: memref<128x1024xf32, #tpu.memory_space<vmem>>, %arg12: memref<1x1024xf32, #tpu.memory_space<vmem>>, %arg13: memref<1024x8xf32, #tpu.memory_space<vmem>>, %arg14: memref<1x1xf32, #tpu.memory_space<vmem>>, %arg15: memref<256x8xf32, #tpu.memory_space<vmem>>) attributes {dimension_semantics = [#tpu.dimension_semantics<arbitrary>], iteration_bounds = array<i64: 50>, scalar_prefetch = 0 : i64, scratch_operands = 0 : i64, tpu.core_type = #tpu.core_type<tc>, window_params = [{transform_indices = @transform_0, window_bounds = array<i64: 4, 2, 256, 128>}, {transform_indices = @transform_1, window_bounds = array<i64: 256, 128>}, {transform_indices = @transform_2, window_bounds = array<i64: 256, 128>}, {transform_indices = @transform_3, window_bounds = array<i64: 256, 128>}, {transform_indices = @transform_4, window_bounds = array<i64: 256, 128>}, {transform_indices = @transform_5, window_bounds = array<i64: 256, 128>}, {transform_indices = @transform_6, window_bounds = array<i64: 256, 8>}, {pipeline_mode = #tpu.pipeline_mode<synchronous>, transform_indices = @transform_7, window_bounds = array<i64: 128, 1024>}, {pipeline_mode = #tpu.pipeline_mode<synchronous>, transform_indices = @transform_8, window_bounds = array<i64: 128, 1024>}, {pipeline_mode = #tpu.pipeline_mode<synchronous>, transform_indices = @transform_9, window_bounds = array<i64: 128, 1024>}, {pipeline_mode = #tpu.pipeline_mode<synchronous>, transform_indices = @transform_10, window_bounds = array<i64: 128, 1024>}, {pipeline_mode = #tpu.pipeline_mode<synchronous>, transform_indices = @transform_11, window_bounds = array<i64: 1, 1024>}, {pipeline_mode = #tpu.pipeline_mode<synchronous>, transform_indices = @transform_12, window_bounds = array<i64: 1024, 8>}, {pipeline_mode = #tpu.pipeline_mode<synchronous>, transform_indices = @transform_13, window_bounds = array<i64: 1, 1>}, {transform_indices = @transform_14, window_bounds = array<i64: 256, 8>}]} {
    %get3A = arith.constant 0 : index
    %get3A_0 = arith.constant 0 : index
    %get3A_1 = vector.load %arg12[%get3A, %get3A_0] : memref<1x1024xf32, #tpu.memory_space<vmem>>, vector<1x1024xf32>
    %get3A_2 = arith.constant 0 : index
    %get3A_3 = arith.constant 0 : index
    %get3A_4 = arith.constant 0 : index
    %get3A_5 = arith.constant 0 : index
    %get3A_6 = vector.load %arg1[%get3A_2, %get3A_3, %get3A_4, %get3A_5] : memref<4x2x256x128xf32, #tpu.memory_space<vmem>>, vector<1x1x256x128xf32>
    %get3A_7 = vector.shape_cast %get3A_6 : vector<1x1x256x128xf32> to vector<256x128xf32>
    %get3A_8 = arith.constant 0 : index
    %get3A_9 = arith.constant 1 : index
    %get3A_10 = arith.constant 0 : index
    %get3A_11 = arith.constant 0 : index
    %get3A_12 = vector.load %arg1[%get3A_8, %get3A_9, %get3A_10, %get3A_11] : memref<4x2x256x128xf32, #tpu.memory_space<vmem>>, vector<1x1x256x128xf32>
    %get3A_13 = vector.shape_cast %get3A_12 : vector<1x1x256x128xf32> to vector<256x128xf32>
    %add3A = arith.addf %get3A_7, %get3A_13 : vector<256x128xf32>
    %get3A_14 = arith.constant 0 : index
    %get3A_15 = arith.constant 0 : index
    %get3A_16 = vector.load %arg2[%get3A_14, %get3A_15] : memref<256x128xf32, #tpu.memory_space<vmem>>, vector<256x128xf32>
    %add3A_17 = arith.addf %add3A, %get3A_16 : vector<256x128xf32>
    %get3A_18 = arith.constant 0 : index
    %get3A_19 = arith.constant 0 : index
    %get3A_20 = vector.load %arg6[%get3A_18, %get3A_19] : memref<256x128xf32, #tpu.memory_space<vmem>>, vector<256x128xf32>
    %mul3A = arith.mulf %add3A_17, %get3A_20 : vector<256x128xf32>
    %get3A_21 = arith.constant 0 : index
    %get3A_22 = arith.constant 0 : index
    %get3A_23 = vector.load %arg8[%get3A_21, %get3A_22] : memref<128x1024xf32, #tpu.memory_space<vmem>>, vector<128x1024xf32>
    %dot_general3A = arith.constant dense<0.000000e+00> : vector<256x1024xf32>
    %dot_general3A_24 = tpu.matmul %mul3A, %get3A_23, %dot_general3A {dimension_numbers = #tpu.dot_dimension_numbers<[1], [0], [0], [1], [0, 0, 1, 1], [], []>, transpose_lhs_hint = false} : vector<256x128xf32>, vector<128x1024xf32>, vector<256x1024xf32> -> vector<256x1024xf32>
    %add3A_25 = vector.broadcast %get3A_1 : vector<1x1024xf32> to vector<256x1024xf32>
    %add3A_26 = arith.addf %add3A_25, %dot_general3A_24 : vector<256x1024xf32>
    %get3A_27 = arith.constant 1 : index
    %get3A_28 = arith.constant 0 : index
    %get3A_29 = arith.constant 0 : index
    %get3A_30 = arith.constant 0 : index
    %get3A_31 = vector.load %arg1[%get3A_27, %get3A_28, %get3A_29, %get3A_30] : memref<4x2x256x128xf32, #tpu.memory_space<vmem>>, vector<1x1x256x128xf32>
    %get3A_32 = vector.shape_cast %get3A_31 : vector<1x1x256x128xf32> to vector<256x128xf32>
    %get3A_33 = arith.constant 1 : index
    %get3A_34 = arith.constant 1 : index
    %get3A_35 = arith.constant 0 : index
    %get3A_36 = arith.constant 0 : index
    %get3A_37 = vector.load %arg1[%get3A_33, %get3A_34, %get3A_35, %get3A_36] : memref<4x2x256x128xf32, #tpu.memory_space<vmem>>, vector<1x1x256x128xf32>
    %get3A_38 = vector.shape_cast %get3A_37 : vector<1x1x256x128xf32> to vector<256x128xf32>
    %add3A_39 = arith.addf %get3A_32, %get3A_38 : vector<256x128xf32>
    %get3A_40 = arith.constant 0 : index
    %get3A_41 = arith.constant 0 : index
    %get3A_42 = vector.load %arg3[%get3A_40, %get3A_41] : memref<256x128xf32, #tpu.memory_space<vmem>>, vector<256x128xf32>
    %add3A_43 = arith.addf %add3A_39, %get3A_42 : vector<256x128xf32>
    %get3A_44 = arith.constant 0 : index
    %get3A_45 = arith.constant 0 : index
    %get3A_46 = vector.load %arg6[%get3A_44, %get3A_45] : memref<256x128xf32, #tpu.memory_space<vmem>>, vector<256x128xf32>
    %mul3A_47 = arith.mulf %add3A_43, %get3A_46 : vector<256x128xf32>
    %get3A_48 = arith.constant 0 : index
    %get3A_49 = arith.constant 0 : index
    %get3A_50 = vector.load %arg9[%get3A_48, %get3A_49] : memref<128x1024xf32, #tpu.memory_space<vmem>>, vector<128x1024xf32>
    %dot_general3A_51 = arith.constant dense<0.000000e+00> : vector<256x1024xf32>
    %dot_general3A_52 = tpu.matmul %mul3A_47, %get3A_50, %dot_general3A_51 {dimension_numbers = #tpu.dot_dimension_numbers<[1], [0], [0], [1], [0, 0, 1, 1], [], []>, transpose_lhs_hint = false} : vector<256x128xf32>, vector<128x1024xf32>, vector<256x1024xf32> -> vector<256x1024xf32>
    %add3A_53 = arith.addf %add3A_26, %dot_general3A_52 : vector<256x1024xf32>
    %get3A_54 = arith.constant 2 : index
    %get3A_55 = arith.constant 0 : index
    %get3A_56 = arith.constant 0 : index
    %get3A_57 = arith.constant 0 : index
    %get3A_58 = vector.load %arg1[%get3A_54, %get3A_55, %get3A_56, %get3A_57] : memref<4x2x256x128xf32, #tpu.memory_space<vmem>>, vector<1x1x256x128xf32>
    %get3A_59 = vector.shape_cast %get3A_58 : vector<1x1x256x128xf32> to vector<256x128xf32>
    %get3A_60 = arith.constant 2 : index
    %get3A_61 = arith.constant 1 : index
    %get3A_62 = arith.constant 0 : index
    %get3A_63 = arith.constant 0 : index
    %get3A_64 = vector.load %arg1[%get3A_60, %get3A_61, %get3A_62, %get3A_63] : memref<4x2x256x128xf32, #tpu.memory_space<vmem>>, vector<1x1x256x128xf32>
    %get3A_65 = vector.shape_cast %get3A_64 : vector<1x1x256x128xf32> to vector<256x128xf32>
    %add3A_66 = arith.addf %get3A_59, %get3A_65 : vector<256x128xf32>
    %get3A_67 = arith.constant 0 : index
    %get3A_68 = arith.constant 0 : index
    %get3A_69 = vector.load %arg4[%get3A_67, %get3A_68] : memref<256x128xf32, #tpu.memory_space<vmem>>, vector<256x128xf32>
    %add3A_70 = arith.addf %add3A_66, %get3A_69 : vector<256x128xf32>
    %get3A_71 = arith.constant 0 : index
    %get3A_72 = arith.constant 0 : index
    %get3A_73 = vector.load %arg6[%get3A_71, %get3A_72] : memref<256x128xf32, #tpu.memory_space<vmem>>, vector<256x128xf32>
    %mul3A_74 = arith.mulf %add3A_70, %get3A_73 : vector<256x128xf32>
    %get3A_75 = arith.constant 0 : index
    %get3A_76 = arith.constant 0 : index
    %get3A_77 = vector.load %arg10[%get3A_75, %get3A_76] : memref<128x1024xf32, #tpu.memory_space<vmem>>, vector<128x1024xf32>
    %dot_general3A_78 = arith.constant dense<0.000000e+00> : vector<256x1024xf32>
    %dot_general3A_79 = tpu.matmul %mul3A_74, %get3A_77, %dot_general3A_78 {dimension_numbers = #tpu.dot_dimension_numbers<[1], [0], [0], [1], [0, 0, 1, 1], [], []>, transpose_lhs_hint = false} : vector<256x128xf32>, vector<128x1024xf32>, vector<256x1024xf32> -> vector<256x1024xf32>
    %add3A_80 = arith.addf %add3A_53, %dot_general3A_79 : vector<256x1024xf32>
    %get3A_81 = arith.constant 3 : index
    %get3A_82 = arith.constant 0 : index
    %get3A_83 = arith.constant 0 : index
    %get3A_84 = arith.constant 0 : index
    %get3A_85 = vector.load %arg1[%get3A_81, %get3A_82, %get3A_83, %get3A_84] : memref<4x2x256x128xf32, #tpu.memory_space<vmem>>, vector<1x1x256x128xf32>
    %get3A_86 = vector.shape_cast %get3A_85 : vector<1x1x256x128xf32> to vector<256x128xf32>
    %get3A_87 = arith.constant 3 : index
    %get3A_88 = arith.constant 1 : index
    %get3A_89 = arith.constant 0 : index
    %get3A_90 = arith.constant 0 : index
    %get3A_91 = vector.load %arg1[%get3A_87, %get3A_88, %get3A_89, %get3A_90] : memref<4x2x256x128xf32, #tpu.memory_space<vmem>>, vector<1x1x256x128xf32>
    %get3A_92 = vector.shape_cast %get3A_91 : vector<1x1x256x128xf32> to vector<256x128xf32>
    %add3A_93 = arith.addf %get3A_86, %get3A_92 : vector<256x128xf32>
    %get3A_94 = arith.constant 0 : index
    %get3A_95 = arith.constant 0 : index
    %get3A_96 = vector.load %arg5[%get3A_94, %get3A_95] : memref<256x128xf32, #tpu.memory_space<vmem>>, vector<256x128xf32>
    %add3A_97 = arith.addf %add3A_93, %get3A_96 : vector<256x128xf32>
    %get3A_98 = arith.constant 0 : index
    %get3A_99 = arith.constant 0 : index
    %get3A_100 = vector.load %arg6[%get3A_98, %get3A_99] : memref<256x128xf32, #tpu.memory_space<vmem>>, vector<256x128xf32>
    %mul3A_101 = arith.mulf %add3A_97, %get3A_100 : vector<256x128xf32>
    %get3A_102 = arith.constant 0 : index
    %get3A_103 = arith.constant 0 : index
    %get3A_104 = vector.load %arg11[%get3A_102, %get3A_103] : memref<128x1024xf32, #tpu.memory_space<vmem>>, vector<128x1024xf32>
    %dot_general3A_105 = arith.constant dense<0.000000e+00> : vector<256x1024xf32>
    %dot_general3A_106 = tpu.matmul %mul3A_101, %get3A_104, %dot_general3A_105 {dimension_numbers = #tpu.dot_dimension_numbers<[1], [0], [0], [1], [0, 0, 1, 1], [], []>, transpose_lhs_hint = false} : vector<256x128xf32>, vector<128x1024xf32>, vector<256x1024xf32> -> vector<256x1024xf32>
    %add3A_107 = arith.addf %add3A_80, %dot_general3A_106 : vector<256x1024xf32>
    %max3A = arith.constant 0.000000e+00 : f32
    %max3A_108 = vector.broadcast %max3A : f32 to vector<256x1024xf32>
    %max3A_109 = arith.maximumf %add3A_107, %max3A_108 : vector<256x1024xf32>
    %get3A_110 = arith.constant 0 : index
    %get3A_111 = arith.constant 0 : index
    %get3A_112 = vector.load %arg7[%get3A_110, %get3A_111] : memref<256x8xf32, #tpu.memory_space<vmem>>, vector<256x8xf32>
    %get3A_113 = arith.constant 0 : index
    %get3A_114 = arith.constant 0 : index
    %get3A_115 = vector.load %arg13[%get3A_113, %get3A_114] : memref<1024x8xf32, #tpu.memory_space<vmem>>, vector<1024x8xf32>
    %dot_general3A_116 = arith.constant dense<0.000000e+00> : vector<256x8xf32>
    %dot_general3A_117 = tpu.matmul %max3A_109, %get3A_115, %dot_general3A_116 {dimension_numbers = #tpu.dot_dimension_numbers<[1], [0], [0], [1], [0, 0, 1, 1], [], []>, transpose_lhs_hint = false} : vector<256x1024xf32>, vector<1024x8xf32>, vector<256x8xf32> -> vector<256x8xf32>
    %add3A_118 = arith.addf %get3A_112, %dot_general3A_117 : vector<256x8xf32>
    %get3A_119 = arith.constant 0 : index
    %get3A_120 = arith.constant 0 : index
    %get3A_121 = vector.load %arg14[%get3A_119, %get3A_120] : memref<1x1xf32, #tpu.memory_space<vmem>>, vector<1x1xf32>
    %add3A_122 = vector.broadcast %get3A_121 : vector<1x1xf32> to vector<256x8xf32>
    %add3A_123 = arith.addf %add3A_118, %add3A_122 : vector<256x8xf32>
    %swap3A = arith.constant 0 : index
    %swap3A_124 = arith.constant 0 : index
    %swap3A_125 = vector.load %arg15[%swap3A, %swap3A_124] : memref<256x8xf32, #tpu.memory_space<vmem>>, vector<256x8xf32>
    tpu.vector_store %arg15[%swap3A, %swap3A_124], %add3A_123 {strides = array<i32>} : memref<256x8xf32, #tpu.memory_space<vmem>>, vector<256x8xf32>,
    return
  }
  func.func @transform_0(%arg0: i32) -> (i32, i32, i32, i32) {
    %c0_i32 = arith.constant 0 : i32
    %c0_i32_0 = arith.constant 0 : i32
    %c0_i32_1 = arith.constant 0 : i32
    %c0_i32_2 = arith.constant 0 : i32
    return %c0_i32, %c0_i32_0, %arg0, %c0_i32_1 : i32, i32, i32, i32
  }
  func.func @transform_1(%arg0: i32) -> (i32, i32) {
    %c0_i32 = arith.constant 0 : i32
    %c0_i32_0 = arith.constant 0 : i32
    return %arg0, %c0_i32 : i32, i32
  }
  func.func @transform_2(%arg0: i32) -> (i32, i32) {
    %c0_i32 = arith.constant 0 : i32
    %c0_i32_0 = arith.constant 0 : i32
    return %arg0, %c0_i32 : i32, i32
  }
  func.func @transform_3(%arg0: i32) -> (i32, i32) {
    %c0_i32 = arith.constant 0 : i32
    %c0_i32_0 = arith.constant 0 : i32
    return %arg0, %c0_i32 : i32, i32
  }
  func.func @transform_4(%arg0: i32) -> (i32, i32) {
    %c0_i32 = arith.constant 0 : i32
    %c0_i32_0 = arith.constant 0 : i32
    return %arg0, %c0_i32 : i32, i32
  }
  func.func @transform_5(%arg0: i32) -> (i32, i32) {
    %c0_i32 = arith.constant 0 : i32
    %c0_i32_0 = arith.constant 0 : i32
    return %arg0, %c0_i32 : i32, i32
  }
  func.func @transform_6(%arg0: i32) -> (i32, i32) {
    %c0_i32 = arith.constant 0 : i32
    %c0_i32_0 = arith.constant 0 : i32
    return %arg0, %c0_i32 : i32, i32
  }
  func.func @transform_7(%arg0: i32) -> (i32, i32) {
    %c0_i32 = arith.constant 0 : i32
    %c0_i32_0 = arith.constant 0 : i32
    %c0_i32_1 = arith.constant 0 : i32
    return %c0_i32, %c0_i32_0 : i32, i32
  }
  func.func @transform_8(%arg0: i32) -> (i32, i32) {
    %c0_i32 = arith.constant 0 : i32
    %c0_i32_0 = arith.constant 0 : i32
    %c0_i32_1 = arith.constant 0 : i32
    return %c0_i32, %c0_i32_0 : i32, i32
  }
  func.func @transform_9(%arg0: i32) -> (i32, i32) {
    %c0_i32 = arith.constant 0 : i32
    %c0_i32_0 = arith.constant 0 : i32
    %c0_i32_1 = arith.constant 0 : i32
    return %c0_i32, %c0_i32_0 : i32, i32
  }
  func.func @transform_10(%arg0: i32) -> (i32, i32) {
    %c0_i32 = arith.constant 0 : i32
    %c0_i32_0 = arith.constant 0 : i32
    %c0_i32_1 = arith.constant 0 : i32
    return %c0_i32, %c0_i32_0 : i32, i32
  }
  func.func @transform_11(%arg0: i32) -> (i32, i32) {
    %c0_i32 = arith.constant 0 : i32
    %c0_i32_0 = arith.constant 0 : i32
    %c0_i32_1 = arith.constant 0 : i32
    return %c0_i32, %c0_i32_0 : i32, i32
  }
  func.func @transform_12(%arg0: i32) -> (i32, i32) {
    %c0_i32 = arith.constant 0 : i32
    %c0_i32_0 = arith.constant 0 : i32
    %c0_i32_1 = arith.constant 0 : i32
    return %c0_i32, %c0_i32_0 : i32, i32
  }
  func.func @transform_13(%arg0: i32) -> (i32, i32) {
    %c0_i32 = arith.constant 0 : i32
    %c0_i32_0 = arith.constant 0 : i32
    %c0_i32_1 = arith.constant 0 : i32
    return %c0_i32, %c0_i32_0 : i32, i32
  }
  func.func @transform_14(%arg0: i32) -> (i32, i32) {
    %c0_i32 = arith.constant 0 : i32
    %c0_i32_0 = arith.constant 0 : i32
    return %arg0, %c0_i32 : i32, i32
  }
}

</mosaic_0001>

<sc_bundles>
// kernel: kernel.11.cloned.1.call-start
scs
__scs_entry_jumppad:
0x0: {  	(pc) =	sbr.rel $0x88, $3  }
0x1: {  	(tag) =	ssettag $0x0;
	lr =	simm.s32 $0x1  }
0x2: {  	[smem:$0x3F99] =	sst lr;
	_ =	strace $0xD0000000  }
0x3: {  	_ = 	snop  }
0x4: {  	_ = 	snop  }
0x5: {  	_ = 	snop  }
0x6: {  	_ = 	snop  }
0x7: {  	_ = 	snop  }
__scs_overlays_trampoline_lowered:
0x8: {  	[smem:$0x3FA8] =	sst s0  }
0x9: {  	[smem:$0x3FA9] =	sst s1  }
0xa: {  	[smem:$0x3FAA] =	sst s2  }
0xb: {  	[smem:$0x3FAB] =	sst s3  }
0xc: {  	[smem:$0x3FAC] =	sst s4  }
0xd: {  	[smem:$0x3FAD] =	sst s5  }
0xe: {  	[smem:$0x3FAE] =	sst s6  }
0xf: {  	[smem:$0x3FAF] =	sst s7  }
0x10: {  	[smem:$0x3FB0] =	sst s8  }
0x11: {  	[smem:$0x3FB1] =	sst s9;
	s0 =	simm.s32 @!p0 $0x0  }
0x12: {  	s1 =	sld [smem:$0x3F97];
	s0 =	simm.s32 @p0 $0x1  }
0x13: {  	[smem:$0x3FB2] =	sst s0;
	s0 =	simm.s32 @!p1 $0x0  }
0x14: {  	s2 =	sld [smem:$0x3F96];
	s0 =	simm.s32 @p1 $0x1  }
0x15: {  	[smem:$0x3FB3] =	sst s0;
	s0 =	simm.s32 @!p2 $0x0  }
0x16: {  	s3 =	sld [smem:$0x3FDB];
	s0 =	simm.s32 @p2 $0x1  }
0x17: {  	s4 =	simm.s32 $0x1BF5;
	[smem:$0x3FB5] =	sst s0  }
0x18: {  	s0 =	sld [smem:$0x3F98];
	_ =	swait.ge [sflag:s4], $0x0  }
0x19: {  	s7 =	sld [smem:$0x3F99]  }
0x1a: {  	s8 =	sadd.s32 $0xFFFFE003, lr  }
0x1b: {  	s9 =	sadd.s32 $0xFFFFFEF7, lr;
	s5 =	simm.s32 $0xFFFFFFFF;
	p2 =	slt.u32 s8, $0xFFFFF086  }
0x1c: {  	p1 =	slt.u32 s9, $0xF7A;
	s5 =	simm.s32 @!p2 $0x0  }
0x1d: {  	s5 =	simm.s32 @p1 $0x1;
	p0 =	seq.s32 s7, s2  }
0x1e: {  	s7 =	smul.u32 @!p0 $0xF7A, s2;
	p2 =	seq.s32 @!p0 s5, $0x0  }
0x1f: {  	s9 =	smul.u32 $0xF7A, s1;
	s8 =	simm.s32 @!p0 $0x1BF5;
	p2 =	por !p2, p0  }
0x20: {  	[sflag:s8] =	ssyncset.s32 @!p0 $0xFFFFF086;
	s6 =	sadd.s32 @!p0 s3, s7;
	s7 =	simm.s32 @!p0 $0x108  }
0x21: {  	s3 =	sadd.s32 s3, s9;
	s6 =	sadd.s32 @!p0 $0x88, s6;
	s7 =	simm.s32 @p2 $0x1082  }
0x22: {  	[simem:s7], [sflag:s8] =	dma.local @!p0 [hbm:s6], $0xF7A  }
0x23: {  	s9 =	sor.u32 $0xD0000000, s2;
	s6 =	simm.s32 $0x108;
	_ =	swait.ge @!p0 [sflag:s8], $0x0  }
0x24: {  	s3 =	sadd.s32 $0x88, s3;
	s6 =	simm.s32 @!p1 $0x1082;
	[sflag:s4] =	ssyncset.s32 $0xFFFFF086  }
0x25: {  	[simem:s6], [sflag:s4] =	dma.local [hbm:s3], $0xF7A  }
0x26: {  	[smem:$0x3F99] =	sst s1;
	(tag) =	ssettag s2;
	_ =	strace s9  }
0x27: {  	s1 =	sld [smem:$0x3FA9]  }
0x28: {  	s2 =	sld [smem:$0x3FAA]  }
0x29: {  	s4 =	sld [smem:$0x3FAC]  }
0x2a: {  	p0 =	seq.s32 s5, $0x0;
	s5 =	sld [smem:$0x3FAD]  }
0x2b: {  	s6 =	sld [smem:$0x3FAE]  }
0x2c: {  	s7 =	sld [smem:$0x3FAF]  }
0x2d: {  	s3 =	simm.s32 $0x108;
	s8 =	sld [smem:$0x3FB0]  }
0x2e: {  	s3 =	simm.s32 @!p0 $0x1082;
	s9 =	sld [smem:$0x3FB1]  }
0x2f: {  	lr =	sadd.s32 s0, s3;
	s0 =	sld [smem:$0x3FA8]  }
0x30: {  	s3 =	sld [smem:$0x3FAB]  }
0x31: {  	[smem:$0x3FB4] =	sst s10  }
0x32: {  	s10 =	sld [smem:$0x3FB2];
	_ =	sdelay $0x3  }
0x33: {  	p0 =	seq.s32 s10, $0x1;
	s10 =	sld [smem:$0x3FB4];
	_ =	sdelay $0x3  }
0x34: {  	[smem:$0x3FB4] =	sst s10  }
0x35: {  	s10 =	sld [smem:$0x3FB3];
	_ =	sdelay $0x3  }
0x36: {  	p1 =	seq.s32 s10, $0x1;
	s10 =	sld [smem:$0x3FB4];
	_ =	sdelay $0x3  }
0x37: {  	[smem:$0x3FB4] =	sst s10  }
0x38: {  	s10 =	sld [smem:$0x3FB5]  }
0x39: {  	_ = 	snop;
	(pc) =	sbr.ind lr, $3  }
0x3a: {  	_ = 	snop  }
0x3b: {  	_ = 	snop  }
0x3c: {  	p2 =	seq.s32 s10, $0x1;
	s10 =	sld [smem:$0x3FB4]  }
0x3d: {  	_ =	shalt  }
0x3e: {  	_ =	shalt  }
0x3f: {  	_ =	shalt  }
0x40: {  	_ =	shalt  }
0x41: {  	_ =	shalt  }
0x42: {  	_ =	shalt  }
0x43: {  	_ =	shalt  }
0x44: {  	_ =	shalt  }
0x45: {  	_ =	shalt  }
0x46: {  	_ =	shalt  }
0x47: {  	_ =	shalt  }
0x48: {  	_ =	shalt  }
0x49: {  	_ =	shalt  }
0x4a: {  	_ =	shalt  }
0x4b: {  	_ =	shalt  }
0x4c: {  	_ =	shalt  }
0x4d: {  	_ =	shalt  }
0x4e: {  	_ =	shalt  }
0x4f: {  	_ =	shalt  }
0x50: {  	_ =	shalt  }
0x51: {  	_ =	shalt  }
0x52: {  	_ =	shalt  }
0x53: {  	_ =	shalt  }
0x54: {  	_ =	shalt  }
0x55: {  	_ =	shalt  }
0x56: {  	_ =	shalt  }
0x57: {  	_ =	shalt  }
0x58: {  	_ =	shalt  }
0x59: {  	_ =	shalt  }
0x5a: {  	_ =	shalt  }
0x5b: {  	_ =	shalt  }
0x5c: {  	_ =	shalt  }
0x5d: {  	_ =	shalt  }
0x5e: {  	_ =	shalt  }
0x5f: {  	_ =	shalt  }
0x60: {  	_ =	shalt  }
0x61: {  	_ =	shalt  }
0x62: {  	_ =	shalt  }
0x63: {  	_ =	shalt  }
0x64: {  	_ =	shalt  }
0x65: {  	_ =	shalt  }
0x66: {  	_ =	shalt  }
0x67: {  	_ =	shalt  }
0x68: {  	_ =	shalt  }
0x69: {  	_ =	shalt  }
0x6a: {  	_ =	shalt  }
0x6b: {  	_ =	shalt  }
0x6c: {  	_ =	shalt  }
0x6d: {  	_ =	shalt  }
0x6e: {  	_ =	shalt  }
0x6f: {  	_ =	shalt  }
0x70: {  	_ =	shalt  }
0x71: {  	_ =	shalt  }
0x72: {  	_ =	shalt  }
0x73: {  	_ =	shalt  }
0x74: {  	_ =	shalt  }
0x75: {  	_ =	shalt  }
0x76: {  	_ =	shalt  }
0x77: {  	_ =	shalt  }
0x78: {  	_ =	shalt  }
0x79: {  	_ =	shalt  }
0x7a: {  	_ =	shalt  }
0x7b: {  	_ =	shalt  }
0x7c: {  	_ =	shalt  }
0x7d: {  	_ =	shalt  }
0x7e: {  	_ =	shalt  }
0x7f: {  	_ =	shalt  }
0x80: {  	_ =	shalt  }
0x81: {  	_ =	shalt  }
0x82: {  	_ =	shalt  }
0x83: {  	_ =	shalt  }
0x84: {  	_ =	shalt  }
0x85: {  	_ =	shalt  }
0x86: {  	_ =	shalt  }
0x87: {  	_ =	shalt  }
.Lfunc_end0:
.L_simem_size_0:
called_computation.1_lowered:
.L_overlay_start_0:
0x88: {  	s2 =	sld [smem:$0x3FD9]  }
0x89: {  	s3 =	sld [smem:$0x3FFE];
	_ =	sdelay $0x1  }
0x8a: {  	s1 =	srdreg.scid  }
0x8b: {  	s0 =	sand.u32 $0x1, s1  }
0x8c: {  	s16 =	sshll.u32 s0, $0xA;
	s2 =	sadd.s32 s3, s2  }
0x8d: {  	s2 =	sadd.s32 s2, s16  }
0x8e: {  	[smem:$0x3FC0] =	sst s2  }
0x8f: {  	_ = 	snop  }
0x90: {  	(tm) =	ssettm $0x1  }
0x91: {  	s17 =	sld [smem:$0x3FFB];
	_ =	sdelay $0x3  }
0x92: {  	_ =	strace s17  }
0x93: {  	s2 =	sld [smem:$0x3FFC];
	_ =	sdelay $0x3  }
0x94: {  	_ =	strace s2  }
0x95: {  	s2 =	sld [smem:$0x3FFD];
	_ =	sdelay $0x3  }
0x96: {  	_ =	strace s2  }
0x97: {  	_ =	strace $0x8FFFFFFF  }
0x98: {  	s18 =	sld [smem:$0x3FDB];
	_ =	sdelay $0x1  }
0x99: {  	s19 =	simm.s32 $_scs_section_size  }
0x9a: {  	s4 =	simm.s32 $_size__tile_overlayer_lowered;
	s5 =	simm.s32 $_tile_overlayer_lowered  }
0x9b: {  	s22 =	simm.s32 $0x1BFF;
	s21 =	sshll.u32 s5, $0x1;
	s2 =	sadd.s32 s19, s18  }
0x9c: {  	s6 =	simm.s32 $0x0;
	s20 =	sshll.u32 s4, $0x1;
	s4 =	sadd.s32 s21, s2  }
0x9d: {  	[timem:s6], [sflag:s22] =	dma.local [hbm:s4], s20  }
0x9e: {  	_ =	swait.ge [sflag:s22], s20  }
0x9f: {  	s3 =	ssub.s32 $0x0, s20;
	[sflag:s22] =	ssyncset.done $0x0  }
0xa0: {  	[sflag:s22] =	ssyncadd.s32 s3;
	_ =	sdelay $0x1  }
0xa1: {  	s23 =	simm.s32 $0x1B8B  }
0xa2: {  	_ =	swait.ge [sflag:s23], $0x1  }
0xa3: {  	[sflag:s23] =	ssyncset.done $0x0  }
0xa4: {  	s25 =	simm.s32 $0x1B8E;
	s24 =	sld [smem:$0x3FFE];
	[sflag:s23] =	ssyncadd.s32 $0xFFFFFFFF  }
0xa5: {  	s26 =	simm.s32 $execute0_lowered;
	[smem:$0x3FD2] =	sst s25  }
0xa6: {  	s4 =	sshll.u32 s26, $0x1;
	_ =	strace $0x80000049;
	[dreg:$0x1] =	wrdreg $0xFFFFFFFF  }
0xa7: {  	s28 =	simm.s32 $_size_execute0_lowered;
	s2 =	sadd.s32 s2, s4;
	[dreg:$0x0] =	wrdreg $0x0  }
0xa8: {  	s4 =	sshll.u32 s28, $0x1;
	[dreg:$0x2] =	wrdreg s2  }
0xa9: {  	[dreg:$0x3] =	wrdreg s4  }
0xaa: {  	[dreg:$0x4] =	wrdreg $0xC0  }
0xab: {  	_ =	task [dreg:s6], $0x5FFFF  }
0xac: {  	[dreg:$0x1] =	wrdreg $0xFFFFFFFF  }
0xad: {  	[dreg:$0x0] =	wrdreg $0x60  }
0xae: {  	[dreg:$0x2] =	wrdreg s24  }
0xaf: {  	[dreg:$0x3] =	wrdreg $0x6C000  }
0xb0: {  	[dreg:$0x4] =	wrdreg $0x9  }
0xb1: {  	_ =	task.clear_ibuf [dreg:s6], $0x5FFFF;
	_ =	strace $0x90000049  }
0xb2: {  	s29 =	simm.s32 $0x9;
	_ =	strace $0x8000004B  }
0xb3: {  	_ =	swait.ge [sflag:s29], $0x1  }
0xb4: {  	[sflag:s29] =	ssyncadd.s32 $0xFFFFFFFF  }
0xb5: {  	_ =	strace $0x9000004B  }
0xb6: {  	_ =	sfence  }
0xb7: {  	s30 =	sld [smem:$0x0];
	_ =	sdelay $0x2  }
0xb8: {  	s31 =	sshll.u32 s1, $0xD;
	s1 =	sshrl.u32 s1, $0x2  }
0xb9: {  	s3 =	sand.u32 $0x4000, s31;
	s1 =	sadd.s32 s1, s30  }
0xba: {  	s0 =	sor.u32 s3, s0;
	s1 =	sshll.u32 s1, $0x11  }
0xbb: {  	s0 =	sor.u32 s1, s0  }
0xbc: {  	s0 =	sadd.s32 $0x8F2B, s0  }
0xbd: {  	[sflag:s0] =	ssyncadd.remote.s32 $0x1  }
0xbe: {  	_ =	sfence.sel $0xFFFF  }
0xbf: {  	[dreg:$0x0] =	wrdreg $0xFFFFFFFF;
	(pc) =	sbr.abs _section_cstart, $3  }
0xc0: {  	[dreg:$0x1] =	wrdreg $0xFFFFFFFF  }
0xc1: {  	_ =	task.clear_ibuf [dreg:s6], $0x2FFFF;
	_ =	strace $0x9FFFFFFF  }
0xc2: {  	(tm) =	ssettm $0x7FFFFFFF  }
0xc3: {  	_ =	shalt  }
tec
execute0_lowered:
.L_overlay_start_1:
0x0: {  	(tag) =	ssettag $0x1  }
0x1: {  	s6 =	rddreg [dreg:$0x0]  }
0x2: {  	s2 =	rddreg [dreg:$0x1]  }
0x3: {  	s0 =	rddreg [dreg:$0x2];
	s4 =	srdreg.scid  }
0x4: {  	s1 =	stileid.u32;
	s3 =	simm.s32 $0x0;
	s16 =	simm.s32 $0x600  }
0x5: {  	s17 =	simm.s32 $0x2;
	s18 =	simm.s32 $0x80;
	s19 =	simm.s32 $0x1  }
0x6: {  	s20 =	simm.s32 $0x0;
	s7 =	sand.u32 $0x1, s4;
	s8 =	smul.u32 $0x19000, s1  }
0x7: {  	[smem:$0x7FF] =	sst s3;
	s4 =	sadd.s32 $0x9BC00, s6;
	s12 =	sadd.s32 $0x3C00, s6  }
0x8: {  	s5 =	sadd.s32 $0x69C00, s6;
	s30 =	smul.u32 $0x330, s1;
	s31 =	sshll.u32 s1, $0x6  }
0x9: {  	s9 =	smul.u32 $0x190000, s7;
	_ =	strace $0x8000004A;
	s10 =	sshll.u32 s7, $0x4  }
0xa: {  	s11 =	ssub.s32 $0x2, s7;
	s14 =	smul.u32 $0x3300, s7;
	s7 =	sor.u32 $0x1C03, s31  }
0xb: {  	s10 =	sor.u32 s1, s10;
	s26 =	sshrl.u32 s11, $0x1;
	s29 =	sshrl.u32 s8, $0x3  }
0xc: {  	s15 =	sadd.s32 s8, s2;
	s9 =	sadd.s32 s8, s9;
	s28 =	smul.u32 $0x19800, s10  }
0xd: {  	s11 =	ssub.s32 s11, s26;
	s10 =	smul.u32 $0x3300, s10;
	s9 =	sshrl.u32 s9, $0x3  }
0xe: {  	s14 =	sadd.s32 s30, s14;
	s13 =	sadd.s32 s9, s6;
	s9 =	sshrl.u32 s28, $0x3  }
0xf: {  	s14 =	sshll.u32 s14, $0x4;
	s11 =	smax.u32 s11, $0x1;
	s9 =	sadd.s32 s12, s9  }
0x10: {  	s6 =	sadd.s32 s5, s29;
	s8 =	sadd.s32 $0x3180, s9;
	s9 =	sadd.s32 s12, s10  }
0x11: {  	s10 =	sadd.s32 $0x131C00, s13;
	s12 =	sadd.s32 s14, s12;
	s13 =	sshrl.u32 s15, $0x3  }
0x12: {  	s14 =	simm.s32 $0x3;
	s15 =	simm.s32 $0xC00;
	s12 =	sadd.s32 $0xC0, s12  }
.LBB2_1:
0x13: {  	[spmem:s13], [sflag:s7] =	dma.local [hbm:s6], $0x3200  }
0x14: {  	_ =	swait.ge [sflag:s14], $0x3200  }
0x15: {  	[sflag:s14] =	ssyncset.done $0x0  }
0x16: {  	[sflag:s14] =	ssyncadd.s32 $0xFFFFCE00  }
0x17: {  	[bflag:$0x0] =	sbarrier.arrive $0xFFFF  }
0x18: {  	[tilespmem:s15], [sflag:$0x3] =	stream.linear.gather [hbm4b:s5+s3], $0x6000, $0x38;
	[tilespmem:$0x1FC00] =	vst v63  }
0x19: {  	_ =	swait.ge [sflag:s14], $0x6000  }
0x1a: {  	[sflag:s14] =	ssyncset.done $0x0  }
0x1b: {  	[sflag:s14] =	ssyncadd.s32 $0xFFFFA000  }
0x1c: {  	[tilespmem:s16], [sflag:$0x3] =	stream.linear.gather [hbm4b:s8+s3], $0x600, $0x38;
	[tilespmem:$0x1FC00] =	vst v63  }
0x1d: {  	_ =	swait.ge [sflag:s14], $0x600  }
0x1e: {  	s21 =	sand.u32 $0x1, s3;
	[sflag:s14] =	ssyncset.done $0x0  }
0x1f: {  	s22 =	smul.u32 $0xC000, s21;
	[sflag:s14] =	ssyncadd.s32 $0xFFFFFA00  }
0x20: {  	[tilespmem:s3], [sflag:$0x2] =	stream.linear.gather [hbm4b:s9+s3], $0x600, $0x38;
	[tilespmem:$0x1FC00] =	vst v63  }
0x21: {  	s23 =	smul.u32 $0x1800, s21;
	_ =	swait.ge [sflag:s17], $0x600  }
0x22: {  	s22 =	sshrl.u32 s22, $0x2;
	[sflag:s17] =	ssyncset.done $0x0  }
0x23: {  	s23 =	sshrl.u32 s23, $0x2;
	s24 =	sor.u32 $0xC00, s22;
	[sflag:s17] =	ssyncadd.s32 $0xFFFFFA00  }
0x24: {  	[tilespmem:s24], [sflag:$0x1] =	stream.indirect.gather [hbm4b:s4+s18], $0x10, s23, s18, $0xb8;
	[tilespmem:$0x1FC00] =	vst v63  }
0x25: {  	s29 =	sadd.s32 $0x1400, s22;
	s25 =	sor.u32 $0x80, s23  }
0x26: {  	[tilespmem:s29], [sflag:$0x1] =	stream.indirect.gather [hbm4b:s4+s18], $0x10, s25, s18, $0xb8;
	[tilespmem:$0x1FC00] =	vst v63  }
0x27: {  	s26 =	smul.u32 $0xFFFF4000, s21;
	s30 =	sadd.s32 $0x1C00, s22;
	s31 =	sor.u32 $0x100, s23  }
0x28: {  	[tilespmem:s30], [sflag:$0x1] =	stream.indirect.gather [hbm4b:s4+s18], $0x10, s31, s18, $0xb8;
	[tilespmem:$0x1FC00] =	vst v63  }
0x29: {  	s21 =	smul.u32 $0xFFFFE800, s21;
	s28 =	sadd.s32 $0x2400, s22;
	s29 =	sor.u32 $0x180, s23  }
0x2a: {  	[tilespmem:s28], [sflag:$0x1] =	stream.indirect.gather [hbm4b:s4+s18], $0x10, s29, s18, $0xb8;
	[tilespmem:$0x1FC00] =	vst v63  }
0x2b: {  	s21 =	sshra.s32 s21, $0x2;
	s30 =	sadd.s32 $0x2C00, s22;
	s31 =	sadd.s32 $0x200, s23  }
0x2c: {  	[tilespmem:s30], [sflag:$0x1] =	stream.indirect.gather [hbm4b:s4+s18], $0x10, s31, s18, $0xb8;
	[tilespmem:$0x1FC00] =	vst v63  }
0x2d: {  	s24 =	sshra.s32 s26, $0x2;
	s22 =	sadd.s32 $0x3400, s22;
	s23 =	sadd.s32 $0x280, s23  }
0x2e: {  	[tilespmem:s22], [sflag:$0x1] =	stream.indirect.gather [hbm4b:s4+s18], $0x10, s23, s18, $0xb8;
	[tilespmem:$0x1FC00] =	vst v63  }
0x2f: {  	s26 =	sadd.s32 $0x900, s21;
	s25 =	sadd.s32 $0x3C00, s24  }
0x30: {  	[spmem:s2] =	stream.indirect.scatter.add.f32 [tilespmem:s25], [sflag:$0x3], $0x10, s26, s18, $0xb8;
	[tilespmem:$0x1FC00] =	vst v63  }
0x31: {  	_ =	swait.ge [sflag:s14], $0x800  }
0x32: {  	[sflag:s14] =	ssyncset.done $0x0  }
0x33: {  	s28 =	sadd.s32 $0x4400, s24;
	s29 =	sadd.s32 $0x980, s21;
	[sflag:s14] =	ssyncadd.s32 $0xFFFFF800  }
0x34: {  	[spmem:s2] =	stream.indirect.scatter.add.f32 [tilespmem:s28], [sflag:$0x3], $0x10, s29, s18, $0xb8;
	[tilespmem:$0x1FC00] =	vst v63  }
0x35: {  	_ =	swait.ge [sflag:s14], $0x800  }
0x36: {  	[sflag:s14] =	ssyncset.done $0x0  }
0x37: {  	s30 =	sadd.s32 $0x4C00, s24;
	s31 =	sadd.s32 $0xA00, s21;
	[sflag:s14] =	ssyncadd.s32 $0xFFFFF800  }
0x38: {  	[spmem:s2] =	stream.indirect.scatter.add.f32 [tilespmem:s30], [sflag:$0x3], $0x10, s31, s18, $0xb8;
	[tilespmem:$0x1FC00] =	vst v63  }
0x39: {  	_ =	swait.ge [sflag:s14], $0x800  }
0x3a: {  	[sflag:s14] =	ssyncset.done $0x0  }
0x3b: {  	s23 =	sadd.s32 $0x5400, s24;
	s25 =	sadd.s32 $0xA80, s21;
	[sflag:s14] =	ssyncadd.s32 $0xFFFFF800  }
0x3c: {  	[spmem:s2] =	stream.indirect.scatter.add.f32 [tilespmem:s23], [sflag:$0x3], $0x10, s25, s18, $0xb8;
	[tilespmem:$0x1FC00] =	vst v63  }
0x3d: {  	_ =	swait.ge [sflag:s14], $0x800  }
0x3e: {  	[sflag:s14] =	ssyncset.done $0x0  }
0x3f: {  	s26 =	sadd.s32 $0x5C00, s24;
	s28 =	sadd.s32 $0xB00, s21;
	[sflag:s14] =	ssyncadd.s32 $0xFFFFF800  }
0x40: {  	[spmem:s2] =	stream.indirect.scatter.add.f32 [tilespmem:s26], [sflag:$0x3], $0x10, s28, s18, $0xb8;
	[tilespmem:$0x1FC00] =	vst v63  }
0x41: {  	_ =	swait.ge [sflag:s14], $0x800  }
0x42: {  	[sflag:s14] =	ssyncset.done $0x0  }
0x43: {  	s29 =	sadd.s32 $0x6400, s24;
	s30 =	sadd.s32 $0xB80, s21;
	[sflag:s14] =	ssyncadd.s32 $0xFFFFF800  }
0x44: {  	[spmem:s2] =	stream.indirect.scatter.add.f32 [tilespmem:s29], [sflag:$0x3], $0x10, s30, s18, $0xb8;
	[tilespmem:$0x1FC00] =	vst v63  }
0x45: {  	_ =	swait.ge [sflag:s14], $0x800  }
0x46: {  	[sflag:s14] =	ssyncset.done $0x0  }
0x47: {  	s21 =	sadd.s32 $0x600, s21;
	[sflag:s14] =	ssyncadd.s32 $0xFFFFF800  }
0x48: {  	[tilespmem:s21], [sflag:$0x2] =	stream.linear.gather [hbm4b:s12+s3], $0x600, $0x38;
	[tilespmem:$0x1FC00] =	vst v63  }
0x49: {  	_ =	swait.ge [sflag:s19], $0x800  }
0x4a: {  	[sflag:s19] =	ssyncset.done $0x0  }
0x4b: {  	[sflag:s19] =	ssyncadd.s32 $0xFFFFF800  }
0x4c: {  	_ =	swait.ge [sflag:s19], $0x800  }
0x4d: {  	[sflag:s19] =	ssyncset.done $0x0  }
0x4e: {  	[sflag:s19] =	ssyncadd.s32 $0xFFFFF800  }
0x4f: {  	_ =	swait.ge [sflag:s19], $0x800  }
0x50: {  	[sflag:s19] =	ssyncset.done $0x0  }
0x51: {  	[sflag:s19] =	ssyncadd.s32 $0xFFFFF800  }
0x52: {  	_ =	swait.ge [sflag:s19], $0x800  }
0x53: {  	[sflag:s19] =	ssyncset.done $0x0  }
0x54: {  	[sflag:s19] =	ssyncadd.s32 $0xFFFFF800  }
0x55: {  	_ =	swait.ge [sflag:s19], $0x800  }
0x56: {  	[sflag:s19] =	ssyncset.done $0x0  }
0x57: {  	s31 =	simm.s32 $0x1;
	[sflag:s19] =	ssyncadd.s32 $0xFFFFF800  }
0x58: {  	s24 =	sand.u32 $0x1, s31;
	_ =	swait.ge [sflag:s19], $0x800  }
0x59: {  	s25 =	simm.s32 $0x2;
	s21 =	sadd.s32 $0xC0, s12;
	[sflag:s19] =	ssyncset.done $0x0  }
.LBB2_2:
0x5a: {  	s26 =	smul.u32 $0xC000, s24  }
0x5b: {  	[sflag:s19] =	ssyncadd.s32 $0xFFFFF800;
	s23 =	smov.u32 s25;
	s22 =	sadd.s32 $0x1, s25  }
0x5c: {  	p0 =	sne.s32 s25, $0x42;
	s25 =	smul.u32 $0x1800, s24;
	_ =	swait.ge [sflag:s17], $0x600  }
0x5d: {  	[sflag:s17] =	ssyncset.done $0x0;
	s26 =	sshrl.u32 s26, $0x2  }
0x5e: {  	s25 =	sshrl.u32 s25, $0x2;
	[sflag:s17] =	ssyncadd.s32 $0xFFFFFA00;
	s28 =	sor.u32 $0xC00, s26  }
0x5f: {  	[tilespmem:s28], [sflag:$0x1] =	stream.indirect.gather [hbm4b:s4+s18], $0x10, s25, s18, $0xb8;
	[tilespmem:$0x1FC00] =	vst v63  }
0x60: {  	s29 =	sor.u32 $0x80, s25;
	s28 =	sadd.s32 $0x1400, s26  }
0x61: {  	[tilespmem:s28], [sflag:$0x1] =	stream.indirect.gather [hbm4b:s4+s18], $0x10, s29, s18, $0xb8;
	[tilespmem:$0x1FC00] =	vst v63  }
0x62: {  	s30 =	smul.u32 $0xFFFF4000, s24;
	s28 =	sadd.s32 $0x1C00, s26;
	s29 =	sor.u32 $0x100, s25  }
0x63: {  	[tilespmem:s28], [sflag:$0x1] =	stream.indirect.gather [hbm4b:s4+s18], $0x10, s29, s18, $0xb8;
	[tilespmem:$0x1FC00] =	vst v63  }
0x64: {  	s24 =	smul.u32 $0xFFFFE800, s24;
	s28 =	sadd.s32 $0x2400, s26;
	s29 =	sor.u32 $0x180, s25  }
0x65: {  	[tilespmem:s28], [sflag:$0x1] =	stream.indirect.gather [hbm4b:s4+s18], $0x10, s29, s18, $0xb8;
	[tilespmem:$0x1FC00] =	vst v63  }
0x66: {  	s24 =	sshra.s32 s24, $0x2;
	s28 =	sadd.s32 $0x2C00, s26;
	s29 =	sadd.s32 $0x200, s25  }
0x67: {  	[tilespmem:s28], [sflag:$0x1] =	stream.indirect.gather [hbm4b:s4+s18], $0x10, s29, s18, $0xb8;
	[tilespmem:$0x1FC00] =	vst v63  }
0x68: {  	s26 =	sadd.s32 $0x3400, s26;
	s25 =	sadd.s32 $0x280, s25;
	s28 =	sshra.s32 s30, $0x2  }
0x69: {  	[tilespmem:s26], [sflag:$0x1] =	stream.indirect.gather [hbm4b:s4+s18], $0x10, s25, s18, $0xb8;
	[tilespmem:$0x1FC00] =	vst v63  }
0x6a: {  	s25 =	sadd.s32 $0x3C00, s28;
	s26 =	sadd.s32 $0x900, s24  }
0x6b: {  	[spmem:s2] =	stream.indirect.scatter.add.f32 [tilespmem:s25], [sflag:$0x3], $0x10, s26, s18, $0xb8;
	[tilespmem:$0x1FC00] =	vst v63  }
0x6c: {  	_ =	swait.ge [sflag:s14], $0x800  }
0x6d: {  	[sflag:s14] =	ssyncset.done $0x0  }
0x6e: {  	s25 =	sadd.s32 $0x4400, s28;
	s26 =	sadd.s32 $0x980, s24;
	[sflag:s14] =	ssyncadd.s32 $0xFFFFF800  }
0x6f: {  	[spmem:s2] =	stream.indirect.scatter.add.f32 [tilespmem:s25], [sflag:$0x3], $0x10, s26, s18, $0xb8;
	[tilespmem:$0x1FC00] =	vst v63  }
0x70: {  	_ =	swait.ge [sflag:s14], $0x800  }
0x71: {  	[sflag:s14] =	ssyncset.done $0x0  }
0x72: {  	s25 =	sadd.s32 $0x4C00, s28;
	s26 =	sadd.s32 $0xA00, s24;
	[sflag:s14] =	ssyncadd.s32 $0xFFFFF800  }
0x73: {  	[spmem:s2] =	stream.indirect.scatter.add.f32 [tilespmem:s25], [sflag:$0x3], $0x10, s26, s18, $0xb8;
	[tilespmem:$0x1FC00] =	vst v63  }
0x74: {  	_ =	swait.ge [sflag:s14], $0x800  }
0x75: {  	[sflag:s14] =	ssyncset.done $0x0  }
0x76: {  	s25 =	sadd.s32 $0x5400, s28;
	s26 =	sadd.s32 $0xA80, s24;
	[sflag:s14] =	ssyncadd.s32 $0xFFFFF800  }
0x77: {  	[spmem:s2] =	stream.indirect.scatter.add.f32 [tilespmem:s25], [sflag:$0x3], $0x10, s26, s18, $0xb8;
	[tilespmem:$0x1FC00] =	vst v63  }
0x78: {  	_ =	swait.ge [sflag:s14], $0x800  }
0x79: {  	[sflag:s14] =	ssyncset.done $0x0  }
0x7a: {  	s25 =	sadd.s32 $0x5C00, s28;
	s26 =	sadd.s32 $0xB00, s24;
	[sflag:s14] =	ssyncadd.s32 $0xFFFFF800  }
0x7b: {  	[spmem:s2] =	stream.indirect.scatter.add.f32 [tilespmem:s25], [sflag:$0x3], $0x10, s26, s18, $0xb8;
	[tilespmem:$0x1FC00] =	vst v63  }
0x7c: {  	_ =	swait.ge [sflag:s14], $0x800  }
0x7d: {  	[sflag:s14] =	ssyncset.done $0x0  }
0x7e: {  	s25 =	sadd.s32 $0x6400, s28;
	s26 =	sadd.s32 $0xB80, s24;
	[sflag:s14] =	ssyncadd.s32 $0xFFFFF800  }
0x7f: {  	[spmem:s2] =	stream.indirect.scatter.add.f32 [tilespmem:s25], [sflag:$0x3], $0x10, s26, s18, $0xb8;
	[tilespmem:$0x1FC00] =	vst v63  }
0x80: {  	_ =	swait.ge [sflag:s14], $0x800  }
0x81: {  	[sflag:s14] =	ssyncset.done $0x0  }
0x82: {  	s24 =	sadd.s32 $0x600, s24;
	[sflag:s14] =	ssyncadd.s32 $0xFFFFF800  }
0x83: {  	[tilespmem:s24], [sflag:$0x2] =	stream.linear.gather [hbm4b:s21+s3], $0x600, $0x38;
	[tilespmem:$0x1FC00] =	vst v63  }
0x84: {  	_ =	swait.ge [sflag:s19], $0x800  }
0x85: {  	[sflag:s19] =	ssyncset.done $0x0  }
0x86: {  	[sflag:s19] =	ssyncadd.s32 $0xFFFFF800  }
0x87: {  	_ =	swait.ge [sflag:s19], $0x800  }
0x88: {  	[sflag:s19] =	ssyncset.done $0x0  }
0x89: {  	[sflag:s19] =	ssyncadd.s32 $0xFFFFF800  }
0x8a: {  	_ =	swait.ge [sflag:s19], $0x800  }
0x8b: {  	[sflag:s19] =	ssyncset.done $0x0  }
0x8c: {  	[sflag:s19] =	ssyncadd.s32 $0xFFFFF800  }
0x8d: {  	_ =	swait.ge [sflag:s19], $0x800  }
0x8e: {  	[sflag:s19] =	ssyncset.done $0x0  }
0x8f: {  	[sflag:s19] =	ssyncadd.s32 $0xFFFFF800  }
.Ltmp0:
0x90: {  	_ =	swait.ge [sflag:s19], $0x800;
	(pc) =	sbr.rel @p0 .LBB2_2-.Ltmp0, $4  }
0x91: {  	[sflag:s19] =	ssyncset.done $0x0  }
0x92: {  	[sflag:s19] =	ssyncadd.s32 $0xFFFFF800  }
0x93: {  	s25 =	smov.u32 s22;
	_ =	swait.ge [sflag:s19], $0x800  }
0x94: {  	s24 =	sand.u32 $0x1, s23;
	s21 =	sadd.s32 $0xC0, s21;
	[sflag:s19] =	ssyncset.done $0x0  }
0x95: {  	s22 =	smul.u32 $0xC000, s24;
	[sflag:s19] =	ssyncadd.s32 $0xFFFFF800  }
0x96: {  	s23 =	smul.u32 $0x1800, s24;
	_ =	swait.ge [sflag:s17], $0x600  }
0x97: {  	[sflag:s17] =	ssyncset.done $0x0;
	s22 =	sshrl.u32 s22, $0x2  }
0x98: {  	s23 =	sshrl.u32 s23, $0x2;
	[sflag:s17] =	ssyncadd.s32 $0xFFFFFA00;
	s25 =	sor.u32 $0xC00, s22  }
0x99: {  	[tilespmem:s25], [sflag:$0x1] =	stream.indirect.gather [hbm4b:s4+s18], $0x10, s23, s18, $0xb8;
	[tilespmem:$0x1FC00] =	vst v63  }
0x9a: {  	s29 =	sadd.s32 $0x1400, s22;
	s26 =	sor.u32 $0x80, s23  }
0x9b: {  	[tilespmem:s29], [sflag:$0x1] =	stream.indirect.gather [hbm4b:s4+s18], $0x10, s26, s18, $0xb8;
	[tilespmem:$0x1FC00] =	vst v63  }
0x9c: {  	s28 =	smul.u32 $0xFFFF4000, s24;
	s30 =	sadd.s32 $0x1C00, s22;
	s31 =	sor.u32 $0x100, s23  }
0x9d: {  	[tilespmem:s30], [sflag:$0x1] =	stream.indirect.gather [hbm4b:s4+s18], $0x10, s31, s18, $0xb8;
	[tilespmem:$0x1FC00] =	vst v63  }
0x9e: {  	s25 =	sshra.s32 s28, $0x2;
	s29 =	sadd.s32 $0x2400, s22;
	s30 =	sor.u32 $0x180, s23  }
0x9f: {  	[tilespmem:s29], [sflag:$0x1] =	stream.indirect.gather [hbm4b:s4+s18], $0x10, s30, s18, $0xb8;
	[tilespmem:$0x1FC00] =	vst v63  }
0xa0: {  	s26 =	sadd.s32 $0x2C00, s22;
	s31 =	smul.u32 $0xFFFFE800, s24;
	s29 =	sadd.s32 $0x200, s23  }
0xa1: {  	[tilespmem:s26], [sflag:$0x1] =	stream.indirect.gather [hbm4b:s4+s18], $0x10, s29, s18, $0xb8;
	[tilespmem:$0x1FC00] =	vst v63  }
0xa2: {  	s22 =	sadd.s32 $0x3400, s22;
	s24 =	sshra.s32 s31, $0x2;
	s23 =	sadd.s32 $0x280, s23  }
0xa3: {  	[tilespmem:s22], [sflag:$0x1] =	stream.indirect.gather [hbm4b:s4+s18], $0x10, s23, s18, $0xb8;
	[tilespmem:$0x1FC00] =	vst v63  }
0xa4: {  	s30 =	sadd.s32 $0x3C00, s25;
	s31 =	sadd.s32 $0x900, s24  }
0xa5: {  	[spmem:s2] =	stream.indirect.scatter.add.f32 [tilespmem:s30], [sflag:$0x3], $0x10, s31, s18, $0xb8;
	[tilespmem:$0x1FC00] =	vst v63  }
0xa6: {  	_ =	swait.ge [sflag:s14], $0x800  }
0xa7: {  	[sflag:s14] =	ssyncset.done $0x0  }
0xa8: {  	s26 =	sadd.s32 $0x980, s24;
	s23 =	sadd.s32 $0x4400, s25;
	[sflag:s14] =	ssyncadd.s32 $0xFFFFF800  }
0xa9: {  	[spmem:s2] =	stream.indirect.scatter.add.f32 [tilespmem:s23], [sflag:$0x3], $0x10, s26, s18, $0xb8;
	[tilespmem:$0x1FC00] =	vst v63  }
0xaa: {  	_ =	swait.ge [sflag:s14], $0x800  }
0xab: {  	[sflag:s14] =	ssyncset.done $0x0  }
0xac: {  	s28 =	sadd.s32 $0x4C00, s25;
	s29 =	sadd.s32 $0xA00, s24;
	[sflag:s14] =	ssyncadd.s32 $0xFFFFF800  }
0xad: {  	[spmem:s2] =	stream.indirect.scatter.add.f32 [tilespmem:s28], [sflag:$0x3], $0x10, s29, s18, $0xb8;
	[tilespmem:$0x1FC00] =	vst v63  }
0xae: {  	_ =	swait.ge [sflag:s14], $0x800  }
0xaf: {  	[sflag:s14] =	ssyncset.done $0x0  }
0xb0: {  	s30 =	sadd.s32 $0x5400, s25;
	s31 =	sadd.s32 $0xA80, s24;
	[sflag:s14] =	ssyncadd.s32 $0xFFFFF800  }
0xb1: {  	[spmem:s2] =	stream.indirect.scatter.add.f32 [tilespmem:s30], [sflag:$0x3], $0x10, s31, s18, $0xb8;
	[tilespmem:$0x1FC00] =	vst v63  }
0xb2: {  	_ =	swait.ge [sflag:s14], $0x800  }
0xb3: {  	[sflag:s14] =	ssyncset.done $0x0  }
0xb4: {  	s26 =	sadd.s32 $0x5C00, s25;
	s28 =	sadd.s32 $0xB00, s24;
	[sflag:s14] =	ssyncadd.s32 $0xFFFFF800  }
0xb5: {  	[spmem:s2] =	stream.indirect.scatter.add.f32 [tilespmem:s26], [sflag:$0x3], $0x10, s28, s18, $0xb8;
	[tilespmem:$0x1FC00] =	vst v63  }
0xb6: {  	_ =	swait.ge [sflag:s14], $0x800  }
0xb7: {  	[sflag:s14] =	ssyncset.done $0x0  }
0xb8: {  	s29 =	sadd.s32 $0x6400, s25;
	s30 =	sadd.s32 $0xB80, s24;
	[sflag:s14] =	ssyncadd.s32 $0xFFFFF800  }
0xb9: {  	[spmem:s2] =	stream.indirect.scatter.add.f32 [tilespmem:s29], [sflag:$0x3], $0x10, s30, s18, $0xb8;
	[tilespmem:$0x1FC00] =	vst v63  }
0xba: {  	_ =	swait.ge [sflag:s14], $0x800  }
0xbb: {  	[sflag:s14] =	ssyncset.done $0x0  }
0xbc: {  	s31 =	sadd.s32 $0x600, s24;
	[sflag:s14] =	ssyncadd.s32 $0xFFFFF800  }
0xbd: {  	[tilespmem:s31], [sflag:$0x2] =	stream.linear.gather [hbm4b:s21+s3], $0x600, $0x38;
	[tilespmem:$0x1FC00] =	vst v63  }
0xbe: {  	_ =	swait.ge [sflag:s19], $0x800  }
0xbf: {  	[sflag:s19] =	ssyncset.done $0x0  }
0xc0: {  	[sflag:s19] =	ssyncadd.s32 $0xFFFFF800  }
0xc1: {  	_ =	swait.ge [sflag:s19], $0x800  }
0xc2: {  	[sflag:s19] =	ssyncset.done $0x0  }
0xc3: {  	[sflag:s19] =	ssyncadd.s32 $0xFFFFF800  }
0xc4: {  	_ =	swait.ge [sflag:s19], $0x800  }
0xc5: {  	[sflag:s19] =	ssyncset.done $0x0  }
0xc6: {  	[sflag:s19] =	ssyncadd.s32 $0xFFFFF800  }
0xc7: {  	_ =	swait.ge [sflag:s19], $0x800  }
0xc8: {  	[sflag:s19] =	ssyncset.done $0x0  }
0xc9: {  	[sflag:s19] =	ssyncadd.s32 $0xFFFFF800  }
0xca: {  	_ =	swait.ge [sflag:s19], $0x800  }
0xcb: {  	[sflag:s19] =	ssyncset.done $0x0  }
0xcc: {  	[sflag:s19] =	ssyncadd.s32 $0xFFFFF800  }
0xcd: {  	_ =	swait.ge [sflag:s19], $0x800  }
0xce: {  	[sflag:s19] =	ssyncset.done $0x0  }
0xcf: {  	[sflag:s19] =	ssyncadd.s32 $0xFFFFF800  }
0xd0: {  	_ =	swait.ge [sflag:s17], $0x600  }
0xd1: {  	s20 =	sadd.s32 $0x1, s20;
	[sflag:s17] =	ssyncset.done $0x0  }
0xd2: {  	p0 =	sne.s32 s20, s11;
	[sflag:s17] =	ssyncadd.s32 $0xFFFFFA00  }
.Ltmp1:
0xd3: {  	[bflag:$0x0] =	sbarrier.arrive $0xFFFF;
	(pc) =	sbr.rel @p0 .LBB2_1-.Ltmp1, $4  }
0xd4: {  	[hbm:s10], [sflag:s7] =	dma.local [spmem:s13], $0x3200  }
0xd5: {  	_ =	swait.ge [sflag:s14], $0x3200  }
0xd6: {  	[sflag:s14] =	ssyncset.done $0x0  }
0xd7: {  	[sflag:s14] =	ssyncadd.s32 $0xFFFFCE00  }
0xd8: {  	_ =	sfence.sel $0x180000  }
0xd9: {  	[bflag:$0x0] =	sbarrier.arrive $0xFFFF  }
0xda: {  	p0 =	sne.s32 s1, $0x0;
	_ =	strace $0x9000004A  }
0xdb: {  	s0 =	sadd.s32 @!p0 $0x100000, s0;
	[bflag:$0x2] =	sbarrier.arrive $0xFFFF  }
0xdc: {  	[sflag:s0] =	ssyncadd.tile.s32 @!p0 $0x1;
	_ =	shalt  }
.Lfunc_end2:
_tile_overlayer_lowered:
.L_overlay_start_2:
0xdd: {  	(tag) =	ssettag $0x2  }
0xde: {  	s0 =	rddreg [dreg:$0x0];
	s2 =	stileid.u32  }
0xdf: {  	s1 =	rddreg [dreg:$0x1];
	p0 =	sne.s32 s2, $0x0  }
0xe0: {  	s3 =	rddreg [dreg:$0x2];
	[bflag:$0x3] =	sbarrier.arrive $0xFFFF;
	s2 =	simm.s32 @!p0 $0x1C03  }
0xe1: {  	[timem:s3], [sflag:s2] =	dma.local @!p0 [hbm:s0], s1  }
0xe2: {  	s0 =	simm.s32 @!p0 $0x3  }
0xe3: {  	_ =	swait.ge @!p0 [sflag:s0], s1  }
0xe4: {  	s1 =	ssub.s32 @!p0 $0x0, s1;
	[sflag:s0] =	ssyncset.done @!p0 $0x0  }
0xe5: {  	[sflag:s0] =	ssyncadd.s32 @!p0 s1  }
0xe6: {  	[bflag:$0x3] =	sbarrier.arrive $0xFFFF  }
0xe7: {  	_ =	shalt  }

// kernel: kernel.14.cloned.1.call-start
scs
__scs_entry_jumppad:
0x0: {  	(pc) =	sbr.rel $0x88, $3  }
0x1: {  	(tag) =	ssettag $0x0;
	lr =	simm.s32 $0x1  }
0x2: {  	[smem:$0x3F99] =	sst lr;
	_ =	strace $0xD0000000  }
0x3: {  	_ = 	snop  }
0x4: {  	_ = 	snop  }
0x5: {  	_ = 	snop  }
0x6: {  	_ = 	snop  }
0x7: {  	_ = 	snop  }
__scs_overlays_trampoline_lowered:
0x8: {  	[smem:$0x3FA8] =	sst s0  }
0x9: {  	[smem:$0x3FA9] =	sst s1  }
0xa: {  	[smem:$0x3FAA] =	sst s2  }
0xb: {  	[smem:$0x3FAB] =	sst s3  }
0xc: {  	[smem:$0x3FAC] =	sst s4  }
0xd: {  	[smem:$0x3FAD] =	sst s5  }
0xe: {  	[smem:$0x3FAE] =	sst s6  }
0xf: {  	[smem:$0x3FAF] =	sst s7  }
0x10: {  	[smem:$0x3FB0] =	sst s8  }
0x11: {  	[smem:$0x3FB1] =	sst s9;
	s0 =	simm.s32 @!p0 $0x0  }
0x12: {  	s1 =	sld [smem:$0x3F97];
	s0 =	simm.s32 @p0 $0x1  }
0x13: {  	[smem:$0x3FB2] =	sst s0;
	s0 =	simm.s32 @!p1 $0x0  }
0x14: {  	s2 =	sld [smem:$0x3F96];
	s0 =	simm.s32 @p1 $0x1  }
0x15: {  	[smem:$0x3FB3] =	sst s0;
	s0 =	simm.s32 @!p2 $0x0  }
0x16: {  	s3 =	sld [smem:$0x3FDB];
	s0 =	simm.s32 @p2 $0x1  }
0x17: {  	s4 =	simm.s32 $0x1BF5;
	[smem:$0x3FB5] =	sst s0  }
0x18: {  	s0 =	sld [smem:$0x3F98];
	_ =	swait.ge [sflag:s4], $0x0  }
0x19: {  	s7 =	sld [smem:$0x3F99]  }
0x1a: {  	s8 =	sadd.s32 $0xFFFFE003, lr  }
0x1b: {  	s9 =	sadd.s32 $0xFFFFFEF7, lr;
	s5 =	simm.s32 $0xFFFFFFFF;
	p2 =	slt.u32 s8, $0xFFFFF086  }
0x1c: {  	p1 =	slt.u32 s9, $0xF7A;
	s5 =	simm.s32 @!p2 $0x0  }
0x1d: {  	s5 =	simm.s32 @p1 $0x1;
	p0 =	seq.s32 s7, s2  }
0x1e: {  	s7 =	smul.u32 @!p0 $0xF7A, s2;
	p2 =	seq.s32 @!p0 s5, $0x0  }
0x1f: {  	s9 =	smul.u32 $0xF7A, s1;
	s8 =	simm.s32 @!p0 $0x1BF5;
	p2 =	por !p2, p0  }
0x20: {  	[sflag:s8] =	ssyncset.s32 @!p0 $0xFFFFF086;
	s6 =	sadd.s32 @!p0 s3, s7;
	s7 =	simm.s32 @!p0 $0x108  }
0x21: {  	s3 =	sadd.s32 s3, s9;
	s6 =	sadd.s32 @!p0 $0x88, s6;
	s7 =	simm.s32 @p2 $0x1082  }
0x22: {  	[simem:s7], [sflag:s8] =	dma.local @!p0 [hbm:s6], $0xF7A  }
0x23: {  	s9 =	sor.u32 $0xD0000000, s2;
	s6 =	simm.s32 $0x108;
	_ =	swait.ge @!p0 [sflag:s8], $0x0  }
0x24: {  	s3 =	sadd.s32 $0x88, s3;
	s6 =	simm.s32 @!p1 $0x1082;
	[sflag:s4] =	ssyncset.s32 $0xFFFFF086  }
0x25: {  	[simem:s6], [sflag:s4] =	dma.local [hbm:s3], $0xF7A  }
0x26: {  	[smem:$0x3F99] =	sst s1;
	(tag) =	ssettag s2;
	_ =	strace s9  }
0x27: {  	s1 =	sld [smem:$0x3FA9]  }
0x28: {  	s2 =	sld [smem:$0x3FAA]  }
0x29: {  	s4 =	sld [smem:$0x3FAC]  }
0x2a: {  	p0 =	seq.s32 s5, $0x0;
	s5 =	sld [smem:$0x3FAD]  }
0x2b: {  	s6 =	sld [smem:$0x3FAE]  }
0x2c: {  	s7 =	sld [smem:$0x3FAF]  }
0x2d: {  	s3 =	simm.s32 $0x108;
	s8 =	sld [smem:$0x3FB0]  }
0x2e: {  	s3 =	simm.s32 @!p0 $0x1082;
	s9 =	sld [smem:$0x3FB1]  }
0x2f: {  	lr =	sadd.s32 s0, s3;
	s0 =	sld [smem:$0x3FA8]  }
0x30: {  	s3 =	sld [smem:$0x3FAB]  }
0x31: {  	[smem:$0x3FB4] =	sst s10  }
0x32: {  	s10 =	sld [smem:$0x3FB2];
	_ =	sdelay $0x3  }
0x33: {  	p0 =	seq.s32 s10, $0x1;
	s10 =	sld [smem:$0x3FB4];
	_ =	sdelay $0x3  }
0x34: {  	[smem:$0x3FB4] =	sst s10  }
0x35: {  	s10 =	sld [smem:$0x3FB3];
	_ =	sdelay $0x3  }
0x36: {  	p1 =	seq.s32 s10, $0x1;
	s10 =	sld [smem:$0x3FB4];
	_ =	sdelay $0x3  }
0x37: {  	[smem:$0x3FB4] =	sst s10  }
0x38: {  	s10 =	sld [smem:$0x3FB5]  }
0x39: {  	_ = 	snop;
	(pc) =	sbr.ind lr, $3  }
0x3a: {  	_ = 	snop  }
0x3b: {  	_ = 	snop  }
0x3c: {  	p2 =	seq.s32 s10, $0x1;
	s10 =	sld [smem:$0x3FB4]  }
0x3d: {  	_ =	shalt  }
0x3e: {  	_ =	shalt  }
0x3f: {  	_ =	shalt  }
0x40: {  	_ =	shalt  }
0x41: {  	_ =	shalt  }
0x42: {  	_ =	shalt  }
0x43: {  	_ =	shalt  }
0x44: {  	_ =	shalt  }
0x45: {  	_ =	shalt  }
0x46: {  	_ =	shalt  }
0x47: {  	_ =	shalt  }
0x48: {  	_ =	shalt  }
0x49: {  	_ =	shalt  }
0x4a: {  	_ =	shalt  }
0x4b: {  	_ =	shalt  }
0x4c: {  	_ =	shalt  }
0x4d: {  	_ =	shalt  }
0x4e: {  	_ =	shalt  }
0x4f: {  	_ =	shalt  }
0x50: {  	_ =	shalt  }
0x51: {  	_ =	shalt  }
0x52: {  	_ =	shalt  }
0x53: {  	_ =	shalt  }
0x54: {  	_ =	shalt  }
0x55: {  	_ =	shalt  }
0x56: {  	_ =	shalt  }
0x57: {  	_ =	shalt  }
0x58: {  	_ =	shalt  }
0x59: {  	_ =	shalt  }
0x5a: {  	_ =	shalt  }
0x5b: {  	_ =	shalt  }
0x5c: {  	_ =	shalt  }
0x5d: {  	_ =	shalt  }
0x5e: {  	_ =	shalt  }
0x5f: {  	_ =	shalt  }
0x60: {  	_ =	shalt  }
0x61: {  	_ =	shalt  }
0x62: {  	_ =	shalt  }
0x63: {  	_ =	shalt  }
0x64: {  	_ =	shalt  }
0x65: {  	_ =	shalt  }
0x66: {  	_ =	shalt  }
0x67: {  	_ =	shalt  }
0x68: {  	_ =	shalt  }
0x69: {  	_ =	shalt  }
0x6a: {  	_ =	shalt  }
0x6b: {  	_ =	shalt  }
0x6c: {  	_ =	shalt  }
0x6d: {  	_ =	shalt  }
0x6e: {  	_ =	shalt  }
0x6f: {  	_ =	shalt  }
0x70: {  	_ =	shalt  }
0x71: {  	_ =	shalt  }
0x72: {  	_ =	shalt  }
0x73: {  	_ =	shalt  }
0x74: {  	_ =	shalt  }
0x75: {  	_ =	shalt  }
0x76: {  	_ =	shalt  }
0x77: {  	_ =	shalt  }
0x78: {  	_ =	shalt  }
0x79: {  	_ =	shalt  }
0x7a: {  	_ =	shalt  }
0x7b: {  	_ =	shalt  }
0x7c: {  	_ =	shalt  }
0x7d: {  	_ =	shalt  }
0x7e: {  	_ =	shalt  }
0x7f: {  	_ =	shalt  }
0x80: {  	_ =	shalt  }
0x81: {  	_ =	shalt  }
0x82: {  	_ =	shalt  }
0x83: {  	_ =	shalt  }
0x84: {  	_ =	shalt  }
0x85: {  	_ =	shalt  }
0x86: {  	_ =	shalt  }
0x87: {  	_ =	shalt  }
.Lfunc_end0:
.L_simem_size_0:
called_computation.2_lowered:
.L_overlay_start_0:
0x88: {  	s2 =	sld [smem:$0x3FD9]  }
0x89: {  	s3 =	sld [smem:$0x3FFE];
	_ =	sdelay $0x1  }
0x8a: {  	s1 =	srdreg.scid  }
0x8b: {  	s0 =	sand.u32 $0x1, s1  }
0x8c: {  	s16 =	sshll.u32 s0, $0xA;
	s2 =	sadd.s32 s3, s2  }
0x8d: {  	s2 =	sadd.s32 s2, s16  }
0x8e: {  	[smem:$0x3FC0] =	sst s2  }
0x8f: {  	_ = 	snop  }
0x90: {  	(tm) =	ssettm $0x1  }
0x91: {  	s17 =	sld [smem:$0x3FFB];
	_ =	sdelay $0x3  }
0x92: {  	_ =	strace s17  }
0x93: {  	s2 =	sld [smem:$0x3FFC];
	_ =	sdelay $0x3  }
0x94: {  	_ =	strace s2  }
0x95: {  	s2 =	sld [smem:$0x3FFD];
	_ =	sdelay $0x3  }
0x96: {  	_ =	strace s2  }
0x97: {  	_ =	strace $0x8FFFFFFF  }
0x98: {  	s18 =	sld [smem:$0x3FDB];
	_ =	sdelay $0x1  }
0x99: {  	s19 =	simm.s32 $_scs_section_size  }
0x9a: {  	s4 =	simm.s32 $_size__tile_overlayer_lowered;
	s5 =	simm.s32 $_tile_overlayer_lowered  }
0x9b: {  	s22 =	simm.s32 $0x1BFF;
	s21 =	sshll.u32 s5, $0x1;
	s2 =	sadd.s32 s19, s18  }
0x9c: {  	s6 =	simm.s32 $0x0;
	s20 =	sshll.u32 s4, $0x1;
	s4 =	sadd.s32 s21, s2  }
0x9d: {  	[timem:s6], [sflag:s22] =	dma.local [hbm:s4], s20  }
0x9e: {  	_ =	swait.ge [sflag:s22], s20  }
0x9f: {  	s3 =	ssub.s32 $0x0, s20;
	[sflag:s22] =	ssyncset.done $0x0  }
0xa0: {  	[sflag:s22] =	ssyncadd.s32 s3;
	_ =	sdelay $0x1  }
0xa1: {  	s23 =	simm.s32 $0x1B8B  }
0xa2: {  	_ =	swait.ge [sflag:s23], $0x1  }
0xa3: {  	[sflag:s23] =	ssyncset.done $0x0  }
0xa4: {  	s25 =	simm.s32 $0x1B8E;
	s24 =	sld [smem:$0x3FFE];
	[sflag:s23] =	ssyncadd.s32 $0xFFFFFFFF  }
0xa5: {  	s26 =	simm.s32 $execute0_lowered;
	[smem:$0x3FD2] =	sst s25  }
0xa6: {  	s4 =	sshll.u32 s26, $0x1;
	_ =	strace $0x8000004C;
	[dreg:$0x1] =	wrdreg $0xFFFFFFFF  }
0xa7: {  	s28 =	simm.s32 $_size_execute0_lowered;
	s2 =	sadd.s32 s2, s4;
	[dreg:$0x0] =	wrdreg $0x0  }
0xa8: {  	s4 =	sshll.u32 s28, $0x1;
	[dreg:$0x2] =	wrdreg s2  }
0xa9: {  	[dreg:$0x3] =	wrdreg s4  }
0xaa: {  	[dreg:$0x4] =	wrdreg $0xC0  }
0xab: {  	_ =	task [dreg:s6], $0x5FFFF  }
0xac: {  	[dreg:$0x1] =	wrdreg $0xFFFFFFFF  }
0xad: {  	[dreg:$0x0] =	wrdreg $0x60  }
0xae: {  	[dreg:$0x2] =	wrdreg s24  }
0xaf: {  	[dreg:$0x3] =	wrdreg $0x6C000  }
0xb0: {  	[dreg:$0x4] =	wrdreg $0x9  }
0xb1: {  	_ =	task.clear_ibuf [dreg:s6], $0x5FFFF;
	_ =	strace $0x9000004C  }
0xb2: {  	s29 =	simm.s32 $0x9;
	_ =	strace $0x8000004E  }
0xb3: {  	_ =	swait.ge [sflag:s29], $0x1  }
0xb4: {  	[sflag:s29] =	ssyncadd.s32 $0xFFFFFFFF  }
0xb5: {  	_ =	strace $0x9000004E  }
0xb6: {  	_ =	sfence  }
0xb7: {  	s30 =	sld [smem:$0x0];
	_ =	sdelay $0x2  }
0xb8: {  	s31 =	sshll.u32 s1, $0xD;
	s1 =	sshrl.u32 s1, $0x2  }
0xb9: {  	s3 =	sand.u32 $0x4000, s31;
	s1 =	sadd.s32 s1, s30  }
0xba: {  	s0 =	sor.u32 s3, s0;
	s1 =	sshll.u32 s1, $0x11  }
0xbb: {  	s0 =	sor.u32 s1, s0  }
0xbc: {  	s0 =	sadd.s32 $0x8F2B, s0  }
0xbd: {  	[sflag:s0] =	ssyncadd.remote.s32 $0x1  }
0xbe: {  	_ =	sfence.sel $0xFFFF  }
0xbf: {  	[dreg:$0x0] =	wrdreg $0xFFFFFFFF;
	(pc) =	sbr.abs _section_cstart, $3  }
0xc0: {  	[dreg:$0x1] =	wrdreg $0xFFFFFFFF  }
0xc1: {  	_ =	task.clear_ibuf [dreg:s6], $0x2FFFF;
	_ =	strace $0x9FFFFFFF  }
0xc2: {  	(tm) =	ssettm $0x7FFFFFFF  }
0xc3: {  	_ =	shalt  }
tec
execute0_lowered:
.L_overlay_start_1:
0x0: {  	(tag) =	ssettag $0x1  }
0x1: {  	s0 =	rddreg [dreg:$0x0]  }
0x2: {  	s1 =	rddreg [dreg:$0x1];
	s3 =	simm.s32 $0x0  }
0x3: {  	s4 =	srdreg.scid;
	s2 =	stileid.u32;
	s21 =	simm.s32 $0xC00  }
0x4: {  	s22 =	simm.s32 $0x600;
	[smem:$0x7FF] =	sst s3;
	s9 =	sand.u32 $0x1, s4  }
0x5: {  	s10 =	smul.u32 $0x19000, s2;
	s4 =	sadd.s32 $0x9BC00, s0;
	s5 =	sadd.s32 $0x131C00, s0  }
0x6: {  	s6 =	sadd.s32 $0x163C00, s0;
	s7 =	sadd.s32 $0x195C00, s0;
	s18 =	sadd.s32 $0x3C00, s0  }
0x7: {  	s8 =	sadd.s32 $0x69C00, s0;
	s26 =	sshll.u32 s2, $0x6;
	s15 =	smul.u32 $0x330, s2  }
0x8: {  	_ =	strace $0x8000004D;
	s11 =	smul.u32 $0x190000, s9;
	s12 =	sshll.u32 s9, $0x4  }
0x9: {  	s13 =	ssub.s32 $0x2, s9;
	s25 =	smul.u32 $0x3300, s9;
	s12 =	sor.u32 s2, s12  }
0xa: {  	s23 =	sshrl.u32 s13, $0x1;
	s19 =	sadd.s32 s10, s1;
	s14 =	smul.u32 $0x19800, s12  }
0xb: {  	s11 =	sadd.s32 s10, s11;
	s17 =	ssub.s32 s13, s23;
	s12 =	smul.u32 $0x3300, s12  }
0xc: {  	s10 =	sshrl.u32 s10, $0x3;
	s16 =	sadd.s32 s15, s25;
	s19 =	sshrl.u32 s19, $0x3  }
0xd: {  	s23 =	simm.s32 $0x2;
	s25 =	simm.s32 $0x1;
	s11 =	sshrl.u32 s11, $0x3  }
0xe: {  	s9 =	sadd.s32 s8, s10;
	s10 =	sor.u32 $0x1C03, s26;
	s20 =	sshll.u32 s16, $0x4  }
0xf: {  	s17 =	smax.u32 s17, $0x1;
	s26 =	simm.s32 $0x0;
	s0 =	sadd.s32 s11, s0  }
0x10: {  	s24 =	sshrl.u32 s14, $0x3;
	s12 =	sadd.s32 s18, s12;
	s31 =	sadd.s32 s20, s18  }
0x11: {  	s20 =	simm.s32 $0x3;
	s11 =	sadd.s32 s18, s24;
	s28 =	sadd.s32 $0x1C7C00, s0  }
0x12: {  	s29 =	sadd.s32 $0x22BC00, s0;
	s30 =	sadd.s32 $0x28FC00, s0;
	[dreg:$0x3] =	wrdreg s28  }
0x13: {  	s16 =	sadd.s32 $0x2F3C00, s0;
	s18 =	sadd.s32 $0xC0, s31;
	[dreg:$0x4] =	wrdreg s29  }
0x14: {  	s24 =	simm.s32 $0x80;
	s11 =	sadd.s32 $0x3180, s11;
	[dreg:$0x5] =	wrdreg s30  }
.LBB2_1:
0x15: {  	[spmem:s19], [sflag:s10] =	dma.local [hbm:s9], $0x3200  }
0x16: {  	_ =	swait.ge [sflag:s20], $0x3200  }
0x17: {  	[sflag:s20] =	ssyncset.done $0x0  }
0x18: {  	[sflag:s20] =	ssyncadd.s32 $0xFFFFCE00  }
0x19: {  	[bflag:$0x0] =	sbarrier.arrive $0xFFFF  }
0x1a: {  	[tilespmem:s21], [sflag:$0x3] =	stream.linear.gather [hbm4b:s8+s3], $0x6000, $0x38;
	[tilespmem:$0x1FC00] =	vst v63  }
0x1b: {  	_ =	swait.ge [sflag:s20], $0x6000  }
0x1c: {  	[sflag:s20] =	ssyncset.done $0x0  }
0x1d: {  	[sflag:s20] =	ssyncadd.s32 $0xFFFFA000  }
0x1e: {  	[tilespmem:s22], [sflag:$0x3] =	stream.linear.gather [hbm4b:s11+s3], $0x600, $0x38;
	[tilespmem:$0x1FC00] =	vst v63  }
0x1f: {  	_ =	swait.ge [sflag:s20], $0x600  }
0x20: {  	s0 =	sand.u32 $0x1, s3;
	[sflag:s20] =	ssyncset.done $0x0  }
0x21: {  	s28 =	smul.u32 $0xC000, s0;
	[sflag:s20] =	ssyncadd.s32 $0xFFFFFA00  }
0x22: {  	[tilespmem:s3], [sflag:$0x2] =	stream.linear.gather [hbm4b:s12+s3], $0x600, $0x38;
	[tilespmem:$0x1FC00] =	vst v63  }
0x23: {  	s29 =	smul.u32 $0x1800, s0;
	_ =	swait.ge [sflag:s23], $0x600  }
0x24: {  	s28 =	sshrl.u32 s28, $0x2;
	[sflag:s23] =	ssyncset.done $0x0  }
0x25: {  	s29 =	sshrl.u32 s29, $0x2;
	s30 =	sor.u32 $0xC00, s28;
	[sflag:s23] =	ssyncadd.s32 $0xFFFFFA00  }
0x26: {  	[tilespmem:s30], [sflag:$0x1] =	stream.indirect.gather [hbm4b:s4+s24], $0x10, s29, s24, $0xb8;
	[tilespmem:$0x1FC00] =	vst v63  }
0x27: {  	s2 =	sadd.s32 $0x1400, s28;
	s31 =	sor.u32 $0x80, s29  }
0x28: {  	[tilespmem:s2], [sflag:$0x1] =	stream.indirect.gather [hbm4b:s4+s24], $0x10, s31, s24, $0xb8;
	[tilespmem:$0x1FC00] =	vst v63  }
0x29: {  	s13 =	sadd.s32 $0x1C00, s28;
	s14 =	sadd.s32 $0x2400, s28;
	s31 =	sor.u32 $0x100, s29  }
0x2a: {  	[tilespmem:s13], [sflag:$0x1] =	stream.indirect.gather [hbm4b:s4+s24], $0x10, s31, s24, $0xb8;
	[tilespmem:$0x1FC00] =	vst v63  }
0x2b: {  	s15 =	sadd.s32 $0x2C00, s28;
	s2 =	smul.u32 $0xFFFF4000, s0;
	s31 =	sor.u32 $0x180, s29  }
0x2c: {  	[tilespmem:s14], [sflag:$0x1] =	stream.indirect.gather [hbm4b:s4+s24], $0x10, s31, s24, $0xb8;
	[tilespmem:$0x1FC00] =	vst v63  }
0x2d: {  	s28 =	sadd.s32 $0x3400, s28;
	s0 =	smul.u32 $0xFFFFE800, s0;
	s31 =	sadd.s32 $0x200, s29  }
0x2e: {  	[tilespmem:s15], [sflag:$0x1] =	stream.indirect.gather [hbm4b:s4+s24], $0x10, s31, s24, $0xb8;
	[tilespmem:$0x1FC00] =	vst v63  }
0x2f: {  	s0 =	sshra.s32 s0, $0x2;
	s2 =	sshra.s32 s2, $0x2;
	s29 =	sadd.s32 $0x280, s29  }
0x30: {  	[tilespmem:s28], [sflag:$0x1] =	stream.indirect.gather [hbm4b:s4+s24], $0x10, s29, s24, $0xb8;
	[tilespmem:$0x1FC00] =	vst v63  }
0x31: {  	s28 =	sadd.s32 $0x3C00, s2;
	s29 =	sadd.s32 $0x900, s0  }
0x32: {  	[spmem:s1] =	stream.indirect.scatter.add.f32 [tilespmem:s28], [sflag:$0x3], $0x10, s29, s24, $0xb8;
	[tilespmem:$0x1FC00] =	vst v63  }
0x33: {  	_ =	swait.ge [sflag:s20], $0x800  }
0x34: {  	[sflag:s20] =	ssyncset.done $0x0  }
0x35: {  	s28 =	sadd.s32 $0x4400, s2;
	s29 =	sadd.s32 $0x980, s0;
	[sflag:s20] =	ssyncadd.s32 $0xFFFFF800  }
0x36: {  	[spmem:s1] =	stream.indirect.scatter.add.f32 [tilespmem:s28], [sflag:$0x3], $0x10, s29, s24, $0xb8;
	[tilespmem:$0x1FC00] =	vst v63  }
0x37: {  	_ =	swait.ge [sflag:s20], $0x800  }
0x38: {  	[sflag:s20] =	ssyncset.done $0x0  }
0x39: {  	s28 =	sadd.s32 $0x4C00, s2;
	s29 =	sadd.s32 $0xA00, s0;
	[sflag:s20] =	ssyncadd.s32 $0xFFFFF800  }
0x3a: {  	[spmem:s1] =	stream.indirect.scatter.add.f32 [tilespmem:s28], [sflag:$0x3], $0x10, s29, s24, $0xb8;
	[tilespmem:$0x1FC00] =	vst v63  }
0x3b: {  	_ =	swait.ge [sflag:s20], $0x800  }
0x3c: {  	[sflag:s20] =	ssyncset.done $0x0  }
0x3d: {  	s28 =	sadd.s32 $0x5400, s2;
	s29 =	sadd.s32 $0xA80, s0;
	[sflag:s20] =	ssyncadd.s32 $0xFFFFF800  }
0x3e: {  	[spmem:s1] =	stream.indirect.scatter.add.f32 [tilespmem:s28], [sflag:$0x3], $0x10, s29, s24, $0xb8;
	[tilespmem:$0x1FC00] =	vst v63  }
0x3f: {  	_ =	swait.ge [sflag:s20], $0x800  }
0x40: {  	[sflag:s20] =	ssyncset.done $0x0  }
0x41: {  	s28 =	sadd.s32 $0x5C00, s2;
	s29 =	sadd.s32 $0xB00, s0;
	[sflag:s20] =	ssyncadd.s32 $0xFFFFF800  }
0x42: {  	[spmem:s1] =	stream.indirect.scatter.add.f32 [tilespmem:s28], [sflag:$0x3], $0x10, s29, s24, $0xb8;
	[tilespmem:$0x1FC00] =	vst v63  }
0x43: {  	_ =	swait.ge [sflag:s20], $0x800  }
0x44: {  	[sflag:s20] =	ssyncset.done $0x0  }
0x45: {  	s2 =	sadd.s32 $0x6400, s2;
	s28 =	sadd.s32 $0xB80, s0;
	[sflag:s20] =	ssyncadd.s32 $0xFFFFF800  }
0x46: {  	[spmem:s1] =	stream.indirect.scatter.add.f32 [tilespmem:s2], [sflag:$0x3], $0x10, s28, s24, $0xb8;
	[tilespmem:$0x1FC00] =	vst v63  }
0x47: {  	_ =	swait.ge [sflag:s20], $0x800  }
0x48: {  	[sflag:s20] =	ssyncset.done $0x0  }
0x49: {  	s0 =	sadd.s32 $0x600, s0;
	[sflag:s20] =	ssyncadd.s32 $0xFFFFF800  }
0x4a: {  	[tilespmem:s0], [sflag:$0x2] =	stream.linear.gather [hbm4b:s18+s3], $0x600, $0x38;
	[tilespmem:$0x1FC00] =	vst v63  }
0x4b: {  	_ =	swait.ge [sflag:s25], $0x800  }
0x4c: {  	[sflag:s25] =	ssyncset.done $0x0  }
0x4d: {  	[sflag:s25] =	ssyncadd.s32 $0xFFFFF800  }
0x4e: {  	_ =	swait.ge [sflag:s25], $0x800  }
0x4f: {  	[sflag:s25] =	ssyncset.done $0x0  }
0x50: {  	[sflag:s25] =	ssyncadd.s32 $0xFFFFF800  }
0x51: {  	_ =	swait.ge [sflag:s25], $0x800  }
0x52: {  	[sflag:s25] =	ssyncset.done $0x0  }
0x53: {  	[sflag:s25] =	ssyncadd.s32 $0xFFFFF800  }
0x54: {  	_ =	swait.ge [sflag:s25], $0x800  }
0x55: {  	[sflag:s25] =	ssyncset.done $0x0  }
0x56: {  	[sflag:s25] =	ssyncadd.s32 $0xFFFFF800  }
0x57: {  	_ =	swait.ge [sflag:s25], $0x800  }
0x58: {  	[sflag:s25] =	ssyncset.done $0x0  }
0x59: {  	s30 =	simm.s32 $0x1;
	[sflag:s25] =	ssyncadd.s32 $0xFFFFF800  }
0x5a: {  	s31 =	sand.u32 $0x1, s30;
	_ =	swait.ge [sflag:s25], $0x800  }
0x5b: {  	s29 =	simm.s32 $0x2;
	s28 =	sadd.s32 $0xC0, s18;
	[sflag:s25] =	ssyncset.done $0x0  }
.LBB2_2:
0x5c: {  	s2 =	smul.u32 $0xC000, s31  }
0x5d: {  	[sflag:s25] =	ssyncadd.s32 $0xFFFFF800;
	s30 =	smov.u32 s29;
	s0 =	sadd.s32 $0x1, s29  }
0x5e: {  	p0 =	sne.s32 s29, $0x42;
	s29 =	smul.u32 $0x1800, s31;
	_ =	swait.ge [sflag:s23], $0x600  }
0x5f: {  	[sflag:s23] =	ssyncset.done $0x0;
	s2 =	sshrl.u32 s2, $0x2  }
0x60: {  	s29 =	sshrl.u32 s29, $0x2;
	[sflag:s23] =	ssyncadd.s32 $0xFFFFFA00;
	s13 =	sor.u32 $0xC00, s2  }
0x61: {  	[tilespmem:s13], [sflag:$0x1] =	stream.indirect.gather [hbm4b:s4+s24], $0x10, s29, s24, $0xb8;
	[tilespmem:$0x1FC00] =	vst v63  }
0x62: {  	s14 =	sor.u32 $0x80, s29;
	s13 =	sadd.s32 $0x1400, s2  }
0x63: {  	[tilespmem:s13], [sflag:$0x1] =	stream.indirect.gather [hbm4b:s4+s24], $0x10, s14, s24, $0xb8;
	[tilespmem:$0x1FC00] =	vst v63  }
0x64: {  	s15 =	smul.u32 $0xFFFF4000, s31;
	s13 =	sadd.s32 $0x1C00, s2;
	s14 =	sor.u32 $0x100, s29  }
0x65: {  	[tilespmem:s13], [sflag:$0x1] =	stream.indirect.gather [hbm4b:s4+s24], $0x10, s14, s24, $0xb8;
	[tilespmem:$0x1FC00] =	vst v63  }
0x66: {  	s31 =	smul.u32 $0xFFFFE800, s31;
	s13 =	sadd.s32 $0x2400, s2;
	s14 =	sor.u32 $0x180, s29  }
0x67: {  	[tilespmem:s13], [sflag:$0x1] =	stream.indirect.gather [hbm4b:s4+s24], $0x10, s14, s24, $0xb8;
	[tilespmem:$0x1FC00] =	vst v63  }
0x68: {  	s31 =	sshra.s32 s31, $0x2;
	s13 =	sadd.s32 $0x2C00, s2;
	s14 =	sadd.s32 $0x200, s29  }
0x69: {  	[tilespmem:s13], [sflag:$0x1] =	stream.indirect.gather [hbm4b:s4+s24], $0x10, s14, s24, $0xb8;
	[tilespmem:$0x1FC00] =	vst v63  }
0x6a: {  	s2 =	sadd.s32 $0x3400, s2;
	s13 =	sadd.s32 $0x280, s29;
	s14 =	sshra.s32 s15, $0x2  }
0x6b: {  	[tilespmem:s2], [sflag:$0x1] =	stream.indirect.gather [hbm4b:s4+s24], $0x10, s13, s24, $0xb8;
	[tilespmem:$0x1FC00] =	vst v63  }
0x6c: {  	s2 =	sadd.s32 $0x3C00, s14;
	s13 =	sadd.s32 $0x900, s31  }
0x6d: {  	[spmem:s1] =	stream.indirect.scatter.add.f32 [tilespmem:s2], [sflag:$0x3], $0x10, s13, s24, $0xb8;
	[tilespmem:$0x1FC00] =	vst v63  }
0x6e: {  	_ =	swait.ge [sflag:s20], $0x800  }
0x6f: {  	[sflag:s20] =	ssyncset.done $0x0  }
0x70: {  	s2 =	sadd.s32 $0x4400, s14;
	s13 =	sadd.s32 $0x980, s31;
	[sflag:s20] =	ssyncadd.s32 $0xFFFFF800  }
0x71: {  	[spmem:s1] =	stream.indirect.scatter.add.f32 [tilespmem:s2], [sflag:$0x3], $0x10, s13, s24, $0xb8;
	[tilespmem:$0x1FC00] =	vst v63  }
0x72: {  	_ =	swait.ge [sflag:s20], $0x800  }
0x73: {  	[sflag:s20] =	ssyncset.done $0x0  }
0x74: {  	s2 =	sadd.s32 $0x4C00, s14;
	s13 =	sadd.s32 $0xA00, s31;
	[sflag:s20] =	ssyncadd.s32 $0xFFFFF800  }
0x75: {  	[spmem:s1] =	stream.indirect.scatter.add.f32 [tilespmem:s2], [sflag:$0x3], $0x10, s13, s24, $0xb8;
	[tilespmem:$0x1FC00] =	vst v63  }
0x76: {  	_ =	swait.ge [sflag:s20], $0x800  }
0x77: {  	[sflag:s20] =	ssyncset.done $0x0  }
0x78: {  	s2 =	sadd.s32 $0x5400, s14;
	s13 =	sadd.s32 $0xA80, s31;
	[sflag:s20] =	ssyncadd.s32 $0xFFFFF800  }
0x79: {  	[spmem:s1] =	stream.indirect.scatter.add.f32 [tilespmem:s2], [sflag:$0x3], $0x10, s13, s24, $0xb8;
	[tilespmem:$0x1FC00] =	vst v63  }
0x7a: {  	_ =	swait.ge [sflag:s20], $0x800  }
0x7b: {  	[sflag:s20] =	ssyncset.done $0x0  }
0x7c: {  	s2 =	sadd.s32 $0x5C00, s14;
	s13 =	sadd.s32 $0xB00, s31;
	[sflag:s20] =	ssyncadd.s32 $0xFFFFF800  }
0x7d: {  	[spmem:s1] =	stream.indirect.scatter.add.f32 [tilespmem:s2], [sflag:$0x3], $0x10, s13, s24, $0xb8;
	[tilespmem:$0x1FC00] =	vst v63  }
0x7e: {  	_ =	swait.ge [sflag:s20], $0x800  }
0x7f: {  	[sflag:s20] =	ssyncset.done $0x0  }
0x80: {  	s2 =	sadd.s32 $0x6400, s14;
	s13 =	sadd.s32 $0xB80, s31;
	[sflag:s20] =	ssyncadd.s32 $0xFFFFF800  }
0x81: {  	[spmem:s1] =	stream.indirect.scatter.add.f32 [tilespmem:s2], [sflag:$0x3], $0x10, s13, s24, $0xb8;
	[tilespmem:$0x1FC00] =	vst v63  }
0x82: {  	_ =	swait.ge [sflag:s20], $0x800  }
0x83: {  	[sflag:s20] =	ssyncset.done $0x0  }
0x84: {  	s2 =	sadd.s32 $0x600, s31;
	[sflag:s20] =	ssyncadd.s32 $0xFFFFF800  }
0x85: {  	[tilespmem:s2], [sflag:$0x2] =	stream.linear.gather [hbm4b:s28+s3], $0x600, $0x38;
	[tilespmem:$0x1FC00] =	vst v63  }
0x86: {  	_ =	swait.ge [sflag:s25], $0x800  }
0x87: {  	[sflag:s25] =	ssyncset.done $0x0  }
0x88: {  	[sflag:s25] =	ssyncadd.s32 $0xFFFFF800  }
0x89: {  	_ =	swait.ge [sflag:s25], $0x800  }
0x8a: {  	[sflag:s25] =	ssyncset.done $0x0  }
0x8b: {  	[sflag:s25] =	ssyncadd.s32 $0xFFFFF800  }
0x8c: {  	_ =	swait.ge [sflag:s25], $0x800  }
0x8d: {  	[sflag:s25] =	ssyncset.done $0x0  }
0x8e: {  	[sflag:s25] =	ssyncadd.s32 $0xFFFFF800  }
0x8f: {  	_ =	swait.ge [sflag:s25], $0x800  }
0x90: {  	[sflag:s25] =	ssyncset.done $0x0  }
0x91: {  	[sflag:s25] =	ssyncadd.s32 $0xFFFFF800  }
.Ltmp0:
0x92: {  	_ =	swait.ge [sflag:s25], $0x800;
	(pc) =	sbr.rel @p0 .LBB2_2-.Ltmp0, $4  }
0x93: {  	[sflag:s25] =	ssyncset.done $0x0  }
0x94: {  	[sflag:s25] =	ssyncadd.s32 $0xFFFFF800  }
0x95: {  	s29 =	smov.u32 s0;
	_ =	swait.ge [sflag:s25], $0x800  }
0x96: {  	s31 =	sand.u32 $0x1, s30;
	s28 =	sadd.s32 $0xC0, s28;
	[sflag:s25] =	ssyncset.done $0x0  }
0x97: {  	s0 =	smul.u32 $0xC000, s31;
	[sflag:s25] =	ssyncadd.s32 $0xFFFFF800  }
0x98: {  	s2 =	smul.u32 $0x1800, s31;
	_ =	swait.ge [sflag:s23], $0x600  }
0x99: {  	[sflag:s23] =	ssyncset.done $0x0;
	s0 =	sshrl.u32 s0, $0x2  }
0x9a: {  	s2 =	sshrl.u32 s2, $0x2;
	[sflag:s23] =	ssyncadd.s32 $0xFFFFFA00;
	s13 =	sor.u32 $0xC00, s0  }
0x9b: {  	[tilespmem:s13], [sflag:$0x1] =	stream.indirect.gather [hbm4b:s4+s24], $0x10, s2, s24, $0xb8;
	[tilespmem:$0x1FC00] =	vst v63  }
0x9c: {  	s15 =	sadd.s32 $0x1400, s0;
	s14 =	sor.u32 $0x80, s2  }
0x9d: {  	[tilespmem:s15], [sflag:$0x1] =	stream.indirect.gather [hbm4b:s4+s24], $0x10, s14, s24, $0xb8;
	[tilespmem:$0x1FC00] =	vst v63  }
0x9e: {  	s29 =	sadd.s32 $0x1C00, s0;
	s30 =	sor.u32 $0x100, s2;
	s15 =	smul.u32 $0xFFFF4000, s31  }
0x9f: {  	[tilespmem:s29], [sflag:$0x1] =	stream.indirect.gather [hbm4b:s4+s24], $0x10, s30, s24, $0xb8;
	[tilespmem:$0x1FC00] =	vst v63  }
0xa0: {  	s14 =	sadd.s32 $0x2400, s0;
	s30 =	sor.u32 $0x180, s2;
	s29 =	smul.u32 $0xFFFFE800, s31  }
0xa1: {  	[tilespmem:s14], [sflag:$0x1] =	stream.indirect.gather [hbm4b:s4+s24], $0x10, s30, s24, $0xb8;
	[tilespmem:$0x1FC00] =	vst v63  }
0xa2: {  	s13 =	sshra.s32 s15, $0x2;
	s14 =	sadd.s32 $0x2C00, s0;
	s30 =	sadd.s32 $0x200, s2  }
0xa3: {  	[tilespmem:s14], [sflag:$0x1] =	stream.indirect.gather [hbm4b:s4+s24], $0x10, s30, s24, $0xb8;
	[tilespmem:$0x1FC00] =	vst v63  }
0xa4: {  	s29 =	sshra.s32 s29, $0x2;
	s0 =	sadd.s32 $0x3400, s0;
	s2 =	sadd.s32 $0x280, s2  }
0xa5: {  	[tilespmem:s0], [sflag:$0x1] =	stream.indirect.gather [hbm4b:s4+s24], $0x10, s2, s24, $0xb8;
	[tilespmem:$0x1FC00] =	vst v63  }
0xa6: {  	s15 =	sadd.s32 $0x3C00, s13;
	s30 =	sadd.s32 $0x900, s29  }
0xa7: {  	[spmem:s1] =	stream.indirect.scatter.add.f32 [tilespmem:s15], [sflag:$0x3], $0x10, s30, s24, $0xb8;
	[tilespmem:$0x1FC00] =	vst v63  }
0xa8: {  	_ =	swait.ge [sflag:s20], $0x800  }
0xa9: {  	[sflag:s20] =	ssyncset.done $0x0  }
0xaa: {  	s14 =	sadd.s32 $0x980, s29;
	s2 =	sadd.s32 $0x4400, s13;
	[sflag:s20] =	ssyncadd.s32 $0xFFFFF800  }
0xab: {  	[spmem:s1] =	stream.indirect.scatter.add.f32 [tilespmem:s2], [sflag:$0x3], $0x10, s14, s24, $0xb8;
	[tilespmem:$0x1FC00] =	vst v63  }
0xac: {  	_ =	swait.ge [sflag:s20], $0x800  }
0xad: {  	[sflag:s20] =	ssyncset.done $0x0  }
0xae: {  	s15 =	sadd.s32 $0x4C00, s13;
	s30 =	sadd.s32 $0xA00, s29;
	[sflag:s20] =	ssyncadd.s32 $0xFFFFF800  }
0xaf: {  	[spmem:s1] =	stream.indirect.scatter.add.f32 [tilespmem:s15], [sflag:$0x3], $0x10, s30, s24, $0xb8;
	[tilespmem:$0x1FC00] =	vst v63  }
0xb0: {  	_ =	swait.ge [sflag:s20], $0x800  }
0xb1: {  	[sflag:s20] =	ssyncset.done $0x0  }
0xb2: {  	s2 =	sadd.s32 $0x5400, s13;
	s14 =	sadd.s32 $0xA80, s29;
	[sflag:s20] =	ssyncadd.s32 $0xFFFFF800  }
0xb3: {  	[spmem:s1] =	stream.indirect.scatter.add.f32 [tilespmem:s2], [sflag:$0x3], $0x10, s14, s24, $0xb8;
	[tilespmem:$0x1FC00] =	vst v63  }
0xb4: {  	_ =	swait.ge [sflag:s20], $0x800  }
0xb5: {  	[sflag:s20] =	ssyncset.done $0x0  }
0xb6: {  	s15 =	sadd.s32 $0x5C00, s13;
	s30 =	sadd.s32 $0xB00, s29;
	[sflag:s20] =	ssyncadd.s32 $0xFFFFF800  }
0xb7: {  	[spmem:s1] =	stream.indirect.scatter.add.f32 [tilespmem:s15], [sflag:$0x3], $0x10, s30, s24, $0xb8;
	[tilespmem:$0x1FC00] =	vst v63  }
0xb8: {  	_ =	swait.ge [sflag:s20], $0x800  }
0xb9: {  	[sflag:s20] =	ssyncset.done $0x0  }
0xba: {  	s14 =	sadd.s32 $0x6400, s13;
	s15 =	sadd.s32 $0xB80, s29;
	[sflag:s20] =	ssyncadd.s32 $0xFFFFF800  }
0xbb: {  	[spmem:s1] =	stream.indirect.scatter.add.f32 [tilespmem:s14], [sflag:$0x3], $0x10, s15, s24, $0xb8;
	[tilespmem:$0x1FC00] =	vst v63  }
0xbc: {  	_ =	swait.ge [sflag:s20], $0x800  }
0xbd: {  	[sflag:s20] =	ssyncset.done $0x0  }
0xbe: {  	s29 =	sadd.s32 $0x600, s29;
	[sflag:s20] =	ssyncadd.s32 $0xFFFFF800  }
0xbf: {  	[tilespmem:s29], [sflag:$0x2] =	stream.linear.gather [hbm4b:s28+s3], $0x600, $0x38;
	[tilespmem:$0x1FC00] =	vst v63  }
0xc0: {  	_ =	swait.ge [sflag:s25], $0x800  }
0xc1: {  	[sflag:s25] =	ssyncset.done $0x0  }
0xc2: {  	[sflag:s25] =	ssyncadd.s32 $0xFFFFF800  }
0xc3: {  	_ =	swait.ge [sflag:s25], $0x800  }
0xc4: {  	[sflag:s25] =	ssyncset.done $0x0  }
0xc5: {  	[sflag:s25] =	ssyncadd.s32 $0xFFFFF800  }
0xc6: {  	_ =	swait.ge [sflag:s25], $0x800  }
0xc7: {  	[sflag:s25] =	ssyncset.done $0x0  }
0xc8: {  	[sflag:s25] =	ssyncadd.s32 $0xFFFFF800  }
0xc9: {  	_ =	swait.ge [sflag:s25], $0x800  }
0xca: {  	[sflag:s25] =	ssyncset.done $0x0  }
0xcb: {  	[sflag:s25] =	ssyncadd.s32 $0xFFFFF800  }
0xcc: {  	_ =	swait.ge [sflag:s25], $0x800  }
0xcd: {  	[sflag:s25] =	ssyncset.done $0x0  }
0xce: {  	[sflag:s25] =	ssyncadd.s32 $0xFFFFF800  }
0xcf: {  	_ =	swait.ge [sflag:s25], $0x800  }
0xd0: {  	[sflag:s25] =	ssyncset.done $0x0  }
0xd1: {  	[sflag:s25] =	ssyncadd.s32 $0xFFFFF800  }
0xd2: {  	_ =	swait.ge [sflag:s23], $0x600  }
0xd3: {  	[sflag:s23] =	ssyncset.done $0x0  }
0xd4: {  	[sflag:s23] =	ssyncadd.s32 $0xFFFFFA00  }
0xd5: {  	[bflag:$0x0] =	sbarrier.arrive $0xFFFF  }
0xd6: {  	s30 =	rddreg [dreg:$0x3]  }
0xd7: {  	[hbm:s30], [sflag:s10] =	dma.local [spmem:s19], $0x3200  }
0xd8: {  	_ =	swait.ge [sflag:s20], $0x3200  }
0xd9: {  	[sflag:s20] =	ssyncset.done $0x0  }
0xda: {  	[sflag:s20] =	ssyncadd.s32 $0xFFFFCE00  }
0xdb: {  	[bflag:$0x0] =	sbarrier.arrive $0xFFFF  }
0xdc: {  	[spmem:s19], [sflag:s10] =	dma.local [hbm:s9], $0x3200  }
0xdd: {  	_ =	swait.ge [sflag:s20], $0x3200  }
0xde: {  	[sflag:s20] =	ssyncset.done $0x0  }
0xdf: {  	[sflag:s20] =	ssyncadd.s32 $0xFFFFCE00  }
0xe0: {  	s2 =	simm.s32 $0x0;
	[bflag:$0x0] =	sbarrier.arrive $0xFFFF  }
0xe1: {  	[tilespmem:s21], [sflag:$0x3] =	stream.linear.gather [hbm4b:s8+s2], $0x6000, $0x38;
	[tilespmem:$0x1FC00] =	vst v63  }
0xe2: {  	_ =	swait.ge [sflag:s20], $0x6000  }
0xe3: {  	[sflag:s20] =	ssyncset.done $0x0  }
0xe4: {  	[sflag:s20] =	ssyncadd.s32 $0xFFFFA000  }
0xe5: {  	[tilespmem:s22], [sflag:$0x3] =	stream.linear.gather [hbm4b:s11+s2], $0x600, $0x38;
	[tilespmem:$0x1FC00] =	vst v63  }
0xe6: {  	_ =	swait.ge [sflag:s20], $0x600  }
0xe7: {  	s0 =	sand.u32 $0x1, s2;
	[sflag:s20] =	ssyncset.done $0x0  }
0xe8: {  	s13 =	smul.u32 $0xC000, s0;
	[sflag:s20] =	ssyncadd.s32 $0xFFFFFA00  }
0xe9: {  	[tilespmem:s2], [sflag:$0x2] =	stream.linear.gather [hbm4b:s12+s2], $0x600, $0x38;
	[tilespmem:$0x1FC00] =	vst v63  }
0xea: {  	s14 =	smul.u32 $0x1800, s0;
	_ =	swait.ge [sflag:s23], $0x600  }
0xeb: {  	s2 =	sshrl.u32 s13, $0x2;
	[sflag:s23] =	ssyncset.done $0x0  }
0xec: {  	s13 =	sshrl.u32 s14, $0x2;
	s15 =	sor.u32 $0xC00, s2;
	[sflag:s23] =	ssyncadd.s32 $0xFFFFFA00  }
0xed: {  	[tilespmem:s15], [sflag:$0x1] =	stream.indirect.gather [hbm4b:s5+s24], $0x10, s13, s24, $0xb8;
	[tilespmem:$0x1FC00] =	vst v63  }
0xee: {  	s29 =	sadd.s32 $0x1400, s2;
	s30 =	sor.u32 $0x80, s13  }
0xef: {  	[tilespmem:s29], [sflag:$0x1] =	stream.indirect.gather [hbm4b:s5+s24], $0x10, s30, s24, $0xb8;
	[tilespmem:$0x1FC00] =	vst v63  }
0xf0: {  	s28 =	smul.u32 $0xFFFF4000, s0;
	s29 =	sadd.s32 $0x1C00, s2;
	s30 =	sor.u32 $0x100, s13  }
0xf1: {  	[tilespmem:s29], [sflag:$0x1] =	stream.indirect.gather [hbm4b:s5+s24], $0x10, s30, s24, $0xb8;
	[tilespmem:$0x1FC00] =	vst v63  }
0xf2: {  	s0 =	smul.u32 $0xFFFFE800, s0;
	s29 =	sadd.s32 $0x2400, s2;
	s30 =	sor.u32 $0x180, s13  }
0xf3: {  	[tilespmem:s29], [sflag:$0x1] =	stream.indirect.gather [hbm4b:s5+s24], $0x10, s30, s24, $0xb8;
	[tilespmem:$0x1FC00] =	vst v63  }
0xf4: {  	s0 =	sshra.s32 s0, $0x2;
	s29 =	sadd.s32 $0x2C00, s2;
	s30 =	sadd.s32 $0x200, s13  }
0xf5: {  	[tilespmem:s29], [sflag:$0x1] =	stream.indirect.gather [hbm4b:s5+s24], $0x10, s30, s24, $0xb8;
	[tilespmem:$0x1FC00] =	vst v63  }
0xf6: {  	s14 =	sshra.s32 s28, $0x2;
	s2 =	sadd.s32 $0x3400, s2;
	s13 =	sadd.s32 $0x280, s13  }
0xf7: {  	[tilespmem:s2], [sflag:$0x1] =	stream.indirect.gather [hbm4b:s5+s24], $0x10, s13, s24, $0xb8;
	[tilespmem:$0x1FC00] =	vst v63  }
0xf8: {  	s29 =	sadd.s32 $0x3C00, s14;
	s30 =	sadd.s32 $0x900, s0  }
0xf9: {  	[spmem:s1] =	stream.indirect.scatter.add.f32 [tilespmem:s29], [sflag:$0x3], $0x10, s30, s24, $0xb8;
	[tilespmem:$0x1FC00] =	vst v63  }
0xfa: {  	_ =	swait.ge [sflag:s20], $0x800  }
0xfb: {  	[sflag:s20] =	ssyncset.done $0x0  }
0xfc: {  	s15 =	sadd.s32 $0x980, s0;
	s13 =	sadd.s32 $0x4400, s14;
	[sflag:s20] =	ssyncadd.s32 $0xFFFFF800  }
0xfd: {  	[spmem:s1] =	stream.indirect.scatter.add.f32 [tilespmem:s13], [sflag:$0x3], $0x10, s15, s24, $0xb8;
	[tilespmem:$0x1FC00] =	vst v63  }
0xfe: {  	_ =	swait.ge [sflag:s20], $0x800  }
0xff: {  	[sflag:s20] =	ssyncset.done $0x0  }
0x100: {  	s29 =	sadd.s32 $0x4C00, s14;
	s30 =	sadd.s32 $0xA00, s0;
	[sflag:s20] =	ssyncadd.s32 $0xFFFFF800  }
0x101: {  	[spmem:s1] =	stream.indirect.scatter.add.f32 [tilespmem:s29], [sflag:$0x3], $0x10, s30, s24, $0xb8;
	[tilespmem:$0x1FC00] =	vst v63  }
0x102: {  	_ =	swait.ge [sflag:s20], $0x800  }
0x103: {  	[sflag:s20] =	ssyncset.done $0x0  }
0x104: {  	s13 =	sadd.s32 $0x5400, s14;
	s15 =	sadd.s32 $0xA80, s0;
	[sflag:s20] =	ssyncadd.s32 $0xFFFFF800  }
0x105: {  	[spmem:s1] =	stream.indirect.scatter.add.f32 [tilespmem:s13], [sflag:$0x3], $0x10, s15, s24, $0xb8;
	[tilespmem:$0x1FC00] =	vst v63  }
0x106: {  	_ =	swait.ge [sflag:s20], $0x800  }
0x107: {  	[sflag:s20] =	ssyncset.done $0x0  }
0x108: {  	s29 =	sadd.s32 $0x5C00, s14;
	s30 =	sadd.s32 $0xB00, s0;
	[sflag:s20] =	ssyncadd.s32 $0xFFFFF800  }
0x109: {  	[spmem:s1] =	stream.indirect.scatter.add.f32 [tilespmem:s29], [sflag:$0x3], $0x10, s30, s24, $0xb8;
	[tilespmem:$0x1FC00] =	vst v63  }
0x10a: {  	_ =	swait.ge [sflag:s20], $0x800  }
0x10b: {  	[sflag:s20] =	ssyncset.done $0x0  }
0x10c: {  	s15 =	sadd.s32 $0x6400, s14;
	s29 =	sadd.s32 $0xB80, s0;
	[sflag:s20] =	ssyncadd.s32 $0xFFFFF800  }
0x10d: {  	[spmem:s1] =	stream.indirect.scatter.add.f32 [tilespmem:s15], [sflag:$0x3], $0x10, s29, s24, $0xb8;
	[tilespmem:$0x1FC00] =	vst v63  }
0x10e: {  	_ =	swait.ge [sflag:s20], $0x800  }
0x10f: {  	[sflag:s20] =	ssyncset.done $0x0  }
0x110: {  	s0 =	sadd.s32 $0x600, s0;
	[sflag:s20] =	ssyncadd.s32 $0xFFFFF800  }
0x111: {  	[tilespmem:s0], [sflag:$0x2] =	stream.linear.gather [hbm4b:s18+s3], $0x600, $0x38;
	[tilespmem:$0x1FC00] =	vst v63  }
0x112: {  	_ =	swait.ge [sflag:s25], $0x800  }
0x113: {  	[sflag:s25] =	ssyncset.done $0x0  }
0x114: {  	[sflag:s25] =	ssyncadd.s32 $0xFFFFF800  }
0x115: {  	_ =	swait.ge [sflag:s25], $0x800  }
0x116: {  	[sflag:s25] =	ssyncset.done $0x0  }
0x117: {  	[sflag:s25] =	ssyncadd.s32 $0xFFFFF800  }
0x118: {  	_ =	swait.ge [sflag:s25], $0x800  }
0x119: {  	[sflag:s25] =	ssyncset.done $0x0  }
0x11a: {  	[sflag:s25] =	ssyncadd.s32 $0xFFFFF800  }
0x11b: {  	_ =	swait.ge [sflag:s25], $0x800  }
0x11c: {  	[sflag:s25] =	ssyncset.done $0x0  }
0x11d: {  	[sflag:s25] =	ssyncadd.s32 $0xFFFFF800  }
0x11e: {  	_ =	swait.ge [sflag:s25], $0x800  }
0x11f: {  	[sflag:s25] =	ssyncset.done $0x0  }
0x120: {  	[sflag:s25] =	ssyncadd.s32 $0xFFFFF800  }
0x121: {  	s28 =	sadd.s32 $0xC0, s18;
	s30 =	simm.s32 $0x1;
	_ =	swait.ge [sflag:s25], $0x800  }
0x122: {  	s31 =	sand.u32 $0x1, s30;
	s0 =	simm.s32 $0x2;
	[sflag:s25] =	ssyncset.done $0x0  }
.LBB2_4:
0x123: {  	s2 =	smul.u32 $0xC000, s31  }
0x124: {  	[sflag:s25] =	ssyncadd.s32 $0xFFFFF800;
	s30 =	smov.u32 s0;
	s29 =	sadd.s32 $0x1, s0  }
0x125: {  	p0 =	sne.s32 s0, $0x42;
	s0 =	smul.u32 $0x1800, s31;
	_ =	swait.ge [sflag:s23], $0x600  }
0x126: {  	[sflag:s23] =	ssyncset.done $0x0;
	s2 =	sshrl.u32 s2, $0x2  }
0x127: {  	s0 =	sshrl.u32 s0, $0x2;
	[sflag:s23] =	ssyncadd.s32 $0xFFFFFA00;
	s13 =	sor.u32 $0xC00, s2  }
0x128: {  	[tilespmem:s13], [sflag:$0x1] =	stream.indirect.gather [hbm4b:s5+s24], $0x10, s0, s24, $0xb8;
	[tilespmem:$0x1FC00] =	vst v63  }
0x129: {  	s14 =	sor.u32 $0x80, s0;
	s13 =	sadd.s32 $0x1400, s2  }
0x12a: {  	[tilespmem:s13], [sflag:$0x1] =	stream.indirect.gather [hbm4b:s5+s24], $0x10, s14, s24, $0xb8;
	[tilespmem:$0x1FC00] =	vst v63  }
0x12b: {  	s15 =	smul.u32 $0xFFFF4000, s31;
	s13 =	sadd.s32 $0x1C00, s2;
	s14 =	sor.u32 $0x100, s0  }
0x12c: {  	[tilespmem:s13], [sflag:$0x1] =	stream.indirect.gather [hbm4b:s5+s24], $0x10, s14, s24, $0xb8;
	[tilespmem:$0x1FC00] =	vst v63  }
0x12d: {  	s31 =	smul.u32 $0xFFFFE800, s31;
	s13 =	sadd.s32 $0x2400, s2;
	s14 =	sor.u32 $0x180, s0  }
0x12e: {  	[tilespmem:s13], [sflag:$0x1] =	stream.indirect.gather [hbm4b:s5+s24], $0x10, s14, s24, $0xb8;
	[tilespmem:$0x1FC00] =	vst v63  }
0x12f: {  	s31 =	sshra.s32 s31, $0x2;
	s13 =	sadd.s32 $0x2C00, s2;
	s14 =	sadd.s32 $0x200, s0  }
0x130: {  	[tilespmem:s13], [sflag:$0x1] =	stream.indirect.gather [hbm4b:s5+s24], $0x10, s14, s24, $0xb8;
	[tilespmem:$0x1FC00] =	vst v63  }
0x131: {  	s2 =	sadd.s32 $0x3400, s2;
	s0 =	sadd.s32 $0x280, s0;
	s13 =	sshra.s32 s15, $0x2  }
0x132: {  	[tilespmem:s2], [sflag:$0x1] =	stream.indirect.gather [hbm4b:s5+s24], $0x10, s0, s24, $0xb8;
	[tilespmem:$0x1FC00] =	vst v63  }
0x133: {  	s0 =	sadd.s32 $0x3C00, s13;
	s2 =	sadd.s32 $0x900, s31  }
0x134: {  	[spmem:s1] =	stream.indirect.scatter.add.f32 [tilespmem:s0], [sflag:$0x3], $0x10, s2, s24, $0xb8;
	[tilespmem:$0x1FC00] =	vst v63  }
0x135: {  	_ =	swait.ge [sflag:s20], $0x800  }
0x136: {  	[sflag:s20] =	ssyncset.done $0x0  }
0x137: {  	s0 =	sadd.s32 $0x4400, s13;
	s2 =	sadd.s32 $0x980, s31;
	[sflag:s20] =	ssyncadd.s32 $0xFFFFF800  }
0x138: {  	[spmem:s1] =	stream.indirect.scatter.add.f32 [tilespmem:s0], [sflag:$0x3], $0x10, s2, s24, $0xb8;
	[tilespmem:$0x1FC00] =	vst v63  }
0x139: {  	_ =	swait.ge [sflag:s20], $0x800  }
0x13a: {  	[sflag:s20] =	ssyncset.done $0x0  }
0x13b: {  	s0 =	sadd.s32 $0x4C00, s13;
	s2 =	sadd.s32 $0xA00, s31;
	[sflag:s20] =	ssyncadd.s32 $0xFFFFF800  }
0x13c: {  	[spmem:s1] =	stream.indirect.scatter.add.f32 [tilespmem:s0], [sflag:$0x3], $0x10, s2, s24, $0xb8;
	[tilespmem:$0x1FC00] =	vst v63  }
0x13d: {  	_ =	swait.ge [sflag:s20], $0x800  }
0x13e: {  	[sflag:s20] =	ssyncset.done $0x0  }
0x13f: {  	s0 =	sadd.s32 $0x5400, s13;
	s2 =	sadd.s32 $0xA80, s31;
	[sflag:s20] =	ssyncadd.s32 $0xFFFFF800  }
0x140: {  	[spmem:s1] =	stream.indirect.scatter.add.f32 [tilespmem:s0], [sflag:$0x3], $0x10, s2, s24, $0xb8;
	[tilespmem:$0x1FC00] =	vst v63  }
0x141: {  	_ =	swait.ge [sflag:s20], $0x800  }
0x142: {  	[sflag:s20] =	ssyncset.done $0x0  }
0x143: {  	s0 =	sadd.s32 $0x5C00, s13;
	s2 =	sadd.s32 $0xB00, s31;
	[sflag:s20] =	ssyncadd.s32 $0xFFFFF800  }
0x144: {  	[spmem:s1] =	stream.indirect.scatter.add.f32 [tilespmem:s0], [sflag:$0x3], $0x10, s2, s24, $0xb8;
	[tilespmem:$0x1FC00] =	vst v63  }
0x145: {  	_ =	swait.ge [sflag:s20], $0x800  }
0x146: {  	[sflag:s20] =	ssyncset.done $0x0  }
0x147: {  	s0 =	sadd.s32 $0x6400, s13;
	s2 =	sadd.s32 $0xB80, s31;
	[sflag:s20] =	ssyncadd.s32 $0xFFFFF800  }
0x148: {  	[spmem:s1] =	stream.indirect.scatter.add.f32 [tilespmem:s0], [sflag:$0x3], $0x10, s2, s24, $0xb8;
	[tilespmem:$0x1FC00] =	vst v63  }
0x149: {  	_ =	swait.ge [sflag:s20], $0x800  }
0x14a: {  	[sflag:s20] =	ssyncset.done $0x0  }
0x14b: {  	s0 =	sadd.s32 $0x600, s31;
	[sflag:s20] =	ssyncadd.s32 $0xFFFFF800  }
0x14c: {  	[tilespmem:s0], [sflag:$0x2] =	stream.linear.gather [hbm4b:s28+s3], $0x600, $0x38;
	[tilespmem:$0x1FC00] =	vst v63  }
0x14d: {  	_ =	swait.ge [sflag:s25], $0x800  }
0x14e: {  	[sflag:s25] =	ssyncset.done $0x0  }
0x14f: {  	[sflag:s25] =	ssyncadd.s32 $0xFFFFF800  }
0x150: {  	_ =	swait.ge [sflag:s25], $0x800  }
0x151: {  	[sflag:s25] =	ssyncset.done $0x0  }
0x152: {  	[sflag:s25] =	ssyncadd.s32 $0xFFFFF800  }
0x153: {  	_ =	swait.ge [sflag:s25], $0x800  }
0x154: {  	[sflag:s25] =	ssyncset.done $0x0  }
0x155: {  	[sflag:s25] =	ssyncadd.s32 $0xFFFFF800  }
0x156: {  	_ =	swait.ge [sflag:s25], $0x800  }
0x157: {  	[sflag:s25] =	ssyncset.done $0x0  }
0x158: {  	[sflag:s25] =	ssyncadd.s32 $0xFFFFF800  }
.Ltmp1:
0x159: {  	_ =	swait.ge [sflag:s25], $0x800;
	(pc) =	sbr.rel @p0 .LBB2_4-.Ltmp1, $4  }
0x15a: {  	[sflag:s25] =	ssyncset.done $0x0  }
0x15b: {  	[sflag:s25] =	ssyncadd.s32 $0xFFFFF800  }
0x15c: {  	s31 =	sand.u32 $0x1, s30;
	_ =	swait.ge [sflag:s25], $0x800  }
0x15d: {  	s28 =	sadd.s32 $0xC0, s28;
	s0 =	smov.u32 s29;
	[sflag:s25] =	ssyncset.done $0x0  }
0x15e: {  	s0 =	smul.u32 $0xC000, s31;
	[sflag:s25] =	ssyncadd.s32 $0xFFFFF800  }
0x15f: {  	s2 =	smul.u32 $0x1800, s31;
	_ =	swait.ge [sflag:s23], $0x600  }
0x160: {  	[sflag:s23] =	ssyncset.done $0x0;
	s0 =	sshrl.u32 s0, $0x2  }
0x161: {  	s2 =	sshrl.u32 s2, $0x2;
	[sflag:s23] =	ssyncadd.s32 $0xFFFFFA00;
	s13 =	sor.u32 $0xC00, s0  }
0x162: {  	[tilespmem:s13], [sflag:$0x1] =	stream.indirect.gather [hbm4b:s5+s24], $0x10, s2, s24, $0xb8;
	[tilespmem:$0x1FC00] =	vst v63  }
0x163: {  	s15 =	sadd.s32 $0x1400, s0;
	s14 =	sor.u32 $0x80, s2  }
0x164: {  	[tilespmem:s15], [sflag:$0x1] =	stream.indirect.gather [hbm4b:s5+s24], $0x10, s14, s24, $0xb8;
	[tilespmem:$0x1FC00] =	vst v63  }
0x165: {  	s29 =	sadd.s32 $0x1C00, s0;
	s30 =	sor.u32 $0x100, s2;
	s15 =	smul.u32 $0xFFFF4000, s31  }
0x166: {  	[tilespmem:s29], [sflag:$0x1] =	stream.indirect.gather [hbm4b:s5+s24], $0x10, s30, s24, $0xb8;
	[tilespmem:$0x1FC00] =	vst v63  }
0x167: {  	s14 =	sadd.s32 $0x2400, s0;
	s30 =	sor.u32 $0x180, s2;
	s29 =	smul.u32 $0xFFFFE800, s31  }
0x168: {  	[tilespmem:s14], [sflag:$0x1] =	stream.indirect.gather [hbm4b:s5+s24], $0x10, s30, s24, $0xb8;
	[tilespmem:$0x1FC00] =	vst v63  }
0x169: {  	s13 =	sshra.s32 s15, $0x2;
	s14 =	sadd.s32 $0x2C00, s0;
	s30 =	sadd.s32 $0x200, s2  }
0x16a: {  	[tilespmem:s14], [sflag:$0x1] =	stream.indirect.gather [hbm4b:s5+s24], $0x10, s30, s24, $0xb8;
	[tilespmem:$0x1FC00] =	vst v63  }
0x16b: {  	s29 =	sshra.s32 s29, $0x2;
	s0 =	sadd.s32 $0x3400, s0;
	s2 =	sadd.s32 $0x280, s2  }
0x16c: {  	[tilespmem:s0], [sflag:$0x1] =	stream.indirect.gather [hbm4b:s5+s24], $0x10, s2, s24, $0xb8;
	[tilespmem:$0x1FC00] =	vst v63  }
0x16d: {  	s15 =	sadd.s32 $0x3C00, s13;
	s30 =	sadd.s32 $0x900, s29  }
0x16e: {  	[spmem:s1] =	stream.indirect.scatter.add.f32 [tilespmem:s15], [sflag:$0x3], $0x10, s30, s24, $0xb8;
	[tilespmem:$0x1FC00] =	vst v63  }
0x16f: {  	_ =	swait.ge [sflag:s20], $0x800  }
0x170: {  	[sflag:s20] =	ssyncset.done $0x0  }
0x171: {  	s14 =	sadd.s32 $0x980, s29;
	s2 =	sadd.s32 $0x4400, s13;
	[sflag:s20] =	ssyncadd.s32 $0xFFFFF800  }
0x172: {  	[spmem:s1] =	stream.indirect.scatter.add.f32 [tilespmem:s2], [sflag:$0x3], $0x10, s14, s24, $0xb8;
	[tilespmem:$0x1FC00] =	vst v63  }
0x173: {  	_ =	swait.ge [sflag:s20], $0x800  }
0x174: {  	[sflag:s20] =	ssyncset.done $0x0  }
0x175: {  	s15 =	sadd.s32 $0x4C00, s13;
	s30 =	sadd.s32 $0xA00, s29;
	[sflag:s20] =	ssyncadd.s32 $0xFFFFF800  }
0x176: {  	[spmem:s1] =	stream.indirect.scatter.add.f32 [tilespmem:s15], [sflag:$0x3], $0x10, s30, s24, $0xb8;
	[tilespmem:$0x1FC00] =	vst v63  }
0x177: {  	_ =	swait.ge [sflag:s20], $0x800  }
0x178: {  	[sflag:s20] =	ssyncset.done $0x0  }
0x179: {  	s2 =	sadd.s32 $0x5400, s13;
	s14 =	sadd.s32 $0xA80, s29;
	[sflag:s20] =	ssyncadd.s32 $0xFFFFF800  }
0x17a: {  	[spmem:s1] =	stream.indirect.scatter.add.f32 [tilespmem:s2], [sflag:$0x3], $0x10, s14, s24, $0xb8;
	[tilespmem:$0x1FC00] =	vst v63  }
0x17b: {  	_ =	swait.ge [sflag:s20], $0x800  }
0x17c: {  	[sflag:s20] =	ssyncset.done $0x0  }
0x17d: {  	s15 =	sadd.s32 $0x5C00, s13;
	s30 =	sadd.s32 $0xB00, s29;
	[sflag:s20] =	ssyncadd.s32 $0xFFFFF800  }
0x17e: {  	[spmem:s1] =	stream.indirect.scatter.add.f32 [tilespmem:s15], [sflag:$0x3], $0x10, s30, s24, $0xb8;
	[tilespmem:$0x1FC00] =	vst v63  }
0x17f: {  	_ =	swait.ge [sflag:s20], $0x800  }
0x180: {  	[sflag:s20] =	ssyncset.done $0x0  }
0x181: {  	s14 =	sadd.s32 $0x6400, s13;
	s15 =	sadd.s32 $0xB80, s29;
	[sflag:s20] =	ssyncadd.s32 $0xFFFFF800  }
0x182: {  	[spmem:s1] =	stream.indirect.scatter.add.f32 [tilespmem:s14], [sflag:$0x3], $0x10, s15, s24, $0xb8;
	[tilespmem:$0x1FC00] =	vst v63  }
0x183: {  	_ =	swait.ge [sflag:s20], $0x800  }
0x184: {  	[sflag:s20] =	ssyncset.done $0x0  }
0x185: {  	s29 =	sadd.s32 $0x600, s29;
	[sflag:s20] =	ssyncadd.s32 $0xFFFFF800  }
0x186: {  	[tilespmem:s29], [sflag:$0x2] =	stream.linear.gather [hbm4b:s28+s3], $0x600, $0x38;
	[tilespmem:$0x1FC00] =	vst v63  }
0x187: {  	_ =	swait.ge [sflag:s25], $0x800  }
0x188: {  	[sflag:s25] =	ssyncset.done $0x0  }
0x189: {  	[sflag:s25] =	ssyncadd.s32 $0xFFFFF800  }
0x18a: {  	_ =	swait.ge [sflag:s25], $0x800  }
0x18b: {  	[sflag:s25] =	ssyncset.done $0x0  }
0x18c: {  	[sflag:s25] =	ssyncadd.s32 $0xFFFFF800  }
0x18d: {  	_ =	swait.ge [sflag:s25], $0x800  }
0x18e: {  	[sflag:s25] =	ssyncset.done $0x0  }
0x18f: {  	[sflag:s25] =	ssyncadd.s32 $0xFFFFF800  }
0x190: {  	_ =	swait.ge [sflag:s25], $0x800  }
0x191: {  	[sflag:s25] =	ssyncset.done $0x0  }
0x192: {  	[sflag:s25] =	ssyncadd.s32 $0xFFFFF800  }
0x193: {  	_ =	swait.ge [sflag:s25], $0x800  }
0x194: {  	[sflag:s25] =	ssyncset.done $0x0  }
0x195: {  	[sflag:s25] =	ssyncadd.s32 $0xFFFFF800  }
0x196: {  	_ =	swait.ge [sflag:s25], $0x800  }
0x197: {  	[sflag:s25] =	ssyncset.done $0x0  }
0x198: {  	[sflag:s25] =	ssyncadd.s32 $0xFFFFF800  }
0x199: {  	_ =	swait.ge [sflag:s23], $0x600  }
0x19a: {  	[sflag:s23] =	ssyncset.done $0x0  }
0x19b: {  	[sflag:s23] =	ssyncadd.s32 $0xFFFFFA00  }
0x19c: {  	[bflag:$0x0] =	sbarrier.arrive $0xFFFF  }
0x19d: {  	s30 =	rddreg [dreg:$0x4]  }
0x19e: {  	[hbm:s30], [sflag:s10] =	dma.local [spmem:s19], $0x3200  }
0x19f: {  	_ =	swait.ge [sflag:s20], $0x3200  }
0x1a0: {  	[sflag:s20] =	ssyncset.done $0x0  }
0x1a1: {  	[sflag:s20] =	ssyncadd.s32 $0xFFFFCE00  }
0x1a2: {  	[bflag:$0x0] =	sbarrier.arrive $0xFFFF  }
0x1a3: {  	[spmem:s19], [sflag:s10] =	dma.local [hbm:s9], $0x3200  }
0x1a4: {  	_ =	swait.ge [sflag:s20], $0x3200  }
0x1a5: {  	[sflag:s20] =	ssyncset.done $0x0  }
0x1a6: {  	[sflag:s20] =	ssyncadd.s32 $0xFFFFCE00  }
0x1a7: {  	s2 =	simm.s32 $0x0;
	[bflag:$0x0] =	sbarrier.arrive $0xFFFF  }
0x1a8: {  	[tilespmem:s21], [sflag:$0x3] =	stream.linear.gather [hbm4b:s8+s2], $0x6000, $0x38;
	[tilespmem:$0x1FC00] =	vst v63  }
0x1a9: {  	_ =	swait.ge [sflag:s20], $0x6000  }
0x1aa: {  	[sflag:s20] =	ssyncset.done $0x0  }
0x1ab: {  	[sflag:s20] =	ssyncadd.s32 $0xFFFFA000  }
0x1ac: {  	[tilespmem:s22], [sflag:$0x3] =	stream.linear.gather [hbm4b:s11+s2], $0x600, $0x38;
	[tilespmem:$0x1FC00] =	vst v63  }
0x1ad: {  	_ =	swait.ge [sflag:s20], $0x600  }
0x1ae: {  	s0 =	sand.u32 $0x1, s2;
	[sflag:s20] =	ssyncset.done $0x0  }
0x1af: {  	s13 =	smul.u32 $0xC000, s0;
	[sflag:s20] =	ssyncadd.s32 $0xFFFFFA00  }
0x1b0: {  	[tilespmem:s2], [sflag:$0x2] =	stream.linear.gather [hbm4b:s12+s2], $0x600, $0x38;
	[tilespmem:$0x1FC00] =	vst v63  }
0x1b1: {  	s14 =	smul.u32 $0x1800, s0;
	_ =	swait.ge [sflag:s23], $0x600  }
0x1b2: {  	s2 =	sshrl.u32 s13, $0x2;
	[sflag:s23] =	ssyncset.done $0x0  }
0x1b3: {  	s13 =	sshrl.u32 s14, $0x2;
	s15 =	sor.u32 $0xC00, s2;
	[sflag:s23] =	ssyncadd.s32 $0xFFFFFA00  }
0x1b4: {  	[tilespmem:s15], [sflag:$0x1] =	stream.indirect.gather [hbm4b:s6+s24], $0x10, s13, s24, $0xb8;
	[tilespmem:$0x1FC00] =	vst v63  }
0x1b5: {  	s29 =	sadd.s32 $0x1400, s2;
	s30 =	sor.u32 $0x80, s13  }
0x1b6: {  	[tilespmem:s29], [sflag:$0x1] =	stream.indirect.gather [hbm4b:s6+s24], $0x10, s30, s24, $0xb8;
	[tilespmem:$0x1FC00] =	vst v63  }
0x1b7: {  	s28 =	smul.u32 $0xFFFF4000, s0;
	s29 =	sadd.s32 $0x1C00, s2;
	s30 =	sor.u32 $0x100, s13  }
0x1b8: {  	[tilespmem:s29], [sflag:$0x1] =	stream.indirect.gather [hbm4b:s6+s24], $0x10, s30, s24, $0xb8;
	[tilespmem:$0x1FC00] =	vst v63  }
0x1b9: {  	s0 =	smul.u32 $0xFFFFE800, s0;
	s29 =	sadd.s32 $0x2400, s2;
	s30 =	sor.u32 $0x180, s13  }
0x1ba: {  	[tilespmem:s29], [sflag:$0x1] =	stream.indirect.gather [hbm4b:s6+s24], $0x10, s30, s24, $0xb8;
	[tilespmem:$0x1FC00] =	vst v63  }
0x1bb: {  	s0 =	sshra.s32 s0, $0x2;
	s29 =	sadd.s32 $0x2C00, s2;
	s30 =	sadd.s32 $0x200, s13  }
0x1bc: {  	[tilespmem:s29], [sflag:$0x1] =	stream.indirect.gather [hbm4b:s6+s24], $0x10, s30, s24, $0xb8;
	[tilespmem:$0x1FC00] =	vst v63  }
0x1bd: {  	s14 =	sshra.s32 s28, $0x2;
	s2 =	sadd.s32 $0x3400, s2;
	s13 =	sadd.s32 $0x280, s13  }
0x1be: {  	[tilespmem:s2], [sflag:$0x1] =	stream.indirect.gather [hbm4b:s6+s24], $0x10, s13, s24, $0xb8;
	[tilespmem:$0x1FC00] =	vst v63  }
0x1bf: {  	s29 =	sadd.s32 $0x3C00, s14;
	s30 =	sadd.s32 $0x900, s0  }
0x1c0: {  	[spmem:s1] =	stream.indirect.scatter.add.f32 [tilespmem:s29], [sflag:$0x3], $0x10, s30, s24, $0xb8;
	[tilespmem:$0x1FC00] =	vst v63  }
0x1c1: {  	_ =	swait.ge [sflag:s20], $0x800  }
0x1c2: {  	[sflag:s20] =	ssyncset.done $0x0  }
0x1c3: {  	s15 =	sadd.s32 $0x980, s0;
	s13 =	sadd.s32 $0x4400, s14;
	[sflag:s20] =	ssyncadd.s32 $0xFFFFF800  }
0x1c4: {  	[spmem:s1] =	stream.indirect.scatter.add.f32 [tilespmem:s13], [sflag:$0x3], $0x10, s15, s24, $0xb8;
	[tilespmem:$0x1FC00] =	vst v63  }
0x1c5: {  	_ =	swait.ge [sflag:s20], $0x800  }
0x1c6: {  	[sflag:s20] =	ssyncset.done $0x0  }
0x1c7: {  	s29 =	sadd.s32 $0x4C00, s14;
	s30 =	sadd.s32 $0xA00, s0;
	[sflag:s20] =	ssyncadd.s32 $0xFFFFF800  }
0x1c8: {  	[spmem:s1] =	stream.indirect.scatter.add.f32 [tilespmem:s29], [sflag:$0x3], $0x10, s30, s24, $0xb8;
	[tilespmem:$0x1FC00] =	vst v63  }
0x1c9: {  	_ =	swait.ge [sflag:s20], $0x800  }
0x1ca: {  	[sflag:s20] =	ssyncset.done $0x0  }
0x1cb: {  	s13 =	sadd.s32 $0x5400, s14;
	s15 =	sadd.s32 $0xA80, s0;
	[sflag:s20] =	ssyncadd.s32 $0xFFFFF800  }
0x1cc: {  	[spmem:s1] =	stream.indirect.scatter.add.f32 [tilespmem:s13], [sflag:$0x3], $0x10, s15, s24, $0xb8;
	[tilespmem:$0x1FC00] =	vst v63  }
0x1cd: {  	_ =	swait.ge [sflag:s20], $0x800  }
0x1ce: {  	[sflag:s20] =	ssyncset.done $0x0  }
0x1cf: {  	s29 =	sadd.s32 $0x5C00, s14;
	s30 =	sadd.s32 $0xB00, s0;
	[sflag:s20] =	ssyncadd.s32 $0xFFFFF800  }
0x1d0: {  	[spmem:s1] =	stream.indirect.scatter.add.f32 [tilespmem:s29], [sflag:$0x3], $0x10, s30, s24, $0xb8;
	[tilespmem:$0x1FC00] =	vst v63  }
0x1d1: {  	_ =	swait.ge [sflag:s20], $0x800  }
0x1d2: {  	[sflag:s20] =	ssyncset.done $0x0  }
0x1d3: {  	s15 =	sadd.s32 $0x6400, s14;
	s29 =	sadd.s32 $0xB80, s0;
	[sflag:s20] =	ssyncadd.s32 $0xFFFFF800  }
0x1d4: {  	[spmem:s1] =	stream.indirect.scatter.add.f32 [tilespmem:s15], [sflag:$0x3], $0x10, s29, s24, $0xb8;
	[tilespmem:$0x1FC00] =	vst v63  }
0x1d5: {  	_ =	swait.ge [sflag:s20], $0x800  }
0x1d6: {  	[sflag:s20] =	ssyncset.done $0x0  }
0x1d7: {  	s0 =	sadd.s32 $0x600, s0;
	[sflag:s20] =	ssyncadd.s32 $0xFFFFF800  }
0x1d8: {  	[tilespmem:s0], [sflag:$0x2] =	stream.linear.gather [hbm4b:s18+s3], $0x600, $0x38;
	[tilespmem:$0x1FC00] =	vst v63  }
0x1d9: {  	_ =	swait.ge [sflag:s25], $0x800  }
0x1da: {  	[sflag:s25] =	ssyncset.done $0x0  }
0x1db: {  	[sflag:s25] =	ssyncadd.s32 $0xFFFFF800  }
0x1dc: {  	_ =	swait.ge [sflag:s25], $0x800  }
0x1dd: {  	[sflag:s25] =	ssyncset.done $0x0  }
0x1de: {  	[sflag:s25] =	ssyncadd.s32 $0xFFFFF800  }
0x1df: {  	_ =	swait.ge [sflag:s25], $0x800  }
0x1e0: {  	[sflag:s25] =	ssyncset.done $0x0  }
0x1e1: {  	[sflag:s25] =	ssyncadd.s32 $0xFFFFF800  }
0x1e2: {  	_ =	swait.ge [sflag:s25], $0x800  }
0x1e3: {  	[sflag:s25] =	ssyncset.done $0x0  }
0x1e4: {  	[sflag:s25] =	ssyncadd.s32 $0xFFFFF800  }
0x1e5: {  	_ =	swait.ge [sflag:s25], $0x800  }
0x1e6: {  	[sflag:s25] =	ssyncset.done $0x0  }
0x1e7: {  	[sflag:s25] =	ssyncadd.s32 $0xFFFFF800  }
0x1e8: {  	s28 =	sadd.s32 $0xC0, s18;
	s30 =	simm.s32 $0x1;
	_ =	swait.ge [sflag:s25], $0x800  }
0x1e9: {  	s31 =	sand.u32 $0x1, s30;
	s0 =	simm.s32 $0x2;
	[sflag:s25] =	ssyncset.done $0x0  }
.LBB2_6:
0x1ea: {  	s2 =	smul.u32 $0xC000, s31  }
0x1eb: {  	[sflag:s25] =	ssyncadd.s32 $0xFFFFF800;
	s30 =	smov.u32 s0;
	s29 =	sadd.s32 $0x1, s0  }
0x1ec: {  	p0 =	sne.s32 s0, $0x42;
	s0 =	smul.u32 $0x1800, s31;
	_ =	swait.ge [sflag:s23], $0x600  }
0x1ed: {  	[sflag:s23] =	ssyncset.done $0x0;
	s2 =	sshrl.u32 s2, $0x2  }
0x1ee: {  	s0 =	sshrl.u32 s0, $0x2;
	[sflag:s23] =	ssyncadd.s32 $0xFFFFFA00;
	s13 =	sor.u32 $0xC00, s2  }
0x1ef: {  	[tilespmem:s13], [sflag:$0x1] =	stream.indirect.gather [hbm4b:s6+s24], $0x10, s0, s24, $0xb8;
	[tilespmem:$0x1FC00] =	vst v63  }
0x1f0: {  	s14 =	sor.u32 $0x80, s0;
	s13 =	sadd.s32 $0x1400, s2  }
0x1f1: {  	[tilespmem:s13], [sflag:$0x1] =	stream.indirect.gather [hbm4b:s6+s24], $0x10, s14, s24, $0xb8;
	[tilespmem:$0x1FC00] =	vst v63  }
0x1f2: {  	s15 =	smul.u32 $0xFFFF4000, s31;
	s13 =	sadd.s32 $0x1C00, s2;
	s14 =	sor.u32 $0x100, s0  }
0x1f3: {  	[tilespmem:s13], [sflag:$0x1] =	stream.indirect.gather [hbm4b:s6+s24], $0x10, s14, s24, $0xb8;
	[tilespmem:$0x1FC00] =	vst v63  }
0x1f4: {  	s31 =	smul.u32 $0xFFFFE800, s31;
	s13 =	sadd.s32 $0x2400, s2;
	s14 =	sor.u32 $0x180, s0  }
0x1f5: {  	[tilespmem:s13], [sflag:$0x1] =	stream.indirect.gather [hbm4b:s6+s24], $0x10, s14, s24, $0xb8;
	[tilespmem:$0x1FC00] =	vst v63  }
0x1f6: {  	s31 =	sshra.s32 s31, $0x2;
	s13 =	sadd.s32 $0x2C00, s2;
	s14 =	sadd.s32 $0x200, s0  }
0x1f7: {  	[tilespmem:s13], [sflag:$0x1] =	stream.indirect.gather [hbm4b:s6+s24], $0x10, s14, s24, $0xb8;
	[tilespmem:$0x1FC00] =	vst v63  }
0x1f8: {  	s2 =	sadd.s32 $0x3400, s2;
	s0 =	sadd.s32 $0x280, s0;
	s13 =	sshra.s32 s15, $0x2  }
0x1f9: {  	[tilespmem:s2], [sflag:$0x1] =	stream.indirect.gather [hbm4b:s6+s24], $0x10, s0, s24, $0xb8;
	[tilespmem:$0x1FC00] =	vst v63  }
0x1fa: {  	s0 =	sadd.s32 $0x3C00, s13;
	s2 =	sadd.s32 $0x900, s31  }
0x1fb: {  	[spmem:s1] =	stream.indirect.scatter.add.f32 [tilespmem:s0], [sflag:$0x3], $0x10, s2, s24, $0xb8;
	[tilespmem:$0x1FC00] =	vst v63  }
0x1fc: {  	_ =	swait.ge [sflag:s20], $0x800  }
0x1fd: {  	[sflag:s20] =	ssyncset.done $0x0  }
0x1fe: {  	s0 =	sadd.s32 $0x4400, s13;
	s2 =	sadd.s32 $0x980, s31;
	[sflag:s20] =	ssyncadd.s32 $0xFFFFF800  }
0x1ff: {  	[spmem:s1] =	stream.indirect.scatter.add.f32 [tilespmem:s0], [sflag:$0x3], $0x10, s2, s24, $0xb8;
	[tilespmem:$0x1FC00] =	vst v63  }
0x200: {  	_ =	swait.ge [sflag:s20], $0x800  }
0x201: {  	[sflag:s20] =	ssyncset.done $0x0  }
0x202: {  	s0 =	sadd.s32 $0x4C00, s13;
	s2 =	sadd.s32 $0xA00, s31;
	[sflag:s20] =	ssyncadd.s32 $0xFFFFF800  }
0x203: {  	[spmem:s1] =	stream.indirect.scatter.add.f32 [tilespmem:s0], [sflag:$0x3], $0x10, s2, s24, $0xb8;
	[tilespmem:$0x1FC00] =	vst v63  }
0x204: {  	_ =	swait.ge [sflag:s20], $0x800  }
0x205: {  	[sflag:s20] =	ssyncset.done $0x0  }
0x206: {  	s0 =	sadd.s32 $0x5400, s13;
	s2 =	sadd.s32 $0xA80, s31;
	[sflag:s20] =	ssyncadd.s32 $0xFFFFF800  }
0x207: {  	[spmem:s1] =	stream.indirect.scatter.add.f32 [tilespmem:s0], [sflag:$0x3], $0x10, s2, s24, $0xb8;
	[tilespmem:$0x1FC00] =	vst v63  }
0x208: {  	_ =	swait.ge [sflag:s20], $0x800  }
0x209: {  	[sflag:s20] =	ssyncset.done $0x0  }
0x20a: {  	s0 =	sadd.s32 $0x5C00, s13;
	s2 =	sadd.s32 $0xB00, s31;
	[sflag:s20] =	ssyncadd.s32 $0xFFFFF800  }
0x20b: {  	[spmem:s1] =	stream.indirect.scatter.add.f32 [tilespmem:s0], [sflag:$0x3], $0x10, s2, s24, $0xb8;
	[tilespmem:$0x1FC00] =	vst v63  }
0x20c: {  	_ =	swait.ge [sflag:s20], $0x800  }
0x20d: {  	[sflag:s20] =	ssyncset.done $0x0  }
0x20e: {  	s0 =	sadd.s32 $0x6400, s13;
	s2 =	sadd.s32 $0xB80, s31;
	[sflag:s20] =	ssyncadd.s32 $0xFFFFF800  }
0x20f: {  	[spmem:s1] =	stream.indirect.scatter.add.f32 [tilespmem:s0], [sflag:$0x3], $0x10, s2, s24, $0xb8;
	[tilespmem:$0x1FC00] =	vst v63  }
0x210: {  	_ =	swait.ge [sflag:s20], $0x800  }
0x211: {  	[sflag:s20] =	ssyncset.done $0x0  }
0x212: {  	s0 =	sadd.s32 $0x600, s31;
	[sflag:s20] =	ssyncadd.s32 $0xFFFFF800  }
0x213: {  	[tilespmem:s0], [sflag:$0x2] =	stream.linear.gather [hbm4b:s28+s3], $0x600, $0x38;
	[tilespmem:$0x1FC00] =	vst v63  }
0x214: {  	_ =	swait.ge [sflag:s25], $0x800  }
0x215: {  	[sflag:s25] =	ssyncset.done $0x0  }
0x216: {  	[sflag:s25] =	ssyncadd.s32 $0xFFFFF800  }
0x217: {  	_ =	swait.ge [sflag:s25], $0x800  }
0x218: {  	[sflag:s25] =	ssyncset.done $0x0  }
0x219: {  	[sflag:s25] =	ssyncadd.s32 $0xFFFFF800  }
0x21a: {  	_ =	swait.ge [sflag:s25], $0x800  }
0x21b: {  	[sflag:s25] =	ssyncset.done $0x0  }
0x21c: {  	[sflag:s25] =	ssyncadd.s32 $0xFFFFF800  }
0x21d: {  	_ =	swait.ge [sflag:s25], $0x800  }
0x21e: {  	[sflag:s25] =	ssyncset.done $0x0  }
0x21f: {  	[sflag:s25] =	ssyncadd.s32 $0xFFFFF800  }
.Ltmp2:
0x220: {  	_ =	swait.ge [sflag:s25], $0x800;
	(pc) =	sbr.rel @p0 .LBB2_6-.Ltmp2, $4  }
0x221: {  	[sflag:s25] =	ssyncset.done $0x0  }
0x222: {  	[sflag:s25] =	ssyncadd.s32 $0xFFFFF800  }
0x223: {  	s31 =	sand.u32 $0x1, s30;
	_ =	swait.ge [sflag:s25], $0x800  }
0x224: {  	s28 =	sadd.s32 $0xC0, s28;
	s0 =	smov.u32 s29;
	[sflag:s25] =	ssyncset.done $0x0  }
0x225: {  	s0 =	smul.u32 $0xC000, s31;
	[sflag:s25] =	ssyncadd.s32 $0xFFFFF800  }
0x226: {  	s2 =	smul.u32 $0x1800, s31;
	_ =	swait.ge [sflag:s23], $0x600  }
0x227: {  	[sflag:s23] =	ssyncset.done $0x0;
	s0 =	sshrl.u32 s0, $0x2  }
0x228: {  	s2 =	sshrl.u32 s2, $0x2;
	[sflag:s23] =	ssyncadd.s32 $0xFFFFFA00;
	s13 =	sor.u32 $0xC00, s0  }
0x229: {  	[tilespmem:s13], [sflag:$0x1] =	stream.indirect.gather [hbm4b:s6+s24], $0x10, s2, s24, $0xb8;
	[tilespmem:$0x1FC00] =	vst v63  }
0x22a: {  	s15 =	sadd.s32 $0x1400, s0;
	s14 =	sor.u32 $0x80, s2  }
0x22b: {  	[tilespmem:s15], [sflag:$0x1] =	stream.indirect.gather [hbm4b:s6+s24], $0x10, s14, s24, $0xb8;
	[tilespmem:$0x1FC00] =	vst v63  }
0x22c: {  	s29 =	sadd.s32 $0x1C00, s0;
	s30 =	sor.u32 $0x100, s2;
	s15 =	smul.u32 $0xFFFF4000, s31  }
0x22d: {  	[tilespmem:s29], [sflag:$0x1] =	stream.indirect.gather [hbm4b:s6+s24], $0x10, s30, s24, $0xb8;
	[tilespmem:$0x1FC00] =	vst v63  }
0x22e: {  	s14 =	sadd.s32 $0x2400, s0;
	s30 =	sor.u32 $0x180, s2;
	s29 =	smul.u32 $0xFFFFE800, s31  }
0x22f: {  	[tilespmem:s14], [sflag:$0x1] =	stream.indirect.gather [hbm4b:s6+s24], $0x10, s30, s24, $0xb8;
	[tilespmem:$0x1FC00] =	vst v63  }
0x230: {  	s13 =	sshra.s32 s15, $0x2;
	s14 =	sadd.s32 $0x2C00, s0;
	s30 =	sadd.s32 $0x200, s2  }
0x231: {  	[tilespmem:s14], [sflag:$0x1] =	stream.indirect.gather [hbm4b:s6+s24], $0x10, s30, s24, $0xb8;
	[tilespmem:$0x1FC00] =	vst v63  }
0x232: {  	s29 =	sshra.s32 s29, $0x2;
	s0 =	sadd.s32 $0x3400, s0;
	s2 =	sadd.s32 $0x280, s2  }
0x233: {  	[tilespmem:s0], [sflag:$0x1] =	stream.indirect.gather [hbm4b:s6+s24], $0x10, s2, s24, $0xb8;
	[tilespmem:$0x1FC00] =	vst v63  }
0x234: {  	s15 =	sadd.s32 $0x3C00, s13;
	s30 =	sadd.s32 $0x900, s29  }
0x235: {  	[spmem:s1] =	stream.indirect.scatter.add.f32 [tilespmem:s15], [sflag:$0x3], $0x10, s30, s24, $0xb8;
	[tilespmem:$0x1FC00] =	vst v63  }
0x236: {  	_ =	swait.ge [sflag:s20], $0x800  }
0x237: {  	[sflag:s20] =	ssyncset.done $0x0  }
0x238: {  	s14 =	sadd.s32 $0x980, s29;
	s2 =	sadd.s32 $0x4400, s13;
	[sflag:s20] =	ssyncadd.s32 $0xFFFFF800  }
0x239: {  	[spmem:s1] =	stream.indirect.scatter.add.f32 [tilespmem:s2], [sflag:$0x3], $0x10, s14, s24, $0xb8;
	[tilespmem:$0x1FC00] =	vst v63  }
0x23a: {  	_ =	swait.ge [sflag:s20], $0x800  }
0x23b: {  	[sflag:s20] =	ssyncset.done $0x0  }
0x23c: {  	s15 =	sadd.s32 $0x4C00, s13;
	s30 =	sadd.s32 $0xA00, s29;
	[sflag:s20] =	ssyncadd.s32 $0xFFFFF800  }
0x23d: {  	[spmem:s1] =	stream.indirect.scatter.add.f32 [tilespmem:s15], [sflag:$0x3], $0x10, s30, s24, $0xb8;
	[tilespmem:$0x1FC00] =	vst v63  }
0x23e: {  	_ =	swait.ge [sflag:s20], $0x800  }
0x23f: {  	[sflag:s20] =	ssyncset.done $0x0  }
0x240: {  	s2 =	sadd.s32 $0x5400, s13;
	s14 =	sadd.s32 $0xA80, s29;
	[sflag:s20] =	ssyncadd.s32 $0xFFFFF800  }
0x241: {  	[spmem:s1] =	stream.indirect.scatter.add.f32 [tilespmem:s2], [sflag:$0x3], $0x10, s14, s24, $0xb8;
	[tilespmem:$0x1FC00] =	vst v63  }
0x242: {  	_ =	swait.ge [sflag:s20], $0x800  }
0x243: {  	[sflag:s20] =	ssyncset.done $0x0  }
0x244: {  	s15 =	sadd.s32 $0x5C00, s13;
	s30 =	sadd.s32 $0xB00, s29;
	[sflag:s20] =	ssyncadd.s32 $0xFFFFF800  }
0x245: {  	[spmem:s1] =	stream.indirect.scatter.add.f32 [tilespmem:s15], [sflag:$0x3], $0x10, s30, s24, $0xb8;
	[tilespmem:$0x1FC00] =	vst v63  }
0x246: {  	_ =	swait.ge [sflag:s20], $0x800  }
0x247: {  	[sflag:s20] =	ssyncset.done $0x0  }
0x248: {  	s14 =	sadd.s32 $0x6400, s13;
	s15 =	sadd.s32 $0xB80, s29;
	[sflag:s20] =	ssyncadd.s32 $0xFFFFF800  }
0x249: {  	[spmem:s1] =	stream.indirect.scatter.add.f32 [tilespmem:s14], [sflag:$0x3], $0x10, s15, s24, $0xb8;
	[tilespmem:$0x1FC00] =	vst v63  }
0x24a: {  	_ =	swait.ge [sflag:s20], $0x800  }
0x24b: {  	[sflag:s20] =	ssyncset.done $0x0  }
0x24c: {  	s29 =	sadd.s32 $0x600, s29;
	[sflag:s20] =	ssyncadd.s32 $0xFFFFF800  }
0x24d: {  	[tilespmem:s29], [sflag:$0x2] =	stream.linear.gather [hbm4b:s28+s3], $0x600, $0x38;
	[tilespmem:$0x1FC00] =	vst v63  }
0x24e: {  	_ =	swait.ge [sflag:s25], $0x800  }
0x24f: {  	[sflag:s25] =	ssyncset.done $0x0  }
0x250: {  	[sflag:s25] =	ssyncadd.s32 $0xFFFFF800  }
0x251: {  	_ =	swait.ge [sflag:s25], $0x800  }
0x252: {  	[sflag:s25] =	ssyncset.done $0x0  }
0x253: {  	[sflag:s25] =	ssyncadd.s32 $0xFFFFF800  }
0x254: {  	_ =	swait.ge [sflag:s25], $0x800  }
0x255: {  	[sflag:s25] =	ssyncset.done $0x0  }
0x256: {  	[sflag:s25] =	ssyncadd.s32 $0xFFFFF800  }
0x257: {  	_ =	swait.ge [sflag:s25], $0x800  }
0x258: {  	[sflag:s25] =	ssyncset.done $0x0  }
0x259: {  	[sflag:s25] =	ssyncadd.s32 $0xFFFFF800  }
0x25a: {  	_ =	swait.ge [sflag:s25], $0x800  }
0x25b: {  	[sflag:s25] =	ssyncset.done $0x0  }
0x25c: {  	[sflag:s25] =	ssyncadd.s32 $0xFFFFF800  }
0x25d: {  	_ =	swait.ge [sflag:s25], $0x800  }
0x25e: {  	[sflag:s25] =	ssyncset.done $0x0  }
0x25f: {  	[sflag:s25] =	ssyncadd.s32 $0xFFFFF800  }
0x260: {  	_ =	swait.ge [sflag:s23], $0x600  }
0x261: {  	[sflag:s23] =	ssyncset.done $0x0  }
0x262: {  	[sflag:s23] =	ssyncadd.s32 $0xFFFFFA00  }
0x263: {  	[bflag:$0x0] =	sbarrier.arrive $0xFFFF  }
0x264: {  	s30 =	rddreg [dreg:$0x5]  }
0x265: {  	[hbm:s30], [sflag:s10] =	dma.local [spmem:s19], $0x3200  }
0x266: {  	_ =	swait.ge [sflag:s20], $0x3200  }
0x267: {  	[sflag:s20] =	ssyncset.done $0x0  }
0x268: {  	[sflag:s20] =	ssyncadd.s32 $0xFFFFCE00  }
0x269: {  	[bflag:$0x0] =	sbarrier.arrive $0xFFFF  }
0x26a: {  	[spmem:s19], [sflag:s10] =	dma.local [hbm:s9], $0x3200  }
0x26b: {  	_ =	swait.ge [sflag:s20], $0x3200  }
0x26c: {  	[sflag:s20] =	ssyncset.done $0x0  }
0x26d: {  	[sflag:s20] =	ssyncadd.s32 $0xFFFFCE00  }
0x26e: {  	s2 =	simm.s32 $0x0;
	[bflag:$0x0] =	sbarrier.arrive $0xFFFF  }
0x26f: {  	[tilespmem:s21], [sflag:$0x3] =	stream.linear.gather [hbm4b:s8+s2], $0x6000, $0x38;
	[tilespmem:$0x1FC00] =	vst v63  }
0x270: {  	_ =	swait.ge [sflag:s20], $0x6000  }
0x271: {  	[sflag:s20] =	ssyncset.done $0x0  }
0x272: {  	[sflag:s20] =	ssyncadd.s32 $0xFFFFA000  }
0x273: {  	[tilespmem:s22], [sflag:$0x3] =	stream.linear.gather [hbm4b:s11+s2], $0x600, $0x38;
	[tilespmem:$0x1FC00] =	vst v63  }
0x274: {  	_ =	swait.ge [sflag:s20], $0x600  }
0x275: {  	s0 =	sand.u32 $0x1, s2;
	[sflag:s20] =	ssyncset.done $0x0  }
0x276: {  	s13 =	smul.u32 $0xC000, s0;
	[sflag:s20] =	ssyncadd.s32 $0xFFFFFA00  }
0x277: {  	[tilespmem:s2], [sflag:$0x2] =	stream.linear.gather [hbm4b:s12+s2], $0x600, $0x38;
	[tilespmem:$0x1FC00] =	vst v63  }
0x278: {  	s14 =	smul.u32 $0x1800, s0;
	_ =	swait.ge [sflag:s23], $0x600  }
0x279: {  	s2 =	sshrl.u32 s13, $0x2;
	[sflag:s23] =	ssyncset.done $0x0  }
0x27a: {  	s13 =	sshrl.u32 s14, $0x2;
	s15 =	sor.u32 $0xC00, s2;
	[sflag:s23] =	ssyncadd.s32 $0xFFFFFA00  }
0x27b: {  	[tilespmem:s15], [sflag:$0x1] =	stream.indirect.gather [hbm4b:s7+s24], $0x10, s13, s24, $0xb8;
	[tilespmem:$0x1FC00] =	vst v63  }
0x27c: {  	s29 =	sadd.s32 $0x1400, s2;
	s30 =	sor.u32 $0x80, s13  }
0x27d: {  	[tilespmem:s29], [sflag:$0x1] =	stream.indirect.gather [hbm4b:s7+s24], $0x10, s30, s24, $0xb8;
	[tilespmem:$0x1FC00] =	vst v63  }
0x27e: {  	s28 =	smul.u32 $0xFFFF4000, s0;
	s29 =	sadd.s32 $0x1C00, s2;
	s30 =	sor.u32 $0x100, s13  }
0x27f: {  	[tilespmem:s29], [sflag:$0x1] =	stream.indirect.gather [hbm4b:s7+s24], $0x10, s30, s24, $0xb8;
	[tilespmem:$0x1FC00] =	vst v63  }
0x280: {  	s0 =	smul.u32 $0xFFFFE800, s0;
	s29 =	sadd.s32 $0x2400, s2;
	s30 =	sor.u32 $0x180, s13  }
0x281: {  	[tilespmem:s29], [sflag:$0x1] =	stream.indirect.gather [hbm4b:s7+s24], $0x10, s30, s24, $0xb8;
	[tilespmem:$0x1FC00] =	vst v63  }
0x282: {  	s0 =	sshra.s32 s0, $0x2;
	s29 =	sadd.s32 $0x2C00, s2;
	s30 =	sadd.s32 $0x200, s13  }
0x283: {  	[tilespmem:s29], [sflag:$0x1] =	stream.indirect.gather [hbm4b:s7+s24], $0x10, s30, s24, $0xb8;
	[tilespmem:$0x1FC00] =	vst v63  }
0x284: {  	s14 =	sshra.s32 s28, $0x2;
	s2 =	sadd.s32 $0x3400, s2;
	s13 =	sadd.s32 $0x280, s13  }
0x285: {  	[tilespmem:s2], [sflag:$0x1] =	stream.indirect.gather [hbm4b:s7+s24], $0x10, s13, s24, $0xb8;
	[tilespmem:$0x1FC00] =	vst v63  }
0x286: {  	s29 =	sadd.s32 $0x3C00, s14;
	s30 =	sadd.s32 $0x900, s0  }
0x287: {  	[spmem:s1] =	stream.indirect.scatter.add.f32 [tilespmem:s29], [sflag:$0x3], $0x10, s30, s24, $0xb8;
	[tilespmem:$0x1FC00] =	vst v63  }
0x288: {  	_ =	swait.ge [sflag:s20], $0x800  }
0x289: {  	[sflag:s20] =	ssyncset.done $0x0  }
0x28a: {  	s15 =	sadd.s32 $0x980, s0;
	s13 =	sadd.s32 $0x4400, s14;
	[sflag:s20] =	ssyncadd.s32 $0xFFFFF800  }
0x28b: {  	[spmem:s1] =	stream.indirect.scatter.add.f32 [tilespmem:s13], [sflag:$0x3], $0x10, s15, s24, $0xb8;
	[tilespmem:$0x1FC00] =	vst v63  }
0x28c: {  	_ =	swait.ge [sflag:s20], $0x800  }
0x28d: {  	[sflag:s20] =	ssyncset.done $0x0  }
0x28e: {  	s29 =	sadd.s32 $0x4C00, s14;
	s30 =	sadd.s32 $0xA00, s0;
	[sflag:s20] =	ssyncadd.s32 $0xFFFFF800  }
0x28f: {  	[spmem:s1] =	stream.indirect.scatter.add.f32 [tilespmem:s29], [sflag:$0x3], $0x10, s30, s24, $0xb8;
	[tilespmem:$0x1FC00] =	vst v63  }
0x290: {  	_ =	swait.ge [sflag:s20], $0x800  }
0x291: {  	[sflag:s20] =	ssyncset.done $0x0  }
0x292: {  	s13 =	sadd.s32 $0x5400, s14;
	s15 =	sadd.s32 $0xA80, s0;
	[sflag:s20] =	ssyncadd.s32 $0xFFFFF800  }
0x293: {  	[spmem:s1] =	stream.indirect.scatter.add.f32 [tilespmem:s13], [sflag:$0x3], $0x10, s15, s24, $0xb8;
	[tilespmem:$0x1FC00] =	vst v63  }
0x294: {  	_ =	swait.ge [sflag:s20], $0x800  }
0x295: {  	[sflag:s20] =	ssyncset.done $0x0  }
0x296: {  	s29 =	sadd.s32 $0x5C00, s14;
	s30 =	sadd.s32 $0xB00, s0;
	[sflag:s20] =	ssyncadd.s32 $0xFFFFF800  }
0x297: {  	[spmem:s1] =	stream.indirect.scatter.add.f32 [tilespmem:s29], [sflag:$0x3], $0x10, s30, s24, $0xb8;
	[tilespmem:$0x1FC00] =	vst v63  }
0x298: {  	_ =	swait.ge [sflag:s20], $0x800  }
0x299: {  	[sflag:s20] =	ssyncset.done $0x0  }
0x29a: {  	s15 =	sadd.s32 $0x6400, s14;
	s29 =	sadd.s32 $0xB80, s0;
	[sflag:s20] =	ssyncadd.s32 $0xFFFFF800  }
0x29b: {  	[spmem:s1] =	stream.indirect.scatter.add.f32 [tilespmem:s15], [sflag:$0x3], $0x10, s29, s24, $0xb8;
	[tilespmem:$0x1FC00] =	vst v63  }
0x29c: {  	_ =	swait.ge [sflag:s20], $0x800  }
0x29d: {  	[sflag:s20] =	ssyncset.done $0x0  }
0x29e: {  	s0 =	sadd.s32 $0x600, s0;
	[sflag:s20] =	ssyncadd.s32 $0xFFFFF800  }
0x29f: {  	[tilespmem:s0], [sflag:$0x2] =	stream.linear.gather [hbm4b:s18+s3], $0x600, $0x38;
	[tilespmem:$0x1FC00] =	vst v63  }
0x2a0: {  	_ =	swait.ge [sflag:s25], $0x800  }
0x2a1: {  	[sflag:s25] =	ssyncset.done $0x0  }
0x2a2: {  	[sflag:s25] =	ssyncadd.s32 $0xFFFFF800  }
0x2a3: {  	_ =	swait.ge [sflag:s25], $0x800  }
0x2a4: {  	[sflag:s25] =	ssyncset.done $0x0  }
0x2a5: {  	[sflag:s25] =	ssyncadd.s32 $0xFFFFF800  }
0x2a6: {  	_ =	swait.ge [sflag:s25], $0x800  }
0x2a7: {  	[sflag:s25] =	ssyncset.done $0x0  }
0x2a8: {  	[sflag:s25] =	ssyncadd.s32 $0xFFFFF800  }
0x2a9: {  	_ =	swait.ge [sflag:s25], $0x800  }
0x2aa: {  	[sflag:s25] =	ssyncset.done $0x0  }
0x2ab: {  	[sflag:s25] =	ssyncadd.s32 $0xFFFFF800  }
0x2ac: {  	_ =	swait.ge [sflag:s25], $0x800  }
0x2ad: {  	[sflag:s25] =	ssyncset.done $0x0  }
0x2ae: {  	[sflag:s25] =	ssyncadd.s32 $0xFFFFF800  }
0x2af: {  	s28 =	sadd.s32 $0xC0, s18;
	s30 =	simm.s32 $0x1;
	_ =	swait.ge [sflag:s25], $0x800  }
0x2b0: {  	s31 =	sand.u32 $0x1, s30;
	s0 =	simm.s32 $0x2;
	[sflag:s25] =	ssyncset.done $0x0  }
.LBB2_8:
0x2b1: {  	s2 =	smul.u32 $0xC000, s31  }
0x2b2: {  	[sflag:s25] =	ssyncadd.s32 $0xFFFFF800;
	s30 =	smov.u32 s0;
	s29 =	sadd.s32 $0x1, s0  }
0x2b3: {  	p0 =	sne.s32 s0, $0x42;
	s0 =	smul.u32 $0x1800, s31;
	_ =	swait.ge [sflag:s23], $0x600  }
0x2b4: {  	[sflag:s23] =	ssyncset.done $0x0;
	s2 =	sshrl.u32 s2, $0x2  }
0x2b5: {  	s0 =	sshrl.u32 s0, $0x2;
	[sflag:s23] =	ssyncadd.s32 $0xFFFFFA00;
	s13 =	sor.u32 $0xC00, s2  }
0x2b6: {  	[tilespmem:s13], [sflag:$0x1] =	stream.indirect.gather [hbm4b:s7+s24], $0x10, s0, s24, $0xb8;
	[tilespmem:$0x1FC00] =	vst v63  }
0x2b7: {  	s14 =	sor.u32 $0x80, s0;
	s13 =	sadd.s32 $0x1400, s2  }
0x2b8: {  	[tilespmem:s13], [sflag:$0x1] =	stream.indirect.gather [hbm4b:s7+s24], $0x10, s14, s24, $0xb8;
	[tilespmem:$0x1FC00] =	vst v63  }
0x2b9: {  	s15 =	smul.u32 $0xFFFF4000, s31;
	s13 =	sadd.s32 $0x1C00, s2;
	s14 =	sor.u32 $0x100, s0  }
0x2ba: {  	[tilespmem:s13], [sflag:$0x1] =	stream.indirect.gather [hbm4b:s7+s24], $0x10, s14, s24, $0xb8;
	[tilespmem:$0x1FC00] =	vst v63  }
0x2bb: {  	s31 =	smul.u32 $0xFFFFE800, s31;
	s13 =	sadd.s32 $0x2400, s2;
	s14 =	sor.u32 $0x180, s0  }
0x2bc: {  	[tilespmem:s13], [sflag:$0x1] =	stream.indirect.gather [hbm4b:s7+s24], $0x10, s14, s24, $0xb8;
	[tilespmem:$0x1FC00] =	vst v63  }
0x2bd: {  	s31 =	sshra.s32 s31, $0x2;
	s13 =	sadd.s32 $0x2C00, s2;
	s14 =	sadd.s32 $0x200, s0  }
0x2be: {  	[tilespmem:s13], [sflag:$0x1] =	stream.indirect.gather [hbm4b:s7+s24], $0x10, s14, s24, $0xb8;
	[tilespmem:$0x1FC00] =	vst v63  }
0x2bf: {  	s2 =	sadd.s32 $0x3400, s2;
	s0 =	sadd.s32 $0x280, s0;
	s13 =	sshra.s32 s15, $0x2  }
0x2c0: {  	[tilespmem:s2], [sflag:$0x1] =	stream.indirect.gather [hbm4b:s7+s24], $0x10, s0, s24, $0xb8;
	[tilespmem:$0x1FC00] =	vst v63  }
0x2c1: {  	s0 =	sadd.s32 $0x3C00, s13;
	s2 =	sadd.s32 $0x900, s31  }
0x2c2: {  	[spmem:s1] =	stream.indirect.scatter.add.f32 [tilespmem:s0], [sflag:$0x3], $0x10, s2, s24, $0xb8;
	[tilespmem:$0x1FC00] =	vst v63  }
0x2c3: {  	_ =	swait.ge [sflag:s20], $0x800  }
0x2c4: {  	[sflag:s20] =	ssyncset.done $0x0  }
0x2c5: {  	s0 =	sadd.s32 $0x4400, s13;
	s2 =	sadd.s32 $0x980, s31;
	[sflag:s20] =	ssyncadd.s32 $0xFFFFF800  }
0x2c6: {  	[spmem:s1] =	stream.indirect.scatter.add.f32 [tilespmem:s0], [sflag:$0x3], $0x10, s2, s24, $0xb8;
	[tilespmem:$0x1FC00] =	vst v63  }
0x2c7: {  	_ =	swait.ge [sflag:s20], $0x800  }
0x2c8: {  	[sflag:s20] =	ssyncset.done $0x0  }
0x2c9: {  	s0 =	sadd.s32 $0x4C00, s13;
	s2 =	sadd.s32 $0xA00, s31;
	[sflag:s20] =	ssyncadd.s32 $0xFFFFF800  }
0x2ca: {  	[spmem:s1] =	stream.indirect.scatter.add.f32 [tilespmem:s0], [sflag:$0x3], $0x10, s2, s24, $0xb8;
	[tilespmem:$0x1FC00] =	vst v63  }
0x2cb: {  	_ =	swait.ge [sflag:s20], $0x800  }
0x2cc: {  	[sflag:s20] =	ssyncset.done $0x0  }
0x2cd: {  	s0 =	sadd.s32 $0x5400, s13;
	s2 =	sadd.s32 $0xA80, s31;
	[sflag:s20] =	ssyncadd.s32 $0xFFFFF800  }
0x2ce: {  	[spmem:s1] =	stream.indirect.scatter.add.f32 [tilespmem:s0], [sflag:$0x3], $0x10, s2, s24, $0xb8;
	[tilespmem:$0x1FC00] =	vst v63  }
0x2cf: {  	_ =	swait.ge [sflag:s20], $0x800  }
0x2d0: {  	[sflag:s20] =	ssyncset.done $0x0  }
0x2d1: {  	s0 =	sadd.s32 $0x5C00, s13;
	s2 =	sadd.s32 $0xB00, s31;
	[sflag:s20] =	ssyncadd.s32 $0xFFFFF800  }
0x2d2: {  	[spmem:s1] =	stream.indirect.scatter.add.f32 [tilespmem:s0], [sflag:$0x3], $0x10, s2, s24, $0xb8;
	[tilespmem:$0x1FC00] =	vst v63  }
0x2d3: {  	_ =	swait.ge [sflag:s20], $0x800  }
0x2d4: {  	[sflag:s20] =	ssyncset.done $0x0  }
0x2d5: {  	s0 =	sadd.s32 $0x6400, s13;
	s2 =	sadd.s32 $0xB80, s31;
	[sflag:s20] =	ssyncadd.s32 $0xFFFFF800  }
0x2d6: {  	[spmem:s1] =	stream.indirect.scatter.add.f32 [tilespmem:s0], [sflag:$0x3], $0x10, s2, s24, $0xb8;
	[tilespmem:$0x1FC00] =	vst v63  }
0x2d7: {  	_ =	swait.ge [sflag:s20], $0x800  }
0x2d8: {  	[sflag:s20] =	ssyncset.done $0x0  }
0x2d9: {  	s0 =	sadd.s32 $0x600, s31;
	[sflag:s20] =	ssyncadd.s32 $0xFFFFF800  }
0x2da: {  	[tilespmem:s0], [sflag:$0x2] =	stream.linear.gather [hbm4b:s28+s3], $0x600, $0x38;
	[tilespmem:$0x1FC00] =	vst v63  }
0x2db: {  	_ =	swait.ge [sflag:s25], $0x800  }
0x2dc: {  	[sflag:s25] =	ssyncset.done $0x0  }
0x2dd: {  	[sflag:s25] =	ssyncadd.s32 $0xFFFFF800  }
0x2de: {  	_ =	swait.ge [sflag:s25], $0x800  }
0x2df: {  	[sflag:s25] =	ssyncset.done $0x0  }
0x2e0: {  	[sflag:s25] =	ssyncadd.s32 $0xFFFFF800  }
0x2e1: {  	_ =	swait.ge [sflag:s25], $0x800  }
0x2e2: {  	[sflag:s25] =	ssyncset.done $0x0  }
0x2e3: {  	[sflag:s25] =	ssyncadd.s32 $0xFFFFF800  }
0x2e4: {  	_ =	swait.ge [sflag:s25], $0x800  }
0x2e5: {  	[sflag:s25] =	ssyncset.done $0x0  }
0x2e6: {  	[sflag:s25] =	ssyncadd.s32 $0xFFFFF800  }
.Ltmp3:
0x2e7: {  	_ =	swait.ge [sflag:s25], $0x800;
	(pc) =	sbr.rel @p0 .LBB2_8-.Ltmp3, $4  }
0x2e8: {  	[sflag:s25] =	ssyncset.done $0x0  }
0x2e9: {  	[sflag:s25] =	ssyncadd.s32 $0xFFFFF800  }
0x2ea: {  	s31 =	sand.u32 $0x1, s30;
	_ =	swait.ge [sflag:s25], $0x800  }
0x2eb: {  	s28 =	sadd.s32 $0xC0, s28;
	s0 =	smov.u32 s29;
	[sflag:s25] =	ssyncset.done $0x0  }
0x2ec: {  	s0 =	smul.u32 $0xC000, s31;
	[sflag:s25] =	ssyncadd.s32 $0xFFFFF800  }
0x2ed: {  	s2 =	smul.u32 $0x1800, s31;
	_ =	swait.ge [sflag:s23], $0x600  }
0x2ee: {  	[sflag:s23] =	ssyncset.done $0x0;
	s0 =	sshrl.u32 s0, $0x2  }
0x2ef: {  	s2 =	sshrl.u32 s2, $0x2;
	[sflag:s23] =	ssyncadd.s32 $0xFFFFFA00;
	s13 =	sor.u32 $0xC00, s0  }
0x2f0: {  	[tilespmem:s13], [sflag:$0x1] =	stream.indirect.gather [hbm4b:s7+s24], $0x10, s2, s24, $0xb8;
	[tilespmem:$0x1FC00] =	vst v63  }
0x2f1: {  	s15 =	sadd.s32 $0x1400, s0;
	s14 =	sor.u32 $0x80, s2  }
0x2f2: {  	[tilespmem:s15], [sflag:$0x1] =	stream.indirect.gather [hbm4b:s7+s24], $0x10, s14, s24, $0xb8;
	[tilespmem:$0x1FC00] =	vst v63  }
0x2f3: {  	s29 =	sadd.s32 $0x1C00, s0;
	s30 =	sor.u32 $0x100, s2;
	s15 =	smul.u32 $0xFFFF4000, s31  }
0x2f4: {  	[tilespmem:s29], [sflag:$0x1] =	stream.indirect.gather [hbm4b:s7+s24], $0x10, s30, s24, $0xb8;
	[tilespmem:$0x1FC00] =	vst v63  }
0x2f5: {  	s14 =	sadd.s32 $0x2400, s0;
	s30 =	sor.u32 $0x180, s2;
	s29 =	smul.u32 $0xFFFFE800, s31  }
0x2f6: {  	[tilespmem:s14], [sflag:$0x1] =	stream.indirect.gather [hbm4b:s7+s24], $0x10, s30, s24, $0xb8;
	[tilespmem:$0x1FC00] =	vst v63  }
0x2f7: {  	s31 =	sadd.s32 $0x200, s2;
	s2 =	sadd.s32 $0x280, s2;
	s30 =	sadd.s32 $0x2C00, s0  }
0x2f8: {  	[tilespmem:s30], [sflag:$0x1] =	stream.indirect.gather [hbm4b:s7+s24], $0x10, s31, s24, $0xb8;
	[tilespmem:$0x1FC00] =	vst v63  }
0x2f9: {  	s13 =	sshra.s32 s15, $0x2;
	s29 =	sshra.s32 s29, $0x2;
	s0 =	sadd.s32 $0x3400, s0  }
0x2fa: {  	[tilespmem:s0], [sflag:$0x1] =	stream.indirect.gather [hbm4b:s7+s24], $0x10, s2, s24, $0xb8;
	[tilespmem:$0x1FC00] =	vst v63  }
0x2fb: {  	s14 =	sadd.s32 $0x3C00, s13;
	s15 =	sadd.s32 $0x900, s29  }
0x2fc: {  	[spmem:s1] =	stream.indirect.scatter.add.f32 [tilespmem:s14], [sflag:$0x3], $0x10, s15, s24, $0xb8;
	[tilespmem:$0x1FC00] =	vst v63  }
0x2fd: {  	_ =	swait.ge [sflag:s20], $0x800  }
0x2fe: {  	[sflag:s20] =	ssyncset.done $0x0  }
0x2ff: {  	s30 =	sadd.s32 $0x4400, s13;
	s31 =	sadd.s32 $0x980, s29;
	[sflag:s20] =	ssyncadd.s32 $0xFFFFF800  }
0x300: {  	[spmem:s1] =	stream.indirect.scatter.add.f32 [tilespmem:s30], [sflag:$0x3], $0x10, s31, s24, $0xb8;
	[tilespmem:$0x1FC00] =	vst v63  }
0x301: {  	_ =	swait.ge [sflag:s20], $0x800  }
0x302: {  	[sflag:s20] =	ssyncset.done $0x0  }
0x303: {  	s14 =	sadd.s32 $0x4C00, s13;
	s15 =	sadd.s32 $0xA00, s29;
	[sflag:s20] =	ssyncadd.s32 $0xFFFFF800  }
0x304: {  	[spmem:s1] =	stream.indirect.scatter.add.f32 [tilespmem:s14], [sflag:$0x3], $0x10, s15, s24, $0xb8;
	[tilespmem:$0x1FC00] =	vst v63  }
0x305: {  	_ =	swait.ge [sflag:s20], $0x800  }
0x306: {  	[sflag:s20] =	ssyncset.done $0x0  }
0x307: {  	s30 =	sadd.s32 $0x5400, s13;
	s31 =	sadd.s32 $0xA80, s29;
	[sflag:s20] =	ssyncadd.s32 $0xFFFFF800  }
0x308: {  	[spmem:s1] =	stream.indirect.scatter.add.f32 [tilespmem:s30], [sflag:$0x3], $0x10, s31, s24, $0xb8;
	[tilespmem:$0x1FC00] =	vst v63  }
0x309: {  	_ =	swait.ge [sflag:s20], $0x800  }
0x30a: {  	[sflag:s20] =	ssyncset.done $0x0  }
0x30b: {  	s2 =	sadd.s32 $0x5C00, s13;
	s14 =	sadd.s32 $0xB00, s29;
	[sflag:s20] =	ssyncadd.s32 $0xFFFFF800  }
0x30c: {  	[spmem:s1] =	stream.indirect.scatter.add.f32 [tilespmem:s2], [sflag:$0x3], $0x10, s14, s24, $0xb8;
	[tilespmem:$0x1FC00] =	vst v63  }
0x30d: {  	_ =	swait.ge [sflag:s20], $0x800  }
0x30e: {  	[sflag:s20] =	ssyncset.done $0x0  }
0x30f: {  	s15 =	sadd.s32 $0x6400, s13;
	s30 =	sadd.s32 $0xB80, s29;
	[sflag:s20] =	ssyncadd.s32 $0xFFFFF800  }
0x310: {  	[spmem:s1] =	stream.indirect.scatter.add.f32 [tilespmem:s15], [sflag:$0x3], $0x10, s30, s24, $0xb8;
	[tilespmem:$0x1FC00] =	vst v63  }
0x311: {  	_ =	swait.ge [sflag:s20], $0x800  }
0x312: {  	[sflag:s20] =	ssyncset.done $0x0  }
0x313: {  	s31 =	sadd.s32 $0x600, s29;
	[sflag:s20] =	ssyncadd.s32 $0xFFFFF800  }
0x314: {  	[tilespmem:s31], [sflag:$0x2] =	stream.linear.gather [hbm4b:s28+s3], $0x600, $0x38;
	[tilespmem:$0x1FC00] =	vst v63  }
0x315: {  	_ =	swait.ge [sflag:s25], $0x800  }
0x316: {  	[sflag:s25] =	ssyncset.done $0x0  }
0x317: {  	[sflag:s25] =	ssyncadd.s32 $0xFFFFF800  }
0x318: {  	_ =	swait.ge [sflag:s25], $0x800  }
0x319: {  	[sflag:s25] =	ssyncset.done $0x0  }
0x31a: {  	[sflag:s25] =	ssyncadd.s32 $0xFFFFF800  }
0x31b: {  	_ =	swait.ge [sflag:s25], $0x800  }
0x31c: {  	[sflag:s25] =	ssyncset.done $0x0  }
0x31d: {  	[sflag:s25] =	ssyncadd.s32 $0xFFFFF800  }
0x31e: {  	_ =	swait.ge [sflag:s25], $0x800  }
0x31f: {  	[sflag:s25] =	ssyncset.done $0x0  }
0x320: {  	[sflag:s25] =	ssyncadd.s32 $0xFFFFF800  }
0x321: {  	_ =	swait.ge [sflag:s25], $0x800  }
0x322: {  	[sflag:s25] =	ssyncset.done $0x0  }
0x323: {  	[sflag:s25] =	ssyncadd.s32 $0xFFFFF800  }
0x324: {  	_ =	swait.ge [sflag:s25], $0x800  }
0x325: {  	[sflag:s25] =	ssyncset.done $0x0  }
0x326: {  	[sflag:s25] =	ssyncadd.s32 $0xFFFFF800  }
0x327: {  	_ =	swait.ge [sflag:s23], $0x600  }
0x328: {  	[sflag:s23] =	ssyncset.done $0x0  }
0x329: {  	s26 =	sadd.s32 $0x1, s26;
	[sflag:s23] =	ssyncadd.s32 $0xFFFFFA00  }
0x32a: {  	p0 =	sne.s32 s26, s17;
	[bflag:$0x0] =	sbarrier.arrive $0xFFFF  }
0x32b: {  	[hbm:s16], [sflag:s10] =	dma.local [spmem:s19], $0x3200  }
.Ltmp4:
0x32c: {  	_ =	swait.ge [sflag:s20], $0x3200;
	(pc) =	sbr.rel @p0 .LBB2_1-.Ltmp4, $3  }
0x32d: {  	[sflag:s20] =	ssyncset.done $0x0  }
0x32e: {  	[sflag:s20] =	ssyncadd.s32 $0xFFFFCE00  }
0x32f: {  	[bflag:$0x0] =	sbarrier.arrive $0xFFFF;
	_ =	sdelay $0x1  }
0x330: {  	_ =	sfence.sel $0x180000  }
0x331: {  	[bflag:$0x0] =	sbarrier.arrive $0xFFFF  }
0x332: {  	_ =	strace $0x9000004D  }
0x333: {  	s0 =	stileid.u32;
	[bflag:$0x2] =	sbarrier.arrive $0xFFFF  }
0x334: {  	p0 =	sne.s32 s0, $0x0;
	s0 =	rddreg [dreg:$0x2]  }
0x335: {  	s0 =	sadd.s32 @!p0 $0x100000, s0  }
0x336: {  	[sflag:s0] =	ssyncadd.tile.s32 @!p0 $0x1;
	_ =	shalt  }
.Lfunc_end2:
_tile_overlayer_lowered:
.L_overlay_start_2:
0x337: {  	(tag) =	ssettag $0x2  }
0x338: {  	s0 =	rddreg [dreg:$0x0];
	s2 =	stileid.u32  }
0x339: {  	s1 =	rddreg [dreg:$0x1];
	p0 =	sne.s32 s2, $0x0  }
0x33a: {  	s3 =	rddreg [dreg:$0x2];
	[bflag:$0x3] =	sbarrier.arrive $0xFFFF;
	s2 =	simm.s32 @!p0 $0x1C03  }
0x33b: {  	[timem:s3], [sflag:s2] =	dma.local @!p0 [hbm:s0], s1  }
0x33c: {  	s0 =	simm.s32 @!p0 $0x3  }
0x33d: {  	_ =	swait.ge @!p0 [sflag:s0], s1  }
0x33e: {  	s1 =	ssub.s32 @!p0 $0x0, s1;
	[sflag:s0] =	ssyncset.done @!p0 $0x0  }
0x33f: {  	[sflag:s0] =	ssyncadd.s32 @!p0 s1  }
0x340: {  	[bflag:$0x3] =	sbarrier.arrive $0xFFFF  }
0x341: {  	_ =	shalt  }

// kernel: kernel.8.cloned.1.call-start
scs
__scs_entry_jumppad:
0x0: {  	(pc) =	sbr.rel $0x88, $3  }
0x1: {  	(tag) =	ssettag $0x0;
	lr =	simm.s32 $0x1  }
0x2: {  	[smem:$0x3F99] =	sst lr;
	_ =	strace $0xD0000000  }
0x3: {  	_ = 	snop  }
0x4: {  	_ = 	snop  }
0x5: {  	_ = 	snop  }
0x6: {  	_ = 	snop  }
0x7: {  	_ = 	snop  }
__scs_overlays_trampoline_lowered:
0x8: {  	[smem:$0x3FA8] =	sst s0  }
0x9: {  	[smem:$0x3FA9] =	sst s1  }
0xa: {  	[smem:$0x3FAA] =	sst s2  }
0xb: {  	[smem:$0x3FAB] =	sst s3  }
0xc: {  	[smem:$0x3FAC] =	sst s4  }
0xd: {  	[smem:$0x3FAD] =	sst s5  }
0xe: {  	[smem:$0x3FAE] =	sst s6  }
0xf: {  	[smem:$0x3FAF] =	sst s7  }
0x10: {  	[smem:$0x3FB0] =	sst s8  }
0x11: {  	[smem:$0x3FB1] =	sst s9;
	s0 =	simm.s32 @!p0 $0x0  }
0x12: {  	s1 =	sld [smem:$0x3F97];
	s0 =	simm.s32 @p0 $0x1  }
0x13: {  	[smem:$0x3FB2] =	sst s0;
	s0 =	simm.s32 @!p1 $0x0  }
0x14: {  	s2 =	sld [smem:$0x3F96];
	s0 =	simm.s32 @p1 $0x1  }
0x15: {  	[smem:$0x3FB3] =	sst s0;
	s0 =	simm.s32 @!p2 $0x0  }
0x16: {  	s3 =	sld [smem:$0x3FDB];
	s0 =	simm.s32 @p2 $0x1  }
0x17: {  	s4 =	simm.s32 $0x1BF5;
	[smem:$0x3FB5] =	sst s0  }
0x18: {  	s0 =	sld [smem:$0x3F98];
	_ =	swait.ge [sflag:s4], $0x0  }
0x19: {  	s7 =	sld [smem:$0x3F99]  }
0x1a: {  	s8 =	sadd.s32 $0xFFFFE003, lr  }
0x1b: {  	s9 =	sadd.s32 $0xFFFFFEF7, lr;
	s5 =	simm.s32 $0xFFFFFFFF;
	p2 =	slt.u32 s8, $0xFFFFF086  }
0x1c: {  	p1 =	slt.u32 s9, $0xF7A;
	s5 =	simm.s32 @!p2 $0x0  }
0x1d: {  	s5 =	simm.s32 @p1 $0x1;
	p0 =	seq.s32 s7, s2  }
0x1e: {  	s7 =	smul.u32 @!p0 $0xF7A, s2;
	p2 =	seq.s32 @!p0 s5, $0x0  }
0x1f: {  	s9 =	smul.u32 $0xF7A, s1;
	s8 =	simm.s32 @!p0 $0x1BF5;
	p2 =	por !p2, p0  }
0x20: {  	[sflag:s8] =	ssyncset.s32 @!p0 $0xFFFFF086;
	s6 =	sadd.s32 @!p0 s3, s7;
	s7 =	simm.s32 @!p0 $0x108  }
0x21: {  	s3 =	sadd.s32 s3, s9;
	s6 =	sadd.s32 @!p0 $0x88, s6;
	s7 =	simm.s32 @p2 $0x1082  }
0x22: {  	[simem:s7], [sflag:s8] =	dma.local @!p0 [hbm:s6], $0xF7A  }
0x23: {  	s9 =	sor.u32 $0xD0000000, s2;
	s6 =	simm.s32 $0x108;
	_ =	swait.ge @!p0 [sflag:s8], $0x0  }
0x24: {  	s3 =	sadd.s32 $0x88, s3;
	s6 =	simm.s32 @!p1 $0x1082;
	[sflag:s4] =	ssyncset.s32 $0xFFFFF086  }
0x25: {  	[simem:s6], [sflag:s4] =	dma.local [hbm:s3], $0xF7A  }
0x26: {  	[smem:$0x3F99] =	sst s1;
	(tag) =	ssettag s2;
	_ =	strace s9  }
0x27: {  	s1 =	sld [smem:$0x3FA9]  }
0x28: {  	s2 =	sld [smem:$0x3FAA]  }
0x29: {  	s4 =	sld [smem:$0x3FAC]  }
0x2a: {  	p0 =	seq.s32 s5, $0x0;
	s5 =	sld [smem:$0x3FAD]  }
0x2b: {  	s6 =	sld [smem:$0x3FAE]  }
0x2c: {  	s7 =	sld [smem:$0x3FAF]  }
0x2d: {  	s3 =	simm.s32 $0x108;
	s8 =	sld [smem:$0x3FB0]  }
0x2e: {  	s3 =	simm.s32 @!p0 $0x1082;
	s9 =	sld [smem:$0x3FB1]  }
0x2f: {  	lr =	sadd.s32 s0, s3;
	s0 =	sld [smem:$0x3FA8]  }
0x30: {  	s3 =	sld [smem:$0x3FAB]  }
0x31: {  	[smem:$0x3FB4] =	sst s10  }
0x32: {  	s10 =	sld [smem:$0x3FB2];
	_ =	sdelay $0x3  }
0x33: {  	p0 =	seq.s32 s10, $0x1;
	s10 =	sld [smem:$0x3FB4];
	_ =	sdelay $0x3  }
0x34: {  	[smem:$0x3FB4] =	sst s10  }
0x35: {  	s10 =	sld [smem:$0x3FB3];
	_ =	sdelay $0x3  }
0x36: {  	p1 =	seq.s32 s10, $0x1;
	s10 =	sld [smem:$0x3FB4];
	_ =	sdelay $0x3  }
0x37: {  	[smem:$0x3FB4] =	sst s10  }
0x38: {  	s10 =	sld [smem:$0x3FB5]  }
0x39: {  	_ = 	snop;
	(pc) =	sbr.ind lr, $3  }
0x3a: {  	_ = 	snop  }
0x3b: {  	_ = 	snop  }
0x3c: {  	p2 =	seq.s32 s10, $0x1;
	s10 =	sld [smem:$0x3FB4]  }
0x3d: {  	_ =	shalt  }
0x3e: {  	_ =	shalt  }
0x3f: {  	_ =	shalt  }
0x40: {  	_ =	shalt  }
0x41: {  	_ =	shalt  }
0x42: {  	_ =	shalt  }
0x43: {  	_ =	shalt  }
0x44: {  	_ =	shalt  }
0x45: {  	_ =	shalt  }
0x46: {  	_ =	shalt  }
0x47: {  	_ =	shalt  }
0x48: {  	_ =	shalt  }
0x49: {  	_ =	shalt  }
0x4a: {  	_ =	shalt  }
0x4b: {  	_ =	shalt  }
0x4c: {  	_ =	shalt  }
0x4d: {  	_ =	shalt  }
0x4e: {  	_ =	shalt  }
0x4f: {  	_ =	shalt  }
0x50: {  	_ =	shalt  }
0x51: {  	_ =	shalt  }
0x52: {  	_ =	shalt  }
0x53: {  	_ =	shalt  }
0x54: {  	_ =	shalt  }
0x55: {  	_ =	shalt  }
0x56: {  	_ =	shalt  }
0x57: {  	_ =	shalt  }
0x58: {  	_ =	shalt  }
0x59: {  	_ =	shalt  }
0x5a: {  	_ =	shalt  }
0x5b: {  	_ =	shalt  }
0x5c: {  	_ =	shalt  }
0x5d: {  	_ =	shalt  }
0x5e: {  	_ =	shalt  }
0x5f: {  	_ =	shalt  }
0x60: {  	_ =	shalt  }
0x61: {  	_ =	shalt  }
0x62: {  	_ =	shalt  }
0x63: {  	_ =	shalt  }
0x64: {  	_ =	shalt  }
0x65: {  	_ =	shalt  }
0x66: {  	_ =	shalt  }
0x67: {  	_ =	shalt  }
0x68: {  	_ =	shalt  }
0x69: {  	_ =	shalt  }
0x6a: {  	_ =	shalt  }
0x6b: {  	_ =	shalt  }
0x6c: {  	_ =	shalt  }
0x6d: {  	_ =	shalt  }
0x6e: {  	_ =	shalt  }
0x6f: {  	_ =	shalt  }
0x70: {  	_ =	shalt  }
0x71: {  	_ =	shalt  }
0x72: {  	_ =	shalt  }
0x73: {  	_ =	shalt  }
0x74: {  	_ =	shalt  }
0x75: {  	_ =	shalt  }
0x76: {  	_ =	shalt  }
0x77: {  	_ =	shalt  }
0x78: {  	_ =	shalt  }
0x79: {  	_ =	shalt  }
0x7a: {  	_ =	shalt  }
0x7b: {  	_ =	shalt  }
0x7c: {  	_ =	shalt  }
0x7d: {  	_ =	shalt  }
0x7e: {  	_ =	shalt  }
0x7f: {  	_ =	shalt  }
0x80: {  	_ =	shalt  }
0x81: {  	_ =	shalt  }
0x82: {  	_ =	shalt  }
0x83: {  	_ =	shalt  }
0x84: {  	_ =	shalt  }
0x85: {  	_ =	shalt  }
0x86: {  	_ =	shalt  }
0x87: {  	_ =	shalt  }
.Lfunc_end0:
.L_simem_size_0:
called_computation_lowered:
.L_overlay_start_0:
0x88: {  	s2 =	sld [smem:$0x3FD9]  }
0x89: {  	s3 =	sld [smem:$0x3FFE];
	_ =	sdelay $0x1  }
0x8a: {  	s1 =	srdreg.scid  }
0x8b: {  	s0 =	sand.u32 $0x1, s1  }
0x8c: {  	s17 =	sshll.u32 s0, $0xA;
	s2 =	sadd.s32 s3, s2  }
0x8d: {  	s2 =	sadd.s32 s2, s17  }
0x8e: {  	[smem:$0x3FC0] =	sst s2  }
0x8f: {  	_ = 	snop  }
0x90: {  	s2 =	sld [smem:$0x3FD0];
	(tm) =	ssettm $0x1  }
0x91: {  	s18 =	sld [smem:$0x3FFB];
	_ =	sdelay $0x3  }
0x92: {  	_ =	strace s18  }
0x93: {  	s3 =	sld [smem:$0x3FFC];
	_ =	sdelay $0x3  }
0x94: {  	_ =	strace s3  }
0x95: {  	s3 =	sld [smem:$0x3FFD];
	_ =	sdelay $0x3  }
0x96: {  	_ =	strace s3  }
0x97: {  	_ =	strace $0x8FFFFFFF  }
0x98: {  	s19 =	sld [smem:$0x3FDB];
	_ =	sdelay $0x1  }
0x99: {  	s4 =	simm.s32 $_scs_section_size  }
0x9a: {  	s5 =	simm.s32 $_size__tile_overlayer_lowered;
	s6 =	simm.s32 $_tile_overlayer_lowered  }
0x9b: {  	s22 =	simm.s32 $0x1BFF;
	s21 =	sshll.u32 s6, $0x1;
	s3 =	sadd.s32 s4, s19  }
0x9c: {  	s7 =	simm.s32 $0x0;
	s20 =	sshll.u32 s5, $0x1;
	s5 =	sadd.s32 s21, s3  }
0x9d: {  	[timem:s7], [sflag:s22] =	dma.local [hbm:s5], s20  }
0x9e: {  	_ =	swait.ge [sflag:s22], s20  }
0x9f: {  	s4 =	ssub.s32 $0x0, s20;
	[sflag:s22] =	ssyncset.done $0x0  }
0xa0: {  	[sflag:s22] =	ssyncadd.s32 s4;
	_ =	sdelay $0x1  }
0xa1: {  	s23 =	simm.s32 $0x1B8B  }
0xa2: {  	_ =	swait.ge [sflag:s23], $0x1  }
0xa3: {  	[sflag:s23] =	ssyncset.done $0x0  }
0xa4: {  	s25 =	simm.s32 $0x1B8E;
	s24 =	sld [smem:$0x3FFE];
	[sflag:s23] =	ssyncadd.s32 $0xFFFFFFFF  }
0xa5: {  	s26 =	simm.s32 $execute0_lowered;
	[smem:$0x3FD2] =	sst s25  }
0xa6: {  	s5 =	sshll.u32 s26, $0x1;
	_ =	strace $0x80000046;
	[dreg:$0x1] =	wrdreg $0xFFFFFFFF  }
0xa7: {  	s28 =	simm.s32 $_size_execute0_lowered;
	s3 =	sadd.s32 s3, s5;
	[dreg:$0x0] =	wrdreg $0x0  }
0xa8: {  	s5 =	sshll.u32 s28, $0x1;
	[dreg:$0x2] =	wrdreg s3  }
0xa9: {  	[dreg:$0x3] =	wrdreg s5  }
0xaa: {  	[dreg:$0x4] =	wrdreg $0xC0  }
0xab: {  	_ =	task [dreg:s7], $0x5FFFF  }
0xac: {  	[dreg:$0x1] =	wrdreg $0xFFFFFFFF  }
0xad: {  	[dreg:$0x0] =	wrdreg $0x60  }
0xae: {  	[dreg:$0x2] =	wrdreg s24  }
0xaf: {  	[dreg:$0x3] =	wrdreg s2  }
0xb0: {  	[dreg:$0x4] =	wrdreg $0xE000  }
0xb1: {  	[dreg:$0x5] =	wrdreg $0x9  }
0xb2: {  	_ =	task.clear_ibuf [dreg:s7], $0x6FFFF;
	_ =	strace $0x90000046  }
0xb3: {  	s29 =	simm.s32 $0x9;
	_ =	strace $0x80000048  }
0xb4: {  	_ =	swait.ge [sflag:s29], $0x1  }
0xb5: {  	[sflag:s29] =	ssyncadd.s32 $0xFFFFFFFF  }
0xb6: {  	_ =	strace $0x90000048  }
0xb7: {  	_ =	sfence  }
0xb8: {  	s30 =	sld [smem:$0x0];
	_ =	sdelay $0x2  }
0xb9: {  	s31 =	sshll.u32 s1, $0xD;
	s1 =	sshrl.u32 s1, $0x2  }
0xba: {  	s3 =	sand.u32 $0x4000, s31;
	s1 =	sadd.s32 s1, s30  }
0xbb: {  	s0 =	sor.u32 s3, s0;
	s1 =	sshll.u32 s1, $0x11  }
0xbc: {  	s0 =	sor.u32 s1, s0  }
0xbd: {  	s0 =	sadd.s32 $0x8F2B, s0  }
0xbe: {  	[sflag:s0] =	ssyncadd.remote.s32 $0x1  }
0xbf: {  	_ =	sfence.sel $0xFFFF  }
0xc0: {  	[dreg:$0x0] =	wrdreg $0xFFFFFFFF;
	(pc) =	sbr.abs _section_cstart, $3  }
0xc1: {  	[dreg:$0x1] =	wrdreg $0xFFFFFFFF  }
0xc2: {  	_ =	task.clear_ibuf [dreg:s7], $0x2FFFF;
	_ =	strace $0x9FFFFFFF  }
0xc3: {  	(tm) =	ssettm $0x7FFFFFFF  }
tec
execute0_lowered:
.L_overlay_start_1:
0x0: {  	(tag) =	ssettag $0x1  }
0x1: {  	s5 =	rddreg [dreg:$0x0]  }
0x2: {  	s2 =	rddreg [dreg:$0x1]  }
0x3: {  	s3 =	rddreg [dreg:$0x2]  }
0x4: {  	s0 =	rddreg [dreg:$0x3]  }
0x5: {  	s1 =	stileid.u32;
	s4 =	simm.s32 $0x0;
	s7 =	srdreg.scid  }
0x6: {  	s14 =	simm.s32 $0x1;
	s15 =	simm.s32 $0x80;
	s16 =	simm.s32 $0x0  }
0x7: {  	s6 =	smul.u32 $0x19000, s1;
	[smem:$0x7FF] =	sst s4;
	s7 =	sand.u32 $0x1, s7  }
0x8: {  	s10 =	sadd.s32 $0x3C00, s5;
	s29 =	smul.u32 $0x3300, s1;
	s31 =	sshll.u32 s1, $0x6  }
0x9: {  	_ =	strace $0x80000047;
	s9 =	smul.u32 $0x190000, s7;
	s11 =	sshll.u32 s7, $0x4  }
0xa: {  	s12 =	ssub.s32 $0x2, s7;
	s7 =	smul.u32 $0x33000, s7;
	s8 =	sshrl.u32 s6, $0x3  }
0xb: {  	s11 =	sor.u32 s1, s11;
	s13 =	sshrl.u32 s12, $0x1;
	s26 =	sadd.s32 s6, s3  }
0xc: {  	s8 =	sadd.s32 s8, s5;
	s9 =	sadd.s32 s6, s9;
	s11 =	smul.u32 $0x3300, s11  }
0xd: {  	s12 =	ssub.s32 s12, s13;
	s13 =	sshrl.u32 s26, $0x3;
	s9 =	sshrl.u32 s9, $0x3  }
0xe: {  	s9 =	sadd.s32 s9, s5;
	s28 =	sadd.s32 s11, s10;
	s5 =	sadd.s32 $0x69C00, s8  }
0xf: {  	s10 =	sadd.s32 s7, s10;
	s8 =	smax.u32 s12, $0x1;
	s11 =	simm.s32 $0x2  }
0x10: {  	s12 =	sor.u32 $0x1C02, s31;
	s6 =	sadd.s32 $0x60, s28;
	s30 =	sadd.s32 s29, s10  }
0x11: {  	s7 =	sadd.s32 $0x9BC00, s9;
	s10 =	simm.s32 $0x600;
	s9 =	sadd.s32 $0x120, s30  }
.LBB2_1:
0x12: {  	[tilespmem:s10], [sflag:$0x2] =	stream.linear.gather [hbm4b:s2+s4], $0x800, $0x38;
	[tilespmem:$0x19E00] =	vst v63  }
0x13: {  	_ =	swait.ge [sflag:s11], $0x800  }
0x14: {  	[sflag:s11] =	ssyncset.done $0x0  }
0x15: {  	[sflag:s11] =	ssyncadd.s32 $0xFFFFF800  }
0x16: {  	[spmem:s13], [sflag:s12] =	dma.local [hbm:s5], $0x3200  }
0x17: {  	_ =	swait.ge [sflag:s11], $0x3200  }
0x18: {  	[sflag:s11] =	ssyncset.done $0x0  }
0x19: {  	s17 =	sand.u32 $0x1, s4;
	[sflag:s11] =	ssyncadd.s32 $0xFFFFCE00  }
0x1a: {  	s18 =	smul.u32 $0xFFFFF400, s17;
	[bflag:$0x0] =	sbarrier.arrive $0xFFFF  }
0x1b: {  	[tilespmem:s4], [sflag:$0x1] =	stream.linear.gather [hbm4b:s6+s4], $0x300, $0x38;
	[tilespmem:$0x19E00] =	vst v63  }
0x1c: {  	_ =	swait.ge [sflag:s14], $0x300  }
0x1d: {  	s18 =	sshra.s32 s18, $0x2;
	[sflag:s14] =	ssyncset.done $0x0  }
0x1e: {  	s17 =	smul.u32 $0xC00, s17;
	s18 =	sadd.s32 $0x300, s18;
	[sflag:s14] =	ssyncadd.s32 $0xFFFFFD00  }
0x1f: {  	[tilespmem:s18], [sflag:$0x1] =	stream.linear.gather [hbm4b:s9+s4], $0x300, $0x38;
	[tilespmem:$0x19E00] =	vst v63  }
0x20: {  	s17 =	sshrl.u32 s17, $0x2  }
0x21: {  	[spmem:s3] =	stream.indirect.scatter.add.f32 [tilespmem:s10], [sflag:$0x2], $0x10, s17, s15, $0xb8;
	[tilespmem:$0x19E00] =	vst v63  }
0x22: {  	_ =	swait.ge [sflag:s11], $0x800  }
0x23: {  	[sflag:s11] =	ssyncset.done $0x0  }
0x24: {  	s26 =	sor.u32 $0x80, s17;
	[sflag:s11] =	ssyncadd.s32 $0xFFFFF800  }
0x25: {  	[spmem:s3] =	stream.indirect.scatter.add.f32 [tilespmem:s10], [sflag:$0x2], $0x10, s26, s15, $0xb8;
	[tilespmem:$0x19E00] =	vst v63  }
0x26: {  	_ =	swait.ge [sflag:s11], $0x800  }
0x27: {  	[sflag:s11] =	ssyncset.done $0x0  }
0x28: {  	s28 =	sadd.s32 $0x100, s17;
	[sflag:s11] =	ssyncadd.s32 $0xFFFFF800  }
0x29: {  	[spmem:s3] =	stream.indirect.scatter.add.f32 [tilespmem:s10], [sflag:$0x2], $0x10, s28, s15, $0xb8;
	[tilespmem:$0x19E00] =	vst v63  }
0x2a: {  	_ =	swait.ge [sflag:s11], $0x800  }
0x2b: {  	[sflag:s11] =	ssyncset.done $0x0  }
0x2c: {  	s29 =	sadd.s32 $0x180, s17;
	[sflag:s11] =	ssyncadd.s32 $0xFFFFF800  }
0x2d: {  	[spmem:s3] =	stream.indirect.scatter.add.f32 [tilespmem:s10], [sflag:$0x2], $0x10, s29, s15, $0xb8;
	[tilespmem:$0x19E00] =	vst v63  }
0x2e: {  	_ =	swait.ge [sflag:s11], $0x800  }
0x2f: {  	[sflag:s11] =	ssyncset.done $0x0  }
0x30: {  	s30 =	sadd.s32 $0x200, s17;
	[sflag:s11] =	ssyncadd.s32 $0xFFFFF800  }
0x31: {  	[spmem:s3] =	stream.indirect.scatter.add.f32 [tilespmem:s10], [sflag:$0x2], $0x10, s30, s15, $0xb8;
	[tilespmem:$0x19E00] =	vst v63  }
0x32: {  	_ =	swait.ge [sflag:s11], $0x800  }
0x33: {  	[sflag:s11] =	ssyncset.done $0x0  }
0x34: {  	s17 =	sadd.s32 $0x280, s17;
	[sflag:s11] =	ssyncadd.s32 $0xFFFFF800  }
0x35: {  	[spmem:s3] =	stream.indirect.scatter.add.f32 [tilespmem:s10], [sflag:$0x2], $0x10, s17, s15, $0xb8;
	[tilespmem:$0x19E00] =	vst v63  }
0x36: {  	s31 =	simm.s32 $0x1;
	s21 =	simm.s32 $0x2;
	_ =	swait.ge [sflag:s11], $0x800  }
0x37: {  	s20 =	sand.u32 $0x1, s31;
	s17 =	sadd.s32 $0xC0, s9;
	[sflag:s11] =	ssyncset.done $0x0  }
.LBB2_2:
0x38: {  	s22 =	smul.u32 $0xFFFFF400, s20  }
0x39: {  	[sflag:s11] =	ssyncadd.s32 $0xFFFFF800;
	s19 =	smov.u32 s21;
	s18 =	sadd.s32 $0x1, s21  }
0x3a: {  	p0 =	sne.s32 s21, $0x41;
	_ =	swait.ge [sflag:s14], $0x300  }
0x3b: {  	[sflag:s14] =	ssyncset.done $0x0;
	s21 =	sshra.s32 s22, $0x2  }
0x3c: {  	s20 =	smul.u32 $0xC00, s20;
	[sflag:s14] =	ssyncadd.s32 $0xFFFFFD00;
	s21 =	sadd.s32 $0x300, s21  }
0x3d: {  	[tilespmem:s21], [sflag:$0x1] =	stream.linear.gather [hbm4b:s17+s4], $0x300, $0x38;
	[tilespmem:$0x19E00] =	vst v63  }
0x3e: {  	s20 =	sshrl.u32 s20, $0x2  }
0x3f: {  	[spmem:s3] =	stream.indirect.scatter.add.f32 [tilespmem:s10], [sflag:$0x2], $0x10, s20, s15, $0xb8;
	[tilespmem:$0x19E00] =	vst v63  }
0x40: {  	_ =	swait.ge [sflag:s11], $0x800  }
0x41: {  	[sflag:s11] =	ssyncset.done $0x0  }
0x42: {  	s21 =	sor.u32 $0x80, s20;
	[sflag:s11] =	ssyncadd.s32 $0xFFFFF800  }
0x43: {  	[spmem:s3] =	stream.indirect.scatter.add.f32 [tilespmem:s10], [sflag:$0x2], $0x10, s21, s15, $0xb8;
	[tilespmem:$0x19E00] =	vst v63  }
0x44: {  	_ =	swait.ge [sflag:s11], $0x800  }
0x45: {  	[sflag:s11] =	ssyncset.done $0x0  }
0x46: {  	s21 =	sadd.s32 $0x100, s20;
	[sflag:s11] =	ssyncadd.s32 $0xFFFFF800  }
0x47: {  	[spmem:s3] =	stream.indirect.scatter.add.f32 [tilespmem:s10], [sflag:$0x2], $0x10, s21, s15, $0xb8;
	[tilespmem:$0x19E00] =	vst v63  }
0x48: {  	_ =	swait.ge [sflag:s11], $0x800  }
0x49: {  	[sflag:s11] =	ssyncset.done $0x0  }
0x4a: {  	s21 =	sadd.s32 $0x180, s20;
	[sflag:s11] =	ssyncadd.s32 $0xFFFFF800  }
0x4b: {  	[spmem:s3] =	stream.indirect.scatter.add.f32 [tilespmem:s10], [sflag:$0x2], $0x10, s21, s15, $0xb8;
	[tilespmem:$0x19E00] =	vst v63  }
0x4c: {  	_ =	swait.ge [sflag:s11], $0x800  }
0x4d: {  	[sflag:s11] =	ssyncset.done $0x0  }
0x4e: {  	s21 =	sadd.s32 $0x200, s20;
	[sflag:s11] =	ssyncadd.s32 $0xFFFFF800  }
0x4f: {  	[spmem:s3] =	stream.indirect.scatter.add.f32 [tilespmem:s10], [sflag:$0x2], $0x10, s21, s15, $0xb8;
	[tilespmem:$0x19E00] =	vst v63  }
0x50: {  	_ =	swait.ge [sflag:s11], $0x800  }
.Ltmp0:
0x51: {  	[sflag:s11] =	ssyncset.done $0x0;
	(pc) =	sbr.rel @p0 .LBB2_2-.Ltmp0, $4  }
0x52: {  	s20 =	sadd.s32 $0x280, s20;
	[sflag:s11] =	ssyncadd.s32 $0xFFFFF800  }
0x53: {  	[spmem:s3] =	stream.indirect.scatter.add.f32 [tilespmem:s10], [sflag:$0x2], $0x10, s20, s15, $0xb8;
	[tilespmem:$0x19E00] =	vst v63  }
0x54: {  	s17 =	sadd.s32 $0xC0, s17;
	_ =	swait.ge [sflag:s11], $0x800  }
0x55: {  	s21 =	smov.u32 s18;
	s20 =	sand.u32 $0x1, s19;
	[sflag:s11] =	ssyncset.done $0x0  }
0x56: {  	s18 =	smul.u32 $0xFFFFF400, s20;
	[sflag:s11] =	ssyncadd.s32 $0xFFFFF800  }
0x57: {  	_ =	swait.ge [sflag:s14], $0x300  }
0x58: {  	[sflag:s14] =	ssyncset.done $0x0;
	s18 =	sshra.s32 s18, $0x2  }
0x59: {  	s19 =	smul.u32 $0xC00, s20;
	[sflag:s14] =	ssyncadd.s32 $0xFFFFFD00;
	s18 =	sadd.s32 $0x300, s18  }
0x5a: {  	[tilespmem:s18], [sflag:$0x1] =	stream.linear.gather [hbm4b:s17+s4], $0x300, $0x38;
	[tilespmem:$0x19E00] =	vst v63  }
0x5b: {  	s26 =	sshrl.u32 s19, $0x2  }
0x5c: {  	[spmem:s3] =	stream.indirect.scatter.add.f32 [tilespmem:s10], [sflag:$0x2], $0x10, s26, s15, $0xb8;
	[tilespmem:$0x19E00] =	vst v63  }
0x5d: {  	_ =	swait.ge [sflag:s11], $0x800  }
0x5e: {  	[sflag:s11] =	ssyncset.done $0x0  }
0x5f: {  	s28 =	sor.u32 $0x80, s26;
	[sflag:s11] =	ssyncadd.s32 $0xFFFFF800  }
0x60: {  	[spmem:s3] =	stream.indirect.scatter.add.f32 [tilespmem:s10], [sflag:$0x2], $0x10, s28, s15, $0xb8;
	[tilespmem:$0x19E00] =	vst v63  }
0x61: {  	_ =	swait.ge [sflag:s11], $0x800  }
0x62: {  	[sflag:s11] =	ssyncset.done $0x0  }
0x63: {  	s29 =	sadd.s32 $0x100, s26;
	[sflag:s11] =	ssyncadd.s32 $0xFFFFF800  }
0x64: {  	[spmem:s3] =	stream.indirect.scatter.add.f32 [tilespmem:s10], [sflag:$0x2], $0x10, s29, s15, $0xb8;
	[tilespmem:$0x19E00] =	vst v63  }
0x65: {  	_ =	swait.ge [sflag:s11], $0x800  }
0x66: {  	[sflag:s11] =	ssyncset.done $0x0  }
0x67: {  	s30 =	sadd.s32 $0x180, s26;
	[sflag:s11] =	ssyncadd.s32 $0xFFFFF800  }
0x68: {  	[spmem:s3] =	stream.indirect.scatter.add.f32 [tilespmem:s10], [sflag:$0x2], $0x10, s30, s15, $0xb8;
	[tilespmem:$0x19E00] =	vst v63  }
0x69: {  	_ =	swait.ge [sflag:s11], $0x800  }
0x6a: {  	[sflag:s11] =	ssyncset.done $0x0  }
0x6b: {  	s31 =	sadd.s32 $0x200, s26;
	[sflag:s11] =	ssyncadd.s32 $0xFFFFF800  }
0x6c: {  	[spmem:s3] =	stream.indirect.scatter.add.f32 [tilespmem:s10], [sflag:$0x2], $0x10, s31, s15, $0xb8;
	[tilespmem:$0x19E00] =	vst v63  }
0x6d: {  	_ =	swait.ge [sflag:s11], $0x800  }
0x6e: {  	[sflag:s11] =	ssyncset.done $0x0  }
0x6f: {  	s17 =	sadd.s32 $0x280, s26;
	[sflag:s11] =	ssyncadd.s32 $0xFFFFF800  }
0x70: {  	[spmem:s3] =	stream.indirect.scatter.add.f32 [tilespmem:s10], [sflag:$0x2], $0x10, s17, s15, $0xb8;
	[tilespmem:$0x19E00] =	vst v63  }
0x71: {  	_ =	swait.ge [sflag:s11], $0x800  }
0x72: {  	[sflag:s11] =	ssyncset.done $0x0  }
0x73: {  	[sflag:s11] =	ssyncadd.s32 $0xFFFFF800  }
0x74: {  	_ =	swait.ge [sflag:s14], $0x300  }
0x75: {  	s16 =	sadd.s32 $0x1, s16;
	[sflag:s14] =	ssyncset.done $0x0  }
0x76: {  	p0 =	sne.s32 s16, s8;
	[sflag:s14] =	ssyncadd.s32 $0xFFFFFD00  }
.Ltmp1:
0x77: {  	[bflag:$0x0] =	sbarrier.arrive $0xFFFF;
	(pc) =	sbr.rel @p0 .LBB2_1-.Ltmp1, $4  }
0x78: {  	[hbm:s7], [sflag:s12] =	dma.local [spmem:s13], $0x3200  }
0x79: {  	_ =	swait.ge [sflag:s11], $0x3200  }
0x7a: {  	[sflag:s11] =	ssyncset.done $0x0  }
0x7b: {  	[sflag:s11] =	ssyncadd.s32 $0xFFFFCE00  }
0x7c: {  	_ =	sfence.sel $0x180000  }
0x7d: {  	[bflag:$0x0] =	sbarrier.arrive $0xFFFF  }
0x7e: {  	p0 =	sne.s32 s1, $0x0;
	_ =	strace $0x90000047  }
0x7f: {  	s0 =	sadd.s32 @!p0 $0x100000, s0;
	[bflag:$0x2] =	sbarrier.arrive $0xFFFF  }
0x80: {  	[sflag:s0] =	ssyncadd.tile.s32 @!p0 $0x1;
	_ =	shalt  }
.Lfunc_end2:
_tile_overlayer_lowered:
.L_overlay_start_2:
0x81: {  	(tag) =	ssettag $0x2  }
0x82: {  	s0 =	rddreg [dreg:$0x0];
	s2 =	stileid.u32  }
0x83: {  	s1 =	rddreg [dreg:$0x1];
	p0 =	sne.s32 s2, $0x0  }
0x84: {  	s3 =	rddreg [dreg:$0x2];
	[bflag:$0x3] =	sbarrier.arrive $0xFFFF;
	s2 =	simm.s32 @!p0 $0x1C02  }
0x85: {  	[timem:s3], [sflag:s2] =	dma.local @!p0 [hbm:s0], s1  }
0x86: {  	s0 =	simm.s32 @!p0 $0x2  }
0x87: {  	_ =	swait.ge @!p0 [sflag:s0], s1  }
0x88: {  	s1 =	ssub.s32 @!p0 $0x0, s1;
	[sflag:s0] =	ssyncset.done @!p0 $0x0  }
0x89: {  	[sflag:s0] =	ssyncadd.s32 @!p0 s1  }
0x8a: {  	[bflag:$0x3] =	sbarrier.arrive $0xFFFF  }
0x8b: {  	_ =	shalt  }

</sc_bundles>
